<compile_context>
chip_gen: v7x
topology: tpu7x:2x2x1
jax: 0.10.2.dev20260603
libtpu: 0.0.44.dev20260713+nightly
codegen_flags: <defaults>
</compile_context>

<pallas_src>
import functools

import jax
import jax.numpy as jnp
from jax import lax
from jax.experimental import pallas as pl
from jax.experimental.pallas import tpu as pltpu
from jax.experimental.pallas import tpu_sc as plsc

N = 50000
E = 800000
IN_DIM = 128
HID = 64
HALF = 32
NG = 64
NC = 8

NP = 50048
EP = 802816
EROWS = EP // 128
ACC_N = 50048
TRASH = 50000

f32 = jnp.float32


def _sc_deg_body(colp_hbm, out_hbm, acc, colbuf, ones_v, zero_v, stage_v, sem):
    c = lax.axis_index("c")
    s = lax.axis_index("s")
    wid = s * 2 + c

    @pl.loop(0, 8)
    def _fill(j):
        ones_v[pl.ds(j * 16, 16)] = jnp.ones((16,), f32)
        zero_v[pl.ds(j * 16, 16)] = jnp.zeros((16,), f32)

    @pl.loop(0, 25)
    def _zero(k):
        ck = s + 16 * k

        @pl.when(ck < 391)
        def _():
            pltpu.sync_copy(zero_v, acc.at[pl.ds(ck * 128, 128)])

    plsc.subcore_barrier()

    @pl.loop(0, 49)
    def _outer(i):
        rb = wid * 196 + i * 4
        pltpu.sync_copy(colp_hbm.at[pl.ds(rb, 4)], colbuf)
        for r in range(4):
            pltpu.sync_copy(ones_v, acc.at[colbuf.at[r]], add=True)

    plsc.subcore_barrier()

    pltpu.sync_copy(acc.at[pl.ds(s * 3128, 3128)], stage_v)
    pltpu.sync_copy(stage_v, out_hbm.at[pl.ds(c * NP + s * 3128, 3128)])


def _sc_agg_body(rowp_hbm, colp_hbm, hp_hbm, out_hbm, acc,
                 rowA0, colA0, rowA1, colA1, rowB0, colB0, rowB1, colB1,
                 rowsA, rowsB, zero_v,
                 siA, siB, sgA, sgB, ssA, ssB):
    c = lax.axis_index("c")
    s = lax.axis_index("s")
    rowAs, colAs = [rowA0, rowA1], [colA0, colA1]
    rowBs, colBs = [rowB0, rowB1], [colB0, colB1]

    @pl.loop(0, 64)
    def _fillz(r):
        zero_v[r, pl.ds(0, 16)] = jnp.zeros((16,), f32)
        zero_v[r, pl.ds(16, 16)] = jnp.zeros((16,), f32)

    @pl.loop(0, 49)
    def _zero(k):
        ck = s + 16 * k

        @pl.when(ck < 782)
        def _():
            pltpu.sync_copy(zero_v, acc.at[pl.ds(ck * 64, 64)])

    plsc.subcore_barrier()

    def fire_idx(g, rowb, colb, sem):
        rb = s * 392 + g * 2
        pltpu.async_copy(rowp_hbm.at[pl.ds(rb, 2)], rowb, sem)
        pltpu.async_copy(colp_hbm.at[pl.ds(rb, 2)], colb, sem)

    def wait_idx(rowb, colb, sem):
        pltpu.make_async_copy(rowp_hbm.at[pl.ds(0, 2)], rowb, sem).wait()
        pltpu.make_async_copy(colp_hbm.at[pl.ds(0, 2)], colb, sem).wait()

    def fire_g(rowb, rowsb, sem):
        for r in range(2):
            pltpu.async_copy(hp_hbm.at[c].at[rowb.at[r]],
                             rowsb.at[pl.ds(r * 128, 128)], sem)

    def wait_g(rowb, rowsb, sem):
        for r in range(2):
            pltpu.make_async_copy(hp_hbm.at[c].at[rowb.at[r]],
                                  rowsb.at[pl.ds(r * 128, 128)], sem).wait()

    def fire_s(colb, rowsb, sem):
        for r in range(2):
            pltpu.async_copy(rowsb.at[pl.ds(r * 128, 128)],
                             acc.at[colb.at[r]], sem, add=True)

    def wait_s(colb, rowsb, sem):
        for r in range(2):
            pltpu.make_async_copy(rowsb.at[pl.ds(r * 128, 128)],
                                  acc.at[colb.at[r]], sem).wait()

    fire_idx(0, rowAs[0], colAs[0], siA)
    fire_idx(1, rowBs[0], colBs[0], siB)

    def half_iter(i, p, q):
        rowA, colA = rowAs[p], colAs[p]
        rowB, colB = rowBs[p], colBs[p]

        @pl.when(i > 0)
        def _wsa():
            wait_s(colAs[q], rowsA, ssA)

        @pl.when(i < 97)
        def _pfa():
            fire_idx(2 * i + 2, rowAs[q], colAs[q], siA)

        @pl.when(i > 0)
        def _sb():
            wait_g(rowBs[q], rowsB, sgB)
            fire_s(colBs[q], rowsB, ssB)

        wait_idx(rowA, colA, siA)
        fire_g(rowA, rowsA, sgA)

        @pl.when(i > 0)
        def _wsb():
            wait_s(colBs[q], rowsB, ssB)

        @pl.when(i < 97)
        def _pfb():
            fire_idx(2 * i + 3, rowBs[q], colBs[q], siB)

        wait_idx(rowB, colB, siB)
        fire_g(rowB, rowsB, sgB)

        wait_g(rowA, rowsA, sgA)
        fire_s(colA, rowsA, ssA)

    @pl.loop(0, 49)
    def _outer(j):
        half_iter(2 * j, 0, 1)
        half_iter(2 * j + 1, 1, 0)

    wait_g(rowBs[1], rowsB, sgB)
    fire_s(colBs[1], rowsB, ssB)
    wait_s(colAs[1], rowsA, ssA)
    wait_s(colBs[1], rowsB, ssB)

    plsc.subcore_barrier()

    @pl.loop(0, 17)
    def _out(k):
        base = s * 3128 + k * 184
        pltpu.sync_copy(acc.at[pl.ds(base, 184)],
                        rowsA.at[pl.ds(0, 184)])
        pltpu.sync_copy(rowsA.at[pl.ds(0, 184)],
                        out_hbm.at[c, pl.ds(base, 184)])


_SC_MESH = plsc.VectorSubcoreMesh(core_axis_name="c", subcore_axis_name="s")


def _build_sc_deg():
    return pl.kernel(
        _sc_deg_body,
        out_type=jax.ShapeDtypeStruct((2 * NP,), f32),
        mesh=_SC_MESH,
        scratch_types=[
            pltpu.VMEM_SHARED((ACC_N,), f32),
            pltpu.VMEM((4, 128), jnp.int32),
            pltpu.VMEM((128,), f32),
            pltpu.VMEM((128,), f32),
            pltpu.VMEM((3128,), f32),
            pltpu.SemaphoreType.DMA,
        ],
    )


def _build_sc_agg():
    return pl.kernel(
        _sc_agg_body,
        out_type=jax.ShapeDtypeStruct((2, NP, HALF), f32),
        mesh=_SC_MESH,
        scratch_types=(
            [pltpu.VMEM_SHARED((ACC_N, HALF), f32)]
            + [pltpu.VMEM((2, 128), jnp.int32) for _ in range(8)]
            + [pltpu.VMEM((256, HALF), f32) for _ in range(2)]
            + [pltpu.VMEM((64, HALF), f32)]
            + [pltpu.SemaphoreType.DMA for _ in range(6)]
        ),
        compiler_params=pltpu.CompilerParams(use_tc_tiling_on_sc=False),
    )


_BLK = 1000
_NBLK = N // _BLK


def _tc1_body(x_ref, w_ref, degp_ref, hp_ref, dinv_ref):
    h = jnp.dot(x_ref[...], w_ref[...], preferred_element_type=f32)
    dtot = degp_ref[0] + degp_ref[1] + 1.0
    dinv = lax.rsqrt(dtot)
    dinv_ref[...] = dinv
    hp = h * dinv
    hp_ref[0] = hp[:, :HALF]
    hp_ref[1] = hp[:, HALF:]


def _tc_mid_body(agg_ref, hpp_ref, dinv_ref, b_ref, w_ref, hp_ref):
    a = jnp.concatenate([agg_ref[0], agg_ref[1]], axis=1)
    hpv = jnp.concatenate([hpp_ref[0], hpp_ref[1]], axis=1)
    s = jax.nn.relu(dinv_ref[...] * (a + hpv) + b_ref[...])
    h = jnp.dot(s, w_ref[...], preferred_element_type=f32)
    hp = h * dinv_ref[...]
    hp_ref[0] = hp[:, :HALF]
    hp_ref[1] = hp[:, HALF:]


def _tc_final_body(agg_ref, hpp_ref, dinv_ref, b_ref, batch_ref, wc_ref,
                   bc_ref, out_ref, psum, cnt):
    i = pl.program_id(0)
    a = jnp.concatenate([agg_ref[0], agg_ref[1]], axis=1)
    hpv = jnp.concatenate([hpp_ref[0], hpp_ref[1]], axis=1)
    h = jax.nn.relu(dinv_ref[...] * (a + hpv) + b_ref[...])
    onehot_t = (lax.broadcasted_iota(jnp.int32, (NG, _BLK), 0)
                == batch_ref[0]).astype(f32)
    ps = jnp.dot(onehot_t, h, preferred_element_type=f32)
    ct = jnp.sum(onehot_t, axis=1, keepdims=True)

    @pl.when(i == 0)
    def _init():
        psum[...] = ps
        cnt[...] = ct

    @pl.when(i > 0)
    def _acc():
        psum[...] += ps
        cnt[...] += ct

    @pl.when(i == _NBLK - 1)
    def _fin():
        pooled = psum[...] / jnp.maximum(cnt[...], 1.0)
        out_ref[...] = (jnp.dot(pooled, wc_ref[...],
                                preferred_element_type=f32) + bc_ref[...])


def _make_tc1():
    return pl.pallas_call(
        _tc1_body,
        grid=(_NBLK,),
        in_specs=[
            pl.BlockSpec((_BLK, IN_DIM), lambda i: (i, 0)),
            pl.BlockSpec((IN_DIM, HID), lambda i: (0, 0)),
            pl.BlockSpec((2, _BLK, 1), lambda i: (0, i, 0)),
        ],
        out_specs=[
            pl.BlockSpec((2, _BLK, HALF), lambda i: (0, i, 0)),
            pl.BlockSpec((_BLK, 1), lambda i: (i, 0)),
        ],
        out_shape=[
            jax.ShapeDtypeStruct((2, NP, HALF), f32),
            jax.ShapeDtypeStruct((N, 1), f32),
        ],
    )


def _make_tc_mid():
    return pl.pallas_call(
        _tc_mid_body,
        grid=(_NBLK,),
        in_specs=[
            pl.BlockSpec((2, _BLK, HALF), lambda i: (0, i, 0)),
            pl.BlockSpec((2, _BLK, HALF), lambda i: (0, i, 0)),
            pl.BlockSpec((_BLK, 1), lambda i: (i, 0)),
            pl.BlockSpec((1, HID), lambda i: (0, 0)),
            pl.BlockSpec((HID, HID), lambda i: (0, 0)),
        ],
        out_specs=[
            pl.BlockSpec((2, _BLK, HALF), lambda i: (0, i, 0)),
        ],
        out_shape=[jax.ShapeDtypeStruct((2, NP, HALF), f32)],
    )


def _make_tc_final():
    return pl.pallas_call(
        _tc_final_body,
        grid=(_NBLK,),
        in_specs=[
            pl.BlockSpec((2, _BLK, HALF), lambda i: (0, i, 0)),
            pl.BlockSpec((2, _BLK, HALF), lambda i: (0, i, 0)),
            pl.BlockSpec((_BLK, 1), lambda i: (i, 0)),
            pl.BlockSpec((1, HID), lambda i: (0, 0)),
            pl.BlockSpec((1, 1, _BLK), lambda i: (i, 0, 0)),
            pl.BlockSpec((HID, NC), lambda i: (0, 0)),
            pl.BlockSpec((1, NC), lambda i: (0, 0)),
        ],
        out_specs=pl.BlockSpec((NG, NC), lambda i: (0, 0)),
        out_shape=jax.ShapeDtypeStruct((NG, NC), f32),
        scratch_shapes=[
            pltpu.VMEM((NG, HID), f32),
            pltpu.VMEM((NG, 1), f32),
        ],
    )


@jax.jit
def kernel(x, edge_index, batch, W1, b1, W2, b2, W3, b3, Wc, bc):
    sc_deg = _build_sc_deg()
    sc_agg = _build_sc_agg()
    tc1 = _make_tc1()
    tc_mid = _make_tc_mid()
    tc_final = _make_tc_final()

    pad = EP - E
    rowp = jnp.concatenate(
        [edge_index[0], jnp.zeros((pad,), jnp.int32)]).reshape(EROWS, 128)
    colp = jnp.concatenate(
        [edge_index[1], jnp.full((pad,), TRASH, jnp.int32)]).reshape(EROWS, 128)
    batch3 = batch.reshape(_NBLK, 1, _BLK)

    degp = sc_deg(colp).reshape(2, NP, 1)
    hp1, dinv = tc1(x, W1, degp)
    agg1 = sc_agg(rowp, colp, hp1)
    hp2, = tc_mid(agg1, hp1, dinv, b1.reshape(1, HID), W2)
    agg2 = sc_agg(rowp, colp, hp2)
    hp3, = tc_mid(agg2, hp2, dinv, b2.reshape(1, HID), W3)
    agg3 = sc_agg(rowp, colp, hp3)
    return tc_final(agg3, hp3, dinv, b3.reshape(1, HID), batch3,
                    Wc, bc.reshape(1, NC))

# --- scband reference (transcript-rebuilt; emitter-appended) ---
"""Pipeline reference for scband-malware-gnn-25237227831713 (READ-ONLY COPY).

The authoritative reference and input builder live on the scoring server;
editing this copy changes nothing except your own understanding.
"""

import jax, jax.numpy as jnp
import numpy as np

N_NODES = 50000
N_EDGES = 800000
IN_DIM = 128
HID = 64
N_CLASSES = 8
N_GRAPHS = 64


def setup_inputs(seed: int = 0) -> dict:
    key = jax.random.key(seed)
    ks = jax.random.split(key, 12)
    x = jax.random.normal(ks[0], (N_NODES, IN_DIM), dtype=jnp.float32)
    edge_index = jax.random.randint(ks[1], (2, N_EDGES), 0, N_NODES, dtype=jnp.int64 if jax.config.jax_enable_x64 else jnp.int32).astype(jnp.int32)
    batch = jnp.sort(jax.random.randint(ks[2], (N_NODES,), 0, N_GRAPHS).astype(jnp.int32))
    def glorot(k, fan_in, fan_out):
        lim = jnp.sqrt(6.0 / (fan_in + fan_out))
        return jax.random.uniform(k, (fan_in, fan_out), dtype=jnp.float32, minval=-lim, maxval=lim)
    W1 = glorot(ks[3], IN_DIM, HID); b1 = jnp.zeros((HID,), jnp.float32)
    W2 = glorot(ks[4], HID, HID); b2 = jnp.zeros((HID,), jnp.float32)
    W3 = glorot(ks[5], HID, HID); b3 = jnp.zeros((HID,), jnp.float32)
    Wc = glorot(ks[6], HID, N_CLASSES); bc = jnp.zeros((N_CLASSES,), jnp.float32)
    return {"x": x, "edge_index": edge_index, "batch": batch,
            "W1": W1, "b1": b1, "W2": W2, "b2": b2, "W3": W3, "b3": b3,
            "Wc": Wc, "bc": bc}


def gcn_conv(x, row, col, W, b, n_nodes):
    # GCNConv: linear transform, then symmetric-normalized scatter-add aggregation
    h = x @ W
    deg = jnp.zeros((n_nodes,), jnp.float32).at[col].add(1.0)
    dinv = jax.lax.rsqrt(jnp.maximum(deg, 1.0))
    norm = dinv[row] * dinv[col]
    out = jnp.zeros((n_nodes, W.shape[1]), jnp.float32).at[col].add(norm[:, None] * h[row])
    return out + b


def global_mean_pool(x, batch, n_graphs):
    sums = jnp.zeros((n_graphs, x.shape[1]), jnp.float32).at[batch].add(x)
    counts = jnp.zeros((n_graphs,), jnp.float32).at[batch].add(1.0)
    return sums / jnp.maximum(counts, 1.0)[:, None]


def reference(x, edge_index, batch, W1, b1, W2, b2, W3, b3, Wc, bc):
    n_nodes = x.shape[0]
    self_loops = jnp.arange(n_nodes, dtype=edge_index.dtype)
    row = jnp.concatenate([edge_index[0], self_loops])
    col = jnp.concatenate([edge_index[1], self_loops])
    h = jax.nn.relu(gcn_conv(x, row, col, W1, b1, n_nodes))
    h = jax.nn.relu(gcn_conv(h, row, col, W2, b2, n_nodes))
    h = jax.nn.relu(gcn_conv(h, row, col, W3, b3, n_nodes))
    g = global_mean_pool(h, batch, N_GRAPHS)
    return g @ Wc + bc

if __name__ == "__main__":
    import jax
    _d = setup_inputs()
    print(jax.jit(kernel)(*tuple(_d.values())))

</pallas_src>

<mosaic_0001>
#map = affine_map<(d0, d1) -> (0, 0)>
#map1 = affine_map<(d0, d1) -> (0, 0, 0)>
module attributes {stable_mosaic.version = 14 : i64} {
  func.func @_sc_agg_body(%arg0: i32, %arg1: i32, %arg2: memref<6272x128xi32, #tpu.memory_space<hbm>>, %arg3: memref<6272x128xi32, #tpu.memory_space<hbm>>, %arg4: memref<2x50048x32xf32, #tpu.memory_space<hbm>>, %arg5: memref<2x50048x32xf32, #tpu.memory_space<hbm>>, %arg6: memref<50048x32xf32, #tpu.memory_space<vmem_shared>>, %arg7: memref<2x128xi32, #tpu.memory_space<vmem>>, %arg8: memref<2x128xi32, #tpu.memory_space<vmem>>, %arg9: memref<2x128xi32, #tpu.memory_space<vmem>>, %arg10: memref<2x128xi32, #tpu.memory_space<vmem>>, %arg11: memref<2x128xi32, #tpu.memory_space<vmem>>, %arg12: memref<2x128xi32, #tpu.memory_space<vmem>>, %arg13: memref<2x128xi32, #tpu.memory_space<vmem>>, %arg14: memref<2x128xi32, #tpu.memory_space<vmem>>, %arg15: memref<256x32xf32, #tpu.memory_space<vmem>>, %arg16: memref<256x32xf32, #tpu.memory_space<vmem>>, %arg17: memref<64x32xf32, #tpu.memory_space<vmem>>, %arg18: memref<!tpu.dma_semaphore, #tpu.memory_space<semaphore_mem>>, %arg19: memref<!tpu.dma_semaphore, #tpu.memory_space<semaphore_mem>>, %arg20: memref<!tpu.dma_semaphore, #tpu.memory_space<semaphore_mem>>, %arg21: memref<!tpu.dma_semaphore, #tpu.memory_space<semaphore_mem>>, %arg22: memref<!tpu.dma_semaphore, #tpu.memory_space<semaphore_mem>>, %arg23: memref<!tpu.dma_semaphore, #tpu.memory_space<semaphore_mem>>) attributes {dimension_semantics = [#tpu.dimension_semantics<core_parallel>, #tpu.dimension_semantics<subcore_parallel>], iteration_bounds = array<i64: 2, 16>, scalar_prefetch = 0 : i64, scratch_operands = 18 : i64, tpu.core_type = #tpu.core_type<sc_vector_subcore>, window_params = [{transform_indices = #map}, {transform_indices = #map}, {transform_indices = #map1}, {transform_indices = #map1}]} {
    %scan3A = arith.constant 0 : i32
    %scan3A_0 = arith.constant 64 : i32
    %scan3A_1 = arith.addi %scan3A, %scan3A_0 : i32
    %scan3A_2 = arith.constant 1 : i32
    scf.for %scan3A_128 = %scan3A to %scan3A_1 step %scan3A_2  : i32 {
      %mul3A_129 = arith.constant 1 : i32
      %mul3A_130 = arith.muli %scan3A_128, %mul3A_129 : i32
      %add3A_131 = arith.constant 0 : i32
      %add3A_132 = arith.addi %add3A_131, %mul3A_130 : i32
      %broadcast_in_dim3A = arith.constant 0.000000e+00 : f32
      %broadcast_in_dim3A_133 = vector.broadcast %broadcast_in_dim3A : f32 to vector<16xf32>
      %swap3A = arith.index_cast %add3A_132 : i32 to index
      %swap3A_134 = arith.constant 0 : index
      %swap3A_135 = tpu.vector_load %arg17[%swap3A, %swap3A_134] {strides = array<i32>} : memref<64x32xf32, #tpu.memory_space<vmem>>, vector<1x16xf32>,
      %swap3A_136 = vector.shape_cast %swap3A_135 : vector<1x16xf32> to vector<16xf32>
      %swap3A_137 = vector.shape_cast %broadcast_in_dim3A_133 : vector<16xf32> to vector<1x16xf32>
      tpu.vector_store %arg17[%swap3A, %swap3A_134], %swap3A_137 {strides = array<i32>} : memref<64x32xf32, #tpu.memory_space<vmem>>, vector<1x16xf32>,
      %broadcast_in_dim3A_138 = arith.constant 0.000000e+00 : f32
      %broadcast_in_dim3A_139 = vector.broadcast %broadcast_in_dim3A_138 : f32 to vector<16xf32>
      %swap3A_140 = arith.index_cast %add3A_132 : i32 to index
      %swap3A_141 = arith.constant 16 : index
      %swap3A_142 = tpu.vector_load %arg17[%swap3A_140, %swap3A_141] {strides = array<i32>} : memref<64x32xf32, #tpu.memory_space<vmem>>, vector<1x16xf32>,
      %swap3A_143 = vector.shape_cast %swap3A_142 : vector<1x16xf32> to vector<16xf32>
      %swap3A_144 = vector.shape_cast %broadcast_in_dim3A_139 : vector<16xf32> to vector<1x16xf32>
      tpu.vector_store %arg17[%swap3A_140, %swap3A_141], %swap3A_144 {strides = array<i32>} : memref<64x32xf32, #tpu.memory_space<vmem>>, vector<1x16xf32>,
    }
    %scan3A_3 = arith.constant 64 : i32
    %scan3A_4 = arith.constant 0 : i32
    %scan3A_5 = arith.constant 49 : i32
    %scan3A_6 = arith.addi %scan3A_4, %scan3A_5 : i32
    %scan3A_7 = arith.constant 1 : i32
    scf.for %scan3A_128 = %scan3A_4 to %scan3A_6 step %scan3A_7  : i32 {
      %mul3A_129 = arith.constant 1 : i32
      %mul3A_130 = arith.muli %scan3A_128, %mul3A_129 : i32
      %add3A_131 = arith.constant 0 : i32
      %add3A_132 = arith.addi %add3A_131, %mul3A_130 : i32
      %mul3A_133 = arith.constant 16 : i32
      %mul3A_134 = arith.muli %mul3A_133, %add3A_132 : i32
      %add3A_135 = arith.addi %arg1, %mul3A_134 : i32
      %lt3A = arith.constant 782 : i32
      %lt3A_136 = arith.cmpi slt, %add3A_135, %lt3A : i32
      %convert_element_type3A = arith.extui %lt3A_136 : i1 to i32
      %cond3A = arith.constant 0 : i32
      %cond3A_137 = arith.cmpi ne, %convert_element_type3A, %cond3A : i32
      scf.if %cond3A_137 {
        %mul3A_138 = arith.constant 64 : i32
        %mul3A_139 = arith.muli %add3A_135, %mul3A_138 : i32
        "tpu.region"() ({
          %run_scoped3A = tpu.sem_alloc : memref<!tpu.dma_semaphore, #tpu.memory_space<semaphore_mem>>
          %dma_start3A_140 = arith.constant 0 : i32
          %dma_start3A_141 = tpu.memref_slice %arg6[%mul3A_139, %dma_start3A_140] : memref<50048x32xf32, #tpu.memory_space<vmem_shared>> -> memref<64x32xf32, #tpu.memory_space<vmem_shared>>
          %dma_start3A_142 = arith.constant 0 : i32
          %dma_start3A_143 = tpu.memref_slice %arg6[%mul3A_139, %dma_start3A_142] : memref<50048x32xf32, #tpu.memory_space<vmem_shared>> -> memref<64x32xf32, #tpu.memory_space<vmem_shared>>
          tpu.enqueue_dma source(%arg17 : memref<64x32xf32, #tpu.memory_space<vmem>>) target(%dma_start3A_143 : memref<64x32xf32, #tpu.memory_space<vmem_shared>>) target_semaphore(%run_scoped3A : memref<!tpu.dma_semaphore, #tpu.memory_space<semaphore_mem>>)
          %dma_wait3A_144 = arith.constant 0 : i32
          %dma_wait3A_145 = tpu.memref_slice %arg6[%mul3A_139, %dma_wait3A_144] : memref<50048x32xf32, #tpu.memory_space<vmem_shared>> -> memref<64x32xf32, #tpu.memory_space<vmem_shared>>
          %dma_wait3A_146 = arith.constant 0 : i32
          %dma_wait3A_147 = tpu.memref_slice %arg6[%mul3A_139, %dma_wait3A_146] : memref<50048x32xf32, #tpu.memory_space<vmem_shared>> -> memref<64x32xf32, #tpu.memory_space<vmem_shared>>
          tpu.wait_dma2 semaphore(%run_scoped3A : memref<!tpu.dma_semaphore, #tpu.memory_space<semaphore_mem>>) src(%arg17 : memref<64x32xf32, #tpu.memory_space<vmem>>) dst(%dma_wait3A_147 : memref<64x32xf32, #tpu.memory_space<vmem_shared>>)
          tpu.yield
        }) : () -> ()
      } else {
      }
    }
    %scan3A_8 = arith.constant 49 : i32
    %barrier3A = arith.constant 0 : index
    tpu.barrier barrier_id(%barrier3A)
    %mul3A = arith.constant 392 : i32
    %mul3A_9 = arith.muli %arg1, %mul3A : i32
    %add3A = arith.constant 0 : i32
    %add3A_10 = arith.addi %mul3A_9, %add3A : i32
    %dma_start3A = arith.constant 0 : i32
    %dma_start3A_11 = tpu.memref_slice %arg2[%add3A_10, %dma_start3A] : memref<6272x128xi32, #tpu.memory_space<hbm>> -> memref<2x128xi32, #tpu.memory_space<hbm>>
    %dma_start3A_12 = arith.constant 0 : i32
    %dma_start3A_13 = tpu.memref_slice %arg2[%add3A_10, %dma_start3A_12] : memref<6272x128xi32, #tpu.memory_space<hbm>> -> memref<2x128xi32, #tpu.memory_space<hbm>>
    tpu.enqueue_dma source(%dma_start3A_13 : memref<2x128xi32, #tpu.memory_space<hbm>>) target(%arg7 : memref<2x128xi32, #tpu.memory_space<vmem>>) target_semaphore(%arg18 : memref<!tpu.dma_semaphore, #tpu.memory_space<semaphore_mem>>)
    %dma_start3A_14 = arith.constant 0 : i32
    %dma_start3A_15 = tpu.memref_slice %arg3[%add3A_10, %dma_start3A_14] : memref<6272x128xi32, #tpu.memory_space<hbm>> -> memref<2x128xi32, #tpu.memory_space<hbm>>
    %dma_start3A_16 = arith.constant 0 : i32
    %dma_start3A_17 = tpu.memref_slice %arg3[%add3A_10, %dma_start3A_16] : memref<6272x128xi32, #tpu.memory_space<hbm>> -> memref<2x128xi32, #tpu.memory_space<hbm>>
    tpu.enqueue_dma source(%dma_start3A_17 : memref<2x128xi32, #tpu.memory_space<hbm>>) target(%arg8 : memref<2x128xi32, #tpu.memory_space<vmem>>) target_semaphore(%arg18 : memref<!tpu.dma_semaphore, #tpu.memory_space<semaphore_mem>>)
    %mul3A_18 = arith.constant 392 : i32
    %mul3A_19 = arith.muli %arg1, %mul3A_18 : i32
    %add3A_20 = arith.constant 2 : i32
    %add3A_21 = arith.addi %mul3A_19, %add3A_20 : i32
    %dma_start3A_22 = arith.constant 0 : i32
    %dma_start3A_23 = tpu.memref_slice %arg2[%add3A_21, %dma_start3A_22] : memref<6272x128xi32, #tpu.memory_space<hbm>> -> memref<2x128xi32, #tpu.memory_space<hbm>>
    %dma_start3A_24 = arith.constant 0 : i32
    %dma_start3A_25 = tpu.memref_slice %arg2[%add3A_21, %dma_start3A_24] : memref<6272x128xi32, #tpu.memory_space<hbm>> -> memref<2x128xi32, #tpu.memory_space<hbm>>
    tpu.enqueue_dma source(%dma_start3A_25 : memref<2x128xi32, #tpu.memory_space<hbm>>) target(%arg11 : memref<2x128xi32, #tpu.memory_space<vmem>>) target_semaphore(%arg19 : memref<!tpu.dma_semaphore, #tpu.memory_space<semaphore_mem>>)
    %dma_start3A_26 = arith.constant 0 : i32
    %dma_start3A_27 = tpu.memref_slice %arg3[%add3A_21, %dma_start3A_26] : memref<6272x128xi32, #tpu.memory_space<hbm>> -> memref<2x128xi32, #tpu.memory_space<hbm>>
    %dma_start3A_28 = arith.constant 0 : i32
    %dma_start3A_29 = tpu.memref_slice %arg3[%add3A_21, %dma_start3A_28] : memref<6272x128xi32, #tpu.memory_space<hbm>> -> memref<2x128xi32, #tpu.memory_space<hbm>>
    tpu.enqueue_dma source(%dma_start3A_29 : memref<2x128xi32, #tpu.memory_space<hbm>>) target(%arg12 : memref<2x128xi32, #tpu.memory_space<vmem>>) target_semaphore(%arg19 : memref<!tpu.dma_semaphore, #tpu.memory_space<semaphore_mem>>)
    %scan3A_30 = arith.constant 0 : i32
    %scan3A_31 = arith.constant 49 : i32
    %scan3A_32 = arith.addi %scan3A_30, %scan3A_31 : i32
    %scan3A_33 = arith.constant 1 : i32
    scf.for %scan3A_128 = %scan3A_30 to %scan3A_32 step %scan3A_33  : i32 {
      %mul3A_129 = arith.constant 1 : i32
      %mul3A_130 = arith.muli %scan3A_128, %mul3A_129 : i32
      %add3A_131 = arith.constant 0 : i32
      %add3A_132 = arith.addi %add3A_131, %mul3A_130 : i32
      %mul3A_133 = arith.constant 2 : i32
      %mul3A_134 = arith.muli %mul3A_133, %add3A_132 : i32
      %gt3A = arith.constant 0 : i32
      %gt3A_135 = arith.cmpi sgt, %mul3A_134, %gt3A : i32
      %convert_element_type3A = arith.extui %gt3A_135 : i1 to i32
      %cond3A = arith.constant 0 : i32
      %cond3A_136 = arith.cmpi ne, %convert_element_type3A, %cond3A : i32
      scf.if %cond3A_136 {
        %dma_wait3A_441 = arith.constant 0 : i32
        %dma_wait3A_442 = arith.constant 0 : i32
        %dma_wait3A_443 = arith.constant 0 : i32
        %dma_wait3A_444 = tpu.memref_slice %arg15[%dma_wait3A_442, %dma_wait3A_443] : memref<256x32xf32, #tpu.memory_space<vmem>> -> memref<128x32xf32, #tpu.memory_space<vmem>>
        %dma_wait3A_445 = arith.constant 0 : i32
        %dma_wait3A_446 = tpu.memref_slice %arg10[%dma_wait3A_441, %dma_wait3A_445] : memref<2x128xi32, #tpu.memory_space<vmem>> -> memref<1x128xi32, #tpu.memory_space<vmem>>
        %dma_wait3A_447 = tpu.memref_squeeze %dma_wait3A_446 : memref<1x128xi32, #tpu.memory_space<vmem>> -> memref<128xi32, #tpu.memory_space<vmem>>
        %dma_wait3A_448 = arith.constant 0 : i32
        %dma_wait3A_449 = arith.constant 0 : i32
        %dma_wait3A_450 = tpu.memref_slice %arg6[%dma_wait3A_448, %dma_wait3A_449] : memref<50048x32xf32, #tpu.memory_space<vmem_shared>> -> memref<50048x32xf32, #tpu.memory_space<vmem_shared>>
        tpu.wait_indirect_dma semaphore(%arg22 : memref<!tpu.dma_semaphore, #tpu.memory_space<semaphore_mem>>) src(%dma_wait3A_444 : memref<128x32xf32, #tpu.memory_space<vmem>>) dst(%dma_wait3A_450 : memref<50048x32xf32, #tpu.memory_space<vmem_shared>>)
        %dma_wait3A_451 = arith.constant 1 : i32
        %dma_wait3A_452 = arith.constant 128 : i32
        %dma_wait3A_453 = arith.constant 0 : i32
        %dma_wait3A_454 = tpu.memref_slice %arg15[%dma_wait3A_452, %dma_wait3A_453] : memref<256x32xf32, #tpu.memory_space<vmem>> -> memref<128x32xf32, #tpu.memory_space<vmem>>
        %dma_wait3A_455 = arith.constant 0 : i32
        %dma_wait3A_456 = tpu.memref_slice %arg10[%dma_wait3A_451, %dma_wait3A_455] : memref<2x128xi32, #tpu.memory_space<vmem>> -> memref<1x128xi32, #tpu.memory_space<vmem>>
        %dma_wait3A_457 = tpu.memref_squeeze %dma_wait3A_456 : memref<1x128xi32, #tpu.memory_space<vmem>> -> memref<128xi32, #tpu.memory_space<vmem>>
        %dma_wait3A_458 = arith.constant 0 : i32
        %dma_wait3A_459 = arith.constant 0 : i32
        %dma_wait3A_460 = tpu.memref_slice %arg6[%dma_wait3A_458, %dma_wait3A_459] : memref<50048x32xf32, #tpu.memory_space<vmem_shared>> -> memref<50048x32xf32, #tpu.memory_space<vmem_shared>>
        tpu.wait_indirect_dma semaphore(%arg22 : memref<!tpu.dma_semaphore, #tpu.memory_space<semaphore_mem>>) src(%dma_wait3A_454 : memref<128x32xf32, #tpu.memory_space<vmem>>) dst(%dma_wait3A_460 : memref<50048x32xf32, #tpu.memory_space<vmem_shared>>)
      } else {
      }
      %lt3A = arith.constant 97 : i32
      %lt3A_137 = arith.cmpi slt, %mul3A_134, %lt3A : i32
      %convert_element_type3A_138 = arith.extui %lt3A_137 : i1 to i32
      %cond3A_139 = arith.constant 0 : i32
      %cond3A_140 = arith.cmpi ne, %convert_element_type3A_138, %cond3A_139 : i32
      scf.if %cond3A_140 {
        %mul3A_441 = arith.constant 2 : i32
        %mul3A_442 = arith.muli %mul3A_441, %mul3A_134 : i32
        %add3A_443 = arith.constant 2 : i32
        %add3A_444 = arith.addi %mul3A_442, %add3A_443 : i32
        %mul3A_445 = arith.constant 392 : i32
        %mul3A_446 = arith.muli %arg1, %mul3A_445 : i32
        %mul3A_447 = arith.constant 2 : i32
        %mul3A_448 = arith.muli %add3A_444, %mul3A_447 : i32
        %add3A_449 = arith.addi %mul3A_446, %mul3A_448 : i32
        %dma_start3A_450 = arith.constant 0 : i32
        %dma_start3A_451 = tpu.memref_slice %arg2[%add3A_449, %dma_start3A_450] : memref<6272x128xi32, #tpu.memory_space<hbm>> -> memref<2x128xi32, #tpu.memory_space<hbm>>
        %dma_start3A_452 = arith.constant 0 : i32
        %dma_start3A_453 = tpu.memref_slice %arg2[%add3A_449, %dma_start3A_452] : memref<6272x128xi32, #tpu.memory_space<hbm>> -> memref<2x128xi32, #tpu.memory_space<hbm>>
        tpu.enqueue_dma source(%dma_start3A_453 : memref<2x128xi32, #tpu.memory_space<hbm>>) target(%arg9 : memref<2x128xi32, #tpu.memory_space<vmem>>) target_semaphore(%arg18 : memref<!tpu.dma_semaphore, #tpu.memory_space<semaphore_mem>>)
        %dma_start3A_454 = arith.constant 0 : i32
        %dma_start3A_455 = tpu.memref_slice %arg3[%add3A_449, %dma_start3A_454] : memref<6272x128xi32, #tpu.memory_space<hbm>> -> memref<2x128xi32, #tpu.memory_space<hbm>>
        %dma_start3A_456 = arith.constant 0 : i32
        %dma_start3A_457 = tpu.memref_slice %arg3[%add3A_449, %dma_start3A_456] : memref<6272x128xi32, #tpu.memory_space<hbm>> -> memref<2x128xi32, #tpu.memory_space<hbm>>
        tpu.enqueue_dma source(%dma_start3A_457 : memref<2x128xi32, #tpu.memory_space<hbm>>) target(%arg10 : memref<2x128xi32, #tpu.memory_space<vmem>>) target_semaphore(%arg18 : memref<!tpu.dma_semaphore, #tpu.memory_space<semaphore_mem>>)
      } else {
      }
      %gt3A_141 = arith.constant 0 : i32
      %gt3A_142 = arith.cmpi sgt, %mul3A_134, %gt3A_141 : i32
      %convert_element_type3A_143 = arith.extui %gt3A_142 : i1 to i32
      %cond3A_144 = arith.constant 0 : i32
      %cond3A_145 = arith.cmpi ne, %convert_element_type3A_143, %cond3A_144 : i32
      scf.if %cond3A_145 {
        %dma_wait3A_441 = arith.constant 0 : i32
        %dma_wait3A_442 = arith.constant 0 : i32
        %dma_wait3A_443 = arith.constant 0 : i32
        %dma_wait3A_444 = tpu.memref_slice %arg16[%dma_wait3A_442, %dma_wait3A_443] : memref<256x32xf32, #tpu.memory_space<vmem>> -> memref<128x32xf32, #tpu.memory_space<vmem>>
        %dma_wait3A_445 = arith.constant 0 : i32
        %dma_wait3A_446 = tpu.memref_slice %arg13[%dma_wait3A_441, %dma_wait3A_445] : memref<2x128xi32, #tpu.memory_space<vmem>> -> memref<1x128xi32, #tpu.memory_space<vmem>>
        %dma_wait3A_447 = tpu.memref_squeeze %dma_wait3A_446 : memref<1x128xi32, #tpu.memory_space<vmem>> -> memref<128xi32, #tpu.memory_space<vmem>>
        %dma_wait3A_448 = arith.constant 0 : i32
        %dma_wait3A_449 = arith.constant 0 : i32
        %dma_wait3A_450 = tpu.memref_slice %arg4[%arg0, %dma_wait3A_448, %dma_wait3A_449] : memref<2x50048x32xf32, #tpu.memory_space<hbm>> -> memref<1x50048x32xf32, #tpu.memory_space<hbm>>
        %dma_wait3A_451 = tpu.memref_squeeze %dma_wait3A_450 : memref<1x50048x32xf32, #tpu.memory_space<hbm>> -> memref<50048x32xf32, #tpu.memory_space<hbm>>
        %dma_wait3A_452 = arith.constant 0 : i32
        %dma_wait3A_453 = arith.constant 0 : i32
        %dma_wait3A_454 = tpu.memref_slice %dma_wait3A_451[%dma_wait3A_452, %dma_wait3A_453] : memref<50048x32xf32, #tpu.memory_space<hbm>> -> memref<50048x32xf32, #tpu.memory_space<hbm>>
        tpu.wait_indirect_dma semaphore(%arg21 : memref<!tpu.dma_semaphore, #tpu.memory_space<semaphore_mem>>) src(%dma_wait3A_454 : memref<50048x32xf32, #tpu.memory_space<hbm>>) dst(%dma_wait3A_444 : memref<128x32xf32, #tpu.memory_space<vmem>>)
        %dma_wait3A_455 = arith.constant 1 : i32
        %dma_wait3A_456 = arith.constant 128 : i32
        %dma_wait3A_457 = arith.constant 0 : i32
        %dma_wait3A_458 = tpu.memref_slice %arg16[%dma_wait3A_456, %dma_wait3A_457] : memref<256x32xf32, #tpu.memory_space<vmem>> -> memref<128x32xf32, #tpu.memory_space<vmem>>
        %dma_wait3A_459 = arith.constant 0 : i32
        %dma_wait3A_460 = tpu.memref_slice %arg13[%dma_wait3A_455, %dma_wait3A_459] : memref<2x128xi32, #tpu.memory_space<vmem>> -> memref<1x128xi32, #tpu.memory_space<vmem>>
        %dma_wait3A_461 = tpu.memref_squeeze %dma_wait3A_460 : memref<1x128xi32, #tpu.memory_space<vmem>> -> memref<128xi32, #tpu.memory_space<vmem>>
        %dma_wait3A_462 = arith.constant 0 : i32
        %dma_wait3A_463 = arith.constant 0 : i32
        %dma_wait3A_464 = tpu.memref_slice %arg4[%arg0, %dma_wait3A_462, %dma_wait3A_463] : memref<2x50048x32xf32, #tpu.memory_space<hbm>> -> memref<1x50048x32xf32, #tpu.memory_space<hbm>>
        %dma_wait3A_465 = tpu.memref_squeeze %dma_wait3A_464 : memref<1x50048x32xf32, #tpu.memory_space<hbm>> -> memref<50048x32xf32, #tpu.memory_space<hbm>>
        %dma_wait3A_466 = arith.constant 0 : i32
        %dma_wait3A_467 = arith.constant 0 : i32
        %dma_wait3A_468 = tpu.memref_slice %dma_wait3A_465[%dma_wait3A_466, %dma_wait3A_467] : memref<50048x32xf32, #tpu.memory_space<hbm>> -> memref<50048x32xf32, #tpu.memory_space<hbm>>
        tpu.wait_indirect_dma semaphore(%arg21 : memref<!tpu.dma_semaphore, #tpu.memory_space<semaphore_mem>>) src(%dma_wait3A_468 : memref<50048x32xf32, #tpu.memory_space<hbm>>) dst(%dma_wait3A_458 : memref<128x32xf32, #tpu.memory_space<vmem>>)
        %dma_start3A_469 = arith.constant 0 : i32
        %dma_start3A_470 = arith.constant 0 : i32
        %dma_start3A_471 = arith.constant 0 : i32
        %dma_start3A_472 = tpu.memref_slice %arg16[%dma_start3A_470, %dma_start3A_471] : memref<256x32xf32, #tpu.memory_space<vmem>> -> memref<128x32xf32, #tpu.memory_space<vmem>>
        %dma_start3A_473 = arith.constant 0 : i32
        %dma_start3A_474 = tpu.memref_slice %arg14[%dma_start3A_469, %dma_start3A_473] : memref<2x128xi32, #tpu.memory_space<vmem>> -> memref<1x128xi32, #tpu.memory_space<vmem>>
        %dma_start3A_475 = tpu.memref_squeeze %dma_start3A_474 : memref<1x128xi32, #tpu.memory_space<vmem>> -> memref<128xi32, #tpu.memory_space<vmem>>
        %dma_start3A_476 = arith.constant 0 : i32
        %dma_start3A_477 = arith.constant 0 : i32
        %dma_start3A_478 = tpu.memref_slice %arg6[%dma_start3A_476, %dma_start3A_477] : memref<50048x32xf32, #tpu.memory_space<vmem_shared>> -> memref<50048x32xf32, #tpu.memory_space<vmem_shared>>
        tpu.enqueue_indirect_dma source(%dma_start3A_472 : memref<128x32xf32, #tpu.memory_space<vmem>>) target(%dma_start3A_478 : memref<50048x32xf32, #tpu.memory_space<vmem_shared>>) offsets(%dma_start3A_475 : memref<128xi32, #tpu.memory_space<vmem>>) semaphore(%arg23 : memref<!tpu.dma_semaphore, #tpu.memory_space<semaphore_mem>>) {add = true}
        %dma_start3A_479 = arith.constant 1 : i32
        %dma_start3A_480 = arith.constant 128 : i32
        %dma_start3A_481 = arith.constant 0 : i32
        %dma_start3A_482 = tpu.memref_slice %arg16[%dma_start3A_480, %dma_start3A_481] : memref<256x32xf32, #tpu.memory_space<vmem>> -> memref<128x32xf32, #tpu.memory_space<vmem>>
        %dma_start3A_483 = arith.constant 0 : i32
        %dma_start3A_484 = tpu.memref_slice %arg14[%dma_start3A_479, %dma_start3A_483] : memref<2x128xi32, #tpu.memory_space<vmem>> -> memref<1x128xi32, #tpu.memory_space<vmem>>
        %dma_start3A_485 = tpu.memref_squeeze %dma_start3A_484 : memref<1x128xi32, #tpu.memory_space<vmem>> -> memref<128xi32, #tpu.memory_space<vmem>>
        %dma_start3A_486 = arith.constant 0 : i32
        %dma_start3A_487 = arith.constant 0 : i32
        %dma_start3A_488 = tpu.memref_slice %arg6[%dma_start3A_486, %dma_start3A_487] : memref<50048x32xf32, #tpu.memory_space<vmem_shared>> -> memref<50048x32xf32, #tpu.memory_space<vmem_shared>>
        tpu.enqueue_indirect_dma source(%dma_start3A_482 : memref<128x32xf32, #tpu.memory_space<vmem>>) target(%dma_start3A_488 : memref<50048x32xf32, #tpu.memory_space<vmem_shared>>) offsets(%dma_start3A_485 : memref<128xi32, #tpu.memory_space<vmem>>) semaphore(%arg23 : memref<!tpu.dma_semaphore, #tpu.memory_space<semaphore_mem>>) {add = true}
      } else {
      }
      %dma_wait3A_146 = arith.constant 0 : i32
      %dma_wait3A_147 = arith.constant 0 : i32
      %dma_wait3A_148 = tpu.memref_slice %arg2[%dma_wait3A_146, %dma_wait3A_147] : memref<6272x128xi32, #tpu.memory_space<hbm>> -> memref<2x128xi32, #tpu.memory_space<hbm>>
      %dma_wait3A_149 = arith.constant 0 : i32
      %dma_wait3A_150 = arith.constant 0 : i32
      %dma_wait3A_151 = tpu.memref_slice %arg2[%dma_wait3A_149, %dma_wait3A_150] : memref<6272x128xi32, #tpu.memory_space<hbm>> -> memref<2x128xi32, #tpu.memory_space<hbm>>
      tpu.wait_dma2 semaphore(%arg18 : memref<!tpu.dma_semaphore, #tpu.memory_space<semaphore_mem>>) src(%dma_wait3A_151 : memref<2x128xi32, #tpu.memory_space<hbm>>) dst(%arg7 : memref<2x128xi32, #tpu.memory_space<vmem>>)
      %dma_wait3A_152 = arith.constant 0 : i32
      %dma_wait3A_153 = arith.constant 0 : i32
      %dma_wait3A_154 = tpu.memref_slice %arg3[%dma_wait3A_152, %dma_wait3A_153] : memref<6272x128xi32, #tpu.memory_space<hbm>> -> memref<2x128xi32, #tpu.memory_space<hbm>>
      %dma_wait3A_155 = arith.constant 0 : i32
      %dma_wait3A_156 = arith.constant 0 : i32
      %dma_wait3A_157 = tpu.memref_slice %arg3[%dma_wait3A_155, %dma_wait3A_156] : memref<6272x128xi32, #tpu.memory_space<hbm>> -> memref<2x128xi32, #tpu.memory_space<hbm>>
      tpu.wait_dma2 semaphore(%arg18 : memref<!tpu.dma_semaphore, #tpu.memory_space<semaphore_mem>>) src(%dma_wait3A_157 : memref<2x128xi32, #tpu.memory_space<hbm>>) dst(%arg8 : memref<2x128xi32, #tpu.memory_space<vmem>>)
      %dma_start3A_158 = arith.constant 0 : i32
      %dma_start3A_159 = arith.constant 0 : i32
      %dma_start3A_160 = arith.constant 0 : i32
      %dma_start3A_161 = tpu.memref_slice %arg15[%dma_start3A_159, %dma_start3A_160] : memref<256x32xf32, #tpu.memory_space<vmem>> -> memref<128x32xf32, #tpu.memory_space<vmem>>
      %dma_start3A_162 = arith.constant 0 : i32
      %dma_start3A_163 = tpu.memref_slice %arg7[%dma_start3A_158, %dma_start3A_162] : memref<2x128xi32, #tpu.memory_space<vmem>> -> memref<1x128xi32, #tpu.memory_space<vmem>>
      %dma_start3A_164 = tpu.memref_squeeze %dma_start3A_163 : memref<1x128xi32, #tpu.memory_space<vmem>> -> memref<128xi32, #tpu.memory_space<vmem>>
      %dma_start3A_165 = arith.constant 0 : i32
      %dma_start3A_166 = arith.constant 0 : i32
      %dma_start3A_167 = tpu.memref_slice %arg4[%arg0, %dma_start3A_165, %dma_start3A_166] : memref<2x50048x32xf32, #tpu.memory_space<hbm>> -> memref<1x50048x32xf32, #tpu.memory_space<hbm>>
      %dma_start3A_168 = tpu.memref_squeeze %dma_start3A_167 : memref<1x50048x32xf32, #tpu.memory_space<hbm>> -> memref<50048x32xf32, #tpu.memory_space<hbm>>
      %dma_start3A_169 = arith.constant 0 : i32
      %dma_start3A_170 = arith.constant 0 : i32
      %dma_start3A_171 = tpu.memref_slice %dma_start3A_168[%dma_start3A_169, %dma_start3A_170] : memref<50048x32xf32, #tpu.memory_space<hbm>> -> memref<50048x32xf32, #tpu.memory_space<hbm>>
      tpu.enqueue_indirect_dma source(%dma_start3A_171 : memref<50048x32xf32, #tpu.memory_space<hbm>>) target(%dma_start3A_161 : memref<128x32xf32, #tpu.memory_space<vmem>>) offsets(%dma_start3A_164 : memref<128xi32, #tpu.memory_space<vmem>>) semaphore(%arg20 : memref<!tpu.dma_semaphore, #tpu.memory_space<semaphore_mem>>)
      %dma_start3A_172 = arith.constant 1 : i32
      %dma_start3A_173 = arith.constant 128 : i32
      %dma_start3A_174 = arith.constant 0 : i32
      %dma_start3A_175 = tpu.memref_slice %arg15[%dma_start3A_173, %dma_start3A_174] : memref<256x32xf32, #tpu.memory_space<vmem>> -> memref<128x32xf32, #tpu.memory_space<vmem>>
      %dma_start3A_176 = arith.constant 0 : i32
      %dma_start3A_177 = tpu.memref_slice %arg7[%dma_start3A_172, %dma_start3A_176] : memref<2x128xi32, #tpu.memory_space<vmem>> -> memref<1x128xi32, #tpu.memory_space<vmem>>
      %dma_start3A_178 = tpu.memref_squeeze %dma_start3A_177 : memref<1x128xi32, #tpu.memory_space<vmem>> -> memref<128xi32, #tpu.memory_space<vmem>>
      %dma_start3A_179 = arith.constant 0 : i32
      %dma_start3A_180 = arith.constant 0 : i32
      %dma_start3A_181 = tpu.memref_slice %arg4[%arg0, %dma_start3A_179, %dma_start3A_180] : memref<2x50048x32xf32, #tpu.memory_space<hbm>> -> memref<1x50048x32xf32, #tpu.memory_space<hbm>>
      %dma_start3A_182 = tpu.memref_squeeze %dma_start3A_181 : memref<1x50048x32xf32, #tpu.memory_space<hbm>> -> memref<50048x32xf32, #tpu.memory_space<hbm>>
      %dma_start3A_183 = arith.constant 0 : i32
      %dma_start3A_184 = arith.constant 0 : i32
      %dma_start3A_185 = tpu.memref_slice %dma_start3A_182[%dma_start3A_183, %dma_start3A_184] : memref<50048x32xf32, #tpu.memory_space<hbm>> -> memref<50048x32xf32, #tpu.memory_space<hbm>>
      tpu.enqueue_indirect_dma source(%dma_start3A_185 : memref<50048x32xf32, #tpu.memory_space<hbm>>) target(%dma_start3A_175 : memref<128x32xf32, #tpu.memory_space<vmem>>) offsets(%dma_start3A_178 : memref<128xi32, #tpu.memory_space<vmem>>) semaphore(%arg20 : memref<!tpu.dma_semaphore, #tpu.memory_space<semaphore_mem>>)
      %gt3A_186 = arith.constant 0 : i32
      %gt3A_187 = arith.cmpi sgt, %mul3A_134, %gt3A_186 : i32
      %convert_element_type3A_188 = arith.extui %gt3A_187 : i1 to i32
      %cond3A_189 = arith.constant 0 : i32
      %cond3A_190 = arith.cmpi ne, %convert_element_type3A_188, %cond3A_189 : i32
      scf.if %cond3A_190 {
        %dma_wait3A_441 = arith.constant 0 : i32
        %dma_wait3A_442 = arith.constant 0 : i32
        %dma_wait3A_443 = arith.constant 0 : i32
        %dma_wait3A_444 = tpu.memref_slice %arg16[%dma_wait3A_442, %dma_wait3A_443] : memref<256x32xf32, #tpu.memory_space<vmem>> -> memref<128x32xf32, #tpu.memory_space<vmem>>
        %dma_wait3A_445 = arith.constant 0 : i32
        %dma_wait3A_446 = tpu.memref_slice %arg14[%dma_wait3A_441, %dma_wait3A_445] : memref<2x128xi32, #tpu.memory_space<vmem>> -> memref<1x128xi32, #tpu.memory_space<vmem>>
        %dma_wait3A_447 = tpu.memref_squeeze %dma_wait3A_446 : memref<1x128xi32, #tpu.memory_space<vmem>> -> memref<128xi32, #tpu.memory_space<vmem>>
        %dma_wait3A_448 = arith.constant 0 : i32
        %dma_wait3A_449 = arith.constant 0 : i32
        %dma_wait3A_450 = tpu.memref_slice %arg6[%dma_wait3A_448, %dma_wait3A_449] : memref<50048x32xf32, #tpu.memory_space<vmem_shared>> -> memref<50048x32xf32, #tpu.memory_space<vmem_shared>>
        tpu.wait_indirect_dma semaphore(%arg23 : memref<!tpu.dma_semaphore, #tpu.memory_space<semaphore_mem>>) src(%dma_wait3A_444 : memref<128x32xf32, #tpu.memory_space<vmem>>) dst(%dma_wait3A_450 : memref<50048x32xf32, #tpu.memory_space<vmem_shared>>)
        %dma_wait3A_451 = arith.constant 1 : i32
        %dma_wait3A_452 = arith.constant 128 : i32
        %dma_wait3A_453 = arith.constant 0 : i32
        %dma_wait3A_454 = tpu.memref_slice %arg16[%dma_wait3A_452, %dma_wait3A_453] : memref<256x32xf32, #tpu.memory_space<vmem>> -> memref<128x32xf32, #tpu.memory_space<vmem>>
        %dma_wait3A_455 = arith.constant 0 : i32
        %dma_wait3A_456 = tpu.memref_slice %arg14[%dma_wait3A_451, %dma_wait3A_455] : memref<2x128xi32, #tpu.memory_space<vmem>> -> memref<1x128xi32, #tpu.memory_space<vmem>>
        %dma_wait3A_457 = tpu.memref_squeeze %dma_wait3A_456 : memref<1x128xi32, #tpu.memory_space<vmem>> -> memref<128xi32, #tpu.memory_space<vmem>>
        %dma_wait3A_458 = arith.constant 0 : i32
        %dma_wait3A_459 = arith.constant 0 : i32
        %dma_wait3A_460 = tpu.memref_slice %arg6[%dma_wait3A_458, %dma_wait3A_459] : memref<50048x32xf32, #tpu.memory_space<vmem_shared>> -> memref<50048x32xf32, #tpu.memory_space<vmem_shared>>
        tpu.wait_indirect_dma semaphore(%arg23 : memref<!tpu.dma_semaphore, #tpu.memory_space<semaphore_mem>>) src(%dma_wait3A_454 : memref<128x32xf32, #tpu.memory_space<vmem>>) dst(%dma_wait3A_460 : memref<50048x32xf32, #tpu.memory_space<vmem_shared>>)
      } else {
      }
      %lt3A_191 = arith.constant 97 : i32
      %lt3A_192 = arith.cmpi slt, %mul3A_134, %lt3A_191 : i32
      %convert_element_type3A_193 = arith.extui %lt3A_192 : i1 to i32
      %cond3A_194 = arith.constant 0 : i32
      %cond3A_195 = arith.cmpi ne, %convert_element_type3A_193, %cond3A_194 : i32
      scf.if %cond3A_195 {
        %mul3A_441 = arith.constant 2 : i32
        %mul3A_442 = arith.muli %mul3A_441, %mul3A_134 : i32
        %add3A_443 = arith.constant 3 : i32
        %add3A_444 = arith.addi %mul3A_442, %add3A_443 : i32
        %mul3A_445 = arith.constant 392 : i32
        %mul3A_446 = arith.muli %arg1, %mul3A_445 : i32
        %mul3A_447 = arith.constant 2 : i32
        %mul3A_448 = arith.muli %add3A_444, %mul3A_447 : i32
        %add3A_449 = arith.addi %mul3A_446, %mul3A_448 : i32
        %dma_start3A_450 = arith.constant 0 : i32
        %dma_start3A_451 = tpu.memref_slice %arg2[%add3A_449, %dma_start3A_450] : memref<6272x128xi32, #tpu.memory_space<hbm>> -> memref<2x128xi32, #tpu.memory_space<hbm>>
        %dma_start3A_452 = arith.constant 0 : i32
        %dma_start3A_453 = tpu.memref_slice %arg2[%add3A_449, %dma_start3A_452] : memref<6272x128xi32, #tpu.memory_space<hbm>> -> memref<2x128xi32, #tpu.memory_space<hbm>>
        tpu.enqueue_dma source(%dma_start3A_453 : memref<2x128xi32, #tpu.memory_space<hbm>>) target(%arg13 : memref<2x128xi32, #tpu.memory_space<vmem>>) target_semaphore(%arg19 : memref<!tpu.dma_semaphore, #tpu.memory_space<semaphore_mem>>)
        %dma_start3A_454 = arith.constant 0 : i32
        %dma_start3A_455 = tpu.memref_slice %arg3[%add3A_449, %dma_start3A_454] : memref<6272x128xi32, #tpu.memory_space<hbm>> -> memref<2x128xi32, #tpu.memory_space<hbm>>
        %dma_start3A_456 = arith.constant 0 : i32
        %dma_start3A_457 = tpu.memref_slice %arg3[%add3A_449, %dma_start3A_456] : memref<6272x128xi32, #tpu.memory_space<hbm>> -> memref<2x128xi32, #tpu.memory_space<hbm>>
        tpu.enqueue_dma source(%dma_start3A_457 : memref<2x128xi32, #tpu.memory_space<hbm>>) target(%arg14 : memref<2x128xi32, #tpu.memory_space<vmem>>) target_semaphore(%arg19 : memref<!tpu.dma_semaphore, #tpu.memory_space<semaphore_mem>>)
      } else {
      }
      %dma_wait3A_196 = arith.constant 0 : i32
      %dma_wait3A_197 = arith.constant 0 : i32
      %dma_wait3A_198 = tpu.memref_slice %arg2[%dma_wait3A_196, %dma_wait3A_197] : memref<6272x128xi32, #tpu.memory_space<hbm>> -> memref<2x128xi32, #tpu.memory_space<hbm>>
      %dma_wait3A_199 = arith.constant 0 : i32
      %dma_wait3A_200 = arith.constant 0 : i32
      %dma_wait3A_201 = tpu.memref_slice %arg2[%dma_wait3A_199, %dma_wait3A_200] : memref<6272x128xi32, #tpu.memory_space<hbm>> -> memref<2x128xi32, #tpu.memory_space<hbm>>
      tpu.wait_dma2 semaphore(%arg19 : memref<!tpu.dma_semaphore, #tpu.memory_space<semaphore_mem>>) src(%dma_wait3A_201 : memref<2x128xi32, #tpu.memory_space<hbm>>) dst(%arg11 : memref<2x128xi32, #tpu.memory_space<vmem>>)
      %dma_wait3A_202 = arith.constant 0 : i32
      %dma_wait3A_203 = arith.constant 0 : i32
      %dma_wait3A_204 = tpu.memref_slice %arg3[%dma_wait3A_202, %dma_wait3A_203] : memref<6272x128xi32, #tpu.memory_space<hbm>> -> memref<2x128xi32, #tpu.memory_space<hbm>>
      %dma_wait3A_205 = arith.constant 0 : i32
      %dma_wait3A_206 = arith.constant 0 : i32
      %dma_wait3A_207 = tpu.memref_slice %arg3[%dma_wait3A_205, %dma_wait3A_206] : memref<6272x128xi32, #tpu.memory_space<hbm>> -> memref<2x128xi32, #tpu.memory_space<hbm>>
      tpu.wait_dma2 semaphore(%arg19 : memref<!tpu.dma_semaphore, #tpu.memory_space<semaphore_mem>>) src(%dma_wait3A_207 : memref<2x128xi32, #tpu.memory_space<hbm>>) dst(%arg12 : memref<2x128xi32, #tpu.memory_space<vmem>>)
      %dma_start3A_208 = arith.constant 0 : i32
      %dma_start3A_209 = arith.constant 0 : i32
      %dma_start3A_210 = arith.constant 0 : i32
      %dma_start3A_211 = tpu.memref_slice %arg16[%dma_start3A_209, %dma_start3A_210] : memref<256x32xf32, #tpu.memory_space<vmem>> -> memref<128x32xf32, #tpu.memory_space<vmem>>
      %dma_start3A_212 = arith.constant 0 : i32
      %dma_start3A_213 = tpu.memref_slice %arg11[%dma_start3A_208, %dma_start3A_212] : memref<2x128xi32, #tpu.memory_space<vmem>> -> memref<1x128xi32, #tpu.memory_space<vmem>>
      %dma_start3A_214 = tpu.memref_squeeze %dma_start3A_213 : memref<1x128xi32, #tpu.memory_space<vmem>> -> memref<128xi32, #tpu.memory_space<vmem>>
      %dma_start3A_215 = arith.constant 0 : i32
      %dma_start3A_216 = arith.constant 0 : i32
      %dma_start3A_217 = tpu.memref_slice %arg4[%arg0, %dma_start3A_215, %dma_start3A_216] : memref<2x50048x32xf32, #tpu.memory_space<hbm>> -> memref<1x50048x32xf32, #tpu.memory_space<hbm>>
      %dma_start3A_218 = tpu.memref_squeeze %dma_start3A_217 : memref<1x50048x32xf32, #tpu.memory_space<hbm>> -> memref<50048x32xf32, #tpu.memory_space<hbm>>
      %dma_start3A_219 = arith.constant 0 : i32
      %dma_start3A_220 = arith.constant 0 : i32
      %dma_start3A_221 = tpu.memref_slice %dma_start3A_218[%dma_start3A_219, %dma_start3A_220] : memref<50048x32xf32, #tpu.memory_space<hbm>> -> memref<50048x32xf32, #tpu.memory_space<hbm>>
      tpu.enqueue_indirect_dma source(%dma_start3A_221 : memref<50048x32xf32, #tpu.memory_space<hbm>>) target(%dma_start3A_211 : memref<128x32xf32, #tpu.memory_space<vmem>>) offsets(%dma_start3A_214 : memref<128xi32, #tpu.memory_space<vmem>>) semaphore(%arg21 : memref<!tpu.dma_semaphore, #tpu.memory_space<semaphore_mem>>)
      %dma_start3A_222 = arith.constant 1 : i32
      %dma_start3A_223 = arith.constant 128 : i32
      %dma_start3A_224 = arith.constant 0 : i32
      %dma_start3A_225 = tpu.memref_slice %arg16[%dma_start3A_223, %dma_start3A_224] : memref<256x32xf32, #tpu.memory_space<vmem>> -> memref<128x32xf32, #tpu.memory_space<vmem>>
      %dma_start3A_226 = arith.constant 0 : i32
      %dma_start3A_227 = tpu.memref_slice %arg11[%dma_start3A_222, %dma_start3A_226] : memref<2x128xi32, #tpu.memory_space<vmem>> -> memref<1x128xi32, #tpu.memory_space<vmem>>
      %dma_start3A_228 = tpu.memref_squeeze %dma_start3A_227 : memref<1x128xi32, #tpu.memory_space<vmem>> -> memref<128xi32, #tpu.memory_space<vmem>>
      %dma_start3A_229 = arith.constant 0 : i32
      %dma_start3A_230 = arith.constant 0 : i32
      %dma_start3A_231 = tpu.memref_slice %arg4[%arg0, %dma_start3A_229, %dma_start3A_230] : memref<2x50048x32xf32, #tpu.memory_space<hbm>> -> memref<1x50048x32xf32, #tpu.memory_space<hbm>>
      %dma_start3A_232 = tpu.memref_squeeze %dma_start3A_231 : memref<1x50048x32xf32, #tpu.memory_space<hbm>> -> memref<50048x32xf32, #tpu.memory_space<hbm>>
      %dma_start3A_233 = arith.constant 0 : i32
      %dma_start3A_234 = arith.constant 0 : i32
      %dma_start3A_235 = tpu.memref_slice %dma_start3A_232[%dma_start3A_233, %dma_start3A_234] : memref<50048x32xf32, #tpu.memory_space<hbm>> -> memref<50048x32xf32, #tpu.memory_space<hbm>>
      tpu.enqueue_indirect_dma source(%dma_start3A_235 : memref<50048x32xf32, #tpu.memory_space<hbm>>) target(%dma_start3A_225 : memref<128x32xf32, #tpu.memory_space<vmem>>) offsets(%dma_start3A_228 : memref<128xi32, #tpu.memory_space<vmem>>) semaphore(%arg21 : memref<!tpu.dma_semaphore, #tpu.memory_space<semaphore_mem>>)
      %dma_wait3A_236 = arith.constant 0 : i32
      %dma_wait3A_237 = arith.constant 0 : i32
      %dma_wait3A_238 = arith.constant 0 : i32
      %dma_wait3A_239 = tpu.memref_slice %arg15[%dma_wait3A_237, %dma_wait3A_238] : memref<256x32xf32, #tpu.memory_space<vmem>> -> memref<128x32xf32, #tpu.memory_space<vmem>>
      %dma_wait3A_240 = arith.constant 0 : i32
      %dma_wait3A_241 = tpu.memref_slice %arg7[%dma_wait3A_236, %dma_wait3A_240] : memref<2x128xi32, #tpu.memory_space<vmem>> -> memref<1x128xi32, #tpu.memory_space<vmem>>
      %dma_wait3A_242 = tpu.memref_squeeze %dma_wait3A_241 : memref<1x128xi32, #tpu.memory_space<vmem>> -> memref<128xi32, #tpu.memory_space<vmem>>
      %dma_wait3A_243 = arith.constant 0 : i32
      %dma_wait3A_244 = arith.constant 0 : i32
      %dma_wait3A_245 = tpu.memref_slice %arg4[%arg0, %dma_wait3A_243, %dma_wait3A_244] : memref<2x50048x32xf32, #tpu.memory_space<hbm>> -> memref<1x50048x32xf32, #tpu.memory_space<hbm>>
      %dma_wait3A_246 = tpu.memref_squeeze %dma_wait3A_245 : memref<1x50048x32xf32, #tpu.memory_space<hbm>> -> memref<50048x32xf32, #tpu.memory_space<hbm>>
      %dma_wait3A_247 = arith.constant 0 : i32
      %dma_wait3A_248 = arith.constant 0 : i32
      %dma_wait3A_249 = tpu.memref_slice %dma_wait3A_246[%dma_wait3A_247, %dma_wait3A_248] : memref<50048x32xf32, #tpu.memory_space<hbm>> -> memref<50048x32xf32, #tpu.memory_space<hbm>>
      tpu.wait_indirect_dma semaphore(%arg20 : memref<!tpu.dma_semaphore, #tpu.memory_space<semaphore_mem>>) src(%dma_wait3A_249 : memref<50048x32xf32, #tpu.memory_space<hbm>>) dst(%dma_wait3A_239 : memref<128x32xf32, #tpu.memory_space<vmem>>)
      %dma_wait3A_250 = arith.constant 1 : i32
      %dma_wait3A_251 = arith.constant 128 : i32
      %dma_wait3A_252 = arith.constant 0 : i32
      %dma_wait3A_253 = tpu.memref_slice %arg15[%dma_wait3A_251, %dma_wait3A_252] : memref<256x32xf32, #tpu.memory_space<vmem>> -> memref<128x32xf32, #tpu.memory_space<vmem>>
      %dma_wait3A_254 = arith.constant 0 : i32
      %dma_wait3A_255 = tpu.memref_slice %arg7[%dma_wait3A_250, %dma_wait3A_254] : memref<2x128xi32, #tpu.memory_space<vmem>> -> memref<1x128xi32, #tpu.memory_space<vmem>>
      %dma_wait3A_256 = tpu.memref_squeeze %dma_wait3A_255 : memref<1x128xi32, #tpu.memory_space<vmem>> -> memref<128xi32, #tpu.memory_space<vmem>>
      %dma_wait3A_257 = arith.constant 0 : i32
      %dma_wait3A_258 = arith.constant 0 : i32
      %dma_wait3A_259 = tpu.memref_slice %arg4[%arg0, %dma_wait3A_257, %dma_wait3A_258] : memref<2x50048x32xf32, #tpu.memory_space<hbm>> -> memref<1x50048x32xf32, #tpu.memory_space<hbm>>
      %dma_wait3A_260 = tpu.memref_squeeze %dma_wait3A_259 : memref<1x50048x32xf32, #tpu.memory_space<hbm>> -> memref<50048x32xf32, #tpu.memory_space<hbm>>
      %dma_wait3A_261 = arith.constant 0 : i32
      %dma_wait3A_262 = arith.constant 0 : i32
      %dma_wait3A_263 = tpu.memref_slice %dma_wait3A_260[%dma_wait3A_261, %dma_wait3A_262] : memref<50048x32xf32, #tpu.memory_space<hbm>> -> memref<50048x32xf32, #tpu.memory_space<hbm>>
      tpu.wait_indirect_dma semaphore(%arg20 : memref<!tpu.dma_semaphore, #tpu.memory_space<semaphore_mem>>) src(%dma_wait3A_263 : memref<50048x32xf32, #tpu.memory_space<hbm>>) dst(%dma_wait3A_253 : memref<128x32xf32, #tpu.memory_space<vmem>>)
      %dma_start3A_264 = arith.constant 0 : i32
      %dma_start3A_265 = arith.constant 0 : i32
      %dma_start3A_266 = arith.constant 0 : i32
      %dma_start3A_267 = tpu.memref_slice %arg15[%dma_start3A_265, %dma_start3A_266] : memref<256x32xf32, #tpu.memory_space<vmem>> -> memref<128x32xf32, #tpu.memory_space<vmem>>
      %dma_start3A_268 = arith.constant 0 : i32
      %dma_start3A_269 = tpu.memref_slice %arg8[%dma_start3A_264, %dma_start3A_268] : memref<2x128xi32, #tpu.memory_space<vmem>> -> memref<1x128xi32, #tpu.memory_space<vmem>>
      %dma_start3A_270 = tpu.memref_squeeze %dma_start3A_269 : memref<1x128xi32, #tpu.memory_space<vmem>> -> memref<128xi32, #tpu.memory_space<vmem>>
      %dma_start3A_271 = arith.constant 0 : i32
      %dma_start3A_272 = arith.constant 0 : i32
      %dma_start3A_273 = tpu.memref_slice %arg6[%dma_start3A_271, %dma_start3A_272] : memref<50048x32xf32, #tpu.memory_space<vmem_shared>> -> memref<50048x32xf32, #tpu.memory_space<vmem_shared>>
      tpu.enqueue_indirect_dma source(%dma_start3A_267 : memref<128x32xf32, #tpu.memory_space<vmem>>) target(%dma_start3A_273 : memref<50048x32xf32, #tpu.memory_space<vmem_shared>>) offsets(%dma_start3A_270 : memref<128xi32, #tpu.memory_space<vmem>>) semaphore(%arg22 : memref<!tpu.dma_semaphore, #tpu.memory_space<semaphore_mem>>) {add = true}
      %dma_start3A_274 = arith.constant 1 : i32
      %dma_start3A_275 = arith.constant 128 : i32
      %dma_start3A_276 = arith.constant 0 : i32
      %dma_start3A_277 = tpu.memref_slice %arg15[%dma_start3A_275, %dma_start3A_276] : memref<256x32xf32, #tpu.memory_space<vmem>> -> memref<128x32xf32, #tpu.memory_space<vmem>>
      %dma_start3A_278 = arith.constant 0 : i32
      %dma_start3A_279 = tpu.memref_slice %arg8[%dma_start3A_274, %dma_start3A_278] : memref<2x128xi32, #tpu.memory_space<vmem>> -> memref<1x128xi32, #tpu.memory_space<vmem>>
      %dma_start3A_280 = tpu.memref_squeeze %dma_start3A_279 : memref<1x128xi32, #tpu.memory_space<vmem>> -> memref<128xi32, #tpu.memory_space<vmem>>
      %dma_start3A_281 = arith.constant 0 : i32
      %dma_start3A_282 = arith.constant 0 : i32
      %dma_start3A_283 = tpu.memref_slice %arg6[%dma_start3A_281, %dma_start3A_282] : memref<50048x32xf32, #tpu.memory_space<vmem_shared>> -> memref<50048x32xf32, #tpu.memory_space<vmem_shared>>
      tpu.enqueue_indirect_dma source(%dma_start3A_277 : memref<128x32xf32, #tpu.memory_space<vmem>>) target(%dma_start3A_283 : memref<50048x32xf32, #tpu.memory_space<vmem_shared>>) offsets(%dma_start3A_280 : memref<128xi32, #tpu.memory_space<vmem>>) semaphore(%arg22 : memref<!tpu.dma_semaphore, #tpu.memory_space<semaphore_mem>>) {add = true}
      %mul3A_284 = arith.constant 2 : i32
      %mul3A_285 = arith.muli %mul3A_284, %add3A_132 : i32
      %add3A_286 = arith.constant 1 : i32
      %add3A_287 = arith.addi %mul3A_285, %add3A_286 : i32
      %gt3A_288 = arith.constant 0 : i32
      %gt3A_289 = arith.cmpi sgt, %add3A_287, %gt3A_288 : i32
      %convert_element_type3A_290 = arith.extui %gt3A_289 : i1 to i32
      %cond3A_291 = arith.constant 0 : i32
      %cond3A_292 = arith.cmpi ne, %convert_element_type3A_290, %cond3A_291 : i32
      scf.if %cond3A_292 {
        %dma_wait3A_441 = arith.constant 0 : i32
        %dma_wait3A_442 = arith.constant 0 : i32
        %dma_wait3A_443 = arith.constant 0 : i32
        %dma_wait3A_444 = tpu.memref_slice %arg15[%dma_wait3A_442, %dma_wait3A_443] : memref<256x32xf32, #tpu.memory_space<vmem>> -> memref<128x32xf32, #tpu.memory_space<vmem>>
        %dma_wait3A_445 = arith.constant 0 : i32
        %dma_wait3A_446 = tpu.memref_slice %arg8[%dma_wait3A_441, %dma_wait3A_445] : memref<2x128xi32, #tpu.memory_space<vmem>> -> memref<1x128xi32, #tpu.memory_space<vmem>>
        %dma_wait3A_447 = tpu.memref_squeeze %dma_wait3A_446 : memref<1x128xi32, #tpu.memory_space<vmem>> -> memref<128xi32, #tpu.memory_space<vmem>>
        %dma_wait3A_448 = arith.constant 0 : i32
        %dma_wait3A_449 = arith.constant 0 : i32
        %dma_wait3A_450 = tpu.memref_slice %arg6[%dma_wait3A_448, %dma_wait3A_449] : memref<50048x32xf32, #tpu.memory_space<vmem_shared>> -> memref<50048x32xf32, #tpu.memory_space<vmem_shared>>
        tpu.wait_indirect_dma semaphore(%arg22 : memref<!tpu.dma_semaphore, #tpu.memory_space<semaphore_mem>>) src(%dma_wait3A_444 : memref<128x32xf32, #tpu.memory_space<vmem>>) dst(%dma_wait3A_450 : memref<50048x32xf32, #tpu.memory_space<vmem_shared>>)
        %dma_wait3A_451 = arith.constant 1 : i32
        %dma_wait3A_452 = arith.constant 128 : i32
        %dma_wait3A_453 = arith.constant 0 : i32
        %dma_wait3A_454 = tpu.memref_slice %arg15[%dma_wait3A_452, %dma_wait3A_453] : memref<256x32xf32, #tpu.memory_space<vmem>> -> memref<128x32xf32, #tpu.memory_space<vmem>>
        %dma_wait3A_455 = arith.constant 0 : i32
        %dma_wait3A_456 = tpu.memref_slice %arg8[%dma_wait3A_451, %dma_wait3A_455] : memref<2x128xi32, #tpu.memory_space<vmem>> -> memref<1x128xi32, #tpu.memory_space<vmem>>
        %dma_wait3A_457 = tpu.memref_squeeze %dma_wait3A_456 : memref<1x128xi32, #tpu.memory_space<vmem>> -> memref<128xi32, #tpu.memory_space<vmem>>
        %dma_wait3A_458 = arith.constant 0 : i32
        %dma_wait3A_459 = arith.constant 0 : i32
        %dma_wait3A_460 = tpu.memref_slice %arg6[%dma_wait3A_458, %dma_wait3A_459] : memref<50048x32xf32, #tpu.memory_space<vmem_shared>> -> memref<50048x32xf32, #tpu.memory_space<vmem_shared>>
        tpu.wait_indirect_dma semaphore(%arg22 : memref<!tpu.dma_semaphore, #tpu.memory_space<semaphore_mem>>) src(%dma_wait3A_454 : memref<128x32xf32, #tpu.memory_space<vmem>>) dst(%dma_wait3A_460 : memref<50048x32xf32, #tpu.memory_space<vmem_shared>>)
      } else {
      }
      %lt3A_293 = arith.constant 97 : i32
      %lt3A_294 = arith.cmpi slt, %add3A_287, %lt3A_293 : i32
      %convert_element_type3A_295 = arith.extui %lt3A_294 : i1 to i32
      %cond3A_296 = arith.constant 0 : i32
      %cond3A_297 = arith.cmpi ne, %convert_element_type3A_295, %cond3A_296 : i32
      scf.if %cond3A_297 {
        %mul3A_441 = arith.constant 2 : i32
        %mul3A_442 = arith.muli %mul3A_441, %add3A_287 : i32
        %add3A_443 = arith.constant 2 : i32
        %add3A_444 = arith.addi %mul3A_442, %add3A_443 : i32
        %mul3A_445 = arith.constant 392 : i32
        %mul3A_446 = arith.muli %arg1, %mul3A_445 : i32
        %mul3A_447 = arith.constant 2 : i32
        %mul3A_448 = arith.muli %add3A_444, %mul3A_447 : i32
        %add3A_449 = arith.addi %mul3A_446, %mul3A_448 : i32
        %dma_start3A_450 = arith.constant 0 : i32
        %dma_start3A_451 = tpu.memref_slice %arg2[%add3A_449, %dma_start3A_450] : memref<6272x128xi32, #tpu.memory_space<hbm>> -> memref<2x128xi32, #tpu.memory_space<hbm>>
        %dma_start3A_452 = arith.constant 0 : i32
        %dma_start3A_453 = tpu.memref_slice %arg2[%add3A_449, %dma_start3A_452] : memref<6272x128xi32, #tpu.memory_space<hbm>> -> memref<2x128xi32, #tpu.memory_space<hbm>>
        tpu.enqueue_dma source(%dma_start3A_453 : memref<2x128xi32, #tpu.memory_space<hbm>>) target(%arg7 : memref<2x128xi32, #tpu.memory_space<vmem>>) target_semaphore(%arg18 : memref<!tpu.dma_semaphore, #tpu.memory_space<semaphore_mem>>)
        %dma_start3A_454 = arith.constant 0 : i32
        %dma_start3A_455 = tpu.memref_slice %arg3[%add3A_449, %dma_start3A_454] : memref<6272x128xi32, #tpu.memory_space<hbm>> -> memref<2x128xi32, #tpu.memory_space<hbm>>
        %dma_start3A_456 = arith.constant 0 : i32
        %dma_start3A_457 = tpu.memref_slice %arg3[%add3A_449, %dma_start3A_456] : memref<6272x128xi32, #tpu.memory_space<hbm>> -> memref<2x128xi32, #tpu.memory_space<hbm>>
        tpu.enqueue_dma source(%dma_start3A_457 : memref<2x128xi32, #tpu.memory_space<hbm>>) target(%arg8 : memref<2x128xi32, #tpu.memory_space<vmem>>) target_semaphore(%arg18 : memref<!tpu.dma_semaphore, #tpu.memory_space<semaphore_mem>>)
      } else {
      }
      %gt3A_298 = arith.constant 0 : i32
      %gt3A_299 = arith.cmpi sgt, %add3A_287, %gt3A_298 : i32
      %convert_element_type3A_300 = arith.extui %gt3A_299 : i1 to i32
      %cond3A_301 = arith.constant 0 : i32
      %cond3A_302 = arith.cmpi ne, %convert_element_type3A_300, %cond3A_301 : i32
      scf.if %cond3A_302 {
        %dma_wait3A_441 = arith.constant 0 : i32
        %dma_wait3A_442 = arith.constant 0 : i32
        %dma_wait3A_443 = arith.constant 0 : i32
        %dma_wait3A_444 = tpu.memref_slice %arg16[%dma_wait3A_442, %dma_wait3A_443] : memref<256x32xf32, #tpu.memory_space<vmem>> -> memref<128x32xf32, #tpu.memory_space<vmem>>
        %dma_wait3A_445 = arith.constant 0 : i32
        %dma_wait3A_446 = tpu.memref_slice %arg11[%dma_wait3A_441, %dma_wait3A_445] : memref<2x128xi32, #tpu.memory_space<vmem>> -> memref<1x128xi32, #tpu.memory_space<vmem>>
        %dma_wait3A_447 = tpu.memref_squeeze %dma_wait3A_446 : memref<1x128xi32, #tpu.memory_space<vmem>> -> memref<128xi32, #tpu.memory_space<vmem>>
        %dma_wait3A_448 = arith.constant 0 : i32
        %dma_wait3A_449 = arith.constant 0 : i32
        %dma_wait3A_450 = tpu.memref_slice %arg4[%arg0, %dma_wait3A_448, %dma_wait3A_449] : memref<2x50048x32xf32, #tpu.memory_space<hbm>> -> memref<1x50048x32xf32, #tpu.memory_space<hbm>>
        %dma_wait3A_451 = tpu.memref_squeeze %dma_wait3A_450 : memref<1x50048x32xf32, #tpu.memory_space<hbm>> -> memref<50048x32xf32, #tpu.memory_space<hbm>>
        %dma_wait3A_452 = arith.constant 0 : i32
        %dma_wait3A_453 = arith.constant 0 : i32
        %dma_wait3A_454 = tpu.memref_slice %dma_wait3A_451[%dma_wait3A_452, %dma_wait3A_453] : memref<50048x32xf32, #tpu.memory_space<hbm>> -> memref<50048x32xf32, #tpu.memory_space<hbm>>
        tpu.wait_indirect_dma semaphore(%arg21 : memref<!tpu.dma_semaphore, #tpu.memory_space<semaphore_mem>>) src(%dma_wait3A_454 : memref<50048x32xf32, #tpu.memory_space<hbm>>) dst(%dma_wait3A_444 : memref<128x32xf32, #tpu.memory_space<vmem>>)
        %dma_wait3A_455 = arith.constant 1 : i32
        %dma_wait3A_456 = arith.constant 128 : i32
        %dma_wait3A_457 = arith.constant 0 : i32
        %dma_wait3A_458 = tpu.memref_slice %arg16[%dma_wait3A_456, %dma_wait3A_457] : memref<256x32xf32, #tpu.memory_space<vmem>> -> memref<128x32xf32, #tpu.memory_space<vmem>>
        %dma_wait3A_459 = arith.constant 0 : i32
        %dma_wait3A_460 = tpu.memref_slice %arg11[%dma_wait3A_455, %dma_wait3A_459] : memref<2x128xi32, #tpu.memory_space<vmem>> -> memref<1x128xi32, #tpu.memory_space<vmem>>
        %dma_wait3A_461 = tpu.memref_squeeze %dma_wait3A_460 : memref<1x128xi32, #tpu.memory_space<vmem>> -> memref<128xi32, #tpu.memory_space<vmem>>
        %dma_wait3A_462 = arith.constant 0 : i32
        %dma_wait3A_463 = arith.constant 0 : i32
        %dma_wait3A_464 = tpu.memref_slice %arg4[%arg0, %dma_wait3A_462, %dma_wait3A_463] : memref<2x50048x32xf32, #tpu.memory_space<hbm>> -> memref<1x50048x32xf32, #tpu.memory_space<hbm>>
        %dma_wait3A_465 = tpu.memref_squeeze %dma_wait3A_464 : memref<1x50048x32xf32, #tpu.memory_space<hbm>> -> memref<50048x32xf32, #tpu.memory_space<hbm>>
        %dma_wait3A_466 = arith.constant 0 : i32
        %dma_wait3A_467 = arith.constant 0 : i32
        %dma_wait3A_468 = tpu.memref_slice %dma_wait3A_465[%dma_wait3A_466, %dma_wait3A_467] : memref<50048x32xf32, #tpu.memory_space<hbm>> -> memref<50048x32xf32, #tpu.memory_space<hbm>>
        tpu.wait_indirect_dma semaphore(%arg21 : memref<!tpu.dma_semaphore, #tpu.memory_space<semaphore_mem>>) src(%dma_wait3A_468 : memref<50048x32xf32, #tpu.memory_space<hbm>>) dst(%dma_wait3A_458 : memref<128x32xf32, #tpu.memory_space<vmem>>)
        %dma_start3A_469 = arith.constant 0 : i32
        %dma_start3A_470 = arith.constant 0 : i32
        %dma_start3A_471 = arith.constant 0 : i32
        %dma_start3A_472 = tpu.memref_slice %arg16[%dma_start3A_470, %dma_start3A_471] : memref<256x32xf32, #tpu.memory_space<vmem>> -> memref<128x32xf32, #tpu.memory_space<vmem>>
        %dma_start3A_473 = arith.constant 0 : i32
        %dma_start3A_474 = tpu.memref_slice %arg12[%dma_start3A_469, %dma_start3A_473] : memref<2x128xi32, #tpu.memory_space<vmem>> -> memref<1x128xi32, #tpu.memory_space<vmem>>
        %dma_start3A_475 = tpu.memref_squeeze %dma_start3A_474 : memref<1x128xi32, #tpu.memory_space<vmem>> -> memref<128xi32, #tpu.memory_space<vmem>>
        %dma_start3A_476 = arith.constant 0 : i32
        %dma_start3A_477 = arith.constant 0 : i32
        %dma_start3A_478 = tpu.memref_slice %arg6[%dma_start3A_476, %dma_start3A_477] : memref<50048x32xf32, #tpu.memory_space<vmem_shared>> -> memref<50048x32xf32, #tpu.memory_space<vmem_shared>>
        tpu.enqueue_indirect_dma source(%dma_start3A_472 : memref<128x32xf32, #tpu.memory_space<vmem>>) target(%dma_start3A_478 : memref<50048x32xf32, #tpu.memory_space<vmem_shared>>) offsets(%dma_start3A_475 : memref<128xi32, #tpu.memory_space<vmem>>) semaphore(%arg23 : memref<!tpu.dma_semaphore, #tpu.memory_space<semaphore_mem>>) {add = true}
        %dma_start3A_479 = arith.constant 1 : i32
        %dma_start3A_480 = arith.constant 128 : i32
        %dma_start3A_481 = arith.constant 0 : i32
        %dma_start3A_482 = tpu.memref_slice %arg16[%dma_start3A_480, %dma_start3A_481] : memref<256x32xf32, #tpu.memory_space<vmem>> -> memref<128x32xf32, #tpu.memory_space<vmem>>
        %dma_start3A_483 = arith.constant 0 : i32
        %dma_start3A_484 = tpu.memref_slice %arg12[%dma_start3A_479, %dma_start3A_483] : memref<2x128xi32, #tpu.memory_space<vmem>> -> memref<1x128xi32, #tpu.memory_space<vmem>>
        %dma_start3A_485 = tpu.memref_squeeze %dma_start3A_484 : memref<1x128xi32, #tpu.memory_space<vmem>> -> memref<128xi32, #tpu.memory_space<vmem>>
        %dma_start3A_486 = arith.constant 0 : i32
        %dma_start3A_487 = arith.constant 0 : i32
        %dma_start3A_488 = tpu.memref_slice %arg6[%dma_start3A_486, %dma_start3A_487] : memref<50048x32xf32, #tpu.memory_space<vmem_shared>> -> memref<50048x32xf32, #tpu.memory_space<vmem_shared>>
        tpu.enqueue_indirect_dma source(%dma_start3A_482 : memref<128x32xf32, #tpu.memory_space<vmem>>) target(%dma_start3A_488 : memref<50048x32xf32, #tpu.memory_space<vmem_shared>>) offsets(%dma_start3A_485 : memref<128xi32, #tpu.memory_space<vmem>>) semaphore(%arg23 : memref<!tpu.dma_semaphore, #tpu.memory_space<semaphore_mem>>) {add = true}
      } else {
      }
      %dma_wait3A_303 = arith.constant 0 : i32
      %dma_wait3A_304 = arith.constant 0 : i32
      %dma_wait3A_305 = tpu.memref_slice %arg2[%dma_wait3A_303, %dma_wait3A_304] : memref<6272x128xi32, #tpu.memory_space<hbm>> -> memref<2x128xi32, #tpu.memory_space<hbm>>
      %dma_wait3A_306 = arith.constant 0 : i32
      %dma_wait3A_307 = arith.constant 0 : i32
      %dma_wait3A_308 = tpu.memref_slice %arg2[%dma_wait3A_306, %dma_wait3A_307] : memref<6272x128xi32, #tpu.memory_space<hbm>> -> memref<2x128xi32, #tpu.memory_space<hbm>>
      tpu.wait_dma2 semaphore(%arg18 : memref<!tpu.dma_semaphore, #tpu.memory_space<semaphore_mem>>) src(%dma_wait3A_308 : memref<2x128xi32, #tpu.memory_space<hbm>>) dst(%arg9 : memref<2x128xi32, #tpu.memory_space<vmem>>)
      %dma_wait3A_309 = arith.constant 0 : i32
      %dma_wait3A_310 = arith.constant 0 : i32
      %dma_wait3A_311 = tpu.memref_slice %arg3[%dma_wait3A_309, %dma_wait3A_310] : memref<6272x128xi32, #tpu.memory_space<hbm>> -> memref<2x128xi32, #tpu.memory_space<hbm>>
      %dma_wait3A_312 = arith.constant 0 : i32
      %dma_wait3A_313 = arith.constant 0 : i32
      %dma_wait3A_314 = tpu.memref_slice %arg3[%dma_wait3A_312, %dma_wait3A_313] : memref<6272x128xi32, #tpu.memory_space<hbm>> -> memref<2x128xi32, #tpu.memory_space<hbm>>
      tpu.wait_dma2 semaphore(%arg18 : memref<!tpu.dma_semaphore, #tpu.memory_space<semaphore_mem>>) src(%dma_wait3A_314 : memref<2x128xi32, #tpu.memory_space<hbm>>) dst(%arg10 : memref<2x128xi32, #tpu.memory_space<vmem>>)
      %dma_start3A_315 = arith.constant 0 : i32
      %dma_start3A_316 = arith.constant 0 : i32
      %dma_start3A_317 = arith.constant 0 : i32
      %dma_start3A_318 = tpu.memref_slice %arg15[%dma_start3A_316, %dma_start3A_317] : memref<256x32xf32, #tpu.memory_space<vmem>> -> memref<128x32xf32, #tpu.memory_space<vmem>>
      %dma_start3A_319 = arith.constant 0 : i32
      %dma_start3A_320 = tpu.memref_slice %arg9[%dma_start3A_315, %dma_start3A_319] : memref<2x128xi32, #tpu.memory_space<vmem>> -> memref<1x128xi32, #tpu.memory_space<vmem>>
      %dma_start3A_321 = tpu.memref_squeeze %dma_start3A_320 : memref<1x128xi32, #tpu.memory_space<vmem>> -> memref<128xi32, #tpu.memory_space<vmem>>
      %dma_start3A_322 = arith.constant 0 : i32
      %dma_start3A_323 = arith.constant 0 : i32
      %dma_start3A_324 = tpu.memref_slice %arg4[%arg0, %dma_start3A_322, %dma_start3A_323] : memref<2x50048x32xf32, #tpu.memory_space<hbm>> -> memref<1x50048x32xf32, #tpu.memory_space<hbm>>
      %dma_start3A_325 = tpu.memref_squeeze %dma_start3A_324 : memref<1x50048x32xf32, #tpu.memory_space<hbm>> -> memref<50048x32xf32, #tpu.memory_space<hbm>>
      %dma_start3A_326 = arith.constant 0 : i32
      %dma_start3A_327 = arith.constant 0 : i32
      %dma_start3A_328 = tpu.memref_slice %dma_start3A_325[%dma_start3A_326, %dma_start3A_327] : memref<50048x32xf32, #tpu.memory_space<hbm>> -> memref<50048x32xf32, #tpu.memory_space<hbm>>
      tpu.enqueue_indirect_dma source(%dma_start3A_328 : memref<50048x32xf32, #tpu.memory_space<hbm>>) target(%dma_start3A_318 : memref<128x32xf32, #tpu.memory_space<vmem>>) offsets(%dma_start3A_321 : memref<128xi32, #tpu.memory_space<vmem>>) semaphore(%arg20 : memref<!tpu.dma_semaphore, #tpu.memory_space<semaphore_mem>>)
      %dma_start3A_329 = arith.constant 1 : i32
      %dma_start3A_330 = arith.constant 128 : i32
      %dma_start3A_331 = arith.constant 0 : i32
      %dma_start3A_332 = tpu.memref_slice %arg15[%dma_start3A_330, %dma_start3A_331] : memref<256x32xf32, #tpu.memory_space<vmem>> -> memref<128x32xf32, #tpu.memory_space<vmem>>
      %dma_start3A_333 = arith.constant 0 : i32
      %dma_start3A_334 = tpu.memref_slice %arg9[%dma_start3A_329, %dma_start3A_333] : memref<2x128xi32, #tpu.memory_space<vmem>> -> memref<1x128xi32, #tpu.memory_space<vmem>>
      %dma_start3A_335 = tpu.memref_squeeze %dma_start3A_334 : memref<1x128xi32, #tpu.memory_space<vmem>> -> memref<128xi32, #tpu.memory_space<vmem>>
      %dma_start3A_336 = arith.constant 0 : i32
      %dma_start3A_337 = arith.constant 0 : i32
      %dma_start3A_338 = tpu.memref_slice %arg4[%arg0, %dma_start3A_336, %dma_start3A_337] : memref<2x50048x32xf32, #tpu.memory_space<hbm>> -> memref<1x50048x32xf32, #tpu.memory_space<hbm>>
      %dma_start3A_339 = tpu.memref_squeeze %dma_start3A_338 : memref<1x50048x32xf32, #tpu.memory_space<hbm>> -> memref<50048x32xf32, #tpu.memory_space<hbm>>
      %dma_start3A_340 = arith.constant 0 : i32
      %dma_start3A_341 = arith.constant 0 : i32
      %dma_start3A_342 = tpu.memref_slice %dma_start3A_339[%dma_start3A_340, %dma_start3A_341] : memref<50048x32xf32, #tpu.memory_space<hbm>> -> memref<50048x32xf32, #tpu.memory_space<hbm>>
      tpu.enqueue_indirect_dma source(%dma_start3A_342 : memref<50048x32xf32, #tpu.memory_space<hbm>>) target(%dma_start3A_332 : memref<128x32xf32, #tpu.memory_space<vmem>>) offsets(%dma_start3A_335 : memref<128xi32, #tpu.memory_space<vmem>>) semaphore(%arg20 : memref<!tpu.dma_semaphore, #tpu.memory_space<semaphore_mem>>)
      %gt3A_343 = arith.constant 0 : i32
      %gt3A_344 = arith.cmpi sgt, %add3A_287, %gt3A_343 : i32
      %convert_element_type3A_345 = arith.extui %gt3A_344 : i1 to i32
      %cond3A_346 = arith.constant 0 : i32
      %cond3A_347 = arith.cmpi ne, %convert_element_type3A_345, %cond3A_346 : i32
      scf.if %cond3A_347 {
        %dma_wait3A_441 = arith.constant 0 : i32
        %dma_wait3A_442 = arith.constant 0 : i32
        %dma_wait3A_443 = arith.constant 0 : i32
        %dma_wait3A_444 = tpu.memref_slice %arg16[%dma_wait3A_442, %dma_wait3A_443] : memref<256x32xf32, #tpu.memory_space<vmem>> -> memref<128x32xf32, #tpu.memory_space<vmem>>
        %dma_wait3A_445 = arith.constant 0 : i32
        %dma_wait3A_446 = tpu.memref_slice %arg12[%dma_wait3A_441, %dma_wait3A_445] : memref<2x128xi32, #tpu.memory_space<vmem>> -> memref<1x128xi32, #tpu.memory_space<vmem>>
        %dma_wait3A_447 = tpu.memref_squeeze %dma_wait3A_446 : memref<1x128xi32, #tpu.memory_space<vmem>> -> memref<128xi32, #tpu.memory_space<vmem>>
        %dma_wait3A_448 = arith.constant 0 : i32
        %dma_wait3A_449 = arith.constant 0 : i32
        %dma_wait3A_450 = tpu.memref_slice %arg6[%dma_wait3A_448, %dma_wait3A_449] : memref<50048x32xf32, #tpu.memory_space<vmem_shared>> -> memref<50048x32xf32, #tpu.memory_space<vmem_shared>>
        tpu.wait_indirect_dma semaphore(%arg23 : memref<!tpu.dma_semaphore, #tpu.memory_space<semaphore_mem>>) src(%dma_wait3A_444 : memref<128x32xf32, #tpu.memory_space<vmem>>) dst(%dma_wait3A_450 : memref<50048x32xf32, #tpu.memory_space<vmem_shared>>)
        %dma_wait3A_451 = arith.constant 1 : i32
        %dma_wait3A_452 = arith.constant 128 : i32
        %dma_wait3A_453 = arith.constant 0 : i32
        %dma_wait3A_454 = tpu.memref_slice %arg16[%dma_wait3A_452, %dma_wait3A_453] : memref<256x32xf32, #tpu.memory_space<vmem>> -> memref<128x32xf32, #tpu.memory_space<vmem>>
        %dma_wait3A_455 = arith.constant 0 : i32
        %dma_wait3A_456 = tpu.memref_slice %arg12[%dma_wait3A_451, %dma_wait3A_455] : memref<2x128xi32, #tpu.memory_space<vmem>> -> memref<1x128xi32, #tpu.memory_space<vmem>>
        %dma_wait3A_457 = tpu.memref_squeeze %dma_wait3A_456 : memref<1x128xi32, #tpu.memory_space<vmem>> -> memref<128xi32, #tpu.memory_space<vmem>>
        %dma_wait3A_458 = arith.constant 0 : i32
        %dma_wait3A_459 = arith.constant 0 : i32
        %dma_wait3A_460 = tpu.memref_slice %arg6[%dma_wait3A_458, %dma_wait3A_459] : memref<50048x32xf32, #tpu.memory_space<vmem_shared>> -> memref<50048x32xf32, #tpu.memory_space<vmem_shared>>
        tpu.wait_indirect_dma semaphore(%arg23 : memref<!tpu.dma_semaphore, #tpu.memory_space<semaphore_mem>>) src(%dma_wait3A_454 : memref<128x32xf32, #tpu.memory_space<vmem>>) dst(%dma_wait3A_460 : memref<50048x32xf32, #tpu.memory_space<vmem_shared>>)
      } else {
      }
      %lt3A_348 = arith.constant 97 : i32
      %lt3A_349 = arith.cmpi slt, %add3A_287, %lt3A_348 : i32
      %convert_element_type3A_350 = arith.extui %lt3A_349 : i1 to i32
      %cond3A_351 = arith.constant 0 : i32
      %cond3A_352 = arith.cmpi ne, %convert_element_type3A_350, %cond3A_351 : i32
      scf.if %cond3A_352 {
        %mul3A_441 = arith.constant 2 : i32
        %mul3A_442 = arith.muli %mul3A_441, %add3A_287 : i32
        %add3A_443 = arith.constant 3 : i32
        %add3A_444 = arith.addi %mul3A_442, %add3A_443 : i32
        %mul3A_445 = arith.constant 392 : i32
        %mul3A_446 = arith.muli %arg1, %mul3A_445 : i32
        %mul3A_447 = arith.constant 2 : i32
        %mul3A_448 = arith.muli %add3A_444, %mul3A_447 : i32
        %add3A_449 = arith.addi %mul3A_446, %mul3A_448 : i32
        %dma_start3A_450 = arith.constant 0 : i32
        %dma_start3A_451 = tpu.memref_slice %arg2[%add3A_449, %dma_start3A_450] : memref<6272x128xi32, #tpu.memory_space<hbm>> -> memref<2x128xi32, #tpu.memory_space<hbm>>
        %dma_start3A_452 = arith.constant 0 : i32
        %dma_start3A_453 = tpu.memref_slice %arg2[%add3A_449, %dma_start3A_452] : memref<6272x128xi32, #tpu.memory_space<hbm>> -> memref<2x128xi32, #tpu.memory_space<hbm>>
        tpu.enqueue_dma source(%dma_start3A_453 : memref<2x128xi32, #tpu.memory_space<hbm>>) target(%arg11 : memref<2x128xi32, #tpu.memory_space<vmem>>) target_semaphore(%arg19 : memref<!tpu.dma_semaphore, #tpu.memory_space<semaphore_mem>>)
        %dma_start3A_454 = arith.constant 0 : i32
        %dma_start3A_455 = tpu.memref_slice %arg3[%add3A_449, %dma_start3A_454] : memref<6272x128xi32, #tpu.memory_space<hbm>> -> memref<2x128xi32, #tpu.memory_space<hbm>>
        %dma_start3A_456 = arith.constant 0 : i32
        %dma_start3A_457 = tpu.memref_slice %arg3[%add3A_449, %dma_start3A_456] : memref<6272x128xi32, #tpu.memory_space<hbm>> -> memref<2x128xi32, #tpu.memory_space<hbm>>
        tpu.enqueue_dma source(%dma_start3A_457 : memref<2x128xi32, #tpu.memory_space<hbm>>) target(%arg12 : memref<2x128xi32, #tpu.memory_space<vmem>>) target_semaphore(%arg19 : memref<!tpu.dma_semaphore, #tpu.memory_space<semaphore_mem>>)
      } else {
      }
      %dma_wait3A_353 = arith.constant 0 : i32
      %dma_wait3A_354 = arith.constant 0 : i32
      %dma_wait3A_355 = tpu.memref_slice %arg2[%dma_wait3A_353, %dma_wait3A_354] : memref<6272x128xi32, #tpu.memory_space<hbm>> -> memref<2x128xi32, #tpu.memory_space<hbm>>
      %dma_wait3A_356 = arith.constant 0 : i32
      %dma_wait3A_357 = arith.constant 0 : i32
      %dma_wait3A_358 = tpu.memref_slice %arg2[%dma_wait3A_356, %dma_wait3A_357] : memref<6272x128xi32, #tpu.memory_space<hbm>> -> memref<2x128xi32, #tpu.memory_space<hbm>>
      tpu.wait_dma2 semaphore(%arg19 : memref<!tpu.dma_semaphore, #tpu.memory_space<semaphore_mem>>) src(%dma_wait3A_358 : memref<2x128xi32, #tpu.memory_space<hbm>>) dst(%arg13 : memref<2x128xi32, #tpu.memory_space<vmem>>)
      %dma_wait3A_359 = arith.constant 0 : i32
      %dma_wait3A_360 = arith.constant 0 : i32
      %dma_wait3A_361 = tpu.memref_slice %arg3[%dma_wait3A_359, %dma_wait3A_360] : memref<6272x128xi32, #tpu.memory_space<hbm>> -> memref<2x128xi32, #tpu.memory_space<hbm>>
      %dma_wait3A_362 = arith.constant 0 : i32
      %dma_wait3A_363 = arith.constant 0 : i32
      %dma_wait3A_364 = tpu.memref_slice %arg3[%dma_wait3A_362, %dma_wait3A_363] : memref<6272x128xi32, #tpu.memory_space<hbm>> -> memref<2x128xi32, #tpu.memory_space<hbm>>
      tpu.wait_dma2 semaphore(%arg19 : memref<!tpu.dma_semaphore, #tpu.memory_space<semaphore_mem>>) src(%dma_wait3A_364 : memref<2x128xi32, #tpu.memory_space<hbm>>) dst(%arg14 : memref<2x128xi32, #tpu.memory_space<vmem>>)
      %dma_start3A_365 = arith.constant 0 : i32
      %dma_start3A_366 = arith.constant 0 : i32
      %dma_start3A_367 = arith.constant 0 : i32
      %dma_start3A_368 = tpu.memref_slice %arg16[%dma_start3A_366, %dma_start3A_367] : memref<256x32xf32, #tpu.memory_space<vmem>> -> memref<128x32xf32, #tpu.memory_space<vmem>>
      %dma_start3A_369 = arith.constant 0 : i32
      %dma_start3A_370 = tpu.memref_slice %arg13[%dma_start3A_365, %dma_start3A_369] : memref<2x128xi32, #tpu.memory_space<vmem>> -> memref<1x128xi32, #tpu.memory_space<vmem>>
      %dma_start3A_371 = tpu.memref_squeeze %dma_start3A_370 : memref<1x128xi32, #tpu.memory_space<vmem>> -> memref<128xi32, #tpu.memory_space<vmem>>
      %dma_start3A_372 = arith.constant 0 : i32
      %dma_start3A_373 = arith.constant 0 : i32
      %dma_start3A_374 = tpu.memref_slice %arg4[%arg0, %dma_start3A_372, %dma_start3A_373] : memref<2x50048x32xf32, #tpu.memory_space<hbm>> -> memref<1x50048x32xf32, #tpu.memory_space<hbm>>
      %dma_start3A_375 = tpu.memref_squeeze %dma_start3A_374 : memref<1x50048x32xf32, #tpu.memory_space<hbm>> -> memref<50048x32xf32, #tpu.memory_space<hbm>>
      %dma_start3A_376 = arith.constant 0 : i32
      %dma_start3A_377 = arith.constant 0 : i32
      %dma_start3A_378 = tpu.memref_slice %dma_start3A_375[%dma_start3A_376, %dma_start3A_377] : memref<50048x32xf32, #tpu.memory_space<hbm>> -> memref<50048x32xf32, #tpu.memory_space<hbm>>
      tpu.enqueue_indirect_dma source(%dma_start3A_378 : memref<50048x32xf32, #tpu.memory_space<hbm>>) target(%dma_start3A_368 : memref<128x32xf32, #tpu.memory_space<vmem>>) offsets(%dma_start3A_371 : memref<128xi32, #tpu.memory_space<vmem>>) semaphore(%arg21 : memref<!tpu.dma_semaphore, #tpu.memory_space<semaphore_mem>>)
      %dma_start3A_379 = arith.constant 1 : i32
      %dma_start3A_380 = arith.constant 128 : i32
      %dma_start3A_381 = arith.constant 0 : i32
      %dma_start3A_382 = tpu.memref_slice %arg16[%dma_start3A_380, %dma_start3A_381] : memref<256x32xf32, #tpu.memory_space<vmem>> -> memref<128x32xf32, #tpu.memory_space<vmem>>
      %dma_start3A_383 = arith.constant 0 : i32
      %dma_start3A_384 = tpu.memref_slice %arg13[%dma_start3A_379, %dma_start3A_383] : memref<2x128xi32, #tpu.memory_space<vmem>> -> memref<1x128xi32, #tpu.memory_space<vmem>>
      %dma_start3A_385 = tpu.memref_squeeze %dma_start3A_384 : memref<1x128xi32, #tpu.memory_space<vmem>> -> memref<128xi32, #tpu.memory_space<vmem>>
      %dma_start3A_386 = arith.constant 0 : i32
      %dma_start3A_387 = arith.constant 0 : i32
      %dma_start3A_388 = tpu.memref_slice %arg4[%arg0, %dma_start3A_386, %dma_start3A_387] : memref<2x50048x32xf32, #tpu.memory_space<hbm>> -> memref<1x50048x32xf32, #tpu.memory_space<hbm>>
      %dma_start3A_389 = tpu.memref_squeeze %dma_start3A_388 : memref<1x50048x32xf32, #tpu.memory_space<hbm>> -> memref<50048x32xf32, #tpu.memory_space<hbm>>
      %dma_start3A_390 = arith.constant 0 : i32
      %dma_start3A_391 = arith.constant 0 : i32
      %dma_start3A_392 = tpu.memref_slice %dma_start3A_389[%dma_start3A_390, %dma_start3A_391] : memref<50048x32xf32, #tpu.memory_space<hbm>> -> memref<50048x32xf32, #tpu.memory_space<hbm>>
      tpu.enqueue_indirect_dma source(%dma_start3A_392 : memref<50048x32xf32, #tpu.memory_space<hbm>>) target(%dma_start3A_382 : memref<128x32xf32, #tpu.memory_space<vmem>>) offsets(%dma_start3A_385 : memref<128xi32, #tpu.memory_space<vmem>>) semaphore(%arg21 : memref<!tpu.dma_semaphore, #tpu.memory_space<semaphore_mem>>)
      %dma_wait3A_393 = arith.constant 0 : i32
      %dma_wait3A_394 = arith.constant 0 : i32
      %dma_wait3A_395 = arith.constant 0 : i32
      %dma_wait3A_396 = tpu.memref_slice %arg15[%dma_wait3A_394, %dma_wait3A_395] : memref<256x32xf32, #tpu.memory_space<vmem>> -> memref<128x32xf32, #tpu.memory_space<vmem>>
      %dma_wait3A_397 = arith.constant 0 : i32
      %dma_wait3A_398 = tpu.memref_slice %arg9[%dma_wait3A_393, %dma_wait3A_397] : memref<2x128xi32, #tpu.memory_space<vmem>> -> memref<1x128xi32, #tpu.memory_space<vmem>>
      %dma_wait3A_399 = tpu.memref_squeeze %dma_wait3A_398 : memref<1x128xi32, #tpu.memory_space<vmem>> -> memref<128xi32, #tpu.memory_space<vmem>>
      %dma_wait3A_400 = arith.constant 0 : i32
      %dma_wait3A_401 = arith.constant 0 : i32
      %dma_wait3A_402 = tpu.memref_slice %arg4[%arg0, %dma_wait3A_400, %dma_wait3A_401] : memref<2x50048x32xf32, #tpu.memory_space<hbm>> -> memref<1x50048x32xf32, #tpu.memory_space<hbm>>
      %dma_wait3A_403 = tpu.memref_squeeze %dma_wait3A_402 : memref<1x50048x32xf32, #tpu.memory_space<hbm>> -> memref<50048x32xf32, #tpu.memory_space<hbm>>
      %dma_wait3A_404 = arith.constant 0 : i32
      %dma_wait3A_405 = arith.constant 0 : i32
      %dma_wait3A_406 = tpu.memref_slice %dma_wait3A_403[%dma_wait3A_404, %dma_wait3A_405] : memref<50048x32xf32, #tpu.memory_space<hbm>> -> memref<50048x32xf32, #tpu.memory_space<hbm>>
      tpu.wait_indirect_dma semaphore(%arg20 : memref<!tpu.dma_semaphore, #tpu.memory_space<semaphore_mem>>) src(%dma_wait3A_406 : memref<50048x32xf32, #tpu.memory_space<hbm>>) dst(%dma_wait3A_396 : memref<128x32xf32, #tpu.memory_space<vmem>>)
      %dma_wait3A_407 = arith.constant 1 : i32
      %dma_wait3A_408 = arith.constant 128 : i32
      %dma_wait3A_409 = arith.constant 0 : i32
      %dma_wait3A_410 = tpu.memref_slice %arg15[%dma_wait3A_408, %dma_wait3A_409] : memref<256x32xf32, #tpu.memory_space<vmem>> -> memref<128x32xf32, #tpu.memory_space<vmem>>
      %dma_wait3A_411 = arith.constant 0 : i32
      %dma_wait3A_412 = tpu.memref_slice %arg9[%dma_wait3A_407, %dma_wait3A_411] : memref<2x128xi32, #tpu.memory_space<vmem>> -> memref<1x128xi32, #tpu.memory_space<vmem>>
      %dma_wait3A_413 = tpu.memref_squeeze %dma_wait3A_412 : memref<1x128xi32, #tpu.memory_space<vmem>> -> memref<128xi32, #tpu.memory_space<vmem>>
      %dma_wait3A_414 = arith.constant 0 : i32
      %dma_wait3A_415 = arith.constant 0 : i32
      %dma_wait3A_416 = tpu.memref_slice %arg4[%arg0, %dma_wait3A_414, %dma_wait3A_415] : memref<2x50048x32xf32, #tpu.memory_space<hbm>> -> memref<1x50048x32xf32, #tpu.memory_space<hbm>>
      %dma_wait3A_417 = tpu.memref_squeeze %dma_wait3A_416 : memref<1x50048x32xf32, #tpu.memory_space<hbm>> -> memref<50048x32xf32, #tpu.memory_space<hbm>>
      %dma_wait3A_418 = arith.constant 0 : i32
      %dma_wait3A_419 = arith.constant 0 : i32
      %dma_wait3A_420 = tpu.memref_slice %dma_wait3A_417[%dma_wait3A_418, %dma_wait3A_419] : memref<50048x32xf32, #tpu.memory_space<hbm>> -> memref<50048x32xf32, #tpu.memory_space<hbm>>
      tpu.wait_indirect_dma semaphore(%arg20 : memref<!tpu.dma_semaphore, #tpu.memory_space<semaphore_mem>>) src(%dma_wait3A_420 : memref<50048x32xf32, #tpu.memory_space<hbm>>) dst(%dma_wait3A_410 : memref<128x32xf32, #tpu.memory_space<vmem>>)
      %dma_start3A_421 = arith.constant 0 : i32
      %dma_start3A_422 = arith.constant 0 : i32
      %dma_start3A_423 = arith.constant 0 : i32
      %dma_start3A_424 = tpu.memref_slice %arg15[%dma_start3A_422, %dma_start3A_423] : memref<256x32xf32, #tpu.memory_space<vmem>> -> memref<128x32xf32, #tpu.memory_space<vmem>>
      %dma_start3A_425 = arith.constant 0 : i32
      %dma_start3A_426 = tpu.memref_slice %arg10[%dma_start3A_421, %dma_start3A_425] : memref<2x128xi32, #tpu.memory_space<vmem>> -> memref<1x128xi32, #tpu.memory_space<vmem>>
      %dma_start3A_427 = tpu.memref_squeeze %dma_start3A_426 : memref<1x128xi32, #tpu.memory_space<vmem>> -> memref<128xi32, #tpu.memory_space<vmem>>
      %dma_start3A_428 = arith.constant 0 : i32
      %dma_start3A_429 = arith.constant 0 : i32
      %dma_start3A_430 = tpu.memref_slice %arg6[%dma_start3A_428, %dma_start3A_429] : memref<50048x32xf32, #tpu.memory_space<vmem_shared>> -> memref<50048x32xf32, #tpu.memory_space<vmem_shared>>
      tpu.enqueue_indirect_dma source(%dma_start3A_424 : memref<128x32xf32, #tpu.memory_space<vmem>>) target(%dma_start3A_430 : memref<50048x32xf32, #tpu.memory_space<vmem_shared>>) offsets(%dma_start3A_427 : memref<128xi32, #tpu.memory_space<vmem>>) semaphore(%arg22 : memref<!tpu.dma_semaphore, #tpu.memory_space<semaphore_mem>>) {add = true}
      %dma_start3A_431 = arith.constant 1 : i32
      %dma_start3A_432 = arith.constant 128 : i32
      %dma_start3A_433 = arith.constant 0 : i32
      %dma_start3A_434 = tpu.memref_slice %arg15[%dma_start3A_432, %dma_start3A_433] : memref<256x32xf32, #tpu.memory_space<vmem>> -> memref<128x32xf32, #tpu.memory_space<vmem>>
      %dma_start3A_435 = arith.constant 0 : i32
      %dma_start3A_436 = tpu.memref_slice %arg10[%dma_start3A_431, %dma_start3A_435] : memref<2x128xi32, #tpu.memory_space<vmem>> -> memref<1x128xi32, #tpu.memory_space<vmem>>
      %dma_start3A_437 = tpu.memref_squeeze %dma_start3A_436 : memref<1x128xi32, #tpu.memory_space<vmem>> -> memref<128xi32, #tpu.memory_space<vmem>>
      %dma_start3A_438 = arith.constant 0 : i32
      %dma_start3A_439 = arith.constant 0 : i32
      %dma_start3A_440 = tpu.memref_slice %arg6[%dma_start3A_438, %dma_start3A_439] : memref<50048x32xf32, #tpu.memory_space<vmem_shared>> -> memref<50048x32xf32, #tpu.memory_space<vmem_shared>>
      tpu.enqueue_indirect_dma source(%dma_start3A_434 : memref<128x32xf32, #tpu.memory_space<vmem>>) target(%dma_start3A_440 : memref<50048x32xf32, #tpu.memory_space<vmem_shared>>) offsets(%dma_start3A_437 : memref<128xi32, #tpu.memory_space<vmem>>) semaphore(%arg22 : memref<!tpu.dma_semaphore, #tpu.memory_space<semaphore_mem>>) {add = true}
    }
    %scan3A_34 = arith.constant 49 : i32
    %dma_wait3A = arith.constant 0 : i32
    %dma_wait3A_35 = arith.constant 0 : i32
    %dma_wait3A_36 = arith.constant 0 : i32
    %dma_wait3A_37 = tpu.memref_slice %arg16[%dma_wait3A_35, %dma_wait3A_36] : memref<256x32xf32, #tpu.memory_space<vmem>> -> memref<128x32xf32, #tpu.memory_space<vmem>>
    %dma_wait3A_38 = arith.constant 0 : i32
    %dma_wait3A_39 = tpu.memref_slice %arg13[%dma_wait3A, %dma_wait3A_38] : memref<2x128xi32, #tpu.memory_space<vmem>> -> memref<1x128xi32, #tpu.memory_space<vmem>>
    %dma_wait3A_40 = tpu.memref_squeeze %dma_wait3A_39 : memref<1x128xi32, #tpu.memory_space<vmem>> -> memref<128xi32, #tpu.memory_space<vmem>>
    %dma_wait3A_41 = arith.constant 0 : i32
    %dma_wait3A_42 = arith.constant 0 : i32
    %dma_wait3A_43 = tpu.memref_slice %arg4[%arg0, %dma_wait3A_41, %dma_wait3A_42] : memref<2x50048x32xf32, #tpu.memory_space<hbm>> -> memref<1x50048x32xf32, #tpu.memory_space<hbm>>
    %dma_wait3A_44 = tpu.memref_squeeze %dma_wait3A_43 : memref<1x50048x32xf32, #tpu.memory_space<hbm>> -> memref<50048x32xf32, #tpu.memory_space<hbm>>
    %dma_wait3A_45 = arith.constant 0 : i32
    %dma_wait3A_46 = arith.constant 0 : i32
    %dma_wait3A_47 = tpu.memref_slice %dma_wait3A_44[%dma_wait3A_45, %dma_wait3A_46] : memref<50048x32xf32, #tpu.memory_space<hbm>> -> memref<50048x32xf32, #tpu.memory_space<hbm>>
    tpu.wait_indirect_dma semaphore(%arg21 : memref<!tpu.dma_semaphore, #tpu.memory_space<semaphore_mem>>) src(%dma_wait3A_47 : memref<50048x32xf32, #tpu.memory_space<hbm>>) dst(%dma_wait3A_37 : memref<128x32xf32, #tpu.memory_space<vmem>>)
    %dma_wait3A_48 = arith.constant 1 : i32
    %dma_wait3A_49 = arith.constant 128 : i32
    %dma_wait3A_50 = arith.constant 0 : i32
    %dma_wait3A_51 = tpu.memref_slice %arg16[%dma_wait3A_49, %dma_wait3A_50] : memref<256x32xf32, #tpu.memory_space<vmem>> -> memref<128x32xf32, #tpu.memory_space<vmem>>
    %dma_wait3A_52 = arith.constant 0 : i32
    %dma_wait3A_53 = tpu.memref_slice %arg13[%dma_wait3A_48, %dma_wait3A_52] : memref<2x128xi32, #tpu.memory_space<vmem>> -> memref<1x128xi32, #tpu.memory_space<vmem>>
    %dma_wait3A_54 = tpu.memref_squeeze %dma_wait3A_53 : memref<1x128xi32, #tpu.memory_space<vmem>> -> memref<128xi32, #tpu.memory_space<vmem>>
    %dma_wait3A_55 = arith.constant 0 : i32
    %dma_wait3A_56 = arith.constant 0 : i32
    %dma_wait3A_57 = tpu.memref_slice %arg4[%arg0, %dma_wait3A_55, %dma_wait3A_56] : memref<2x50048x32xf32, #tpu.memory_space<hbm>> -> memref<1x50048x32xf32, #tpu.memory_space<hbm>>
    %dma_wait3A_58 = tpu.memref_squeeze %dma_wait3A_57 : memref<1x50048x32xf32, #tpu.memory_space<hbm>> -> memref<50048x32xf32, #tpu.memory_space<hbm>>
    %dma_wait3A_59 = arith.constant 0 : i32
    %dma_wait3A_60 = arith.constant 0 : i32
    %dma_wait3A_61 = tpu.memref_slice %dma_wait3A_58[%dma_wait3A_59, %dma_wait3A_60] : memref<50048x32xf32, #tpu.memory_space<hbm>> -> memref<50048x32xf32, #tpu.memory_space<hbm>>
    tpu.wait_indirect_dma semaphore(%arg21 : memref<!tpu.dma_semaphore, #tpu.memory_space<semaphore_mem>>) src(%dma_wait3A_61 : memref<50048x32xf32, #tpu.memory_space<hbm>>) dst(%dma_wait3A_51 : memref<128x32xf32, #tpu.memory_space<vmem>>)
    %dma_start3A_62 = arith.constant 0 : i32
    %dma_start3A_63 = arith.constant 0 : i32
    %dma_start3A_64 = arith.constant 0 : i32
    %dma_start3A_65 = tpu.memref_slice %arg16[%dma_start3A_63, %dma_start3A_64] : memref<256x32xf32, #tpu.memory_space<vmem>> -> memref<128x32xf32, #tpu.memory_space<vmem>>
    %dma_start3A_66 = arith.constant 0 : i32
    %dma_start3A_67 = tpu.memref_slice %arg14[%dma_start3A_62, %dma_start3A_66] : memref<2x128xi32, #tpu.memory_space<vmem>> -> memref<1x128xi32, #tpu.memory_space<vmem>>
    %dma_start3A_68 = tpu.memref_squeeze %dma_start3A_67 : memref<1x128xi32, #tpu.memory_space<vmem>> -> memref<128xi32, #tpu.memory_space<vmem>>
    %dma_start3A_69 = arith.constant 0 : i32
    %dma_start3A_70 = arith.constant 0 : i32
    %dma_start3A_71 = tpu.memref_slice %arg6[%dma_start3A_69, %dma_start3A_70] : memref<50048x32xf32, #tpu.memory_space<vmem_shared>> -> memref<50048x32xf32, #tpu.memory_space<vmem_shared>>
    tpu.enqueue_indirect_dma source(%dma_start3A_65 : memref<128x32xf32, #tpu.memory_space<vmem>>) target(%dma_start3A_71 : memref<50048x32xf32, #tpu.memory_space<vmem_shared>>) offsets(%dma_start3A_68 : memref<128xi32, #tpu.memory_space<vmem>>) semaphore(%arg23 : memref<!tpu.dma_semaphore, #tpu.memory_space<semaphore_mem>>) {add = true}
    %dma_start3A_72 = arith.constant 1 : i32
    %dma_start3A_73 = arith.constant 128 : i32
    %dma_start3A_74 = arith.constant 0 : i32
    %dma_start3A_75 = tpu.memref_slice %arg16[%dma_start3A_73, %dma_start3A_74] : memref<256x32xf32, #tpu.memory_space<vmem>> -> memref<128x32xf32, #tpu.memory_space<vmem>>
    %dma_start3A_76 = arith.constant 0 : i32
    %dma_start3A_77 = tpu.memref_slice %arg14[%dma_start3A_72, %dma_start3A_76] : memref<2x128xi32, #tpu.memory_space<vmem>> -> memref<1x128xi32, #tpu.memory_space<vmem>>
    %dma_start3A_78 = tpu.memref_squeeze %dma_start3A_77 : memref<1x128xi32, #tpu.memory_space<vmem>> -> memref<128xi32, #tpu.memory_space<vmem>>
    %dma_start3A_79 = arith.constant 0 : i32
    %dma_start3A_80 = arith.constant 0 : i32
    %dma_start3A_81 = tpu.memref_slice %arg6[%dma_start3A_79, %dma_start3A_80] : memref<50048x32xf32, #tpu.memory_space<vmem_shared>> -> memref<50048x32xf32, #tpu.memory_space<vmem_shared>>
    tpu.enqueue_indirect_dma source(%dma_start3A_75 : memref<128x32xf32, #tpu.memory_space<vmem>>) target(%dma_start3A_81 : memref<50048x32xf32, #tpu.memory_space<vmem_shared>>) offsets(%dma_start3A_78 : memref<128xi32, #tpu.memory_space<vmem>>) semaphore(%arg23 : memref<!tpu.dma_semaphore, #tpu.memory_space<semaphore_mem>>) {add = true}
    %dma_wait3A_82 = arith.constant 0 : i32
    %dma_wait3A_83 = arith.constant 0 : i32
    %dma_wait3A_84 = arith.constant 0 : i32
    %dma_wait3A_85 = tpu.memref_slice %arg15[%dma_wait3A_83, %dma_wait3A_84] : memref<256x32xf32, #tpu.memory_space<vmem>> -> memref<128x32xf32, #tpu.memory_space<vmem>>
    %dma_wait3A_86 = arith.constant 0 : i32
    %dma_wait3A_87 = tpu.memref_slice %arg10[%dma_wait3A_82, %dma_wait3A_86] : memref<2x128xi32, #tpu.memory_space<vmem>> -> memref<1x128xi32, #tpu.memory_space<vmem>>
    %dma_wait3A_88 = tpu.memref_squeeze %dma_wait3A_87 : memref<1x128xi32, #tpu.memory_space<vmem>> -> memref<128xi32, #tpu.memory_space<vmem>>
    %dma_wait3A_89 = arith.constant 0 : i32
    %dma_wait3A_90 = arith.constant 0 : i32
    %dma_wait3A_91 = tpu.memref_slice %arg6[%dma_wait3A_89, %dma_wait3A_90] : memref<50048x32xf32, #tpu.memory_space<vmem_shared>> -> memref<50048x32xf32, #tpu.memory_space<vmem_shared>>
    tpu.wait_indirect_dma semaphore(%arg22 : memref<!tpu.dma_semaphore, #tpu.memory_space<semaphore_mem>>) src(%dma_wait3A_85 : memref<128x32xf32, #tpu.memory_space<vmem>>) dst(%dma_wait3A_91 : memref<50048x32xf32, #tpu.memory_space<vmem_shared>>)
    %dma_wait3A_92 = arith.constant 1 : i32
    %dma_wait3A_93 = arith.constant 128 : i32
    %dma_wait3A_94 = arith.constant 0 : i32
    %dma_wait3A_95 = tpu.memref_slice %arg15[%dma_wait3A_93, %dma_wait3A_94] : memref<256x32xf32, #tpu.memory_space<vmem>> -> memref<128x32xf32, #tpu.memory_space<vmem>>
    %dma_wait3A_96 = arith.constant 0 : i32
    %dma_wait3A_97 = tpu.memref_slice %arg10[%dma_wait3A_92, %dma_wait3A_96] : memref<2x128xi32, #tpu.memory_space<vmem>> -> memref<1x128xi32, #tpu.memory_space<vmem>>
    %dma_wait3A_98 = tpu.memref_squeeze %dma_wait3A_97 : memref<1x128xi32, #tpu.memory_space<vmem>> -> memref<128xi32, #tpu.memory_space<vmem>>
    %dma_wait3A_99 = arith.constant 0 : i32
    %dma_wait3A_100 = arith.constant 0 : i32
    %dma_wait3A_101 = tpu.memref_slice %arg6[%dma_wait3A_99, %dma_wait3A_100] : memref<50048x32xf32, #tpu.memory_space<vmem_shared>> -> memref<50048x32xf32, #tpu.memory_space<vmem_shared>>
    tpu.wait_indirect_dma semaphore(%arg22 : memref<!tpu.dma_semaphore, #tpu.memory_space<semaphore_mem>>) src(%dma_wait3A_95 : memref<128x32xf32, #tpu.memory_space<vmem>>) dst(%dma_wait3A_101 : memref<50048x32xf32, #tpu.memory_space<vmem_shared>>)
    %dma_wait3A_102 = arith.constant 0 : i32
    %dma_wait3A_103 = arith.constant 0 : i32
    %dma_wait3A_104 = arith.constant 0 : i32
    %dma_wait3A_105 = tpu.memref_slice %arg16[%dma_wait3A_103, %dma_wait3A_104] : memref<256x32xf32, #tpu.memory_space<vmem>> -> memref<128x32xf32, #tpu.memory_space<vmem>>
    %dma_wait3A_106 = arith.constant 0 : i32
    %dma_wait3A_107 = tpu.memref_slice %arg14[%dma_wait3A_102, %dma_wait3A_106] : memref<2x128xi32, #tpu.memory_space<vmem>> -> memref<1x128xi32, #tpu.memory_space<vmem>>
    %dma_wait3A_108 = tpu.memref_squeeze %dma_wait3A_107 : memref<1x128xi32, #tpu.memory_space<vmem>> -> memref<128xi32, #tpu.memory_space<vmem>>
    %dma_wait3A_109 = arith.constant 0 : i32
    %dma_wait3A_110 = arith.constant 0 : i32
    %dma_wait3A_111 = tpu.memref_slice %arg6[%dma_wait3A_109, %dma_wait3A_110] : memref<50048x32xf32, #tpu.memory_space<vmem_shared>> -> memref<50048x32xf32, #tpu.memory_space<vmem_shared>>
    tpu.wait_indirect_dma semaphore(%arg23 : memref<!tpu.dma_semaphore, #tpu.memory_space<semaphore_mem>>) src(%dma_wait3A_105 : memref<128x32xf32, #tpu.memory_space<vmem>>) dst(%dma_wait3A_111 : memref<50048x32xf32, #tpu.memory_space<vmem_shared>>)
    %dma_wait3A_112 = arith.constant 1 : i32
    %dma_wait3A_113 = arith.constant 128 : i32
    %dma_wait3A_114 = arith.constant 0 : i32
    %dma_wait3A_115 = tpu.memref_slice %arg16[%dma_wait3A_113, %dma_wait3A_114] : memref<256x32xf32, #tpu.memory_space<vmem>> -> memref<128x32xf32, #tpu.memory_space<vmem>>
    %dma_wait3A_116 = arith.constant 0 : i32
    %dma_wait3A_117 = tpu.memref_slice %arg14[%dma_wait3A_112, %dma_wait3A_116] : memref<2x128xi32, #tpu.memory_space<vmem>> -> memref<1x128xi32, #tpu.memory_space<vmem>>
    %dma_wait3A_118 = tpu.memref_squeeze %dma_wait3A_117 : memref<1x128xi32, #tpu.memory_space<vmem>> -> memref<128xi32, #tpu.memory_space<vmem>>
    %dma_wait3A_119 = arith.constant 0 : i32
    %dma_wait3A_120 = arith.constant 0 : i32
    %dma_wait3A_121 = tpu.memref_slice %arg6[%dma_wait3A_119, %dma_wait3A_120] : memref<50048x32xf32, #tpu.memory_space<vmem_shared>> -> memref<50048x32xf32, #tpu.memory_space<vmem_shared>>
    tpu.wait_indirect_dma semaphore(%arg23 : memref<!tpu.dma_semaphore, #tpu.memory_space<semaphore_mem>>) src(%dma_wait3A_115 : memref<128x32xf32, #tpu.memory_space<vmem>>) dst(%dma_wait3A_121 : memref<50048x32xf32, #tpu.memory_space<vmem_shared>>)
    %barrier3A_122 = arith.constant 0 : index
    tpu.barrier barrier_id(%barrier3A_122)
    %scan3A_123 = arith.constant 0 : i32
    %scan3A_124 = arith.constant 17 : i32
    %scan3A_125 = arith.addi %scan3A_123, %scan3A_124 : i32
    %scan3A_126 = arith.constant 1 : i32
    scf.for %scan3A_128 = %scan3A_123 to %scan3A_125 step %scan3A_126  : i32 {
      %mul3A_129 = arith.constant 1 : i32
      %mul3A_130 = arith.muli %scan3A_128, %mul3A_129 : i32
      %add3A_131 = arith.constant 0 : i32
      %add3A_132 = arith.addi %add3A_131, %mul3A_130 : i32
      %mul3A_133 = arith.constant 3128 : i32
      %mul3A_134 = arith.muli %arg1, %mul3A_133 : i32
      %mul3A_135 = arith.constant 184 : i32
      %mul3A_136 = arith.muli %add3A_132, %mul3A_135 : i32
      %add3A_137 = arith.addi %mul3A_134, %mul3A_136 : i32
      "tpu.region"() ({
        %run_scoped3A = tpu.sem_alloc : memref<!tpu.dma_semaphore, #tpu.memory_space<semaphore_mem>>
        %dma_start3A_138 = arith.constant 0 : i32
        %dma_start3A_139 = arith.constant 0 : i32
        %dma_start3A_140 = tpu.memref_slice %arg15[%dma_start3A_138, %dma_start3A_139] : memref<256x32xf32, #tpu.memory_space<vmem>> -> memref<184x32xf32, #tpu.memory_space<vmem>>
        %dma_start3A_141 = arith.constant 0 : i32
        %dma_start3A_142 = tpu.memref_slice %arg6[%add3A_137, %dma_start3A_141] : memref<50048x32xf32, #tpu.memory_space<vmem_shared>> -> memref<184x32xf32, #tpu.memory_space<vmem_shared>>
        %dma_start3A_143 = arith.constant 0 : i32
        %dma_start3A_144 = arith.constant 0 : i32
        %dma_start3A_145 = tpu.memref_slice %arg15[%dma_start3A_143, %dma_start3A_144] : memref<256x32xf32, #tpu.memory_space<vmem>> -> memref<184x32xf32, #tpu.memory_space<vmem>>
        %dma_start3A_146 = arith.constant 0 : i32
        %dma_start3A_147 = tpu.memref_slice %arg6[%add3A_137, %dma_start3A_146] : memref<50048x32xf32, #tpu.memory_space<vmem_shared>> -> memref<184x32xf32, #tpu.memory_space<vmem_shared>>
        tpu.enqueue_dma source(%dma_start3A_147 : memref<184x32xf32, #tpu.memory_space<vmem_shared>>) target(%dma_start3A_145 : memref<184x32xf32, #tpu.memory_space<vmem>>) target_semaphore(%run_scoped3A : memref<!tpu.dma_semaphore, #tpu.memory_space<semaphore_mem>>)
        %dma_wait3A_148 = arith.constant 0 : i32
        %dma_wait3A_149 = arith.constant 0 : i32
        %dma_wait3A_150 = tpu.memref_slice %arg15[%dma_wait3A_148, %dma_wait3A_149] : memref<256x32xf32, #tpu.memory_space<vmem>> -> memref<184x32xf32, #tpu.memory_space<vmem>>
        %dma_wait3A_151 = arith.constant 0 : i32
        %dma_wait3A_152 = tpu.memref_slice %arg6[%add3A_137, %dma_wait3A_151] : memref<50048x32xf32, #tpu.memory_space<vmem_shared>> -> memref<184x32xf32, #tpu.memory_space<vmem_shared>>
        %dma_wait3A_153 = arith.constant 0 : i32
        %dma_wait3A_154 = arith.constant 0 : i32
        %dma_wait3A_155 = tpu.memref_slice %arg15[%dma_wait3A_153, %dma_wait3A_154] : memref<256x32xf32, #tpu.memory_space<vmem>> -> memref<184x32xf32, #tpu.memory_space<vmem>>
        %dma_wait3A_156 = arith.constant 0 : i32
        %dma_wait3A_157 = tpu.memref_slice %arg6[%add3A_137, %dma_wait3A_156] : memref<50048x32xf32, #tpu.memory_space<vmem_shared>> -> memref<184x32xf32, #tpu.memory_space<vmem_shared>>
        tpu.wait_dma2 semaphore(%run_scoped3A : memref<!tpu.dma_semaphore, #tpu.memory_space<semaphore_mem>>) src(%dma_wait3A_157 : memref<184x32xf32, #tpu.memory_space<vmem_shared>>) dst(%dma_wait3A_155 : memref<184x32xf32, #tpu.memory_space<vmem>>)
        tpu.yield
      }) : () -> ()
      "tpu.region"() ({
        %run_scoped3A = tpu.sem_alloc : memref<!tpu.dma_semaphore, #tpu.memory_space<semaphore_mem>>
        %dma_start3A_138 = arith.constant 0 : i32
        %dma_start3A_139 = arith.constant 0 : i32
        %dma_start3A_140 = tpu.memref_slice %arg15[%dma_start3A_138, %dma_start3A_139] : memref<256x32xf32, #tpu.memory_space<vmem>> -> memref<184x32xf32, #tpu.memory_space<vmem>>
        %dma_start3A_141 = arith.constant 0 : i32
        %dma_start3A_142 = tpu.memref_slice %arg5[%arg0, %add3A_137, %dma_start3A_141] : memref<2x50048x32xf32, #tpu.memory_space<hbm>> -> memref<1x184x32xf32, #tpu.memory_space<hbm>>
        %dma_start3A_143 = tpu.memref_squeeze %dma_start3A_142 : memref<1x184x32xf32, #tpu.memory_space<hbm>> -> memref<184x32xf32, #tpu.memory_space<hbm>>
        %dma_start3A_144 = arith.constant 0 : i32
        %dma_start3A_145 = tpu.memref_slice %arg5[%arg0, %add3A_137, %dma_start3A_144] : memref<2x50048x32xf32, #tpu.memory_space<hbm>> -> memref<1x184x32xf32, #tpu.memory_space<hbm>>
        %dma_start3A_146 = tpu.memref_squeeze %dma_start3A_145 : memref<1x184x32xf32, #tpu.memory_space<hbm>> -> memref<184x32xf32, #tpu.memory_space<hbm>>
        %dma_start3A_147 = arith.constant 0 : i32
        %dma_start3A_148 = arith.constant 0 : i32
        %dma_start3A_149 = tpu.memref_slice %arg15[%dma_start3A_147, %dma_start3A_148] : memref<256x32xf32, #tpu.memory_space<vmem>> -> memref<184x32xf32, #tpu.memory_space<vmem>>
        tpu.enqueue_dma source(%dma_start3A_149 : memref<184x32xf32, #tpu.memory_space<vmem>>) target(%dma_start3A_146 : memref<184x32xf32, #tpu.memory_space<hbm>>) target_semaphore(%run_scoped3A : memref<!tpu.dma_semaphore, #tpu.memory_space<semaphore_mem>>)
        %dma_wait3A_150 = arith.constant 0 : i32
        %dma_wait3A_151 = arith.constant 0 : i32
        %dma_wait3A_152 = tpu.memref_slice %arg15[%dma_wait3A_150, %dma_wait3A_151] : memref<256x32xf32, #tpu.memory_space<vmem>> -> memref<184x32xf32, #tpu.memory_space<vmem>>
        %dma_wait3A_153 = arith.constant 0 : i32
        %dma_wait3A_154 = tpu.memref_slice %arg5[%arg0, %add3A_137, %dma_wait3A_153] : memref<2x50048x32xf32, #tpu.memory_space<hbm>> -> memref<1x184x32xf32, #tpu.memory_space<hbm>>
        %dma_wait3A_155 = tpu.memref_squeeze %dma_wait3A_154 : memref<1x184x32xf32, #tpu.memory_space<hbm>> -> memref<184x32xf32, #tpu.memory_space<hbm>>
        %dma_wait3A_156 = arith.constant 0 : i32
        %dma_wait3A_157 = tpu.memref_slice %arg5[%arg0, %add3A_137, %dma_wait3A_156] : memref<2x50048x32xf32, #tpu.memory_space<hbm>> -> memref<1x184x32xf32, #tpu.memory_space<hbm>>
        %dma_wait3A_158 = tpu.memref_squeeze %dma_wait3A_157 : memref<1x184x32xf32, #tpu.memory_space<hbm>> -> memref<184x32xf32, #tpu.memory_space<hbm>>
        %dma_wait3A_159 = arith.constant 0 : i32
        %dma_wait3A_160 = arith.constant 0 : i32
        %dma_wait3A_161 = tpu.memref_slice %arg15[%dma_wait3A_159, %dma_wait3A_160] : memref<256x32xf32, #tpu.memory_space<vmem>> -> memref<184x32xf32, #tpu.memory_space<vmem>>
        tpu.wait_dma2 semaphore(%run_scoped3A : memref<!tpu.dma_semaphore, #tpu.memory_space<semaphore_mem>>) src(%dma_wait3A_161 : memref<184x32xf32, #tpu.memory_space<vmem>>) dst(%dma_wait3A_158 : memref<184x32xf32, #tpu.memory_space<hbm>>)
        tpu.yield
      }) : () -> ()
    }
    %scan3A_127 = arith.constant 17 : i32
    return
  }
}

#map = affine_map<(d0, d1) -> (0, 0)>
#map1 = affine_map<(d0, d1) -> (0)>
module attributes {stable_mosaic.version = 14 : i64} {
  func.func @_sc_deg_body(%arg0: i32, %arg1: i32, %arg2: memref<6272x128xi32, #tpu.memory_space<hbm>>, %arg3: memref<100096xf32, #tpu.memory_space<hbm>>, %arg4: memref<50048xf32, #tpu.memory_space<vmem_shared>>, %arg5: memref<4x128xi32, #tpu.memory_space<vmem>>, %arg6: memref<128xf32, #tpu.memory_space<vmem>>, %arg7: memref<128xf32, #tpu.memory_space<vmem>>, %arg8: memref<3128xf32, #tpu.memory_space<vmem>>, %arg9: memref<!tpu.dma_semaphore, #tpu.memory_space<semaphore_mem>>) attributes {dimension_semantics = [#tpu.dimension_semantics<core_parallel>, #tpu.dimension_semantics<subcore_parallel>], iteration_bounds = array<i64: 2, 16>, scalar_prefetch = 0 : i64, scratch_operands = 6 : i64, tpu.core_type = #tpu.core_type<sc_vector_subcore>, window_params = [{transform_indices = #map}, {transform_indices = #map1}]} {
    %mul3A = arith.constant 2 : i32
    %mul3A_0 = arith.muli %arg1, %mul3A : i32
    %add3A = arith.addi %mul3A_0, %arg0 : i32
    %scan3A = arith.constant 0 : i32
    %scan3A_1 = arith.constant 8 : i32
    %scan3A_2 = arith.addi %scan3A, %scan3A_1 : i32
    %scan3A_3 = arith.constant 1 : i32
    scf.for %scan3A_23 = %scan3A to %scan3A_2 step %scan3A_3  : i32 {
      %mul3A_24 = arith.constant 1 : i32
      %mul3A_25 = arith.muli %scan3A_23, %mul3A_24 : i32
      %add3A_26 = arith.constant 0 : i32
      %add3A_27 = arith.addi %add3A_26, %mul3A_25 : i32
      %broadcast_in_dim3A = arith.constant 1.000000e+00 : f32
      %broadcast_in_dim3A_28 = vector.broadcast %broadcast_in_dim3A : f32 to vector<16xf32>
      %mul3A_29 = arith.constant 16 : i32
      %mul3A_30 = arith.muli %add3A_27, %mul3A_29 : i32
      %swap3A = arith.index_cast %mul3A_30 : i32 to index
      %swap3A_31 = tpu.vector_load %arg6[%swap3A] {strides = array<i32>} : memref<128xf32, #tpu.memory_space<vmem>>, vector<16xf32>,
      %swap3A_32 = vector.shape_cast %swap3A_31 : vector<16xf32> to vector<16xf32>
      %swap3A_33 = vector.shape_cast %broadcast_in_dim3A_28 : vector<16xf32> to vector<16xf32>
      tpu.vector_store %arg6[%swap3A], %swap3A_33 {strides = array<i32>} : memref<128xf32, #tpu.memory_space<vmem>>, vector<16xf32>,
      %broadcast_in_dim3A_34 = arith.constant 0.000000e+00 : f32
      %broadcast_in_dim3A_35 = vector.broadcast %broadcast_in_dim3A_34 : f32 to vector<16xf32>
      %mul3A_36 = arith.constant 16 : i32
      %mul3A_37 = arith.muli %add3A_27, %mul3A_36 : i32
      %swap3A_38 = arith.index_cast %mul3A_37 : i32 to index
      %swap3A_39 = tpu.vector_load %arg7[%swap3A_38] {strides = array<i32>} : memref<128xf32, #tpu.memory_space<vmem>>, vector<16xf32>,
      %swap3A_40 = vector.shape_cast %swap3A_39 : vector<16xf32> to vector<16xf32>
      %swap3A_41 = vector.shape_cast %broadcast_in_dim3A_35 : vector<16xf32> to vector<16xf32>
      tpu.vector_store %arg7[%swap3A_38], %swap3A_41 {strides = array<i32>} : memref<128xf32, #tpu.memory_space<vmem>>, vector<16xf32>,
    }
    %scan3A_4 = arith.constant 8 : i32
    %scan3A_5 = arith.constant 0 : i32
    %scan3A_6 = arith.constant 25 : i32
    %scan3A_7 = arith.addi %scan3A_5, %scan3A_6 : i32
    %scan3A_8 = arith.constant 1 : i32
    scf.for %scan3A_23 = %scan3A_5 to %scan3A_7 step %scan3A_8  : i32 {
      %mul3A_24 = arith.constant 1 : i32
      %mul3A_25 = arith.muli %scan3A_23, %mul3A_24 : i32
      %add3A_26 = arith.constant 0 : i32
      %add3A_27 = arith.addi %add3A_26, %mul3A_25 : i32
      %mul3A_28 = arith.constant 16 : i32
      %mul3A_29 = arith.muli %mul3A_28, %add3A_27 : i32
      %add3A_30 = arith.addi %arg1, %mul3A_29 : i32
      %lt3A = arith.constant 391 : i32
      %lt3A_31 = arith.cmpi slt, %add3A_30, %lt3A : i32
      %convert_element_type3A = arith.extui %lt3A_31 : i1 to i32
      %cond3A = arith.constant 0 : i32
      %cond3A_32 = arith.cmpi ne, %convert_element_type3A, %cond3A : i32
      scf.if %cond3A_32 {
        %mul3A_33 = arith.constant 128 : i32
        %mul3A_34 = arith.muli %add3A_30, %mul3A_33 : i32
        "tpu.region"() ({
          %run_scoped3A = tpu.sem_alloc : memref<!tpu.dma_semaphore, #tpu.memory_space<semaphore_mem>>
          %dma_start3A = tpu.memref_slice %arg4[%mul3A_34] : memref<50048xf32, #tpu.memory_space<vmem_shared>> -> memref<128xf32, #tpu.memory_space<vmem_shared>>
          %dma_start3A_35 = tpu.memref_slice %arg4[%mul3A_34] : memref<50048xf32, #tpu.memory_space<vmem_shared>> -> memref<128xf32, #tpu.memory_space<vmem_shared>>
          tpu.enqueue_dma source(%arg7 : memref<128xf32, #tpu.memory_space<vmem>>) target(%dma_start3A_35 : memref<128xf32, #tpu.memory_space<vmem_shared>>) target_semaphore(%run_scoped3A : memref<!tpu.dma_semaphore, #tpu.memory_space<semaphore_mem>>)
          %dma_wait3A = tpu.memref_slice %arg4[%mul3A_34] : memref<50048xf32, #tpu.memory_space<vmem_shared>> -> memref<128xf32, #tpu.memory_space<vmem_shared>>
          %dma_wait3A_36 = tpu.memref_slice %arg4[%mul3A_34] : memref<50048xf32, #tpu.memory_space<vmem_shared>> -> memref<128xf32, #tpu.memory_space<vmem_shared>>
          tpu.wait_dma2 semaphore(%run_scoped3A : memref<!tpu.dma_semaphore, #tpu.memory_space<semaphore_mem>>) src(%arg7 : memref<128xf32, #tpu.memory_space<vmem>>) dst(%dma_wait3A_36 : memref<128xf32, #tpu.memory_space<vmem_shared>>)
          tpu.yield
        }) : () -> ()
      } else {
      }
    }
    %scan3A_9 = arith.constant 25 : i32
    %barrier3A = arith.constant 0 : index
    tpu.barrier barrier_id(%barrier3A)
    %scan3A_10 = arith.constant 0 : i32
    %scan3A_11 = arith.constant 49 : i32
    %scan3A_12 = arith.addi %scan3A_10, %scan3A_11 : i32
    %scan3A_13 = arith.constant 1 : i32
    scf.for %scan3A_23 = %scan3A_10 to %scan3A_12 step %scan3A_13  : i32 {
      %mul3A_24 = arith.constant 1 : i32
      %mul3A_25 = arith.muli %scan3A_23, %mul3A_24 : i32
      %add3A_26 = arith.constant 0 : i32
      %add3A_27 = arith.addi %add3A_26, %mul3A_25 : i32
      %mul3A_28 = arith.constant 196 : i32
      %mul3A_29 = arith.muli %add3A, %mul3A_28 : i32
      %mul3A_30 = arith.constant 4 : i32
      %mul3A_31 = arith.muli %add3A_27, %mul3A_30 : i32
      %add3A_32 = arith.addi %mul3A_29, %mul3A_31 : i32
      "tpu.region"() ({
        %run_scoped3A_36 = tpu.sem_alloc : memref<!tpu.dma_semaphore, #tpu.memory_space<semaphore_mem>>
        %dma_start3A = arith.constant 0 : i32
        %dma_start3A_37 = tpu.memref_slice %arg2[%add3A_32, %dma_start3A] : memref<6272x128xi32, #tpu.memory_space<hbm>> -> memref<4x128xi32, #tpu.memory_space<hbm>>
        %dma_start3A_38 = arith.constant 0 : i32
        %dma_start3A_39 = tpu.memref_slice %arg2[%add3A_32, %dma_start3A_38] : memref<6272x128xi32, #tpu.memory_space<hbm>> -> memref<4x128xi32, #tpu.memory_space<hbm>>
        tpu.enqueue_dma source(%dma_start3A_39 : memref<4x128xi32, #tpu.memory_space<hbm>>) target(%arg5 : memref<4x128xi32, #tpu.memory_space<vmem>>) target_semaphore(%run_scoped3A_36 : memref<!tpu.dma_semaphore, #tpu.memory_space<semaphore_mem>>)
        %dma_wait3A = arith.constant 0 : i32
        %dma_wait3A_40 = tpu.memref_slice %arg2[%add3A_32, %dma_wait3A] : memref<6272x128xi32, #tpu.memory_space<hbm>> -> memref<4x128xi32, #tpu.memory_space<hbm>>
        %dma_wait3A_41 = arith.constant 0 : i32
        %dma_wait3A_42 = tpu.memref_slice %arg2[%add3A_32, %dma_wait3A_41] : memref<6272x128xi32, #tpu.memory_space<hbm>> -> memref<4x128xi32, #tpu.memory_space<hbm>>
        tpu.wait_dma2 semaphore(%run_scoped3A_36 : memref<!tpu.dma_semaphore, #tpu.memory_space<semaphore_mem>>) src(%dma_wait3A_42 : memref<4x128xi32, #tpu.memory_space<hbm>>) dst(%arg5 : memref<4x128xi32, #tpu.memory_space<vmem>>)
        tpu.yield
      }) : () -> ()
      %run_scoped3A = arith.constant 0 : i32
      "tpu.region"() ({
        %run_scoped3A_36 = tpu.sem_alloc : memref<!tpu.dma_semaphore, #tpu.memory_space<semaphore_mem>>
        %dma_start3A = arith.constant 0 : i32
        %dma_start3A_37 = tpu.memref_slice %arg5[%run_scoped3A, %dma_start3A] : memref<4x128xi32, #tpu.memory_space<vmem>> -> memref<1x128xi32, #tpu.memory_space<vmem>>
        %dma_start3A_38 = tpu.memref_squeeze %dma_start3A_37 : memref<1x128xi32, #tpu.memory_space<vmem>> -> memref<128xi32, #tpu.memory_space<vmem>>
        %dma_start3A_39 = arith.constant 0 : i32
        %dma_start3A_40 = tpu.memref_slice %arg4[%dma_start3A_39] : memref<50048xf32, #tpu.memory_space<vmem_shared>> -> memref<50048xf32, #tpu.memory_space<vmem_shared>>
        tpu.enqueue_indirect_dma source(%arg6 : memref<128xf32, #tpu.memory_space<vmem>>) target(%dma_start3A_40 : memref<50048xf32, #tpu.memory_space<vmem_shared>>) offsets(%dma_start3A_38 : memref<128xi32, #tpu.memory_space<vmem>>) semaphore(%run_scoped3A_36 : memref<!tpu.dma_semaphore, #tpu.memory_space<semaphore_mem>>) {add = true}
        %dma_wait3A = arith.constant 0 : i32
        %dma_wait3A_41 = tpu.memref_slice %arg5[%run_scoped3A, %dma_wait3A] : memref<4x128xi32, #tpu.memory_space<vmem>> -> memref<1x128xi32, #tpu.memory_space<vmem>>
        %dma_wait3A_42 = tpu.memref_squeeze %dma_wait3A_41 : memref<1x128xi32, #tpu.memory_space<vmem>> -> memref<128xi32, #tpu.memory_space<vmem>>
        %dma_wait3A_43 = arith.constant 0 : i32
        %dma_wait3A_44 = tpu.memref_slice %arg4[%dma_wait3A_43] : memref<50048xf32, #tpu.memory_space<vmem_shared>> -> memref<50048xf32, #tpu.memory_space<vmem_shared>>
        tpu.wait_indirect_dma semaphore(%run_scoped3A_36 : memref<!tpu.dma_semaphore, #tpu.memory_space<semaphore_mem>>) src(%arg6 : memref<128xf32, #tpu.memory_space<vmem>>) dst(%dma_wait3A_44 : memref<50048xf32, #tpu.memory_space<vmem_shared>>)
        tpu.yield
      }) : () -> ()
      %run_scoped3A_33 = arith.constant 1 : i32
      "tpu.region"() ({
        %run_scoped3A_36 = tpu.sem_alloc : memref<!tpu.dma_semaphore, #tpu.memory_space<semaphore_mem>>
        %dma_start3A = arith.constant 0 : i32
        %dma_start3A_37 = tpu.memref_slice %arg5[%run_scoped3A_33, %dma_start3A] : memref<4x128xi32, #tpu.memory_space<vmem>> -> memref<1x128xi32, #tpu.memory_space<vmem>>
        %dma_start3A_38 = tpu.memref_squeeze %dma_start3A_37 : memref<1x128xi32, #tpu.memory_space<vmem>> -> memref<128xi32, #tpu.memory_space<vmem>>
        %dma_start3A_39 = arith.constant 0 : i32
        %dma_start3A_40 = tpu.memref_slice %arg4[%dma_start3A_39] : memref<50048xf32, #tpu.memory_space<vmem_shared>> -> memref<50048xf32, #tpu.memory_space<vmem_shared>>
        tpu.enqueue_indirect_dma source(%arg6 : memref<128xf32, #tpu.memory_space<vmem>>) target(%dma_start3A_40 : memref<50048xf32, #tpu.memory_space<vmem_shared>>) offsets(%dma_start3A_38 : memref<128xi32, #tpu.memory_space<vmem>>) semaphore(%run_scoped3A_36 : memref<!tpu.dma_semaphore, #tpu.memory_space<semaphore_mem>>) {add = true}
        %dma_wait3A = arith.constant 0 : i32
        %dma_wait3A_41 = tpu.memref_slice %arg5[%run_scoped3A_33, %dma_wait3A] : memref<4x128xi32, #tpu.memory_space<vmem>> -> memref<1x128xi32, #tpu.memory_space<vmem>>
        %dma_wait3A_42 = tpu.memref_squeeze %dma_wait3A_41 : memref<1x128xi32, #tpu.memory_space<vmem>> -> memref<128xi32, #tpu.memory_space<vmem>>
        %dma_wait3A_43 = arith.constant 0 : i32
        %dma_wait3A_44 = tpu.memref_slice %arg4[%dma_wait3A_43] : memref<50048xf32, #tpu.memory_space<vmem_shared>> -> memref<50048xf32, #tpu.memory_space<vmem_shared>>
        tpu.wait_indirect_dma semaphore(%run_scoped3A_36 : memref<!tpu.dma_semaphore, #tpu.memory_space<semaphore_mem>>) src(%arg6 : memref<128xf32, #tpu.memory_space<vmem>>) dst(%dma_wait3A_44 : memref<50048xf32, #tpu.memory_space<vmem_shared>>)
        tpu.yield
      }) : () -> ()
      %run_scoped3A_34 = arith.constant 2 : i32
      "tpu.region"() ({
        %run_scoped3A_36 = tpu.sem_alloc : memref<!tpu.dma_semaphore, #tpu.memory_space<semaphore_mem>>
        %dma_start3A = arith.constant 0 : i32
        %dma_start3A_37 = tpu.memref_slice %arg5[%run_scoped3A_34, %dma_start3A] : memref<4x128xi32, #tpu.memory_space<vmem>> -> memref<1x128xi32, #tpu.memory_space<vmem>>
        %dma_start3A_38 = tpu.memref_squeeze %dma_start3A_37 : memref<1x128xi32, #tpu.memory_space<vmem>> -> memref<128xi32, #tpu.memory_space<vmem>>
        %dma_start3A_39 = arith.constant 0 : i32
        %dma_start3A_40 = tpu.memref_slice %arg4[%dma_start3A_39] : memref<50048xf32, #tpu.memory_space<vmem_shared>> -> memref<50048xf32, #tpu.memory_space<vmem_shared>>
        tpu.enqueue_indirect_dma source(%arg6 : memref<128xf32, #tpu.memory_space<vmem>>) target(%dma_start3A_40 : memref<50048xf32, #tpu.memory_space<vmem_shared>>) offsets(%dma_start3A_38 : memref<128xi32, #tpu.memory_space<vmem>>) semaphore(%run_scoped3A_36 : memref<!tpu.dma_semaphore, #tpu.memory_space<semaphore_mem>>) {add = true}
        %dma_wait3A = arith.constant 0 : i32
        %dma_wait3A_41 = tpu.memref_slice %arg5[%run_scoped3A_34, %dma_wait3A] : memref<4x128xi32, #tpu.memory_space<vmem>> -> memref<1x128xi32, #tpu.memory_space<vmem>>
        %dma_wait3A_42 = tpu.memref_squeeze %dma_wait3A_41 : memref<1x128xi32, #tpu.memory_space<vmem>> -> memref<128xi32, #tpu.memory_space<vmem>>
        %dma_wait3A_43 = arith.constant 0 : i32
        %dma_wait3A_44 = tpu.memref_slice %arg4[%dma_wait3A_43] : memref<50048xf32, #tpu.memory_space<vmem_shared>> -> memref<50048xf32, #tpu.memory_space<vmem_shared>>
        tpu.wait_indirect_dma semaphore(%run_scoped3A_36 : memref<!tpu.dma_semaphore, #tpu.memory_space<semaphore_mem>>) src(%arg6 : memref<128xf32, #tpu.memory_space<vmem>>) dst(%dma_wait3A_44 : memref<50048xf32, #tpu.memory_space<vmem_shared>>)
        tpu.yield
      }) : () -> ()
      %run_scoped3A_35 = arith.constant 3 : i32
      "tpu.region"() ({
        %run_scoped3A_36 = tpu.sem_alloc : memref<!tpu.dma_semaphore, #tpu.memory_space<semaphore_mem>>
        %dma_start3A = arith.constant 0 : i32
        %dma_start3A_37 = tpu.memref_slice %arg5[%run_scoped3A_35, %dma_start3A] : memref<4x128xi32, #tpu.memory_space<vmem>> -> memref<1x128xi32, #tpu.memory_space<vmem>>
        %dma_start3A_38 = tpu.memref_squeeze %dma_start3A_37 : memref<1x128xi32, #tpu.memory_space<vmem>> -> memref<128xi32, #tpu.memory_space<vmem>>
        %dma_start3A_39 = arith.constant 0 : i32
        %dma_start3A_40 = tpu.memref_slice %arg4[%dma_start3A_39] : memref<50048xf32, #tpu.memory_space<vmem_shared>> -> memref<50048xf32, #tpu.memory_space<vmem_shared>>
        tpu.enqueue_indirect_dma source(%arg6 : memref<128xf32, #tpu.memory_space<vmem>>) target(%dma_start3A_40 : memref<50048xf32, #tpu.memory_space<vmem_shared>>) offsets(%dma_start3A_38 : memref<128xi32, #tpu.memory_space<vmem>>) semaphore(%run_scoped3A_36 : memref<!tpu.dma_semaphore, #tpu.memory_space<semaphore_mem>>) {add = true}
        %dma_wait3A = arith.constant 0 : i32
        %dma_wait3A_41 = tpu.memref_slice %arg5[%run_scoped3A_35, %dma_wait3A] : memref<4x128xi32, #tpu.memory_space<vmem>> -> memref<1x128xi32, #tpu.memory_space<vmem>>
        %dma_wait3A_42 = tpu.memref_squeeze %dma_wait3A_41 : memref<1x128xi32, #tpu.memory_space<vmem>> -> memref<128xi32, #tpu.memory_space<vmem>>
        %dma_wait3A_43 = arith.constant 0 : i32
        %dma_wait3A_44 = tpu.memref_slice %arg4[%dma_wait3A_43] : memref<50048xf32, #tpu.memory_space<vmem_shared>> -> memref<50048xf32, #tpu.memory_space<vmem_shared>>
        tpu.wait_indirect_dma semaphore(%run_scoped3A_36 : memref<!tpu.dma_semaphore, #tpu.memory_space<semaphore_mem>>) src(%arg6 : memref<128xf32, #tpu.memory_space<vmem>>) dst(%dma_wait3A_44 : memref<50048xf32, #tpu.memory_space<vmem_shared>>)
        tpu.yield
      }) : () -> ()
    }
    %scan3A_14 = arith.constant 49 : i32
    %barrier3A_15 = arith.constant 0 : index
    tpu.barrier barrier_id(%barrier3A_15)
    %mul3A_16 = arith.constant 3128 : i32
    %mul3A_17 = arith.muli %arg1, %mul3A_16 : i32
    "tpu.region"() ({
      %run_scoped3A = tpu.sem_alloc : memref<!tpu.dma_semaphore, #tpu.memory_space<semaphore_mem>>
      %dma_start3A = tpu.memref_slice %arg4[%mul3A_17] : memref<50048xf32, #tpu.memory_space<vmem_shared>> -> memref<3128xf32, #tpu.memory_space<vmem_shared>>
      %dma_start3A_23 = tpu.memref_slice %arg4[%mul3A_17] : memref<50048xf32, #tpu.memory_space<vmem_shared>> -> memref<3128xf32, #tpu.memory_space<vmem_shared>>
      tpu.enqueue_dma source(%dma_start3A_23 : memref<3128xf32, #tpu.memory_space<vmem_shared>>) target(%arg8 : memref<3128xf32, #tpu.memory_space<vmem>>) target_semaphore(%run_scoped3A : memref<!tpu.dma_semaphore, #tpu.memory_space<semaphore_mem>>)
      %dma_wait3A = tpu.memref_slice %arg4[%mul3A_17] : memref<50048xf32, #tpu.memory_space<vmem_shared>> -> memref<3128xf32, #tpu.memory_space<vmem_shared>>
      %dma_wait3A_24 = tpu.memref_slice %arg4[%mul3A_17] : memref<50048xf32, #tpu.memory_space<vmem_shared>> -> memref<3128xf32, #tpu.memory_space<vmem_shared>>
      tpu.wait_dma2 semaphore(%run_scoped3A : memref<!tpu.dma_semaphore, #tpu.memory_space<semaphore_mem>>) src(%dma_wait3A_24 : memref<3128xf32, #tpu.memory_space<vmem_shared>>) dst(%arg8 : memref<3128xf32, #tpu.memory_space<vmem>>)
      tpu.yield
    }) : () -> ()
    %mul3A_18 = arith.constant 50048 : i32
    %mul3A_19 = arith.muli %arg0, %mul3A_18 : i32
    %mul3A_20 = arith.constant 3128 : i32
    %mul3A_21 = arith.muli %arg1, %mul3A_20 : i32
    %add3A_22 = arith.addi %mul3A_19, %mul3A_21 : i32
    "tpu.region"() ({
      %run_scoped3A = tpu.sem_alloc : memref<!tpu.dma_semaphore, #tpu.memory_space<semaphore_mem>>
      %dma_start3A = tpu.memref_slice %arg3[%add3A_22] : memref<100096xf32, #tpu.memory_space<hbm>> -> memref<3128xf32, #tpu.memory_space<hbm>>
      %dma_start3A_23 = tpu.memref_slice %arg3[%add3A_22] : memref<100096xf32, #tpu.memory_space<hbm>> -> memref<3128xf32, #tpu.memory_space<hbm>>
      tpu.enqueue_dma source(%arg8 : memref<3128xf32, #tpu.memory_space<vmem>>) target(%dma_start3A_23 : memref<3128xf32, #tpu.memory_space<hbm>>) target_semaphore(%run_scoped3A : memref<!tpu.dma_semaphore, #tpu.memory_space<semaphore_mem>>)
      %dma_wait3A = tpu.memref_slice %arg3[%add3A_22] : memref<100096xf32, #tpu.memory_space<hbm>> -> memref<3128xf32, #tpu.memory_space<hbm>>
      %dma_wait3A_24 = tpu.memref_slice %arg3[%add3A_22] : memref<100096xf32, #tpu.memory_space<hbm>> -> memref<3128xf32, #tpu.memory_space<hbm>>
      tpu.wait_dma2 semaphore(%run_scoped3A : memref<!tpu.dma_semaphore, #tpu.memory_space<semaphore_mem>>) src(%arg8 : memref<3128xf32, #tpu.memory_space<vmem>>) dst(%dma_wait3A_24 : memref<3128xf32, #tpu.memory_space<hbm>>)
      tpu.yield
    }) : () -> ()
    return
  }
}

#map = affine_map<(d0, d1) -> (0, 0)>
#map1 = affine_map<(d0, d1) -> (0, 0, 0)>
module attributes {stable_mosaic.version = 14 : i64} {
  func.func @_sc_agg_body(%arg0: i32, %arg1: i32, %arg2: memref<6272x128xi32, #tpu.memory_space<hbm>>, %arg3: memref<6272x128xi32, #tpu.memory_space<hbm>>, %arg4: memref<2x50048x32xf32, #tpu.memory_space<hbm>>, %arg5: memref<2x50048x32xf32, #tpu.memory_space<hbm>>, %arg6: memref<50048x32xf32, #tpu.memory_space<vmem_shared>>, %arg7: memref<2x128xi32, #tpu.memory_space<vmem>>, %arg8: memref<2x128xi32, #tpu.memory_space<vmem>>, %arg9: memref<2x128xi32, #tpu.memory_space<vmem>>, %arg10: memref<2x128xi32, #tpu.memory_space<vmem>>, %arg11: memref<2x128xi32, #tpu.memory_space<vmem>>, %arg12: memref<2x128xi32, #tpu.memory_space<vmem>>, %arg13: memref<2x128xi32, #tpu.memory_space<vmem>>, %arg14: memref<2x128xi32, #tpu.memory_space<vmem>>, %arg15: memref<256x32xf32, #tpu.memory_space<vmem>>, %arg16: memref<256x32xf32, #tpu.memory_space<vmem>>, %arg17: memref<64x32xf32, #tpu.memory_space<vmem>>, %arg18: memref<!tpu.dma_semaphore, #tpu.memory_space<semaphore_mem>>, %arg19: memref<!tpu.dma_semaphore, #tpu.memory_space<semaphore_mem>>, %arg20: memref<!tpu.dma_semaphore, #tpu.memory_space<semaphore_mem>>, %arg21: memref<!tpu.dma_semaphore, #tpu.memory_space<semaphore_mem>>, %arg22: memref<!tpu.dma_semaphore, #tpu.memory_space<semaphore_mem>>, %arg23: memref<!tpu.dma_semaphore, #tpu.memory_space<semaphore_mem>>) attributes {dimension_semantics = [#tpu.dimension_semantics<core_parallel>, #tpu.dimension_semantics<subcore_parallel>], iteration_bounds = array<i64: 2, 16>, scalar_prefetch = 0 : i64, scratch_operands = 18 : i64, tpu.core_type = #tpu.core_type<sc_vector_subcore>, window_params = [{transform_indices = #map}, {transform_indices = #map}, {transform_indices = #map1}, {transform_indices = #map1}]} {
    %scan3A = arith.constant 0 : i32
    %scan3A_0 = arith.constant 64 : i32
    %scan3A_1 = arith.addi %scan3A, %scan3A_0 : i32
    %scan3A_2 = arith.constant 1 : i32
    scf.for %scan3A_128 = %scan3A to %scan3A_1 step %scan3A_2  : i32 {
      %mul3A_129 = arith.constant 1 : i32
      %mul3A_130 = arith.muli %scan3A_128, %mul3A_129 : i32
      %add3A_131 = arith.constant 0 : i32
      %add3A_132 = arith.addi %add3A_131, %mul3A_130 : i32
      %broadcast_in_dim3A = arith.constant 0.000000e+00 : f32
      %broadcast_in_dim3A_133 = vector.broadcast %broadcast_in_dim3A : f32 to vector<16xf32>
      %swap3A = arith.index_cast %add3A_132 : i32 to index
      %swap3A_134 = arith.constant 0 : index
      %swap3A_135 = tpu.vector_load %arg17[%swap3A, %swap3A_134] {strides = array<i32>} : memref<64x32xf32, #tpu.memory_space<vmem>>, vector<1x16xf32>,
      %swap3A_136 = vector.shape_cast %swap3A_135 : vector<1x16xf32> to vector<16xf32>
      %swap3A_137 = vector.shape_cast %broadcast_in_dim3A_133 : vector<16xf32> to vector<1x16xf32>
      tpu.vector_store %arg17[%swap3A, %swap3A_134], %swap3A_137 {strides = array<i32>} : memref<64x32xf32, #tpu.memory_space<vmem>>, vector<1x16xf32>,
      %broadcast_in_dim3A_138 = arith.constant 0.000000e+00 : f32
      %broadcast_in_dim3A_139 = vector.broadcast %broadcast_in_dim3A_138 : f32 to vector<16xf32>
      %swap3A_140 = arith.index_cast %add3A_132 : i32 to index
      %swap3A_141 = arith.constant 16 : index
      %swap3A_142 = tpu.vector_load %arg17[%swap3A_140, %swap3A_141] {strides = array<i32>} : memref<64x32xf32, #tpu.memory_space<vmem>>, vector<1x16xf32>,
      %swap3A_143 = vector.shape_cast %swap3A_142 : vector<1x16xf32> to vector<16xf32>
      %swap3A_144 = vector.shape_cast %broadcast_in_dim3A_139 : vector<16xf32> to vector<1x16xf32>
      tpu.vector_store %arg17[%swap3A_140, %swap3A_141], %swap3A_144 {strides = array<i32>} : memref<64x32xf32, #tpu.memory_space<vmem>>, vector<1x16xf32>,
    }
    %scan3A_3 = arith.constant 64 : i32
    %scan3A_4 = arith.constant 0 : i32
    %scan3A_5 = arith.constant 49 : i32
    %scan3A_6 = arith.addi %scan3A_4, %scan3A_5 : i32
    %scan3A_7 = arith.constant 1 : i32
    scf.for %scan3A_128 = %scan3A_4 to %scan3A_6 step %scan3A_7  : i32 {
      %mul3A_129 = arith.constant 1 : i32
      %mul3A_130 = arith.muli %scan3A_128, %mul3A_129 : i32
      %add3A_131 = arith.constant 0 : i32
      %add3A_132 = arith.addi %add3A_131, %mul3A_130 : i32
      %mul3A_133 = arith.constant 16 : i32
      %mul3A_134 = arith.muli %mul3A_133, %add3A_132 : i32
      %add3A_135 = arith.addi %arg1, %mul3A_134 : i32
      %lt3A = arith.constant 782 : i32
      %lt3A_136 = arith.cmpi slt, %add3A_135, %lt3A : i32
      %convert_element_type3A = arith.extui %lt3A_136 : i1 to i32
      %cond3A = arith.constant 0 : i32
      %cond3A_137 = arith.cmpi ne, %convert_element_type3A, %cond3A : i32
      scf.if %cond3A_137 {
        %mul3A_138 = arith.constant 64 : i32
        %mul3A_139 = arith.muli %add3A_135, %mul3A_138 : i32
        "tpu.region"() ({
          %run_scoped3A = tpu.sem_alloc : memref<!tpu.dma_semaphore, #tpu.memory_space<semaphore_mem>>
          %dma_start3A_140 = arith.constant 0 : i32
          %dma_start3A_141 = tpu.memref_slice %arg6[%mul3A_139, %dma_start3A_140] : memref<50048x32xf32, #tpu.memory_space<vmem_shared>> -> memref<64x32xf32, #tpu.memory_space<vmem_shared>>
          %dma_start3A_142 = arith.constant 0 : i32
          %dma_start3A_143 = tpu.memref_slice %arg6[%mul3A_139, %dma_start3A_142] : memref<50048x32xf32, #tpu.memory_space<vmem_shared>> -> memref<64x32xf32, #tpu.memory_space<vmem_shared>>
          tpu.enqueue_dma source(%arg17 : memref<64x32xf32, #tpu.memory_space<vmem>>) target(%dma_start3A_143 : memref<64x32xf32, #tpu.memory_space<vmem_shared>>) target_semaphore(%run_scoped3A : memref<!tpu.dma_semaphore, #tpu.memory_space<semaphore_mem>>)
          %dma_wait3A_144 = arith.constant 0 : i32
          %dma_wait3A_145 = tpu.memref_slice %arg6[%mul3A_139, %dma_wait3A_144] : memref<50048x32xf32, #tpu.memory_space<vmem_shared>> -> memref<64x32xf32, #tpu.memory_space<vmem_shared>>
          %dma_wait3A_146 = arith.constant 0 : i32
          %dma_wait3A_147 = tpu.memref_slice %arg6[%mul3A_139, %dma_wait3A_146] : memref<50048x32xf32, #tpu.memory_space<vmem_shared>> -> memref<64x32xf32, #tpu.memory_space<vmem_shared>>
          tpu.wait_dma2 semaphore(%run_scoped3A : memref<!tpu.dma_semaphore, #tpu.memory_space<semaphore_mem>>) src(%arg17 : memref<64x32xf32, #tpu.memory_space<vmem>>) dst(%dma_wait3A_147 : memref<64x32xf32, #tpu.memory_space<vmem_shared>>)
          tpu.yield
        }) : () -> ()
      } else {
      }
    }
    %scan3A_8 = arith.constant 49 : i32
    %barrier3A = arith.constant 0 : index
    tpu.barrier barrier_id(%barrier3A)
    %mul3A = arith.constant 392 : i32
    %mul3A_9 = arith.muli %arg1, %mul3A : i32
    %add3A = arith.constant 0 : i32
    %add3A_10 = arith.addi %mul3A_9, %add3A : i32
    %dma_start3A = arith.constant 0 : i32
    %dma_start3A_11 = tpu.memref_slice %arg2[%add3A_10, %dma_start3A] : memref<6272x128xi32, #tpu.memory_space<hbm>> -> memref<2x128xi32, #tpu.memory_space<hbm>>
    %dma_start3A_12 = arith.constant 0 : i32
    %dma_start3A_13 = tpu.memref_slice %arg2[%add3A_10, %dma_start3A_12] : memref<6272x128xi32, #tpu.memory_space<hbm>> -> memref<2x128xi32, #tpu.memory_space<hbm>>
    tpu.enqueue_dma source(%dma_start3A_13 : memref<2x128xi32, #tpu.memory_space<hbm>>) target(%arg7 : memref<2x128xi32, #tpu.memory_space<vmem>>) target_semaphore(%arg18 : memref<!tpu.dma_semaphore, #tpu.memory_space<semaphore_mem>>)
    %dma_start3A_14 = arith.constant 0 : i32
    %dma_start3A_15 = tpu.memref_slice %arg3[%add3A_10, %dma_start3A_14] : memref<6272x128xi32, #tpu.memory_space<hbm>> -> memref<2x128xi32, #tpu.memory_space<hbm>>
    %dma_start3A_16 = arith.constant 0 : i32
    %dma_start3A_17 = tpu.memref_slice %arg3[%add3A_10, %dma_start3A_16] : memref<6272x128xi32, #tpu.memory_space<hbm>> -> memref<2x128xi32, #tpu.memory_space<hbm>>
    tpu.enqueue_dma source(%dma_start3A_17 : memref<2x128xi32, #tpu.memory_space<hbm>>) target(%arg8 : memref<2x128xi32, #tpu.memory_space<vmem>>) target_semaphore(%arg18 : memref<!tpu.dma_semaphore, #tpu.memory_space<semaphore_mem>>)
    %mul3A_18 = arith.constant 392 : i32
    %mul3A_19 = arith.muli %arg1, %mul3A_18 : i32
    %add3A_20 = arith.constant 2 : i32
    %add3A_21 = arith.addi %mul3A_19, %add3A_20 : i32
    %dma_start3A_22 = arith.constant 0 : i32
    %dma_start3A_23 = tpu.memref_slice %arg2[%add3A_21, %dma_start3A_22] : memref<6272x128xi32, #tpu.memory_space<hbm>> -> memref<2x128xi32, #tpu.memory_space<hbm>>
    %dma_start3A_24 = arith.constant 0 : i32
    %dma_start3A_25 = tpu.memref_slice %arg2[%add3A_21, %dma_start3A_24] : memref<6272x128xi32, #tpu.memory_space<hbm>> -> memref<2x128xi32, #tpu.memory_space<hbm>>
    tpu.enqueue_dma source(%dma_start3A_25 : memref<2x128xi32, #tpu.memory_space<hbm>>) target(%arg11 : memref<2x128xi32, #tpu.memory_space<vmem>>) target_semaphore(%arg19 : memref<!tpu.dma_semaphore, #tpu.memory_space<semaphore_mem>>)
    %dma_start3A_26 = arith.constant 0 : i32
    %dma_start3A_27 = tpu.memref_slice %arg3[%add3A_21, %dma_start3A_26] : memref<6272x128xi32, #tpu.memory_space<hbm>> -> memref<2x128xi32, #tpu.memory_space<hbm>>
    %dma_start3A_28 = arith.constant 0 : i32
    %dma_start3A_29 = tpu.memref_slice %arg3[%add3A_21, %dma_start3A_28] : memref<6272x128xi32, #tpu.memory_space<hbm>> -> memref<2x128xi32, #tpu.memory_space<hbm>>
    tpu.enqueue_dma source(%dma_start3A_29 : memref<2x128xi32, #tpu.memory_space<hbm>>) target(%arg12 : memref<2x128xi32, #tpu.memory_space<vmem>>) target_semaphore(%arg19 : memref<!tpu.dma_semaphore, #tpu.memory_space<semaphore_mem>>)
    %scan3A_30 = arith.constant 0 : i32
    %scan3A_31 = arith.constant 49 : i32
    %scan3A_32 = arith.addi %scan3A_30, %scan3A_31 : i32
    %scan3A_33 = arith.constant 1 : i32
    scf.for %scan3A_128 = %scan3A_30 to %scan3A_32 step %scan3A_33  : i32 {
      %mul3A_129 = arith.constant 1 : i32
      %mul3A_130 = arith.muli %scan3A_128, %mul3A_129 : i32
      %add3A_131 = arith.constant 0 : i32
      %add3A_132 = arith.addi %add3A_131, %mul3A_130 : i32
      %mul3A_133 = arith.constant 2 : i32
      %mul3A_134 = arith.muli %mul3A_133, %add3A_132 : i32
      %gt3A = arith.constant 0 : i32
      %gt3A_135 = arith.cmpi sgt, %mul3A_134, %gt3A : i32
      %convert_element_type3A = arith.extui %gt3A_135 : i1 to i32
      %cond3A = arith.constant 0 : i32
      %cond3A_136 = arith.cmpi ne, %convert_element_type3A, %cond3A : i32
      scf.if %cond3A_136 {
        %dma_wait3A_441 = arith.constant 0 : i32
        %dma_wait3A_442 = arith.constant 0 : i32
        %dma_wait3A_443 = arith.constant 0 : i32
        %dma_wait3A_444 = tpu.memref_slice %arg15[%dma_wait3A_442, %dma_wait3A_443] : memref<256x32xf32, #tpu.memory_space<vmem>> -> memref<128x32xf32, #tpu.memory_space<vmem>>
        %dma_wait3A_445 = arith.constant 0 : i32
        %dma_wait3A_446 = tpu.memref_slice %arg10[%dma_wait3A_441, %dma_wait3A_445] : memref<2x128xi32, #tpu.memory_space<vmem>> -> memref<1x128xi32, #tpu.memory_space<vmem>>
        %dma_wait3A_447 = tpu.memref_squeeze %dma_wait3A_446 : memref<1x128xi32, #tpu.memory_space<vmem>> -> memref<128xi32, #tpu.memory_space<vmem>>
        %dma_wait3A_448 = arith.constant 0 : i32
        %dma_wait3A_449 = arith.constant 0 : i32
        %dma_wait3A_450 = tpu.memref_slice %arg6[%dma_wait3A_448, %dma_wait3A_449] : memref<50048x32xf32, #tpu.memory_space<vmem_shared>> -> memref<50048x32xf32, #tpu.memory_space<vmem_shared>>
        tpu.wait_indirect_dma semaphore(%arg22 : memref<!tpu.dma_semaphore, #tpu.memory_space<semaphore_mem>>) src(%dma_wait3A_444 : memref<128x32xf32, #tpu.memory_space<vmem>>) dst(%dma_wait3A_450 : memref<50048x32xf32, #tpu.memory_space<vmem_shared>>)
        %dma_wait3A_451 = arith.constant 1 : i32
        %dma_wait3A_452 = arith.constant 128 : i32
        %dma_wait3A_453 = arith.constant 0 : i32
        %dma_wait3A_454 = tpu.memref_slice %arg15[%dma_wait3A_452, %dma_wait3A_453] : memref<256x32xf32, #tpu.memory_space<vmem>> -> memref<128x32xf32, #tpu.memory_space<vmem>>
        %dma_wait3A_455 = arith.constant 0 : i32
        %dma_wait3A_456 = tpu.memref_slice %arg10[%dma_wait3A_451, %dma_wait3A_455] : memref<2x128xi32, #tpu.memory_space<vmem>> -> memref<1x128xi32, #tpu.memory_space<vmem>>
        %dma_wait3A_457 = tpu.memref_squeeze %dma_wait3A_456 : memref<1x128xi32, #tpu.memory_space<vmem>> -> memref<128xi32, #tpu.memory_space<vmem>>
        %dma_wait3A_458 = arith.constant 0 : i32
        %dma_wait3A_459 = arith.constant 0 : i32
        %dma_wait3A_460 = tpu.memref_slice %arg6[%dma_wait3A_458, %dma_wait3A_459] : memref<50048x32xf32, #tpu.memory_space<vmem_shared>> -> memref<50048x32xf32, #tpu.memory_space<vmem_shared>>
        tpu.wait_indirect_dma semaphore(%arg22 : memref<!tpu.dma_semaphore, #tpu.memory_space<semaphore_mem>>) src(%dma_wait3A_454 : memref<128x32xf32, #tpu.memory_space<vmem>>) dst(%dma_wait3A_460 : memref<50048x32xf32, #tpu.memory_space<vmem_shared>>)
      } else {
      }
      %lt3A = arith.constant 97 : i32
      %lt3A_137 = arith.cmpi slt, %mul3A_134, %lt3A : i32
      %convert_element_type3A_138 = arith.extui %lt3A_137 : i1 to i32
      %cond3A_139 = arith.constant 0 : i32
      %cond3A_140 = arith.cmpi ne, %convert_element_type3A_138, %cond3A_139 : i32
      scf.if %cond3A_140 {
        %mul3A_441 = arith.constant 2 : i32
        %mul3A_442 = arith.muli %mul3A_441, %mul3A_134 : i32
        %add3A_443 = arith.constant 2 : i32
        %add3A_444 = arith.addi %mul3A_442, %add3A_443 : i32
        %mul3A_445 = arith.constant 392 : i32
        %mul3A_446 = arith.muli %arg1, %mul3A_445 : i32
        %mul3A_447 = arith.constant 2 : i32
        %mul3A_448 = arith.muli %add3A_444, %mul3A_447 : i32
        %add3A_449 = arith.addi %mul3A_446, %mul3A_448 : i32
        %dma_start3A_450 = arith.constant 0 : i32
        %dma_start3A_451 = tpu.memref_slice %arg2[%add3A_449, %dma_start3A_450] : memref<6272x128xi32, #tpu.memory_space<hbm>> -> memref<2x128xi32, #tpu.memory_space<hbm>>
        %dma_start3A_452 = arith.constant 0 : i32
        %dma_start3A_453 = tpu.memref_slice %arg2[%add3A_449, %dma_start3A_452] : memref<6272x128xi32, #tpu.memory_space<hbm>> -> memref<2x128xi32, #tpu.memory_space<hbm>>
        tpu.enqueue_dma source(%dma_start3A_453 : memref<2x128xi32, #tpu.memory_space<hbm>>) target(%arg9 : memref<2x128xi32, #tpu.memory_space<vmem>>) target_semaphore(%arg18 : memref<!tpu.dma_semaphore, #tpu.memory_space<semaphore_mem>>)
        %dma_start3A_454 = arith.constant 0 : i32
        %dma_start3A_455 = tpu.memref_slice %arg3[%add3A_449, %dma_start3A_454] : memref<6272x128xi32, #tpu.memory_space<hbm>> -> memref<2x128xi32, #tpu.memory_space<hbm>>
        %dma_start3A_456 = arith.constant 0 : i32
        %dma_start3A_457 = tpu.memref_slice %arg3[%add3A_449, %dma_start3A_456] : memref<6272x128xi32, #tpu.memory_space<hbm>> -> memref<2x128xi32, #tpu.memory_space<hbm>>
        tpu.enqueue_dma source(%dma_start3A_457 : memref<2x128xi32, #tpu.memory_space<hbm>>) target(%arg10 : memref<2x128xi32, #tpu.memory_space<vmem>>) target_semaphore(%arg18 : memref<!tpu.dma_semaphore, #tpu.memory_space<semaphore_mem>>)
      } else {
      }
      %gt3A_141 = arith.constant 0 : i32
      %gt3A_142 = arith.cmpi sgt, %mul3A_134, %gt3A_141 : i32
      %convert_element_type3A_143 = arith.extui %gt3A_142 : i1 to i32
      %cond3A_144 = arith.constant 0 : i32
      %cond3A_145 = arith.cmpi ne, %convert_element_type3A_143, %cond3A_144 : i32
      scf.if %cond3A_145 {
        %dma_wait3A_441 = arith.constant 0 : i32
        %dma_wait3A_442 = arith.constant 0 : i32
        %dma_wait3A_443 = arith.constant 0 : i32
        %dma_wait3A_444 = tpu.memref_slice %arg16[%dma_wait3A_442, %dma_wait3A_443] : memref<256x32xf32, #tpu.memory_space<vmem>> -> memref<128x32xf32, #tpu.memory_space<vmem>>
        %dma_wait3A_445 = arith.constant 0 : i32
        %dma_wait3A_446 = tpu.memref_slice %arg13[%dma_wait3A_441, %dma_wait3A_445] : memref<2x128xi32, #tpu.memory_space<vmem>> -> memref<1x128xi32, #tpu.memory_space<vmem>>
        %dma_wait3A_447 = tpu.memref_squeeze %dma_wait3A_446 : memref<1x128xi32, #tpu.memory_space<vmem>> -> memref<128xi32, #tpu.memory_space<vmem>>
        %dma_wait3A_448 = arith.constant 0 : i32
        %dma_wait3A_449 = arith.constant 0 : i32
        %dma_wait3A_450 = tpu.memref_slice %arg4[%arg0, %dma_wait3A_448, %dma_wait3A_449] : memref<2x50048x32xf32, #tpu.memory_space<hbm>> -> memref<1x50048x32xf32, #tpu.memory_space<hbm>>
        %dma_wait3A_451 = tpu.memref_squeeze %dma_wait3A_450 : memref<1x50048x32xf32, #tpu.memory_space<hbm>> -> memref<50048x32xf32, #tpu.memory_space<hbm>>
        %dma_wait3A_452 = arith.constant 0 : i32
        %dma_wait3A_453 = arith.constant 0 : i32
        %dma_wait3A_454 = tpu.memref_slice %dma_wait3A_451[%dma_wait3A_452, %dma_wait3A_453] : memref<50048x32xf32, #tpu.memory_space<hbm>> -> memref<50048x32xf32, #tpu.memory_space<hbm>>
        tpu.wait_indirect_dma semaphore(%arg21 : memref<!tpu.dma_semaphore, #tpu.memory_space<semaphore_mem>>) src(%dma_wait3A_454 : memref<50048x32xf32, #tpu.memory_space<hbm>>) dst(%dma_wait3A_444 : memref<128x32xf32, #tpu.memory_space<vmem>>)
        %dma_wait3A_455 = arith.constant 1 : i32
        %dma_wait3A_456 = arith.constant 128 : i32
        %dma_wait3A_457 = arith.constant 0 : i32
        %dma_wait3A_458 = tpu.memref_slice %arg16[%dma_wait3A_456, %dma_wait3A_457] : memref<256x32xf32, #tpu.memory_space<vmem>> -> memref<128x32xf32, #tpu.memory_space<vmem>>
        %dma_wait3A_459 = arith.constant 0 : i32
        %dma_wait3A_460 = tpu.memref_slice %arg13[%dma_wait3A_455, %dma_wait3A_459] : memref<2x128xi32, #tpu.memory_space<vmem>> -> memref<1x128xi32, #tpu.memory_space<vmem>>
        %dma_wait3A_461 = tpu.memref_squeeze %dma_wait3A_460 : memref<1x128xi32, #tpu.memory_space<vmem>> -> memref<128xi32, #tpu.memory_space<vmem>>
        %dma_wait3A_462 = arith.constant 0 : i32
        %dma_wait3A_463 = arith.constant 0 : i32
        %dma_wait3A_464 = tpu.memref_slice %arg4[%arg0, %dma_wait3A_462, %dma_wait3A_463] : memref<2x50048x32xf32, #tpu.memory_space<hbm>> -> memref<1x50048x32xf32, #tpu.memory_space<hbm>>
        %dma_wait3A_465 = tpu.memref_squeeze %dma_wait3A_464 : memref<1x50048x32xf32, #tpu.memory_space<hbm>> -> memref<50048x32xf32, #tpu.memory_space<hbm>>
        %dma_wait3A_466 = arith.constant 0 : i32
        %dma_wait3A_467 = arith.constant 0 : i32
        %dma_wait3A_468 = tpu.memref_slice %dma_wait3A_465[%dma_wait3A_466, %dma_wait3A_467] : memref<50048x32xf32, #tpu.memory_space<hbm>> -> memref<50048x32xf32, #tpu.memory_space<hbm>>
        tpu.wait_indirect_dma semaphore(%arg21 : memref<!tpu.dma_semaphore, #tpu.memory_space<semaphore_mem>>) src(%dma_wait3A_468 : memref<50048x32xf32, #tpu.memory_space<hbm>>) dst(%dma_wait3A_458 : memref<128x32xf32, #tpu.memory_space<vmem>>)
        %dma_start3A_469 = arith.constant 0 : i32
        %dma_start3A_470 = arith.constant 0 : i32
        %dma_start3A_471 = arith.constant 0 : i32
        %dma_start3A_472 = tpu.memref_slice %arg16[%dma_start3A_470, %dma_start3A_471] : memref<256x32xf32, #tpu.memory_space<vmem>> -> memref<128x32xf32, #tpu.memory_space<vmem>>
        %dma_start3A_473 = arith.constant 0 : i32
        %dma_start3A_474 = tpu.memref_slice %arg14[%dma_start3A_469, %dma_start3A_473] : memref<2x128xi32, #tpu.memory_space<vmem>> -> memref<1x128xi32, #tpu.memory_space<vmem>>
        %dma_start3A_475 = tpu.memref_squeeze %dma_start3A_474 : memref<1x128xi32, #tpu.memory_space<vmem>> -> memref<128xi32, #tpu.memory_space<vmem>>
        %dma_start3A_476 = arith.constant 0 : i32
        %dma_start3A_477 = arith.constant 0 : i32
        %dma_start3A_478 = tpu.memref_slice %arg6[%dma_start3A_476, %dma_start3A_477] : memref<50048x32xf32, #tpu.memory_space<vmem_shared>> -> memref<50048x32xf32, #tpu.memory_space<vmem_shared>>
        tpu.enqueue_indirect_dma source(%dma_start3A_472 : memref<128x32xf32, #tpu.memory_space<vmem>>) target(%dma_start3A_478 : memref<50048x32xf32, #tpu.memory_space<vmem_shared>>) offsets(%dma_start3A_475 : memref<128xi32, #tpu.memory_space<vmem>>) semaphore(%arg23 : memref<!tpu.dma_semaphore, #tpu.memory_space<semaphore_mem>>) {add = true}
        %dma_start3A_479 = arith.constant 1 : i32
        %dma_start3A_480 = arith.constant 128 : i32
        %dma_start3A_481 = arith.constant 0 : i32
        %dma_start3A_482 = tpu.memref_slice %arg16[%dma_start3A_480, %dma_start3A_481] : memref<256x32xf32, #tpu.memory_space<vmem>> -> memref<128x32xf32, #tpu.memory_space<vmem>>
        %dma_start3A_483 = arith.constant 0 : i32
        %dma_start3A_484 = tpu.memref_slice %arg14[%dma_start3A_479, %dma_start3A_483] : memref<2x128xi32, #tpu.memory_space<vmem>> -> memref<1x128xi32, #tpu.memory_space<vmem>>
        %dma_start3A_485 = tpu.memref_squeeze %dma_start3A_484 : memref<1x128xi32, #tpu.memory_space<vmem>> -> memref<128xi32, #tpu.memory_space<vmem>>
        %dma_start3A_486 = arith.constant 0 : i32
        %dma_start3A_487 = arith.constant 0 : i32
        %dma_start3A_488 = tpu.memref_slice %arg6[%dma_start3A_486, %dma_start3A_487] : memref<50048x32xf32, #tpu.memory_space<vmem_shared>> -> memref<50048x32xf32, #tpu.memory_space<vmem_shared>>
        tpu.enqueue_indirect_dma source(%dma_start3A_482 : memref<128x32xf32, #tpu.memory_space<vmem>>) target(%dma_start3A_488 : memref<50048x32xf32, #tpu.memory_space<vmem_shared>>) offsets(%dma_start3A_485 : memref<128xi32, #tpu.memory_space<vmem>>) semaphore(%arg23 : memref<!tpu.dma_semaphore, #tpu.memory_space<semaphore_mem>>) {add = true}
      } else {
      }
      %dma_wait3A_146 = arith.constant 0 : i32
      %dma_wait3A_147 = arith.constant 0 : i32
      %dma_wait3A_148 = tpu.memref_slice %arg2[%dma_wait3A_146, %dma_wait3A_147] : memref<6272x128xi32, #tpu.memory_space<hbm>> -> memref<2x128xi32, #tpu.memory_space<hbm>>
      %dma_wait3A_149 = arith.constant 0 : i32
      %dma_wait3A_150 = arith.constant 0 : i32
      %dma_wait3A_151 = tpu.memref_slice %arg2[%dma_wait3A_149, %dma_wait3A_150] : memref<6272x128xi32, #tpu.memory_space<hbm>> -> memref<2x128xi32, #tpu.memory_space<hbm>>
      tpu.wait_dma2 semaphore(%arg18 : memref<!tpu.dma_semaphore, #tpu.memory_space<semaphore_mem>>) src(%dma_wait3A_151 : memref<2x128xi32, #tpu.memory_space<hbm>>) dst(%arg7 : memref<2x128xi32, #tpu.memory_space<vmem>>)
      %dma_wait3A_152 = arith.constant 0 : i32
      %dma_wait3A_153 = arith.constant 0 : i32
      %dma_wait3A_154 = tpu.memref_slice %arg3[%dma_wait3A_152, %dma_wait3A_153] : memref<6272x128xi32, #tpu.memory_space<hbm>> -> memref<2x128xi32, #tpu.memory_space<hbm>>
      %dma_wait3A_155 = arith.constant 0 : i32
      %dma_wait3A_156 = arith.constant 0 : i32
      %dma_wait3A_157 = tpu.memref_slice %arg3[%dma_wait3A_155, %dma_wait3A_156] : memref<6272x128xi32, #tpu.memory_space<hbm>> -> memref<2x128xi32, #tpu.memory_space<hbm>>
      tpu.wait_dma2 semaphore(%arg18 : memref<!tpu.dma_semaphore, #tpu.memory_space<semaphore_mem>>) src(%dma_wait3A_157 : memref<2x128xi32, #tpu.memory_space<hbm>>) dst(%arg8 : memref<2x128xi32, #tpu.memory_space<vmem>>)
      %dma_start3A_158 = arith.constant 0 : i32
      %dma_start3A_159 = arith.constant 0 : i32
      %dma_start3A_160 = arith.constant 0 : i32
      %dma_start3A_161 = tpu.memref_slice %arg15[%dma_start3A_159, %dma_start3A_160] : memref<256x32xf32, #tpu.memory_space<vmem>> -> memref<128x32xf32, #tpu.memory_space<vmem>>
      %dma_start3A_162 = arith.constant 0 : i32
      %dma_start3A_163 = tpu.memref_slice %arg7[%dma_start3A_158, %dma_start3A_162] : memref<2x128xi32, #tpu.memory_space<vmem>> -> memref<1x128xi32, #tpu.memory_space<vmem>>
      %dma_start3A_164 = tpu.memref_squeeze %dma_start3A_163 : memref<1x128xi32, #tpu.memory_space<vmem>> -> memref<128xi32, #tpu.memory_space<vmem>>
      %dma_start3A_165 = arith.constant 0 : i32
      %dma_start3A_166 = arith.constant 0 : i32
      %dma_start3A_167 = tpu.memref_slice %arg4[%arg0, %dma_start3A_165, %dma_start3A_166] : memref<2x50048x32xf32, #tpu.memory_space<hbm>> -> memref<1x50048x32xf32, #tpu.memory_space<hbm>>
      %dma_start3A_168 = tpu.memref_squeeze %dma_start3A_167 : memref<1x50048x32xf32, #tpu.memory_space<hbm>> -> memref<50048x32xf32, #tpu.memory_space<hbm>>
      %dma_start3A_169 = arith.constant 0 : i32
      %dma_start3A_170 = arith.constant 0 : i32
      %dma_start3A_171 = tpu.memref_slice %dma_start3A_168[%dma_start3A_169, %dma_start3A_170] : memref<50048x32xf32, #tpu.memory_space<hbm>> -> memref<50048x32xf32, #tpu.memory_space<hbm>>
      tpu.enqueue_indirect_dma source(%dma_start3A_171 : memref<50048x32xf32, #tpu.memory_space<hbm>>) target(%dma_start3A_161 : memref<128x32xf32, #tpu.memory_space<vmem>>) offsets(%dma_start3A_164 : memref<128xi32, #tpu.memory_space<vmem>>) semaphore(%arg20 : memref<!tpu.dma_semaphore, #tpu.memory_space<semaphore_mem>>)
      %dma_start3A_172 = arith.constant 1 : i32
      %dma_start3A_173 = arith.constant 128 : i32
      %dma_start3A_174 = arith.constant 0 : i32
      %dma_start3A_175 = tpu.memref_slice %arg15[%dma_start3A_173, %dma_start3A_174] : memref<256x32xf32, #tpu.memory_space<vmem>> -> memref<128x32xf32, #tpu.memory_space<vmem>>
      %dma_start3A_176 = arith.constant 0 : i32
      %dma_start3A_177 = tpu.memref_slice %arg7[%dma_start3A_172, %dma_start3A_176] : memref<2x128xi32, #tpu.memory_space<vmem>> -> memref<1x128xi32, #tpu.memory_space<vmem>>
      %dma_start3A_178 = tpu.memref_squeeze %dma_start3A_177 : memref<1x128xi32, #tpu.memory_space<vmem>> -> memref<128xi32, #tpu.memory_space<vmem>>
      %dma_start3A_179 = arith.constant 0 : i32
      %dma_start3A_180 = arith.constant 0 : i32
      %dma_start3A_181 = tpu.memref_slice %arg4[%arg0, %dma_start3A_179, %dma_start3A_180] : memref<2x50048x32xf32, #tpu.memory_space<hbm>> -> memref<1x50048x32xf32, #tpu.memory_space<hbm>>
      %dma_start3A_182 = tpu.memref_squeeze %dma_start3A_181 : memref<1x50048x32xf32, #tpu.memory_space<hbm>> -> memref<50048x32xf32, #tpu.memory_space<hbm>>
      %dma_start3A_183 = arith.constant 0 : i32
      %dma_start3A_184 = arith.constant 0 : i32
      %dma_start3A_185 = tpu.memref_slice %dma_start3A_182[%dma_start3A_183, %dma_start3A_184] : memref<50048x32xf32, #tpu.memory_space<hbm>> -> memref<50048x32xf32, #tpu.memory_space<hbm>>
      tpu.enqueue_indirect_dma source(%dma_start3A_185 : memref<50048x32xf32, #tpu.memory_space<hbm>>) target(%dma_start3A_175 : memref<128x32xf32, #tpu.memory_space<vmem>>) offsets(%dma_start3A_178 : memref<128xi32, #tpu.memory_space<vmem>>) semaphore(%arg20 : memref<!tpu.dma_semaphore, #tpu.memory_space<semaphore_mem>>)
      %gt3A_186 = arith.constant 0 : i32
      %gt3A_187 = arith.cmpi sgt, %mul3A_134, %gt3A_186 : i32
      %convert_element_type3A_188 = arith.extui %gt3A_187 : i1 to i32
      %cond3A_189 = arith.constant 0 : i32
      %cond3A_190 = arith.cmpi ne, %convert_element_type3A_188, %cond3A_189 : i32
      scf.if %cond3A_190 {
        %dma_wait3A_441 = arith.constant 0 : i32
        %dma_wait3A_442 = arith.constant 0 : i32
        %dma_wait3A_443 = arith.constant 0 : i32
        %dma_wait3A_444 = tpu.memref_slice %arg16[%dma_wait3A_442, %dma_wait3A_443] : memref<256x32xf32, #tpu.memory_space<vmem>> -> memref<128x32xf32, #tpu.memory_space<vmem>>
        %dma_wait3A_445 = arith.constant 0 : i32
        %dma_wait3A_446 = tpu.memref_slice %arg14[%dma_wait3A_441, %dma_wait3A_445] : memref<2x128xi32, #tpu.memory_space<vmem>> -> memref<1x128xi32, #tpu.memory_space<vmem>>
        %dma_wait3A_447 = tpu.memref_squeeze %dma_wait3A_446 : memref<1x128xi32, #tpu.memory_space<vmem>> -> memref<128xi32, #tpu.memory_space<vmem>>
        %dma_wait3A_448 = arith.constant 0 : i32
        %dma_wait3A_449 = arith.constant 0 : i32
        %dma_wait3A_450 = tpu.memref_slice %arg6[%dma_wait3A_448, %dma_wait3A_449] : memref<50048x32xf32, #tpu.memory_space<vmem_shared>> -> memref<50048x32xf32, #tpu.memory_space<vmem_shared>>
        tpu.wait_indirect_dma semaphore(%arg23 : memref<!tpu.dma_semaphore, #tpu.memory_space<semaphore_mem>>) src(%dma_wait3A_444 : memref<128x32xf32, #tpu.memory_space<vmem>>) dst(%dma_wait3A_450 : memref<50048x32xf32, #tpu.memory_space<vmem_shared>>)
        %dma_wait3A_451 = arith.constant 1 : i32
        %dma_wait3A_452 = arith.constant 128 : i32
        %dma_wait3A_453 = arith.constant 0 : i32
        %dma_wait3A_454 = tpu.memref_slice %arg16[%dma_wait3A_452, %dma_wait3A_453] : memref<256x32xf32, #tpu.memory_space<vmem>> -> memref<128x32xf32, #tpu.memory_space<vmem>>
        %dma_wait3A_455 = arith.constant 0 : i32
        %dma_wait3A_456 = tpu.memref_slice %arg14[%dma_wait3A_451, %dma_wait3A_455] : memref<2x128xi32, #tpu.memory_space<vmem>> -> memref<1x128xi32, #tpu.memory_space<vmem>>
        %dma_wait3A_457 = tpu.memref_squeeze %dma_wait3A_456 : memref<1x128xi32, #tpu.memory_space<vmem>> -> memref<128xi32, #tpu.memory_space<vmem>>
        %dma_wait3A_458 = arith.constant 0 : i32
        %dma_wait3A_459 = arith.constant 0 : i32
        %dma_wait3A_460 = tpu.memref_slice %arg6[%dma_wait3A_458, %dma_wait3A_459] : memref<50048x32xf32, #tpu.memory_space<vmem_shared>> -> memref<50048x32xf32, #tpu.memory_space<vmem_shared>>
        tpu.wait_indirect_dma semaphore(%arg23 : memref<!tpu.dma_semaphore, #tpu.memory_space<semaphore_mem>>) src(%dma_wait3A_454 : memref<128x32xf32, #tpu.memory_space<vmem>>) dst(%dma_wait3A_460 : memref<50048x32xf32, #tpu.memory_space<vmem_shared>>)
      } else {
      }
      %lt3A_191 = arith.constant 97 : i32
      %lt3A_192 = arith.cmpi slt, %mul3A_134, %lt3A_191 : i32
      %convert_element_type3A_193 = arith.extui %lt3A_192 : i1 to i32
      %cond3A_194 = arith.constant 0 : i32
      %cond3A_195 = arith.cmpi ne, %convert_element_type3A_193, %cond3A_194 : i32
      scf.if %cond3A_195 {
        %mul3A_441 = arith.constant 2 : i32
        %mul3A_442 = arith.muli %mul3A_441, %mul3A_134 : i32
        %add3A_443 = arith.constant 3 : i32
        %add3A_444 = arith.addi %mul3A_442, %add3A_443 : i32
        %mul3A_445 = arith.constant 392 : i32
        %mul3A_446 = arith.muli %arg1, %mul3A_445 : i32
        %mul3A_447 = arith.constant 2 : i32
        %mul3A_448 = arith.muli %add3A_444, %mul3A_447 : i32
        %add3A_449 = arith.addi %mul3A_446, %mul3A_448 : i32
        %dma_start3A_450 = arith.constant 0 : i32
        %dma_start3A_451 = tpu.memref_slice %arg2[%add3A_449, %dma_start3A_450] : memref<6272x128xi32, #tpu.memory_space<hbm>> -> memref<2x128xi32, #tpu.memory_space<hbm>>
        %dma_start3A_452 = arith.constant 0 : i32
        %dma_start3A_453 = tpu.memref_slice %arg2[%add3A_449, %dma_start3A_452] : memref<6272x128xi32, #tpu.memory_space<hbm>> -> memref<2x128xi32, #tpu.memory_space<hbm>>
        tpu.enqueue_dma source(%dma_start3A_453 : memref<2x128xi32, #tpu.memory_space<hbm>>) target(%arg13 : memref<2x128xi32, #tpu.memory_space<vmem>>) target_semaphore(%arg19 : memref<!tpu.dma_semaphore, #tpu.memory_space<semaphore_mem>>)
        %dma_start3A_454 = arith.constant 0 : i32
        %dma_start3A_455 = tpu.memref_slice %arg3[%add3A_449, %dma_start3A_454] : memref<6272x128xi32, #tpu.memory_space<hbm>> -> memref<2x128xi32, #tpu.memory_space<hbm>>
        %dma_start3A_456 = arith.constant 0 : i32
        %dma_start3A_457 = tpu.memref_slice %arg3[%add3A_449, %dma_start3A_456] : memref<6272x128xi32, #tpu.memory_space<hbm>> -> memref<2x128xi32, #tpu.memory_space<hbm>>
        tpu.enqueue_dma source(%dma_start3A_457 : memref<2x128xi32, #tpu.memory_space<hbm>>) target(%arg14 : memref<2x128xi32, #tpu.memory_space<vmem>>) target_semaphore(%arg19 : memref<!tpu.dma_semaphore, #tpu.memory_space<semaphore_mem>>)
      } else {
      }
      %dma_wait3A_196 = arith.constant 0 : i32
      %dma_wait3A_197 = arith.constant 0 : i32
      %dma_wait3A_198 = tpu.memref_slice %arg2[%dma_wait3A_196, %dma_wait3A_197] : memref<6272x128xi32, #tpu.memory_space<hbm>> -> memref<2x128xi32, #tpu.memory_space<hbm>>
      %dma_wait3A_199 = arith.constant 0 : i32
      %dma_wait3A_200 = arith.constant 0 : i32
      %dma_wait3A_201 = tpu.memref_slice %arg2[%dma_wait3A_199, %dma_wait3A_200] : memref<6272x128xi32, #tpu.memory_space<hbm>> -> memref<2x128xi32, #tpu.memory_space<hbm>>
      tpu.wait_dma2 semaphore(%arg19 : memref<!tpu.dma_semaphore, #tpu.memory_space<semaphore_mem>>) src(%dma_wait3A_201 : memref<2x128xi32, #tpu.memory_space<hbm>>) dst(%arg11 : memref<2x128xi32, #tpu.memory_space<vmem>>)
      %dma_wait3A_202 = arith.constant 0 : i32
      %dma_wait3A_203 = arith.constant 0 : i32
      %dma_wait3A_204 = tpu.memref_slice %arg3[%dma_wait3A_202, %dma_wait3A_203] : memref<6272x128xi32, #tpu.memory_space<hbm>> -> memref<2x128xi32, #tpu.memory_space<hbm>>
      %dma_wait3A_205 = arith.constant 0 : i32
      %dma_wait3A_206 = arith.constant 0 : i32
      %dma_wait3A_207 = tpu.memref_slice %arg3[%dma_wait3A_205, %dma_wait3A_206] : memref<6272x128xi32, #tpu.memory_space<hbm>> -> memref<2x128xi32, #tpu.memory_space<hbm>>
      tpu.wait_dma2 semaphore(%arg19 : memref<!tpu.dma_semaphore, #tpu.memory_space<semaphore_mem>>) src(%dma_wait3A_207 : memref<2x128xi32, #tpu.memory_space<hbm>>) dst(%arg12 : memref<2x128xi32, #tpu.memory_space<vmem>>)
      %dma_start3A_208 = arith.constant 0 : i32
      %dma_start3A_209 = arith.constant 0 : i32
      %dma_start3A_210 = arith.constant 0 : i32
      %dma_start3A_211 = tpu.memref_slice %arg16[%dma_start3A_209, %dma_start3A_210] : memref<256x32xf32, #tpu.memory_space<vmem>> -> memref<128x32xf32, #tpu.memory_space<vmem>>
      %dma_start3A_212 = arith.constant 0 : i32
      %dma_start3A_213 = tpu.memref_slice %arg11[%dma_start3A_208, %dma_start3A_212] : memref<2x128xi32, #tpu.memory_space<vmem>> -> memref<1x128xi32, #tpu.memory_space<vmem>>
      %dma_start3A_214 = tpu.memref_squeeze %dma_start3A_213 : memref<1x128xi32, #tpu.memory_space<vmem>> -> memref<128xi32, #tpu.memory_space<vmem>>
      %dma_start3A_215 = arith.constant 0 : i32
      %dma_start3A_216 = arith.constant 0 : i32
      %dma_start3A_217 = tpu.memref_slice %arg4[%arg0, %dma_start3A_215, %dma_start3A_216] : memref<2x50048x32xf32, #tpu.memory_space<hbm>> -> memref<1x50048x32xf32, #tpu.memory_space<hbm>>
      %dma_start3A_218 = tpu.memref_squeeze %dma_start3A_217 : memref<1x50048x32xf32, #tpu.memory_space<hbm>> -> memref<50048x32xf32, #tpu.memory_space<hbm>>
      %dma_start3A_219 = arith.constant 0 : i32
      %dma_start3A_220 = arith.constant 0 : i32
      %dma_start3A_221 = tpu.memref_slice %dma_start3A_218[%dma_start3A_219, %dma_start3A_220] : memref<50048x32xf32, #tpu.memory_space<hbm>> -> memref<50048x32xf32, #tpu.memory_space<hbm>>
      tpu.enqueue_indirect_dma source(%dma_start3A_221 : memref<50048x32xf32, #tpu.memory_space<hbm>>) target(%dma_start3A_211 : memref<128x32xf32, #tpu.memory_space<vmem>>) offsets(%dma_start3A_214 : memref<128xi32, #tpu.memory_space<vmem>>) semaphore(%arg21 : memref<!tpu.dma_semaphore, #tpu.memory_space<semaphore_mem>>)
      %dma_start3A_222 = arith.constant 1 : i32
      %dma_start3A_223 = arith.constant 128 : i32
      %dma_start3A_224 = arith.constant 0 : i32
      %dma_start3A_225 = tpu.memref_slice %arg16[%dma_start3A_223, %dma_start3A_224] : memref<256x32xf32, #tpu.memory_space<vmem>> -> memref<128x32xf32, #tpu.memory_space<vmem>>
      %dma_start3A_226 = arith.constant 0 : i32
      %dma_start3A_227 = tpu.memref_slice %arg11[%dma_start3A_222, %dma_start3A_226] : memref<2x128xi32, #tpu.memory_space<vmem>> -> memref<1x128xi32, #tpu.memory_space<vmem>>
      %dma_start3A_228 = tpu.memref_squeeze %dma_start3A_227 : memref<1x128xi32, #tpu.memory_space<vmem>> -> memref<128xi32, #tpu.memory_space<vmem>>
      %dma_start3A_229 = arith.constant 0 : i32
      %dma_start3A_230 = arith.constant 0 : i32
      %dma_start3A_231 = tpu.memref_slice %arg4[%arg0, %dma_start3A_229, %dma_start3A_230] : memref<2x50048x32xf32, #tpu.memory_space<hbm>> -> memref<1x50048x32xf32, #tpu.memory_space<hbm>>
      %dma_start3A_232 = tpu.memref_squeeze %dma_start3A_231 : memref<1x50048x32xf32, #tpu.memory_space<hbm>> -> memref<50048x32xf32, #tpu.memory_space<hbm>>
      %dma_start3A_233 = arith.constant 0 : i32
      %dma_start3A_234 = arith.constant 0 : i32
      %dma_start3A_235 = tpu.memref_slice %dma_start3A_232[%dma_start3A_233, %dma_start3A_234] : memref<50048x32xf32, #tpu.memory_space<hbm>> -> memref<50048x32xf32, #tpu.memory_space<hbm>>
      tpu.enqueue_indirect_dma source(%dma_start3A_235 : memref<50048x32xf32, #tpu.memory_space<hbm>>) target(%dma_start3A_225 : memref<128x32xf32, #tpu.memory_space<vmem>>) offsets(%dma_start3A_228 : memref<128xi32, #tpu.memory_space<vmem>>) semaphore(%arg21 : memref<!tpu.dma_semaphore, #tpu.memory_space<semaphore_mem>>)
      %dma_wait3A_236 = arith.constant 0 : i32
      %dma_wait3A_237 = arith.constant 0 : i32
      %dma_wait3A_238 = arith.constant 0 : i32
      %dma_wait3A_239 = tpu.memref_slice %arg15[%dma_wait3A_237, %dma_wait3A_238] : memref<256x32xf32, #tpu.memory_space<vmem>> -> memref<128x32xf32, #tpu.memory_space<vmem>>
      %dma_wait3A_240 = arith.constant 0 : i32
      %dma_wait3A_241 = tpu.memref_slice %arg7[%dma_wait3A_236, %dma_wait3A_240] : memref<2x128xi32, #tpu.memory_space<vmem>> -> memref<1x128xi32, #tpu.memory_space<vmem>>
      %dma_wait3A_242 = tpu.memref_squeeze %dma_wait3A_241 : memref<1x128xi32, #tpu.memory_space<vmem>> -> memref<128xi32, #tpu.memory_space<vmem>>
      %dma_wait3A_243 = arith.constant 0 : i32
      %dma_wait3A_244 = arith.constant 0 : i32
      %dma_wait3A_245 = tpu.memref_slice %arg4[%arg0, %dma_wait3A_243, %dma_wait3A_244] : memref<2x50048x32xf32, #tpu.memory_space<hbm>> -> memref<1x50048x32xf32, #tpu.memory_space<hbm>>
      %dma_wait3A_246 = tpu.memref_squeeze %dma_wait3A_245 : memref<1x50048x32xf32, #tpu.memory_space<hbm>> -> memref<50048x32xf32, #tpu.memory_space<hbm>>
      %dma_wait3A_247 = arith.constant 0 : i32
      %dma_wait3A_248 = arith.constant 0 : i32
      %dma_wait3A_249 = tpu.memref_slice %dma_wait3A_246[%dma_wait3A_247, %dma_wait3A_248] : memref<50048x32xf32, #tpu.memory_space<hbm>> -> memref<50048x32xf32, #tpu.memory_space<hbm>>
      tpu.wait_indirect_dma semaphore(%arg20 : memref<!tpu.dma_semaphore, #tpu.memory_space<semaphore_mem>>) src(%dma_wait3A_249 : memref<50048x32xf32, #tpu.memory_space<hbm>>) dst(%dma_wait3A_239 : memref<128x32xf32, #tpu.memory_space<vmem>>)
      %dma_wait3A_250 = arith.constant 1 : i32
      %dma_wait3A_251 = arith.constant 128 : i32
      %dma_wait3A_252 = arith.constant 0 : i32
      %dma_wait3A_253 = tpu.memref_slice %arg15[%dma_wait3A_251, %dma_wait3A_252] : memref<256x32xf32, #tpu.memory_space<vmem>> -> memref<128x32xf32, #tpu.memory_space<vmem>>
      %dma_wait3A_254 = arith.constant 0 : i32
      %dma_wait3A_255 = tpu.memref_slice %arg7[%dma_wait3A_250, %dma_wait3A_254] : memref<2x128xi32, #tpu.memory_space<vmem>> -> memref<1x128xi32, #tpu.memory_space<vmem>>
      %dma_wait3A_256 = tpu.memref_squeeze %dma_wait3A_255 : memref<1x128xi32, #tpu.memory_space<vmem>> -> memref<128xi32, #tpu.memory_space<vmem>>
      %dma_wait3A_257 = arith.constant 0 : i32
      %dma_wait3A_258 = arith.constant 0 : i32
      %dma_wait3A_259 = tpu.memref_slice %arg4[%arg0, %dma_wait3A_257, %dma_wait3A_258] : memref<2x50048x32xf32, #tpu.memory_space<hbm>> -> memref<1x50048x32xf32, #tpu.memory_space<hbm>>
      %dma_wait3A_260 = tpu.memref_squeeze %dma_wait3A_259 : memref<1x50048x32xf32, #tpu.memory_space<hbm>> -> memref<50048x32xf32, #tpu.memory_space<hbm>>
      %dma_wait3A_261 = arith.constant 0 : i32
      %dma_wait3A_262 = arith.constant 0 : i32
      %dma_wait3A_263 = tpu.memref_slice %dma_wait3A_260[%dma_wait3A_261, %dma_wait3A_262] : memref<50048x32xf32, #tpu.memory_space<hbm>> -> memref<50048x32xf32, #tpu.memory_space<hbm>>
      tpu.wait_indirect_dma semaphore(%arg20 : memref<!tpu.dma_semaphore, #tpu.memory_space<semaphore_mem>>) src(%dma_wait3A_263 : memref<50048x32xf32, #tpu.memory_space<hbm>>) dst(%dma_wait3A_253 : memref<128x32xf32, #tpu.memory_space<vmem>>)
      %dma_start3A_264 = arith.constant 0 : i32
      %dma_start3A_265 = arith.constant 0 : i32
      %dma_start3A_266 = arith.constant 0 : i32
      %dma_start3A_267 = tpu.memref_slice %arg15[%dma_start3A_265, %dma_start3A_266] : memref<256x32xf32, #tpu.memory_space<vmem>> -> memref<128x32xf32, #tpu.memory_space<vmem>>
      %dma_start3A_268 = arith.constant 0 : i32
      %dma_start3A_269 = tpu.memref_slice %arg8[%dma_start3A_264, %dma_start3A_268] : memref<2x128xi32, #tpu.memory_space<vmem>> -> memref<1x128xi32, #tpu.memory_space<vmem>>
      %dma_start3A_270 = tpu.memref_squeeze %dma_start3A_269 : memref<1x128xi32, #tpu.memory_space<vmem>> -> memref<128xi32, #tpu.memory_space<vmem>>
      %dma_start3A_271 = arith.constant 0 : i32
      %dma_start3A_272 = arith.constant 0 : i32
      %dma_start3A_273 = tpu.memref_slice %arg6[%dma_start3A_271, %dma_start3A_272] : memref<50048x32xf32, #tpu.memory_space<vmem_shared>> -> memref<50048x32xf32, #tpu.memory_space<vmem_shared>>
      tpu.enqueue_indirect_dma source(%dma_start3A_267 : memref<128x32xf32, #tpu.memory_space<vmem>>) target(%dma_start3A_273 : memref<50048x32xf32, #tpu.memory_space<vmem_shared>>) offsets(%dma_start3A_270 : memref<128xi32, #tpu.memory_space<vmem>>) semaphore(%arg22 : memref<!tpu.dma_semaphore, #tpu.memory_space<semaphore_mem>>) {add = true}
      %dma_start3A_274 = arith.constant 1 : i32
      %dma_start3A_275 = arith.constant 128 : i32
      %dma_start3A_276 = arith.constant 0 : i32
      %dma_start3A_277 = tpu.memref_slice %arg15[%dma_start3A_275, %dma_start3A_276] : memref<256x32xf32, #tpu.memory_space<vmem>> -> memref<128x32xf32, #tpu.memory_space<vmem>>
      %dma_start3A_278 = arith.constant 0 : i32
      %dma_start3A_279 = tpu.memref_slice %arg8[%dma_start3A_274, %dma_start3A_278] : memref<2x128xi32, #tpu.memory_space<vmem>> -> memref<1x128xi32, #tpu.memory_space<vmem>>
      %dma_start3A_280 = tpu.memref_squeeze %dma_start3A_279 : memref<1x128xi32, #tpu.memory_space<vmem>> -> memref<128xi32, #tpu.memory_space<vmem>>
      %dma_start3A_281 = arith.constant 0 : i32
      %dma_start3A_282 = arith.constant 0 : i32
      %dma_start3A_283 = tpu.memref_slice %arg6[%dma_start3A_281, %dma_start3A_282] : memref<50048x32xf32, #tpu.memory_space<vmem_shared>> -> memref<50048x32xf32, #tpu.memory_space<vmem_shared>>
      tpu.enqueue_indirect_dma source(%dma_start3A_277 : memref<128x32xf32, #tpu.memory_space<vmem>>) target(%dma_start3A_283 : memref<50048x32xf32, #tpu.memory_space<vmem_shared>>) offsets(%dma_start3A_280 : memref<128xi32, #tpu.memory_space<vmem>>) semaphore(%arg22 : memref<!tpu.dma_semaphore, #tpu.memory_space<semaphore_mem>>) {add = true}
      %mul3A_284 = arith.constant 2 : i32
      %mul3A_285 = arith.muli %mul3A_284, %add3A_132 : i32
      %add3A_286 = arith.constant 1 : i32
      %add3A_287 = arith.addi %mul3A_285, %add3A_286 : i32
      %gt3A_288 = arith.constant 0 : i32
      %gt3A_289 = arith.cmpi sgt, %add3A_287, %gt3A_288 : i32
      %convert_element_type3A_290 = arith.extui %gt3A_289 : i1 to i32
      %cond3A_291 = arith.constant 0 : i32
      %cond3A_292 = arith.cmpi ne, %convert_element_type3A_290, %cond3A_291 : i32
      scf.if %cond3A_292 {
        %dma_wait3A_441 = arith.constant 0 : i32
        %dma_wait3A_442 = arith.constant 0 : i32
        %dma_wait3A_443 = arith.constant 0 : i32
        %dma_wait3A_444 = tpu.memref_slice %arg15[%dma_wait3A_442, %dma_wait3A_443] : memref<256x32xf32, #tpu.memory_space<vmem>> -> memref<128x32xf32, #tpu.memory_space<vmem>>
        %dma_wait3A_445 = arith.constant 0 : i32
        %dma_wait3A_446 = tpu.memref_slice %arg8[%dma_wait3A_441, %dma_wait3A_445] : memref<2x128xi32, #tpu.memory_space<vmem>> -> memref<1x128xi32, #tpu.memory_space<vmem>>
        %dma_wait3A_447 = tpu.memref_squeeze %dma_wait3A_446 : memref<1x128xi32, #tpu.memory_space<vmem>> -> memref<128xi32, #tpu.memory_space<vmem>>
        %dma_wait3A_448 = arith.constant 0 : i32
        %dma_wait3A_449 = arith.constant 0 : i32
        %dma_wait3A_450 = tpu.memref_slice %arg6[%dma_wait3A_448, %dma_wait3A_449] : memref<50048x32xf32, #tpu.memory_space<vmem_shared>> -> memref<50048x32xf32, #tpu.memory_space<vmem_shared>>
        tpu.wait_indirect_dma semaphore(%arg22 : memref<!tpu.dma_semaphore, #tpu.memory_space<semaphore_mem>>) src(%dma_wait3A_444 : memref<128x32xf32, #tpu.memory_space<vmem>>) dst(%dma_wait3A_450 : memref<50048x32xf32, #tpu.memory_space<vmem_shared>>)
        %dma_wait3A_451 = arith.constant 1 : i32
        %dma_wait3A_452 = arith.constant 128 : i32
        %dma_wait3A_453 = arith.constant 0 : i32
        %dma_wait3A_454 = tpu.memref_slice %arg15[%dma_wait3A_452, %dma_wait3A_453] : memref<256x32xf32, #tpu.memory_space<vmem>> -> memref<128x32xf32, #tpu.memory_space<vmem>>
        %dma_wait3A_455 = arith.constant 0 : i32
        %dma_wait3A_456 = tpu.memref_slice %arg8[%dma_wait3A_451, %dma_wait3A_455] : memref<2x128xi32, #tpu.memory_space<vmem>> -> memref<1x128xi32, #tpu.memory_space<vmem>>
        %dma_wait3A_457 = tpu.memref_squeeze %dma_wait3A_456 : memref<1x128xi32, #tpu.memory_space<vmem>> -> memref<128xi32, #tpu.memory_space<vmem>>
        %dma_wait3A_458 = arith.constant 0 : i32
        %dma_wait3A_459 = arith.constant 0 : i32
        %dma_wait3A_460 = tpu.memref_slice %arg6[%dma_wait3A_458, %dma_wait3A_459] : memref<50048x32xf32, #tpu.memory_space<vmem_shared>> -> memref<50048x32xf32, #tpu.memory_space<vmem_shared>>
        tpu.wait_indirect_dma semaphore(%arg22 : memref<!tpu.dma_semaphore, #tpu.memory_space<semaphore_mem>>) src(%dma_wait3A_454 : memref<128x32xf32, #tpu.memory_space<vmem>>) dst(%dma_wait3A_460 : memref<50048x32xf32, #tpu.memory_space<vmem_shared>>)
      } else {
      }
      %lt3A_293 = arith.constant 97 : i32
      %lt3A_294 = arith.cmpi slt, %add3A_287, %lt3A_293 : i32
      %convert_element_type3A_295 = arith.extui %lt3A_294 : i1 to i32
      %cond3A_296 = arith.constant 0 : i32
      %cond3A_297 = arith.cmpi ne, %convert_element_type3A_295, %cond3A_296 : i32
      scf.if %cond3A_297 {
        %mul3A_441 = arith.constant 2 : i32
        %mul3A_442 = arith.muli %mul3A_441, %add3A_287 : i32
        %add3A_443 = arith.constant 2 : i32
        %add3A_444 = arith.addi %mul3A_442, %add3A_443 : i32
        %mul3A_445 = arith.constant 392 : i32
        %mul3A_446 = arith.muli %arg1, %mul3A_445 : i32
        %mul3A_447 = arith.constant 2 : i32
        %mul3A_448 = arith.muli %add3A_444, %mul3A_447 : i32
        %add3A_449 = arith.addi %mul3A_446, %mul3A_448 : i32
        %dma_start3A_450 = arith.constant 0 : i32
        %dma_start3A_451 = tpu.memref_slice %arg2[%add3A_449, %dma_start3A_450] : memref<6272x128xi32, #tpu.memory_space<hbm>> -> memref<2x128xi32, #tpu.memory_space<hbm>>
        %dma_start3A_452 = arith.constant 0 : i32
        %dma_start3A_453 = tpu.memref_slice %arg2[%add3A_449, %dma_start3A_452] : memref<6272x128xi32, #tpu.memory_space<hbm>> -> memref<2x128xi32, #tpu.memory_space<hbm>>
        tpu.enqueue_dma source(%dma_start3A_453 : memref<2x128xi32, #tpu.memory_space<hbm>>) target(%arg7 : memref<2x128xi32, #tpu.memory_space<vmem>>) target_semaphore(%arg18 : memref<!tpu.dma_semaphore, #tpu.memory_space<semaphore_mem>>)
        %dma_start3A_454 = arith.constant 0 : i32
        %dma_start3A_455 = tpu.memref_slice %arg3[%add3A_449, %dma_start3A_454] : memref<6272x128xi32, #tpu.memory_space<hbm>> -> memref<2x128xi32, #tpu.memory_space<hbm>>
        %dma_start3A_456 = arith.constant 0 : i32
        %dma_start3A_457 = tpu.memref_slice %arg3[%add3A_449, %dma_start3A_456] : memref<6272x128xi32, #tpu.memory_space<hbm>> -> memref<2x128xi32, #tpu.memory_space<hbm>>
        tpu.enqueue_dma source(%dma_start3A_457 : memref<2x128xi32, #tpu.memory_space<hbm>>) target(%arg8 : memref<2x128xi32, #tpu.memory_space<vmem>>) target_semaphore(%arg18 : memref<!tpu.dma_semaphore, #tpu.memory_space<semaphore_mem>>)
      } else {
      }
      %gt3A_298 = arith.constant 0 : i32
      %gt3A_299 = arith.cmpi sgt, %add3A_287, %gt3A_298 : i32
      %convert_element_type3A_300 = arith.extui %gt3A_299 : i1 to i32
      %cond3A_301 = arith.constant 0 : i32
      %cond3A_302 = arith.cmpi ne, %convert_element_type3A_300, %cond3A_301 : i32
      scf.if %cond3A_302 {
        %dma_wait3A_441 = arith.constant 0 : i32
        %dma_wait3A_442 = arith.constant 0 : i32
        %dma_wait3A_443 = arith.constant 0 : i32
        %dma_wait3A_444 = tpu.memref_slice %arg16[%dma_wait3A_442, %dma_wait3A_443] : memref<256x32xf32, #tpu.memory_space<vmem>> -> memref<128x32xf32, #tpu.memory_space<vmem>>
        %dma_wait3A_445 = arith.constant 0 : i32
        %dma_wait3A_446 = tpu.memref_slice %arg11[%dma_wait3A_441, %dma_wait3A_445] : memref<2x128xi32, #tpu.memory_space<vmem>> -> memref<1x128xi32, #tpu.memory_space<vmem>>
        %dma_wait3A_447 = tpu.memref_squeeze %dma_wait3A_446 : memref<1x128xi32, #tpu.memory_space<vmem>> -> memref<128xi32, #tpu.memory_space<vmem>>
        %dma_wait3A_448 = arith.constant 0 : i32
        %dma_wait3A_449 = arith.constant 0 : i32
        %dma_wait3A_450 = tpu.memref_slice %arg4[%arg0, %dma_wait3A_448, %dma_wait3A_449] : memref<2x50048x32xf32, #tpu.memory_space<hbm>> -> memref<1x50048x32xf32, #tpu.memory_space<hbm>>
        %dma_wait3A_451 = tpu.memref_squeeze %dma_wait3A_450 : memref<1x50048x32xf32, #tpu.memory_space<hbm>> -> memref<50048x32xf32, #tpu.memory_space<hbm>>
        %dma_wait3A_452 = arith.constant 0 : i32
        %dma_wait3A_453 = arith.constant 0 : i32
        %dma_wait3A_454 = tpu.memref_slice %dma_wait3A_451[%dma_wait3A_452, %dma_wait3A_453] : memref<50048x32xf32, #tpu.memory_space<hbm>> -> memref<50048x32xf32, #tpu.memory_space<hbm>>
        tpu.wait_indirect_dma semaphore(%arg21 : memref<!tpu.dma_semaphore, #tpu.memory_space<semaphore_mem>>) src(%dma_wait3A_454 : memref<50048x32xf32, #tpu.memory_space<hbm>>) dst(%dma_wait3A_444 : memref<128x32xf32, #tpu.memory_space<vmem>>)
        %dma_wait3A_455 = arith.constant 1 : i32
        %dma_wait3A_456 = arith.constant 128 : i32
        %dma_wait3A_457 = arith.constant 0 : i32
        %dma_wait3A_458 = tpu.memref_slice %arg16[%dma_wait3A_456, %dma_wait3A_457] : memref<256x32xf32, #tpu.memory_space<vmem>> -> memref<128x32xf32, #tpu.memory_space<vmem>>
        %dma_wait3A_459 = arith.constant 0 : i32
        %dma_wait3A_460 = tpu.memref_slice %arg11[%dma_wait3A_455, %dma_wait3A_459] : memref<2x128xi32, #tpu.memory_space<vmem>> -> memref<1x128xi32, #tpu.memory_space<vmem>>
        %dma_wait3A_461 = tpu.memref_squeeze %dma_wait3A_460 : memref<1x128xi32, #tpu.memory_space<vmem>> -> memref<128xi32, #tpu.memory_space<vmem>>
        %dma_wait3A_462 = arith.constant 0 : i32
        %dma_wait3A_463 = arith.constant 0 : i32
        %dma_wait3A_464 = tpu.memref_slice %arg4[%arg0, %dma_wait3A_462, %dma_wait3A_463] : memref<2x50048x32xf32, #tpu.memory_space<hbm>> -> memref<1x50048x32xf32, #tpu.memory_space<hbm>>
        %dma_wait3A_465 = tpu.memref_squeeze %dma_wait3A_464 : memref<1x50048x32xf32, #tpu.memory_space<hbm>> -> memref<50048x32xf32, #tpu.memory_space<hbm>>
        %dma_wait3A_466 = arith.constant 0 : i32
        %dma_wait3A_467 = arith.constant 0 : i32
        %dma_wait3A_468 = tpu.memref_slice %dma_wait3A_465[%dma_wait3A_466, %dma_wait3A_467] : memref<50048x32xf32, #tpu.memory_space<hbm>> -> memref<50048x32xf32, #tpu.memory_space<hbm>>
        tpu.wait_indirect_dma semaphore(%arg21 : memref<!tpu.dma_semaphore, #tpu.memory_space<semaphore_mem>>) src(%dma_wait3A_468 : memref<50048x32xf32, #tpu.memory_space<hbm>>) dst(%dma_wait3A_458 : memref<128x32xf32, #tpu.memory_space<vmem>>)
        %dma_start3A_469 = arith.constant 0 : i32
        %dma_start3A_470 = arith.constant 0 : i32
        %dma_start3A_471 = arith.constant 0 : i32
        %dma_start3A_472 = tpu.memref_slice %arg16[%dma_start3A_470, %dma_start3A_471] : memref<256x32xf32, #tpu.memory_space<vmem>> -> memref<128x32xf32, #tpu.memory_space<vmem>>
        %dma_start3A_473 = arith.constant 0 : i32
        %dma_start3A_474 = tpu.memref_slice %arg12[%dma_start3A_469, %dma_start3A_473] : memref<2x128xi32, #tpu.memory_space<vmem>> -> memref<1x128xi32, #tpu.memory_space<vmem>>
        %dma_start3A_475 = tpu.memref_squeeze %dma_start3A_474 : memref<1x128xi32, #tpu.memory_space<vmem>> -> memref<128xi32, #tpu.memory_space<vmem>>
        %dma_start3A_476 = arith.constant 0 : i32
        %dma_start3A_477 = arith.constant 0 : i32
        %dma_start3A_478 = tpu.memref_slice %arg6[%dma_start3A_476, %dma_start3A_477] : memref<50048x32xf32, #tpu.memory_space<vmem_shared>> -> memref<50048x32xf32, #tpu.memory_space<vmem_shared>>
        tpu.enqueue_indirect_dma source(%dma_start3A_472 : memref<128x32xf32, #tpu.memory_space<vmem>>) target(%dma_start3A_478 : memref<50048x32xf32, #tpu.memory_space<vmem_shared>>) offsets(%dma_start3A_475 : memref<128xi32, #tpu.memory_space<vmem>>) semaphore(%arg23 : memref<!tpu.dma_semaphore, #tpu.memory_space<semaphore_mem>>) {add = true}
        %dma_start3A_479 = arith.constant 1 : i32
        %dma_start3A_480 = arith.constant 128 : i32
        %dma_start3A_481 = arith.constant 0 : i32
        %dma_start3A_482 = tpu.memref_slice %arg16[%dma_start3A_480, %dma_start3A_481] : memref<256x32xf32, #tpu.memory_space<vmem>> -> memref<128x32xf32, #tpu.memory_space<vmem>>
        %dma_start3A_483 = arith.constant 0 : i32
        %dma_start3A_484 = tpu.memref_slice %arg12[%dma_start3A_479, %dma_start3A_483] : memref<2x128xi32, #tpu.memory_space<vmem>> -> memref<1x128xi32, #tpu.memory_space<vmem>>
        %dma_start3A_485 = tpu.memref_squeeze %dma_start3A_484 : memref<1x128xi32, #tpu.memory_space<vmem>> -> memref<128xi32, #tpu.memory_space<vmem>>
        %dma_start3A_486 = arith.constant 0 : i32
        %dma_start3A_487 = arith.constant 0 : i32
        %dma_start3A_488 = tpu.memref_slice %arg6[%dma_start3A_486, %dma_start3A_487] : memref<50048x32xf32, #tpu.memory_space<vmem_shared>> -> memref<50048x32xf32, #tpu.memory_space<vmem_shared>>
        tpu.enqueue_indirect_dma source(%dma_start3A_482 : memref<128x32xf32, #tpu.memory_space<vmem>>) target(%dma_start3A_488 : memref<50048x32xf32, #tpu.memory_space<vmem_shared>>) offsets(%dma_start3A_485 : memref<128xi32, #tpu.memory_space<vmem>>) semaphore(%arg23 : memref<!tpu.dma_semaphore, #tpu.memory_space<semaphore_mem>>) {add = true}
      } else {
      }
      %dma_wait3A_303 = arith.constant 0 : i32
      %dma_wait3A_304 = arith.constant 0 : i32
      %dma_wait3A_305 = tpu.memref_slice %arg2[%dma_wait3A_303, %dma_wait3A_304] : memref<6272x128xi32, #tpu.memory_space<hbm>> -> memref<2x128xi32, #tpu.memory_space<hbm>>
      %dma_wait3A_306 = arith.constant 0 : i32
      %dma_wait3A_307 = arith.constant 0 : i32
      %dma_wait3A_308 = tpu.memref_slice %arg2[%dma_wait3A_306, %dma_wait3A_307] : memref<6272x128xi32, #tpu.memory_space<hbm>> -> memref<2x128xi32, #tpu.memory_space<hbm>>
      tpu.wait_dma2 semaphore(%arg18 : memref<!tpu.dma_semaphore, #tpu.memory_space<semaphore_mem>>) src(%dma_wait3A_308 : memref<2x128xi32, #tpu.memory_space<hbm>>) dst(%arg9 : memref<2x128xi32, #tpu.memory_space<vmem>>)
      %dma_wait3A_309 = arith.constant 0 : i32
      %dma_wait3A_310 = arith.constant 0 : i32
      %dma_wait3A_311 = tpu.memref_slice %arg3[%dma_wait3A_309, %dma_wait3A_310] : memref<6272x128xi32, #tpu.memory_space<hbm>> -> memref<2x128xi32, #tpu.memory_space<hbm>>
      %dma_wait3A_312 = arith.constant 0 : i32
      %dma_wait3A_313 = arith.constant 0 : i32
      %dma_wait3A_314 = tpu.memref_slice %arg3[%dma_wait3A_312, %dma_wait3A_313] : memref<6272x128xi32, #tpu.memory_space<hbm>> -> memref<2x128xi32, #tpu.memory_space<hbm>>
      tpu.wait_dma2 semaphore(%arg18 : memref<!tpu.dma_semaphore, #tpu.memory_space<semaphore_mem>>) src(%dma_wait3A_314 : memref<2x128xi32, #tpu.memory_space<hbm>>) dst(%arg10 : memref<2x128xi32, #tpu.memory_space<vmem>>)
      %dma_start3A_315 = arith.constant 0 : i32
      %dma_start3A_316 = arith.constant 0 : i32
      %dma_start3A_317 = arith.constant 0 : i32
      %dma_start3A_318 = tpu.memref_slice %arg15[%dma_start3A_316, %dma_start3A_317] : memref<256x32xf32, #tpu.memory_space<vmem>> -> memref<128x32xf32, #tpu.memory_space<vmem>>
      %dma_start3A_319 = arith.constant 0 : i32
      %dma_start3A_320 = tpu.memref_slice %arg9[%dma_start3A_315, %dma_start3A_319] : memref<2x128xi32, #tpu.memory_space<vmem>> -> memref<1x128xi32, #tpu.memory_space<vmem>>
      %dma_start3A_321 = tpu.memref_squeeze %dma_start3A_320 : memref<1x128xi32, #tpu.memory_space<vmem>> -> memref<128xi32, #tpu.memory_space<vmem>>
      %dma_start3A_322 = arith.constant 0 : i32
      %dma_start3A_323 = arith.constant 0 : i32
      %dma_start3A_324 = tpu.memref_slice %arg4[%arg0, %dma_start3A_322, %dma_start3A_323] : memref<2x50048x32xf32, #tpu.memory_space<hbm>> -> memref<1x50048x32xf32, #tpu.memory_space<hbm>>
      %dma_start3A_325 = tpu.memref_squeeze %dma_start3A_324 : memref<1x50048x32xf32, #tpu.memory_space<hbm>> -> memref<50048x32xf32, #tpu.memory_space<hbm>>
      %dma_start3A_326 = arith.constant 0 : i32
      %dma_start3A_327 = arith.constant 0 : i32
      %dma_start3A_328 = tpu.memref_slice %dma_start3A_325[%dma_start3A_326, %dma_start3A_327] : memref<50048x32xf32, #tpu.memory_space<hbm>> -> memref<50048x32xf32, #tpu.memory_space<hbm>>
      tpu.enqueue_indirect_dma source(%dma_start3A_328 : memref<50048x32xf32, #tpu.memory_space<hbm>>) target(%dma_start3A_318 : memref<128x32xf32, #tpu.memory_space<vmem>>) offsets(%dma_start3A_321 : memref<128xi32, #tpu.memory_space<vmem>>) semaphore(%arg20 : memref<!tpu.dma_semaphore, #tpu.memory_space<semaphore_mem>>)
      %dma_start3A_329 = arith.constant 1 : i32
      %dma_start3A_330 = arith.constant 128 : i32
      %dma_start3A_331 = arith.constant 0 : i32
      %dma_start3A_332 = tpu.memref_slice %arg15[%dma_start3A_330, %dma_start3A_331] : memref<256x32xf32, #tpu.memory_space<vmem>> -> memref<128x32xf32, #tpu.memory_space<vmem>>
      %dma_start3A_333 = arith.constant 0 : i32
      %dma_start3A_334 = tpu.memref_slice %arg9[%dma_start3A_329, %dma_start3A_333] : memref<2x128xi32, #tpu.memory_space<vmem>> -> memref<1x128xi32, #tpu.memory_space<vmem>>
      %dma_start3A_335 = tpu.memref_squeeze %dma_start3A_334 : memref<1x128xi32, #tpu.memory_space<vmem>> -> memref<128xi32, #tpu.memory_space<vmem>>
      %dma_start3A_336 = arith.constant 0 : i32
      %dma_start3A_337 = arith.constant 0 : i32
      %dma_start3A_338 = tpu.memref_slice %arg4[%arg0, %dma_start3A_336, %dma_start3A_337] : memref<2x50048x32xf32, #tpu.memory_space<hbm>> -> memref<1x50048x32xf32, #tpu.memory_space<hbm>>
      %dma_start3A_339 = tpu.memref_squeeze %dma_start3A_338 : memref<1x50048x32xf32, #tpu.memory_space<hbm>> -> memref<50048x32xf32, #tpu.memory_space<hbm>>
      %dma_start3A_340 = arith.constant 0 : i32
      %dma_start3A_341 = arith.constant 0 : i32
      %dma_start3A_342 = tpu.memref_slice %dma_start3A_339[%dma_start3A_340, %dma_start3A_341] : memref<50048x32xf32, #tpu.memory_space<hbm>> -> memref<50048x32xf32, #tpu.memory_space<hbm>>
      tpu.enqueue_indirect_dma source(%dma_start3A_342 : memref<50048x32xf32, #tpu.memory_space<hbm>>) target(%dma_start3A_332 : memref<128x32xf32, #tpu.memory_space<vmem>>) offsets(%dma_start3A_335 : memref<128xi32, #tpu.memory_space<vmem>>) semaphore(%arg20 : memref<!tpu.dma_semaphore, #tpu.memory_space<semaphore_mem>>)
      %gt3A_343 = arith.constant 0 : i32
      %gt3A_344 = arith.cmpi sgt, %add3A_287, %gt3A_343 : i32
      %convert_element_type3A_345 = arith.extui %gt3A_344 : i1 to i32
      %cond3A_346 = arith.constant 0 : i32
      %cond3A_347 = arith.cmpi ne, %convert_element_type3A_345, %cond3A_346 : i32
      scf.if %cond3A_347 {
        %dma_wait3A_441 = arith.constant 0 : i32
        %dma_wait3A_442 = arith.constant 0 : i32
        %dma_wait3A_443 = arith.constant 0 : i32
        %dma_wait3A_444 = tpu.memref_slice %arg16[%dma_wait3A_442, %dma_wait3A_443] : memref<256x32xf32, #tpu.memory_space<vmem>> -> memref<128x32xf32, #tpu.memory_space<vmem>>
        %dma_wait3A_445 = arith.constant 0 : i32
        %dma_wait3A_446 = tpu.memref_slice %arg12[%dma_wait3A_441, %dma_wait3A_445] : memref<2x128xi32, #tpu.memory_space<vmem>> -> memref<1x128xi32, #tpu.memory_space<vmem>>
        %dma_wait3A_447 = tpu.memref_squeeze %dma_wait3A_446 : memref<1x128xi32, #tpu.memory_space<vmem>> -> memref<128xi32, #tpu.memory_space<vmem>>
        %dma_wait3A_448 = arith.constant 0 : i32
        %dma_wait3A_449 = arith.constant 0 : i32
        %dma_wait3A_450 = tpu.memref_slice %arg6[%dma_wait3A_448, %dma_wait3A_449] : memref<50048x32xf32, #tpu.memory_space<vmem_shared>> -> memref<50048x32xf32, #tpu.memory_space<vmem_shared>>
        tpu.wait_indirect_dma semaphore(%arg23 : memref<!tpu.dma_semaphore, #tpu.memory_space<semaphore_mem>>) src(%dma_wait3A_444 : memref<128x32xf32, #tpu.memory_space<vmem>>) dst(%dma_wait3A_450 : memref<50048x32xf32, #tpu.memory_space<vmem_shared>>)
        %dma_wait3A_451 = arith.constant 1 : i32
        %dma_wait3A_452 = arith.constant 128 : i32
        %dma_wait3A_453 = arith.constant 0 : i32
        %dma_wait3A_454 = tpu.memref_slice %arg16[%dma_wait3A_452, %dma_wait3A_453] : memref<256x32xf32, #tpu.memory_space<vmem>> -> memref<128x32xf32, #tpu.memory_space<vmem>>
        %dma_wait3A_455 = arith.constant 0 : i32
        %dma_wait3A_456 = tpu.memref_slice %arg12[%dma_wait3A_451, %dma_wait3A_455] : memref<2x128xi32, #tpu.memory_space<vmem>> -> memref<1x128xi32, #tpu.memory_space<vmem>>
        %dma_wait3A_457 = tpu.memref_squeeze %dma_wait3A_456 : memref<1x128xi32, #tpu.memory_space<vmem>> -> memref<128xi32, #tpu.memory_space<vmem>>
        %dma_wait3A_458 = arith.constant 0 : i32
        %dma_wait3A_459 = arith.constant 0 : i32
        %dma_wait3A_460 = tpu.memref_slice %arg6[%dma_wait3A_458, %dma_wait3A_459] : memref<50048x32xf32, #tpu.memory_space<vmem_shared>> -> memref<50048x32xf32, #tpu.memory_space<vmem_shared>>
        tpu.wait_indirect_dma semaphore(%arg23 : memref<!tpu.dma_semaphore, #tpu.memory_space<semaphore_mem>>) src(%dma_wait3A_454 : memref<128x32xf32, #tpu.memory_space<vmem>>) dst(%dma_wait3A_460 : memref<50048x32xf32, #tpu.memory_space<vmem_shared>>)
      } else {
      }
      %lt3A_348 = arith.constant 97 : i32
      %lt3A_349 = arith.cmpi slt, %add3A_287, %lt3A_348 : i32
      %convert_element_type3A_350 = arith.extui %lt3A_349 : i1 to i32
      %cond3A_351 = arith.constant 0 : i32
      %cond3A_352 = arith.cmpi ne, %convert_element_type3A_350, %cond3A_351 : i32
      scf.if %cond3A_352 {
        %mul3A_441 = arith.constant 2 : i32
        %mul3A_442 = arith.muli %mul3A_441, %add3A_287 : i32
        %add3A_443 = arith.constant 3 : i32
        %add3A_444 = arith.addi %mul3A_442, %add3A_443 : i32
        %mul3A_445 = arith.constant 392 : i32
        %mul3A_446 = arith.muli %arg1, %mul3A_445 : i32
        %mul3A_447 = arith.constant 2 : i32
        %mul3A_448 = arith.muli %add3A_444, %mul3A_447 : i32
        %add3A_449 = arith.addi %mul3A_446, %mul3A_448 : i32
        %dma_start3A_450 = arith.constant 0 : i32
        %dma_start3A_451 = tpu.memref_slice %arg2[%add3A_449, %dma_start3A_450] : memref<6272x128xi32, #tpu.memory_space<hbm>> -> memref<2x128xi32, #tpu.memory_space<hbm>>
        %dma_start3A_452 = arith.constant 0 : i32
        %dma_start3A_453 = tpu.memref_slice %arg2[%add3A_449, %dma_start3A_452] : memref<6272x128xi32, #tpu.memory_space<hbm>> -> memref<2x128xi32, #tpu.memory_space<hbm>>
        tpu.enqueue_dma source(%dma_start3A_453 : memref<2x128xi32, #tpu.memory_space<hbm>>) target(%arg11 : memref<2x128xi32, #tpu.memory_space<vmem>>) target_semaphore(%arg19 : memref<!tpu.dma_semaphore, #tpu.memory_space<semaphore_mem>>)
        %dma_start3A_454 = arith.constant 0 : i32
        %dma_start3A_455 = tpu.memref_slice %arg3[%add3A_449, %dma_start3A_454] : memref<6272x128xi32, #tpu.memory_space<hbm>> -> memref<2x128xi32, #tpu.memory_space<hbm>>
        %dma_start3A_456 = arith.constant 0 : i32
        %dma_start3A_457 = tpu.memref_slice %arg3[%add3A_449, %dma_start3A_456] : memref<6272x128xi32, #tpu.memory_space<hbm>> -> memref<2x128xi32, #tpu.memory_space<hbm>>
        tpu.enqueue_dma source(%dma_start3A_457 : memref<2x128xi32, #tpu.memory_space<hbm>>) target(%arg12 : memref<2x128xi32, #tpu.memory_space<vmem>>) target_semaphore(%arg19 : memref<!tpu.dma_semaphore, #tpu.memory_space<semaphore_mem>>)
      } else {
      }
      %dma_wait3A_353 = arith.constant 0 : i32
      %dma_wait3A_354 = arith.constant 0 : i32
      %dma_wait3A_355 = tpu.memref_slice %arg2[%dma_wait3A_353, %dma_wait3A_354] : memref<6272x128xi32, #tpu.memory_space<hbm>> -> memref<2x128xi32, #tpu.memory_space<hbm>>
      %dma_wait3A_356 = arith.constant 0 : i32
      %dma_wait3A_357 = arith.constant 0 : i32
      %dma_wait3A_358 = tpu.memref_slice %arg2[%dma_wait3A_356, %dma_wait3A_357] : memref<6272x128xi32, #tpu.memory_space<hbm>> -> memref<2x128xi32, #tpu.memory_space<hbm>>
      tpu.wait_dma2 semaphore(%arg19 : memref<!tpu.dma_semaphore, #tpu.memory_space<semaphore_mem>>) src(%dma_wait3A_358 : memref<2x128xi32, #tpu.memory_space<hbm>>) dst(%arg13 : memref<2x128xi32, #tpu.memory_space<vmem>>)
      %dma_wait3A_359 = arith.constant 0 : i32
      %dma_wait3A_360 = arith.constant 0 : i32
      %dma_wait3A_361 = tpu.memref_slice %arg3[%dma_wait3A_359, %dma_wait3A_360] : memref<6272x128xi32, #tpu.memory_space<hbm>> -> memref<2x128xi32, #tpu.memory_space<hbm>>
      %dma_wait3A_362 = arith.constant 0 : i32
      %dma_wait3A_363 = arith.constant 0 : i32
      %dma_wait3A_364 = tpu.memref_slice %arg3[%dma_wait3A_362, %dma_wait3A_363] : memref<6272x128xi32, #tpu.memory_space<hbm>> -> memref<2x128xi32, #tpu.memory_space<hbm>>
      tpu.wait_dma2 semaphore(%arg19 : memref<!tpu.dma_semaphore, #tpu.memory_space<semaphore_mem>>) src(%dma_wait3A_364 : memref<2x128xi32, #tpu.memory_space<hbm>>) dst(%arg14 : memref<2x128xi32, #tpu.memory_space<vmem>>)
      %dma_start3A_365 = arith.constant 0 : i32
      %dma_start3A_366 = arith.constant 0 : i32
      %dma_start3A_367 = arith.constant 0 : i32
      %dma_start3A_368 = tpu.memref_slice %arg16[%dma_start3A_366, %dma_start3A_367] : memref<256x32xf32, #tpu.memory_space<vmem>> -> memref<128x32xf32, #tpu.memory_space<vmem>>
      %dma_start3A_369 = arith.constant 0 : i32
      %dma_start3A_370 = tpu.memref_slice %arg13[%dma_start3A_365, %dma_start3A_369] : memref<2x128xi32, #tpu.memory_space<vmem>> -> memref<1x128xi32, #tpu.memory_space<vmem>>
      %dma_start3A_371 = tpu.memref_squeeze %dma_start3A_370 : memref<1x128xi32, #tpu.memory_space<vmem>> -> memref<128xi32, #tpu.memory_space<vmem>>
      %dma_start3A_372 = arith.constant 0 : i32
      %dma_start3A_373 = arith.constant 0 : i32
      %dma_start3A_374 = tpu.memref_slice %arg4[%arg0, %dma_start3A_372, %dma_start3A_373] : memref<2x50048x32xf32, #tpu.memory_space<hbm>> -> memref<1x50048x32xf32, #tpu.memory_space<hbm>>
      %dma_start3A_375 = tpu.memref_squeeze %dma_start3A_374 : memref<1x50048x32xf32, #tpu.memory_space<hbm>> -> memref<50048x32xf32, #tpu.memory_space<hbm>>
      %dma_start3A_376 = arith.constant 0 : i32
      %dma_start3A_377 = arith.constant 0 : i32
      %dma_start3A_378 = tpu.memref_slice %dma_start3A_375[%dma_start3A_376, %dma_start3A_377] : memref<50048x32xf32, #tpu.memory_space<hbm>> -> memref<50048x32xf32, #tpu.memory_space<hbm>>
      tpu.enqueue_indirect_dma source(%dma_start3A_378 : memref<50048x32xf32, #tpu.memory_space<hbm>>) target(%dma_start3A_368 : memref<128x32xf32, #tpu.memory_space<vmem>>) offsets(%dma_start3A_371 : memref<128xi32, #tpu.memory_space<vmem>>) semaphore(%arg21 : memref<!tpu.dma_semaphore, #tpu.memory_space<semaphore_mem>>)
      %dma_start3A_379 = arith.constant 1 : i32
      %dma_start3A_380 = arith.constant 128 : i32
      %dma_start3A_381 = arith.constant 0 : i32
      %dma_start3A_382 = tpu.memref_slice %arg16[%dma_start3A_380, %dma_start3A_381] : memref<256x32xf32, #tpu.memory_space<vmem>> -> memref<128x32xf32, #tpu.memory_space<vmem>>
      %dma_start3A_383 = arith.constant 0 : i32
      %dma_start3A_384 = tpu.memref_slice %arg13[%dma_start3A_379, %dma_start3A_383] : memref<2x128xi32, #tpu.memory_space<vmem>> -> memref<1x128xi32, #tpu.memory_space<vmem>>
      %dma_start3A_385 = tpu.memref_squeeze %dma_start3A_384 : memref<1x128xi32, #tpu.memory_space<vmem>> -> memref<128xi32, #tpu.memory_space<vmem>>
      %dma_start3A_386 = arith.constant 0 : i32
      %dma_start3A_387 = arith.constant 0 : i32
      %dma_start3A_388 = tpu.memref_slice %arg4[%arg0, %dma_start3A_386, %dma_start3A_387] : memref<2x50048x32xf32, #tpu.memory_space<hbm>> -> memref<1x50048x32xf32, #tpu.memory_space<hbm>>
      %dma_start3A_389 = tpu.memref_squeeze %dma_start3A_388 : memref<1x50048x32xf32, #tpu.memory_space<hbm>> -> memref<50048x32xf32, #tpu.memory_space<hbm>>
      %dma_start3A_390 = arith.constant 0 : i32
      %dma_start3A_391 = arith.constant 0 : i32
      %dma_start3A_392 = tpu.memref_slice %dma_start3A_389[%dma_start3A_390, %dma_start3A_391] : memref<50048x32xf32, #tpu.memory_space<hbm>> -> memref<50048x32xf32, #tpu.memory_space<hbm>>
      tpu.enqueue_indirect_dma source(%dma_start3A_392 : memref<50048x32xf32, #tpu.memory_space<hbm>>) target(%dma_start3A_382 : memref<128x32xf32, #tpu.memory_space<vmem>>) offsets(%dma_start3A_385 : memref<128xi32, #tpu.memory_space<vmem>>) semaphore(%arg21 : memref<!tpu.dma_semaphore, #tpu.memory_space<semaphore_mem>>)
      %dma_wait3A_393 = arith.constant 0 : i32
      %dma_wait3A_394 = arith.constant 0 : i32
      %dma_wait3A_395 = arith.constant 0 : i32
      %dma_wait3A_396 = tpu.memref_slice %arg15[%dma_wait3A_394, %dma_wait3A_395] : memref<256x32xf32, #tpu.memory_space<vmem>> -> memref<128x32xf32, #tpu.memory_space<vmem>>
      %dma_wait3A_397 = arith.constant 0 : i32
      %dma_wait3A_398 = tpu.memref_slice %arg9[%dma_wait3A_393, %dma_wait3A_397] : memref<2x128xi32, #tpu.memory_space<vmem>> -> memref<1x128xi32, #tpu.memory_space<vmem>>
      %dma_wait3A_399 = tpu.memref_squeeze %dma_wait3A_398 : memref<1x128xi32, #tpu.memory_space<vmem>> -> memref<128xi32, #tpu.memory_space<vmem>>
      %dma_wait3A_400 = arith.constant 0 : i32
      %dma_wait3A_401 = arith.constant 0 : i32
      %dma_wait3A_402 = tpu.memref_slice %arg4[%arg0, %dma_wait3A_400, %dma_wait3A_401] : memref<2x50048x32xf32, #tpu.memory_space<hbm>> -> memref<1x50048x32xf32, #tpu.memory_space<hbm>>
      %dma_wait3A_403 = tpu.memref_squeeze %dma_wait3A_402 : memref<1x50048x32xf32, #tpu.memory_space<hbm>> -> memref<50048x32xf32, #tpu.memory_space<hbm>>
      %dma_wait3A_404 = arith.constant 0 : i32
      %dma_wait3A_405 = arith.constant 0 : i32
      %dma_wait3A_406 = tpu.memref_slice %dma_wait3A_403[%dma_wait3A_404, %dma_wait3A_405] : memref<50048x32xf32, #tpu.memory_space<hbm>> -> memref<50048x32xf32, #tpu.memory_space<hbm>>
      tpu.wait_indirect_dma semaphore(%arg20 : memref<!tpu.dma_semaphore, #tpu.memory_space<semaphore_mem>>) src(%dma_wait3A_406 : memref<50048x32xf32, #tpu.memory_space<hbm>>) dst(%dma_wait3A_396 : memref<128x32xf32, #tpu.memory_space<vmem>>)
      %dma_wait3A_407 = arith.constant 1 : i32
      %dma_wait3A_408 = arith.constant 128 : i32
      %dma_wait3A_409 = arith.constant 0 : i32
      %dma_wait3A_410 = tpu.memref_slice %arg15[%dma_wait3A_408, %dma_wait3A_409] : memref<256x32xf32, #tpu.memory_space<vmem>> -> memref<128x32xf32, #tpu.memory_space<vmem>>
      %dma_wait3A_411 = arith.constant 0 : i32
      %dma_wait3A_412 = tpu.memref_slice %arg9[%dma_wait3A_407, %dma_wait3A_411] : memref<2x128xi32, #tpu.memory_space<vmem>> -> memref<1x128xi32, #tpu.memory_space<vmem>>
      %dma_wait3A_413 = tpu.memref_squeeze %dma_wait3A_412 : memref<1x128xi32, #tpu.memory_space<vmem>> -> memref<128xi32, #tpu.memory_space<vmem>>
      %dma_wait3A_414 = arith.constant 0 : i32
      %dma_wait3A_415 = arith.constant 0 : i32
      %dma_wait3A_416 = tpu.memref_slice %arg4[%arg0, %dma_wait3A_414, %dma_wait3A_415] : memref<2x50048x32xf32, #tpu.memory_space<hbm>> -> memref<1x50048x32xf32, #tpu.memory_space<hbm>>
      %dma_wait3A_417 = tpu.memref_squeeze %dma_wait3A_416 : memref<1x50048x32xf32, #tpu.memory_space<hbm>> -> memref<50048x32xf32, #tpu.memory_space<hbm>>
      %dma_wait3A_418 = arith.constant 0 : i32
      %dma_wait3A_419 = arith.constant 0 : i32
      %dma_wait3A_420 = tpu.memref_slice %dma_wait3A_417[%dma_wait3A_418, %dma_wait3A_419] : memref<50048x32xf32, #tpu.memory_space<hbm>> -> memref<50048x32xf32, #tpu.memory_space<hbm>>
      tpu.wait_indirect_dma semaphore(%arg20 : memref<!tpu.dma_semaphore, #tpu.memory_space<semaphore_mem>>) src(%dma_wait3A_420 : memref<50048x32xf32, #tpu.memory_space<hbm>>) dst(%dma_wait3A_410 : memref<128x32xf32, #tpu.memory_space<vmem>>)
      %dma_start3A_421 = arith.constant 0 : i32
      %dma_start3A_422 = arith.constant 0 : i32
      %dma_start3A_423 = arith.constant 0 : i32
      %dma_start3A_424 = tpu.memref_slice %arg15[%dma_start3A_422, %dma_start3A_423] : memref<256x32xf32, #tpu.memory_space<vmem>> -> memref<128x32xf32, #tpu.memory_space<vmem>>
      %dma_start3A_425 = arith.constant 0 : i32
      %dma_start3A_426 = tpu.memref_slice %arg10[%dma_start3A_421, %dma_start3A_425] : memref<2x128xi32, #tpu.memory_space<vmem>> -> memref<1x128xi32, #tpu.memory_space<vmem>>
      %dma_start3A_427 = tpu.memref_squeeze %dma_start3A_426 : memref<1x128xi32, #tpu.memory_space<vmem>> -> memref<128xi32, #tpu.memory_space<vmem>>
      %dma_start3A_428 = arith.constant 0 : i32
      %dma_start3A_429 = arith.constant 0 : i32
      %dma_start3A_430 = tpu.memref_slice %arg6[%dma_start3A_428, %dma_start3A_429] : memref<50048x32xf32, #tpu.memory_space<vmem_shared>> -> memref<50048x32xf32, #tpu.memory_space<vmem_shared>>
      tpu.enqueue_indirect_dma source(%dma_start3A_424 : memref<128x32xf32, #tpu.memory_space<vmem>>) target(%dma_start3A_430 : memref<50048x32xf32, #tpu.memory_space<vmem_shared>>) offsets(%dma_start3A_427 : memref<128xi32, #tpu.memory_space<vmem>>) semaphore(%arg22 : memref<!tpu.dma_semaphore, #tpu.memory_space<semaphore_mem>>) {add = true}
      %dma_start3A_431 = arith.constant 1 : i32
      %dma_start3A_432 = arith.constant 128 : i32
      %dma_start3A_433 = arith.constant 0 : i32
      %dma_start3A_434 = tpu.memref_slice %arg15[%dma_start3A_432, %dma_start3A_433] : memref<256x32xf32, #tpu.memory_space<vmem>> -> memref<128x32xf32, #tpu.memory_space<vmem>>
      %dma_start3A_435 = arith.constant 0 : i32
      %dma_start3A_436 = tpu.memref_slice %arg10[%dma_start3A_431, %dma_start3A_435] : memref<2x128xi32, #tpu.memory_space<vmem>> -> memref<1x128xi32, #tpu.memory_space<vmem>>
      %dma_start3A_437 = tpu.memref_squeeze %dma_start3A_436 : memref<1x128xi32, #tpu.memory_space<vmem>> -> memref<128xi32, #tpu.memory_space<vmem>>
      %dma_start3A_438 = arith.constant 0 : i32
      %dma_start3A_439 = arith.constant 0 : i32
      %dma_start3A_440 = tpu.memref_slice %arg6[%dma_start3A_438, %dma_start3A_439] : memref<50048x32xf32, #tpu.memory_space<vmem_shared>> -> memref<50048x32xf32, #tpu.memory_space<vmem_shared>>
      tpu.enqueue_indirect_dma source(%dma_start3A_434 : memref<128x32xf32, #tpu.memory_space<vmem>>) target(%dma_start3A_440 : memref<50048x32xf32, #tpu.memory_space<vmem_shared>>) offsets(%dma_start3A_437 : memref<128xi32, #tpu.memory_space<vmem>>) semaphore(%arg22 : memref<!tpu.dma_semaphore, #tpu.memory_space<semaphore_mem>>) {add = true}
    }
    %scan3A_34 = arith.constant 49 : i32
    %dma_wait3A = arith.constant 0 : i32
    %dma_wait3A_35 = arith.constant 0 : i32
    %dma_wait3A_36 = arith.constant 0 : i32
    %dma_wait3A_37 = tpu.memref_slice %arg16[%dma_wait3A_35, %dma_wait3A_36] : memref<256x32xf32, #tpu.memory_space<vmem>> -> memref<128x32xf32, #tpu.memory_space<vmem>>
    %dma_wait3A_38 = arith.constant 0 : i32
    %dma_wait3A_39 = tpu.memref_slice %arg13[%dma_wait3A, %dma_wait3A_38] : memref<2x128xi32, #tpu.memory_space<vmem>> -> memref<1x128xi32, #tpu.memory_space<vmem>>
    %dma_wait3A_40 = tpu.memref_squeeze %dma_wait3A_39 : memref<1x128xi32, #tpu.memory_space<vmem>> -> memref<128xi32, #tpu.memory_space<vmem>>
    %dma_wait3A_41 = arith.constant 0 : i32
    %dma_wait3A_42 = arith.constant 0 : i32
    %dma_wait3A_43 = tpu.memref_slice %arg4[%arg0, %dma_wait3A_41, %dma_wait3A_42] : memref<2x50048x32xf32, #tpu.memory_space<hbm>> -> memref<1x50048x32xf32, #tpu.memory_space<hbm>>
    %dma_wait3A_44 = tpu.memref_squeeze %dma_wait3A_43 : memref<1x50048x32xf32, #tpu.memory_space<hbm>> -> memref<50048x32xf32, #tpu.memory_space<hbm>>
    %dma_wait3A_45 = arith.constant 0 : i32
    %dma_wait3A_46 = arith.constant 0 : i32
    %dma_wait3A_47 = tpu.memref_slice %dma_wait3A_44[%dma_wait3A_45, %dma_wait3A_46] : memref<50048x32xf32, #tpu.memory_space<hbm>> -> memref<50048x32xf32, #tpu.memory_space<hbm>>
    tpu.wait_indirect_dma semaphore(%arg21 : memref<!tpu.dma_semaphore, #tpu.memory_space<semaphore_mem>>) src(%dma_wait3A_47 : memref<50048x32xf32, #tpu.memory_space<hbm>>) dst(%dma_wait3A_37 : memref<128x32xf32, #tpu.memory_space<vmem>>)
    %dma_wait3A_48 = arith.constant 1 : i32
    %dma_wait3A_49 = arith.constant 128 : i32
    %dma_wait3A_50 = arith.constant 0 : i32
    %dma_wait3A_51 = tpu.memref_slice %arg16[%dma_wait3A_49, %dma_wait3A_50] : memref<256x32xf32, #tpu.memory_space<vmem>> -> memref<128x32xf32, #tpu.memory_space<vmem>>
    %dma_wait3A_52 = arith.constant 0 : i32
    %dma_wait3A_53 = tpu.memref_slice %arg13[%dma_wait3A_48, %dma_wait3A_52] : memref<2x128xi32, #tpu.memory_space<vmem>> -> memref<1x128xi32, #tpu.memory_space<vmem>>
    %dma_wait3A_54 = tpu.memref_squeeze %dma_wait3A_53 : memref<1x128xi32, #tpu.memory_space<vmem>> -> memref<128xi32, #tpu.memory_space<vmem>>
    %dma_wait3A_55 = arith.constant 0 : i32
    %dma_wait3A_56 = arith.constant 0 : i32
    %dma_wait3A_57 = tpu.memref_slice %arg4[%arg0, %dma_wait3A_55, %dma_wait3A_56] : memref<2x50048x32xf32, #tpu.memory_space<hbm>> -> memref<1x50048x32xf32, #tpu.memory_space<hbm>>
    %dma_wait3A_58 = tpu.memref_squeeze %dma_wait3A_57 : memref<1x50048x32xf32, #tpu.memory_space<hbm>> -> memref<50048x32xf32, #tpu.memory_space<hbm>>
    %dma_wait3A_59 = arith.constant 0 : i32
    %dma_wait3A_60 = arith.constant 0 : i32
    %dma_wait3A_61 = tpu.memref_slice %dma_wait3A_58[%dma_wait3A_59, %dma_wait3A_60] : memref<50048x32xf32, #tpu.memory_space<hbm>> -> memref<50048x32xf32, #tpu.memory_space<hbm>>
    tpu.wait_indirect_dma semaphore(%arg21 : memref<!tpu.dma_semaphore, #tpu.memory_space<semaphore_mem>>) src(%dma_wait3A_61 : memref<50048x32xf32, #tpu.memory_space<hbm>>) dst(%dma_wait3A_51 : memref<128x32xf32, #tpu.memory_space<vmem>>)
    %dma_start3A_62 = arith.constant 0 : i32
    %dma_start3A_63 = arith.constant 0 : i32
    %dma_start3A_64 = arith.constant 0 : i32
    %dma_start3A_65 = tpu.memref_slice %arg16[%dma_start3A_63, %dma_start3A_64] : memref<256x32xf32, #tpu.memory_space<vmem>> -> memref<128x32xf32, #tpu.memory_space<vmem>>
    %dma_start3A_66 = arith.constant 0 : i32
    %dma_start3A_67 = tpu.memref_slice %arg14[%dma_start3A_62, %dma_start3A_66] : memref<2x128xi32, #tpu.memory_space<vmem>> -> memref<1x128xi32, #tpu.memory_space<vmem>>
    %dma_start3A_68 = tpu.memref_squeeze %dma_start3A_67 : memref<1x128xi32, #tpu.memory_space<vmem>> -> memref<128xi32, #tpu.memory_space<vmem>>
    %dma_start3A_69 = arith.constant 0 : i32
    %dma_start3A_70 = arith.constant 0 : i32
    %dma_start3A_71 = tpu.memref_slice %arg6[%dma_start3A_69, %dma_start3A_70] : memref<50048x32xf32, #tpu.memory_space<vmem_shared>> -> memref<50048x32xf32, #tpu.memory_space<vmem_shared>>
    tpu.enqueue_indirect_dma source(%dma_start3A_65 : memref<128x32xf32, #tpu.memory_space<vmem>>) target(%dma_start3A_71 : memref<50048x32xf32, #tpu.memory_space<vmem_shared>>) offsets(%dma_start3A_68 : memref<128xi32, #tpu.memory_space<vmem>>) semaphore(%arg23 : memref<!tpu.dma_semaphore, #tpu.memory_space<semaphore_mem>>) {add = true}
    %dma_start3A_72 = arith.constant 1 : i32
    %dma_start3A_73 = arith.constant 128 : i32
    %dma_start3A_74 = arith.constant 0 : i32
    %dma_start3A_75 = tpu.memref_slice %arg16[%dma_start3A_73, %dma_start3A_74] : memref<256x32xf32, #tpu.memory_space<vmem>> -> memref<128x32xf32, #tpu.memory_space<vmem>>
    %dma_start3A_76 = arith.constant 0 : i32
    %dma_start3A_77 = tpu.memref_slice %arg14[%dma_start3A_72, %dma_start3A_76] : memref<2x128xi32, #tpu.memory_space<vmem>> -> memref<1x128xi32, #tpu.memory_space<vmem>>
    %dma_start3A_78 = tpu.memref_squeeze %dma_start3A_77 : memref<1x128xi32, #tpu.memory_space<vmem>> -> memref<128xi32, #tpu.memory_space<vmem>>
    %dma_start3A_79 = arith.constant 0 : i32
    %dma_start3A_80 = arith.constant 0 : i32
    %dma_start3A_81 = tpu.memref_slice %arg6[%dma_start3A_79, %dma_start3A_80] : memref<50048x32xf32, #tpu.memory_space<vmem_shared>> -> memref<50048x32xf32, #tpu.memory_space<vmem_shared>>
    tpu.enqueue_indirect_dma source(%dma_start3A_75 : memref<128x32xf32, #tpu.memory_space<vmem>>) target(%dma_start3A_81 : memref<50048x32xf32, #tpu.memory_space<vmem_shared>>) offsets(%dma_start3A_78 : memref<128xi32, #tpu.memory_space<vmem>>) semaphore(%arg23 : memref<!tpu.dma_semaphore, #tpu.memory_space<semaphore_mem>>) {add = true}
    %dma_wait3A_82 = arith.constant 0 : i32
    %dma_wait3A_83 = arith.constant 0 : i32
    %dma_wait3A_84 = arith.constant 0 : i32
    %dma_wait3A_85 = tpu.memref_slice %arg15[%dma_wait3A_83, %dma_wait3A_84] : memref<256x32xf32, #tpu.memory_space<vmem>> -> memref<128x32xf32, #tpu.memory_space<vmem>>
    %dma_wait3A_86 = arith.constant 0 : i32
    %dma_wait3A_87 = tpu.memref_slice %arg10[%dma_wait3A_82, %dma_wait3A_86] : memref<2x128xi32, #tpu.memory_space<vmem>> -> memref<1x128xi32, #tpu.memory_space<vmem>>
    %dma_wait3A_88 = tpu.memref_squeeze %dma_wait3A_87 : memref<1x128xi32, #tpu.memory_space<vmem>> -> memref<128xi32, #tpu.memory_space<vmem>>
    %dma_wait3A_89 = arith.constant 0 : i32
    %dma_wait3A_90 = arith.constant 0 : i32
    %dma_wait3A_91 = tpu.memref_slice %arg6[%dma_wait3A_89, %dma_wait3A_90] : memref<50048x32xf32, #tpu.memory_space<vmem_shared>> -> memref<50048x32xf32, #tpu.memory_space<vmem_shared>>
    tpu.wait_indirect_dma semaphore(%arg22 : memref<!tpu.dma_semaphore, #tpu.memory_space<semaphore_mem>>) src(%dma_wait3A_85 : memref<128x32xf32, #tpu.memory_space<vmem>>) dst(%dma_wait3A_91 : memref<50048x32xf32, #tpu.memory_space<vmem_shared>>)
    %dma_wait3A_92 = arith.constant 1 : i32
    %dma_wait3A_93 = arith.constant 128 : i32
    %dma_wait3A_94 = arith.constant 0 : i32
    %dma_wait3A_95 = tpu.memref_slice %arg15[%dma_wait3A_93, %dma_wait3A_94] : memref<256x32xf32, #tpu.memory_space<vmem>> -> memref<128x32xf32, #tpu.memory_space<vmem>>
    %dma_wait3A_96 = arith.constant 0 : i32
    %dma_wait3A_97 = tpu.memref_slice %arg10[%dma_wait3A_92, %dma_wait3A_96] : memref<2x128xi32, #tpu.memory_space<vmem>> -> memref<1x128xi32, #tpu.memory_space<vmem>>
    %dma_wait3A_98 = tpu.memref_squeeze %dma_wait3A_97 : memref<1x128xi32, #tpu.memory_space<vmem>> -> memref<128xi32, #tpu.memory_space<vmem>>
    %dma_wait3A_99 = arith.constant 0 : i32
    %dma_wait3A_100 = arith.constant 0 : i32
    %dma_wait3A_101 = tpu.memref_slice %arg6[%dma_wait3A_99, %dma_wait3A_100] : memref<50048x32xf32, #tpu.memory_space<vmem_shared>> -> memref<50048x32xf32, #tpu.memory_space<vmem_shared>>
    tpu.wait_indirect_dma semaphore(%arg22 : memref<!tpu.dma_semaphore, #tpu.memory_space<semaphore_mem>>) src(%dma_wait3A_95 : memref<128x32xf32, #tpu.memory_space<vmem>>) dst(%dma_wait3A_101 : memref<50048x32xf32, #tpu.memory_space<vmem_shared>>)
    %dma_wait3A_102 = arith.constant 0 : i32
    %dma_wait3A_103 = arith.constant 0 : i32
    %dma_wait3A_104 = arith.constant 0 : i32
    %dma_wait3A_105 = tpu.memref_slice %arg16[%dma_wait3A_103, %dma_wait3A_104] : memref<256x32xf32, #tpu.memory_space<vmem>> -> memref<128x32xf32, #tpu.memory_space<vmem>>
    %dma_wait3A_106 = arith.constant 0 : i32
    %dma_wait3A_107 = tpu.memref_slice %arg14[%dma_wait3A_102, %dma_wait3A_106] : memref<2x128xi32, #tpu.memory_space<vmem>> -> memref<1x128xi32, #tpu.memory_space<vmem>>
    %dma_wait3A_108 = tpu.memref_squeeze %dma_wait3A_107 : memref<1x128xi32, #tpu.memory_space<vmem>> -> memref<128xi32, #tpu.memory_space<vmem>>
    %dma_wait3A_109 = arith.constant 0 : i32
    %dma_wait3A_110 = arith.constant 0 : i32
    %dma_wait3A_111 = tpu.memref_slice %arg6[%dma_wait3A_109, %dma_wait3A_110] : memref<50048x32xf32, #tpu.memory_space<vmem_shared>> -> memref<50048x32xf32, #tpu.memory_space<vmem_shared>>
    tpu.wait_indirect_dma semaphore(%arg23 : memref<!tpu.dma_semaphore, #tpu.memory_space<semaphore_mem>>) src(%dma_wait3A_105 : memref<128x32xf32, #tpu.memory_space<vmem>>) dst(%dma_wait3A_111 : memref<50048x32xf32, #tpu.memory_space<vmem_shared>>)
    %dma_wait3A_112 = arith.constant 1 : i32
    %dma_wait3A_113 = arith.constant 128 : i32
    %dma_wait3A_114 = arith.constant 0 : i32
    %dma_wait3A_115 = tpu.memref_slice %arg16[%dma_wait3A_113, %dma_wait3A_114] : memref<256x32xf32, #tpu.memory_space<vmem>> -> memref<128x32xf32, #tpu.memory_space<vmem>>
    %dma_wait3A_116 = arith.constant 0 : i32
    %dma_wait3A_117 = tpu.memref_slice %arg14[%dma_wait3A_112, %dma_wait3A_116] : memref<2x128xi32, #tpu.memory_space<vmem>> -> memref<1x128xi32, #tpu.memory_space<vmem>>
    %dma_wait3A_118 = tpu.memref_squeeze %dma_wait3A_117 : memref<1x128xi32, #tpu.memory_space<vmem>> -> memref<128xi32, #tpu.memory_space<vmem>>
    %dma_wait3A_119 = arith.constant 0 : i32
    %dma_wait3A_120 = arith.constant 0 : i32
    %dma_wait3A_121 = tpu.memref_slice %arg6[%dma_wait3A_119, %dma_wait3A_120] : memref<50048x32xf32, #tpu.memory_space<vmem_shared>> -> memref<50048x32xf32, #tpu.memory_space<vmem_shared>>
    tpu.wait_indirect_dma semaphore(%arg23 : memref<!tpu.dma_semaphore, #tpu.memory_space<semaphore_mem>>) src(%dma_wait3A_115 : memref<128x32xf32, #tpu.memory_space<vmem>>) dst(%dma_wait3A_121 : memref<50048x32xf32, #tpu.memory_space<vmem_shared>>)
    %barrier3A_122 = arith.constant 0 : index
    tpu.barrier barrier_id(%barrier3A_122)
    %scan3A_123 = arith.constant 0 : i32
    %scan3A_124 = arith.constant 17 : i32
    %scan3A_125 = arith.addi %scan3A_123, %scan3A_124 : i32
    %scan3A_126 = arith.constant 1 : i32
    scf.for %scan3A_128 = %scan3A_123 to %scan3A_125 step %scan3A_126  : i32 {
      %mul3A_129 = arith.constant 1 : i32
      %mul3A_130 = arith.muli %scan3A_128, %mul3A_129 : i32
      %add3A_131 = arith.constant 0 : i32
      %add3A_132 = arith.addi %add3A_131, %mul3A_130 : i32
      %mul3A_133 = arith.constant 3128 : i32
      %mul3A_134 = arith.muli %arg1, %mul3A_133 : i32
      %mul3A_135 = arith.constant 184 : i32
      %mul3A_136 = arith.muli %add3A_132, %mul3A_135 : i32
      %add3A_137 = arith.addi %mul3A_134, %mul3A_136 : i32
      "tpu.region"() ({
        %run_scoped3A = tpu.sem_alloc : memref<!tpu.dma_semaphore, #tpu.memory_space<semaphore_mem>>
        %dma_start3A_138 = arith.constant 0 : i32
        %dma_start3A_139 = arith.constant 0 : i32
        %dma_start3A_140 = tpu.memref_slice %arg15[%dma_start3A_138, %dma_start3A_139] : memref<256x32xf32, #tpu.memory_space<vmem>> -> memref<184x32xf32, #tpu.memory_space<vmem>>
        %dma_start3A_141 = arith.constant 0 : i32
        %dma_start3A_142 = tpu.memref_slice %arg6[%add3A_137, %dma_start3A_141] : memref<50048x32xf32, #tpu.memory_space<vmem_shared>> -> memref<184x32xf32, #tpu.memory_space<vmem_shared>>
        %dma_start3A_143 = arith.constant 0 : i32
        %dma_start3A_144 = arith.constant 0 : i32
        %dma_start3A_145 = tpu.memref_slice %arg15[%dma_start3A_143, %dma_start3A_144] : memref<256x32xf32, #tpu.memory_space<vmem>> -> memref<184x32xf32, #tpu.memory_space<vmem>>
        %dma_start3A_146 = arith.constant 0 : i32
        %dma_start3A_147 = tpu.memref_slice %arg6[%add3A_137, %dma_start3A_146] : memref<50048x32xf32, #tpu.memory_space<vmem_shared>> -> memref<184x32xf32, #tpu.memory_space<vmem_shared>>
        tpu.enqueue_dma source(%dma_start3A_147 : memref<184x32xf32, #tpu.memory_space<vmem_shared>>) target(%dma_start3A_145 : memref<184x32xf32, #tpu.memory_space<vmem>>) target_semaphore(%run_scoped3A : memref<!tpu.dma_semaphore, #tpu.memory_space<semaphore_mem>>)
        %dma_wait3A_148 = arith.constant 0 : i32
        %dma_wait3A_149 = arith.constant 0 : i32
        %dma_wait3A_150 = tpu.memref_slice %arg15[%dma_wait3A_148, %dma_wait3A_149] : memref<256x32xf32, #tpu.memory_space<vmem>> -> memref<184x32xf32, #tpu.memory_space<vmem>>
        %dma_wait3A_151 = arith.constant 0 : i32
        %dma_wait3A_152 = tpu.memref_slice %arg6[%add3A_137, %dma_wait3A_151] : memref<50048x32xf32, #tpu.memory_space<vmem_shared>> -> memref<184x32xf32, #tpu.memory_space<vmem_shared>>
        %dma_wait3A_153 = arith.constant 0 : i32
        %dma_wait3A_154 = arith.constant 0 : i32
        %dma_wait3A_155 = tpu.memref_slice %arg15[%dma_wait3A_153, %dma_wait3A_154] : memref<256x32xf32, #tpu.memory_space<vmem>> -> memref<184x32xf32, #tpu.memory_space<vmem>>
        %dma_wait3A_156 = arith.constant 0 : i32
        %dma_wait3A_157 = tpu.memref_slice %arg6[%add3A_137, %dma_wait3A_156] : memref<50048x32xf32, #tpu.memory_space<vmem_shared>> -> memref<184x32xf32, #tpu.memory_space<vmem_shared>>
        tpu.wait_dma2 semaphore(%run_scoped3A : memref<!tpu.dma_semaphore, #tpu.memory_space<semaphore_mem>>) src(%dma_wait3A_157 : memref<184x32xf32, #tpu.memory_space<vmem_shared>>) dst(%dma_wait3A_155 : memref<184x32xf32, #tpu.memory_space<vmem>>)
        tpu.yield
      }) : () -> ()
      "tpu.region"() ({
        %run_scoped3A = tpu.sem_alloc : memref<!tpu.dma_semaphore, #tpu.memory_space<semaphore_mem>>
        %dma_start3A_138 = arith.constant 0 : i32
        %dma_start3A_139 = arith.constant 0 : i32
        %dma_start3A_140 = tpu.memref_slice %arg15[%dma_start3A_138, %dma_start3A_139] : memref<256x32xf32, #tpu.memory_space<vmem>> -> memref<184x32xf32, #tpu.memory_space<vmem>>
        %dma_start3A_141 = arith.constant 0 : i32
        %dma_start3A_142 = tpu.memref_slice %arg5[%arg0, %add3A_137, %dma_start3A_141] : memref<2x50048x32xf32, #tpu.memory_space<hbm>> -> memref<1x184x32xf32, #tpu.memory_space<hbm>>
        %dma_start3A_143 = tpu.memref_squeeze %dma_start3A_142 : memref<1x184x32xf32, #tpu.memory_space<hbm>> -> memref<184x32xf32, #tpu.memory_space<hbm>>
        %dma_start3A_144 = arith.constant 0 : i32
        %dma_start3A_145 = tpu.memref_slice %arg5[%arg0, %add3A_137, %dma_start3A_144] : memref<2x50048x32xf32, #tpu.memory_space<hbm>> -> memref<1x184x32xf32, #tpu.memory_space<hbm>>
        %dma_start3A_146 = tpu.memref_squeeze %dma_start3A_145 : memref<1x184x32xf32, #tpu.memory_space<hbm>> -> memref<184x32xf32, #tpu.memory_space<hbm>>
        %dma_start3A_147 = arith.constant 0 : i32
        %dma_start3A_148 = arith.constant 0 : i32
        %dma_start3A_149 = tpu.memref_slice %arg15[%dma_start3A_147, %dma_start3A_148] : memref<256x32xf32, #tpu.memory_space<vmem>> -> memref<184x32xf32, #tpu.memory_space<vmem>>
        tpu.enqueue_dma source(%dma_start3A_149 : memref<184x32xf32, #tpu.memory_space<vmem>>) target(%dma_start3A_146 : memref<184x32xf32, #tpu.memory_space<hbm>>) target_semaphore(%run_scoped3A : memref<!tpu.dma_semaphore, #tpu.memory_space<semaphore_mem>>)
        %dma_wait3A_150 = arith.constant 0 : i32
        %dma_wait3A_151 = arith.constant 0 : i32
        %dma_wait3A_152 = tpu.memref_slice %arg15[%dma_wait3A_150, %dma_wait3A_151] : memref<256x32xf32, #tpu.memory_space<vmem>> -> memref<184x32xf32, #tpu.memory_space<vmem>>
        %dma_wait3A_153 = arith.constant 0 : i32
        %dma_wait3A_154 = tpu.memref_slice %arg5[%arg0, %add3A_137, %dma_wait3A_153] : memref<2x50048x32xf32, #tpu.memory_space<hbm>> -> memref<1x184x32xf32, #tpu.memory_space<hbm>>
        %dma_wait3A_155 = tpu.memref_squeeze %dma_wait3A_154 : memref<1x184x32xf32, #tpu.memory_space<hbm>> -> memref<184x32xf32, #tpu.memory_space<hbm>>
        %dma_wait3A_156 = arith.constant 0 : i32
        %dma_wait3A_157 = tpu.memref_slice %arg5[%arg0, %add3A_137, %dma_wait3A_156] : memref<2x50048x32xf32, #tpu.memory_space<hbm>> -> memref<1x184x32xf32, #tpu.memory_space<hbm>>
        %dma_wait3A_158 = tpu.memref_squeeze %dma_wait3A_157 : memref<1x184x32xf32, #tpu.memory_space<hbm>> -> memref<184x32xf32, #tpu.memory_space<hbm>>
        %dma_wait3A_159 = arith.constant 0 : i32
        %dma_wait3A_160 = arith.constant 0 : i32
        %dma_wait3A_161 = tpu.memref_slice %arg15[%dma_wait3A_159, %dma_wait3A_160] : memref<256x32xf32, #tpu.memory_space<vmem>> -> memref<184x32xf32, #tpu.memory_space<vmem>>
        tpu.wait_dma2 semaphore(%run_scoped3A : memref<!tpu.dma_semaphore, #tpu.memory_space<semaphore_mem>>) src(%dma_wait3A_161 : memref<184x32xf32, #tpu.memory_space<vmem>>) dst(%dma_wait3A_158 : memref<184x32xf32, #tpu.memory_space<hbm>>)
        tpu.yield
      }) : () -> ()
    }
    %scan3A_127 = arith.constant 17 : i32
    return
  }
}

#map = affine_map<(d0, d1) -> (0, 0)>
#map1 = affine_map<(d0, d1) -> (0, 0, 0)>
module attributes {stable_mosaic.version = 14 : i64} {
  func.func @_sc_agg_body(%arg0: i32, %arg1: i32, %arg2: memref<6272x128xi32, #tpu.memory_space<hbm>>, %arg3: memref<6272x128xi32, #tpu.memory_space<hbm>>, %arg4: memref<2x50048x32xf32, #tpu.memory_space<hbm>>, %arg5: memref<2x50048x32xf32, #tpu.memory_space<hbm>>, %arg6: memref<50048x32xf32, #tpu.memory_space<vmem_shared>>, %arg7: memref<2x128xi32, #tpu.memory_space<vmem>>, %arg8: memref<2x128xi32, #tpu.memory_space<vmem>>, %arg9: memref<2x128xi32, #tpu.memory_space<vmem>>, %arg10: memref<2x128xi32, #tpu.memory_space<vmem>>, %arg11: memref<2x128xi32, #tpu.memory_space<vmem>>, %arg12: memref<2x128xi32, #tpu.memory_space<vmem>>, %arg13: memref<2x128xi32, #tpu.memory_space<vmem>>, %arg14: memref<2x128xi32, #tpu.memory_space<vmem>>, %arg15: memref<256x32xf32, #tpu.memory_space<vmem>>, %arg16: memref<256x32xf32, #tpu.memory_space<vmem>>, %arg17: memref<64x32xf32, #tpu.memory_space<vmem>>, %arg18: memref<!tpu.dma_semaphore, #tpu.memory_space<semaphore_mem>>, %arg19: memref<!tpu.dma_semaphore, #tpu.memory_space<semaphore_mem>>, %arg20: memref<!tpu.dma_semaphore, #tpu.memory_space<semaphore_mem>>, %arg21: memref<!tpu.dma_semaphore, #tpu.memory_space<semaphore_mem>>, %arg22: memref<!tpu.dma_semaphore, #tpu.memory_space<semaphore_mem>>, %arg23: memref<!tpu.dma_semaphore, #tpu.memory_space<semaphore_mem>>) attributes {dimension_semantics = [#tpu.dimension_semantics<core_parallel>, #tpu.dimension_semantics<subcore_parallel>], iteration_bounds = array<i64: 2, 16>, scalar_prefetch = 0 : i64, scratch_operands = 18 : i64, tpu.core_type = #tpu.core_type<sc_vector_subcore>, window_params = [{transform_indices = #map}, {transform_indices = #map}, {transform_indices = #map1}, {transform_indices = #map1}]} {
    %scan3A = arith.constant 0 : i32
    %scan3A_0 = arith.constant 64 : i32
    %scan3A_1 = arith.addi %scan3A, %scan3A_0 : i32
    %scan3A_2 = arith.constant 1 : i32
    scf.for %scan3A_128 = %scan3A to %scan3A_1 step %scan3A_2  : i32 {
      %mul3A_129 = arith.constant 1 : i32
      %mul3A_130 = arith.muli %scan3A_128, %mul3A_129 : i32
      %add3A_131 = arith.constant 0 : i32
      %add3A_132 = arith.addi %add3A_131, %mul3A_130 : i32
      %broadcast_in_dim3A = arith.constant 0.000000e+00 : f32
      %broadcast_in_dim3A_133 = vector.broadcast %broadcast_in_dim3A : f32 to vector<16xf32>
      %swap3A = arith.index_cast %add3A_132 : i32 to index
      %swap3A_134 = arith.constant 0 : index
      %swap3A_135 = tpu.vector_load %arg17[%swap3A, %swap3A_134] {strides = array<i32>} : memref<64x32xf32, #tpu.memory_space<vmem>>, vector<1x16xf32>,
      %swap3A_136 = vector.shape_cast %swap3A_135 : vector<1x16xf32> to vector<16xf32>
      %swap3A_137 = vector.shape_cast %broadcast_in_dim3A_133 : vector<16xf32> to vector<1x16xf32>
      tpu.vector_store %arg17[%swap3A, %swap3A_134], %swap3A_137 {strides = array<i32>} : memref<64x32xf32, #tpu.memory_space<vmem>>, vector<1x16xf32>,
      %broadcast_in_dim3A_138 = arith.constant 0.000000e+00 : f32
      %broadcast_in_dim3A_139 = vector.broadcast %broadcast_in_dim3A_138 : f32 to vector<16xf32>
      %swap3A_140 = arith.index_cast %add3A_132 : i32 to index
      %swap3A_141 = arith.constant 16 : index
      %swap3A_142 = tpu.vector_load %arg17[%swap3A_140, %swap3A_141] {strides = array<i32>} : memref<64x32xf32, #tpu.memory_space<vmem>>, vector<1x16xf32>,
      %swap3A_143 = vector.shape_cast %swap3A_142 : vector<1x16xf32> to vector<16xf32>
      %swap3A_144 = vector.shape_cast %broadcast_in_dim3A_139 : vector<16xf32> to vector<1x16xf32>
      tpu.vector_store %arg17[%swap3A_140, %swap3A_141], %swap3A_144 {strides = array<i32>} : memref<64x32xf32, #tpu.memory_space<vmem>>, vector<1x16xf32>,
    }
    %scan3A_3 = arith.constant 64 : i32
    %scan3A_4 = arith.constant 0 : i32
    %scan3A_5 = arith.constant 49 : i32
    %scan3A_6 = arith.addi %scan3A_4, %scan3A_5 : i32
    %scan3A_7 = arith.constant 1 : i32
    scf.for %scan3A_128 = %scan3A_4 to %scan3A_6 step %scan3A_7  : i32 {
      %mul3A_129 = arith.constant 1 : i32
      %mul3A_130 = arith.muli %scan3A_128, %mul3A_129 : i32
      %add3A_131 = arith.constant 0 : i32
      %add3A_132 = arith.addi %add3A_131, %mul3A_130 : i32
      %mul3A_133 = arith.constant 16 : i32
      %mul3A_134 = arith.muli %mul3A_133, %add3A_132 : i32
      %add3A_135 = arith.addi %arg1, %mul3A_134 : i32
      %lt3A = arith.constant 782 : i32
      %lt3A_136 = arith.cmpi slt, %add3A_135, %lt3A : i32
      %convert_element_type3A = arith.extui %lt3A_136 : i1 to i32
      %cond3A = arith.constant 0 : i32
      %cond3A_137 = arith.cmpi ne, %convert_element_type3A, %cond3A : i32
      scf.if %cond3A_137 {
        %mul3A_138 = arith.constant 64 : i32
        %mul3A_139 = arith.muli %add3A_135, %mul3A_138 : i32
        "tpu.region"() ({
          %run_scoped3A = tpu.sem_alloc : memref<!tpu.dma_semaphore, #tpu.memory_space<semaphore_mem>>
          %dma_start3A_140 = arith.constant 0 : i32
          %dma_start3A_141 = tpu.memref_slice %arg6[%mul3A_139, %dma_start3A_140] : memref<50048x32xf32, #tpu.memory_space<vmem_shared>> -> memref<64x32xf32, #tpu.memory_space<vmem_shared>>
          %dma_start3A_142 = arith.constant 0 : i32
          %dma_start3A_143 = tpu.memref_slice %arg6[%mul3A_139, %dma_start3A_142] : memref<50048x32xf32, #tpu.memory_space<vmem_shared>> -> memref<64x32xf32, #tpu.memory_space<vmem_shared>>
          tpu.enqueue_dma source(%arg17 : memref<64x32xf32, #tpu.memory_space<vmem>>) target(%dma_start3A_143 : memref<64x32xf32, #tpu.memory_space<vmem_shared>>) target_semaphore(%run_scoped3A : memref<!tpu.dma_semaphore, #tpu.memory_space<semaphore_mem>>)
          %dma_wait3A_144 = arith.constant 0 : i32
          %dma_wait3A_145 = tpu.memref_slice %arg6[%mul3A_139, %dma_wait3A_144] : memref<50048x32xf32, #tpu.memory_space<vmem_shared>> -> memref<64x32xf32, #tpu.memory_space<vmem_shared>>
          %dma_wait3A_146 = arith.constant 0 : i32
          %dma_wait3A_147 = tpu.memref_slice %arg6[%mul3A_139, %dma_wait3A_146] : memref<50048x32xf32, #tpu.memory_space<vmem_shared>> -> memref<64x32xf32, #tpu.memory_space<vmem_shared>>
          tpu.wait_dma2 semaphore(%run_scoped3A : memref<!tpu.dma_semaphore, #tpu.memory_space<semaphore_mem>>) src(%arg17 : memref<64x32xf32, #tpu.memory_space<vmem>>) dst(%dma_wait3A_147 : memref<64x32xf32, #tpu.memory_space<vmem_shared>>)
          tpu.yield
        }) : () -> ()
      } else {
      }
    }
    %scan3A_8 = arith.constant 49 : i32
    %barrier3A = arith.constant 0 : index
    tpu.barrier barrier_id(%barrier3A)
    %mul3A = arith.constant 392 : i32
    %mul3A_9 = arith.muli %arg1, %mul3A : i32
    %add3A = arith.constant 0 : i32
    %add3A_10 = arith.addi %mul3A_9, %add3A : i32
    %dma_start3A = arith.constant 0 : i32
    %dma_start3A_11 = tpu.memref_slice %arg2[%add3A_10, %dma_start3A] : memref<6272x128xi32, #tpu.memory_space<hbm>> -> memref<2x128xi32, #tpu.memory_space<hbm>>
    %dma_start3A_12 = arith.constant 0 : i32
    %dma_start3A_13 = tpu.memref_slice %arg2[%add3A_10, %dma_start3A_12] : memref<6272x128xi32, #tpu.memory_space<hbm>> -> memref<2x128xi32, #tpu.memory_space<hbm>>
    tpu.enqueue_dma source(%dma_start3A_13 : memref<2x128xi32, #tpu.memory_space<hbm>>) target(%arg7 : memref<2x128xi32, #tpu.memory_space<vmem>>) target_semaphore(%arg18 : memref<!tpu.dma_semaphore, #tpu.memory_space<semaphore_mem>>)
    %dma_start3A_14 = arith.constant 0 : i32
    %dma_start3A_15 = tpu.memref_slice %arg3[%add3A_10, %dma_start3A_14] : memref<6272x128xi32, #tpu.memory_space<hbm>> -> memref<2x128xi32, #tpu.memory_space<hbm>>
    %dma_start3A_16 = arith.constant 0 : i32
    %dma_start3A_17 = tpu.memref_slice %arg3[%add3A_10, %dma_start3A_16] : memref<6272x128xi32, #tpu.memory_space<hbm>> -> memref<2x128xi32, #tpu.memory_space<hbm>>
    tpu.enqueue_dma source(%dma_start3A_17 : memref<2x128xi32, #tpu.memory_space<hbm>>) target(%arg8 : memref<2x128xi32, #tpu.memory_space<vmem>>) target_semaphore(%arg18 : memref<!tpu.dma_semaphore, #tpu.memory_space<semaphore_mem>>)
    %mul3A_18 = arith.constant 392 : i32
    %mul3A_19 = arith.muli %arg1, %mul3A_18 : i32
    %add3A_20 = arith.constant 2 : i32
    %add3A_21 = arith.addi %mul3A_19, %add3A_20 : i32
    %dma_start3A_22 = arith.constant 0 : i32
    %dma_start3A_23 = tpu.memref_slice %arg2[%add3A_21, %dma_start3A_22] : memref<6272x128xi32, #tpu.memory_space<hbm>> -> memref<2x128xi32, #tpu.memory_space<hbm>>
    %dma_start3A_24 = arith.constant 0 : i32
    %dma_start3A_25 = tpu.memref_slice %arg2[%add3A_21, %dma_start3A_24] : memref<6272x128xi32, #tpu.memory_space<hbm>> -> memref<2x128xi32, #tpu.memory_space<hbm>>
    tpu.enqueue_dma source(%dma_start3A_25 : memref<2x128xi32, #tpu.memory_space<hbm>>) target(%arg11 : memref<2x128xi32, #tpu.memory_space<vmem>>) target_semaphore(%arg19 : memref<!tpu.dma_semaphore, #tpu.memory_space<semaphore_mem>>)
    %dma_start3A_26 = arith.constant 0 : i32
    %dma_start3A_27 = tpu.memref_slice %arg3[%add3A_21, %dma_start3A_26] : memref<6272x128xi32, #tpu.memory_space<hbm>> -> memref<2x128xi32, #tpu.memory_space<hbm>>
    %dma_start3A_28 = arith.constant 0 : i32
    %dma_start3A_29 = tpu.memref_slice %arg3[%add3A_21, %dma_start3A_28] : memref<6272x128xi32, #tpu.memory_space<hbm>> -> memref<2x128xi32, #tpu.memory_space<hbm>>
    tpu.enqueue_dma source(%dma_start3A_29 : memref<2x128xi32, #tpu.memory_space<hbm>>) target(%arg12 : memref<2x128xi32, #tpu.memory_space<vmem>>) target_semaphore(%arg19 : memref<!tpu.dma_semaphore, #tpu.memory_space<semaphore_mem>>)
    %scan3A_30 = arith.constant 0 : i32
    %scan3A_31 = arith.constant 49 : i32
    %scan3A_32 = arith.addi %scan3A_30, %scan3A_31 : i32
    %scan3A_33 = arith.constant 1 : i32
    scf.for %scan3A_128 = %scan3A_30 to %scan3A_32 step %scan3A_33  : i32 {
      %mul3A_129 = arith.constant 1 : i32
      %mul3A_130 = arith.muli %scan3A_128, %mul3A_129 : i32
      %add3A_131 = arith.constant 0 : i32
      %add3A_132 = arith.addi %add3A_131, %mul3A_130 : i32
      %mul3A_133 = arith.constant 2 : i32
      %mul3A_134 = arith.muli %mul3A_133, %add3A_132 : i32
      %gt3A = arith.constant 0 : i32
      %gt3A_135 = arith.cmpi sgt, %mul3A_134, %gt3A : i32
      %convert_element_type3A = arith.extui %gt3A_135 : i1 to i32
      %cond3A = arith.constant 0 : i32
      %cond3A_136 = arith.cmpi ne, %convert_element_type3A, %cond3A : i32
      scf.if %cond3A_136 {
        %dma_wait3A_441 = arith.constant 0 : i32
        %dma_wait3A_442 = arith.constant 0 : i32
        %dma_wait3A_443 = arith.constant 0 : i32
        %dma_wait3A_444 = tpu.memref_slice %arg15[%dma_wait3A_442, %dma_wait3A_443] : memref<256x32xf32, #tpu.memory_space<vmem>> -> memref<128x32xf32, #tpu.memory_space<vmem>>
        %dma_wait3A_445 = arith.constant 0 : i32
        %dma_wait3A_446 = tpu.memref_slice %arg10[%dma_wait3A_441, %dma_wait3A_445] : memref<2x128xi32, #tpu.memory_space<vmem>> -> memref<1x128xi32, #tpu.memory_space<vmem>>
        %dma_wait3A_447 = tpu.memref_squeeze %dma_wait3A_446 : memref<1x128xi32, #tpu.memory_space<vmem>> -> memref<128xi32, #tpu.memory_space<vmem>>
        %dma_wait3A_448 = arith.constant 0 : i32
        %dma_wait3A_449 = arith.constant 0 : i32
        %dma_wait3A_450 = tpu.memref_slice %arg6[%dma_wait3A_448, %dma_wait3A_449] : memref<50048x32xf32, #tpu.memory_space<vmem_shared>> -> memref<50048x32xf32, #tpu.memory_space<vmem_shared>>
        tpu.wait_indirect_dma semaphore(%arg22 : memref<!tpu.dma_semaphore, #tpu.memory_space<semaphore_mem>>) src(%dma_wait3A_444 : memref<128x32xf32, #tpu.memory_space<vmem>>) dst(%dma_wait3A_450 : memref<50048x32xf32, #tpu.memory_space<vmem_shared>>)
        %dma_wait3A_451 = arith.constant 1 : i32
        %dma_wait3A_452 = arith.constant 128 : i32
        %dma_wait3A_453 = arith.constant 0 : i32
        %dma_wait3A_454 = tpu.memref_slice %arg15[%dma_wait3A_452, %dma_wait3A_453] : memref<256x32xf32, #tpu.memory_space<vmem>> -> memref<128x32xf32, #tpu.memory_space<vmem>>
        %dma_wait3A_455 = arith.constant 0 : i32
        %dma_wait3A_456 = tpu.memref_slice %arg10[%dma_wait3A_451, %dma_wait3A_455] : memref<2x128xi32, #tpu.memory_space<vmem>> -> memref<1x128xi32, #tpu.memory_space<vmem>>
        %dma_wait3A_457 = tpu.memref_squeeze %dma_wait3A_456 : memref<1x128xi32, #tpu.memory_space<vmem>> -> memref<128xi32, #tpu.memory_space<vmem>>
        %dma_wait3A_458 = arith.constant 0 : i32
        %dma_wait3A_459 = arith.constant 0 : i32
        %dma_wait3A_460 = tpu.memref_slice %arg6[%dma_wait3A_458, %dma_wait3A_459] : memref<50048x32xf32, #tpu.memory_space<vmem_shared>> -> memref<50048x32xf32, #tpu.memory_space<vmem_shared>>
        tpu.wait_indirect_dma semaphore(%arg22 : memref<!tpu.dma_semaphore, #tpu.memory_space<semaphore_mem>>) src(%dma_wait3A_454 : memref<128x32xf32, #tpu.memory_space<vmem>>) dst(%dma_wait3A_460 : memref<50048x32xf32, #tpu.memory_space<vmem_shared>>)
      } else {
      }
      %lt3A = arith.constant 97 : i32
      %lt3A_137 = arith.cmpi slt, %mul3A_134, %lt3A : i32
      %convert_element_type3A_138 = arith.extui %lt3A_137 : i1 to i32
      %cond3A_139 = arith.constant 0 : i32
      %cond3A_140 = arith.cmpi ne, %convert_element_type3A_138, %cond3A_139 : i32
      scf.if %cond3A_140 {
        %mul3A_441 = arith.constant 2 : i32
        %mul3A_442 = arith.muli %mul3A_441, %mul3A_134 : i32
        %add3A_443 = arith.constant 2 : i32
        %add3A_444 = arith.addi %mul3A_442, %add3A_443 : i32
        %mul3A_445 = arith.constant 392 : i32
        %mul3A_446 = arith.muli %arg1, %mul3A_445 : i32
        %mul3A_447 = arith.constant 2 : i32
        %mul3A_448 = arith.muli %add3A_444, %mul3A_447 : i32
        %add3A_449 = arith.addi %mul3A_446, %mul3A_448 : i32
        %dma_start3A_450 = arith.constant 0 : i32
        %dma_start3A_451 = tpu.memref_slice %arg2[%add3A_449, %dma_start3A_450] : memref<6272x128xi32, #tpu.memory_space<hbm>> -> memref<2x128xi32, #tpu.memory_space<hbm>>
        %dma_start3A_452 = arith.constant 0 : i32
        %dma_start3A_453 = tpu.memref_slice %arg2[%add3A_449, %dma_start3A_452] : memref<6272x128xi32, #tpu.memory_space<hbm>> -> memref<2x128xi32, #tpu.memory_space<hbm>>
        tpu.enqueue_dma source(%dma_start3A_453 : memref<2x128xi32, #tpu.memory_space<hbm>>) target(%arg9 : memref<2x128xi32, #tpu.memory_space<vmem>>) target_semaphore(%arg18 : memref<!tpu.dma_semaphore, #tpu.memory_space<semaphore_mem>>)
        %dma_start3A_454 = arith.constant 0 : i32
        %dma_start3A_455 = tpu.memref_slice %arg3[%add3A_449, %dma_start3A_454] : memref<6272x128xi32, #tpu.memory_space<hbm>> -> memref<2x128xi32, #tpu.memory_space<hbm>>
        %dma_start3A_456 = arith.constant 0 : i32
        %dma_start3A_457 = tpu.memref_slice %arg3[%add3A_449, %dma_start3A_456] : memref<6272x128xi32, #tpu.memory_space<hbm>> -> memref<2x128xi32, #tpu.memory_space<hbm>>
        tpu.enqueue_dma source(%dma_start3A_457 : memref<2x128xi32, #tpu.memory_space<hbm>>) target(%arg10 : memref<2x128xi32, #tpu.memory_space<vmem>>) target_semaphore(%arg18 : memref<!tpu.dma_semaphore, #tpu.memory_space<semaphore_mem>>)
      } else {
      }
      %gt3A_141 = arith.constant 0 : i32
      %gt3A_142 = arith.cmpi sgt, %mul3A_134, %gt3A_141 : i32
      %convert_element_type3A_143 = arith.extui %gt3A_142 : i1 to i32
      %cond3A_144 = arith.constant 0 : i32
      %cond3A_145 = arith.cmpi ne, %convert_element_type3A_143, %cond3A_144 : i32
      scf.if %cond3A_145 {
        %dma_wait3A_441 = arith.constant 0 : i32
        %dma_wait3A_442 = arith.constant 0 : i32
        %dma_wait3A_443 = arith.constant 0 : i32
        %dma_wait3A_444 = tpu.memref_slice %arg16[%dma_wait3A_442, %dma_wait3A_443] : memref<256x32xf32, #tpu.memory_space<vmem>> -> memref<128x32xf32, #tpu.memory_space<vmem>>
        %dma_wait3A_445 = arith.constant 0 : i32
        %dma_wait3A_446 = tpu.memref_slice %arg13[%dma_wait3A_441, %dma_wait3A_445] : memref<2x128xi32, #tpu.memory_space<vmem>> -> memref<1x128xi32, #tpu.memory_space<vmem>>
        %dma_wait3A_447 = tpu.memref_squeeze %dma_wait3A_446 : memref<1x128xi32, #tpu.memory_space<vmem>> -> memref<128xi32, #tpu.memory_space<vmem>>
        %dma_wait3A_448 = arith.constant 0 : i32
        %dma_wait3A_449 = arith.constant 0 : i32
        %dma_wait3A_450 = tpu.memref_slice %arg4[%arg0, %dma_wait3A_448, %dma_wait3A_449] : memref<2x50048x32xf32, #tpu.memory_space<hbm>> -> memref<1x50048x32xf32, #tpu.memory_space<hbm>>
        %dma_wait3A_451 = tpu.memref_squeeze %dma_wait3A_450 : memref<1x50048x32xf32, #tpu.memory_space<hbm>> -> memref<50048x32xf32, #tpu.memory_space<hbm>>
        %dma_wait3A_452 = arith.constant 0 : i32
        %dma_wait3A_453 = arith.constant 0 : i32
        %dma_wait3A_454 = tpu.memref_slice %dma_wait3A_451[%dma_wait3A_452, %dma_wait3A_453] : memref<50048x32xf32, #tpu.memory_space<hbm>> -> memref<50048x32xf32, #tpu.memory_space<hbm>>
        tpu.wait_indirect_dma semaphore(%arg21 : memref<!tpu.dma_semaphore, #tpu.memory_space<semaphore_mem>>) src(%dma_wait3A_454 : memref<50048x32xf32, #tpu.memory_space<hbm>>) dst(%dma_wait3A_444 : memref<128x32xf32, #tpu.memory_space<vmem>>)
        %dma_wait3A_455 = arith.constant 1 : i32
        %dma_wait3A_456 = arith.constant 128 : i32
        %dma_wait3A_457 = arith.constant 0 : i32
        %dma_wait3A_458 = tpu.memref_slice %arg16[%dma_wait3A_456, %dma_wait3A_457] : memref<256x32xf32, #tpu.memory_space<vmem>> -> memref<128x32xf32, #tpu.memory_space<vmem>>
        %dma_wait3A_459 = arith.constant 0 : i32
        %dma_wait3A_460 = tpu.memref_slice %arg13[%dma_wait3A_455, %dma_wait3A_459] : memref<2x128xi32, #tpu.memory_space<vmem>> -> memref<1x128xi32, #tpu.memory_space<vmem>>
        %dma_wait3A_461 = tpu.memref_squeeze %dma_wait3A_460 : memref<1x128xi32, #tpu.memory_space<vmem>> -> memref<128xi32, #tpu.memory_space<vmem>>
        %dma_wait3A_462 = arith.constant 0 : i32
        %dma_wait3A_463 = arith.constant 0 : i32
        %dma_wait3A_464 = tpu.memref_slice %arg4[%arg0, %dma_wait3A_462, %dma_wait3A_463] : memref<2x50048x32xf32, #tpu.memory_space<hbm>> -> memref<1x50048x32xf32, #tpu.memory_space<hbm>>
        %dma_wait3A_465 = tpu.memref_squeeze %dma_wait3A_464 : memref<1x50048x32xf32, #tpu.memory_space<hbm>> -> memref<50048x32xf32, #tpu.memory_space<hbm>>
        %dma_wait3A_466 = arith.constant 0 : i32
        %dma_wait3A_467 = arith.constant 0 : i32
        %dma_wait3A_468 = tpu.memref_slice %dma_wait3A_465[%dma_wait3A_466, %dma_wait3A_467] : memref<50048x32xf32, #tpu.memory_space<hbm>> -> memref<50048x32xf32, #tpu.memory_space<hbm>>
        tpu.wait_indirect_dma semaphore(%arg21 : memref<!tpu.dma_semaphore, #tpu.memory_space<semaphore_mem>>) src(%dma_wait3A_468 : memref<50048x32xf32, #tpu.memory_space<hbm>>) dst(%dma_wait3A_458 : memref<128x32xf32, #tpu.memory_space<vmem>>)
        %dma_start3A_469 = arith.constant 0 : i32
        %dma_start3A_470 = arith.constant 0 : i32
        %dma_start3A_471 = arith.constant 0 : i32
        %dma_start3A_472 = tpu.memref_slice %arg16[%dma_start3A_470, %dma_start3A_471] : memref<256x32xf32, #tpu.memory_space<vmem>> -> memref<128x32xf32, #tpu.memory_space<vmem>>
        %dma_start3A_473 = arith.constant 0 : i32
        %dma_start3A_474 = tpu.memref_slice %arg14[%dma_start3A_469, %dma_start3A_473] : memref<2x128xi32, #tpu.memory_space<vmem>> -> memref<1x128xi32, #tpu.memory_space<vmem>>
        %dma_start3A_475 = tpu.memref_squeeze %dma_start3A_474 : memref<1x128xi32, #tpu.memory_space<vmem>> -> memref<128xi32, #tpu.memory_space<vmem>>
        %dma_start3A_476 = arith.constant 0 : i32
        %dma_start3A_477 = arith.constant 0 : i32
        %dma_start3A_478 = tpu.memref_slice %arg6[%dma_start3A_476, %dma_start3A_477] : memref<50048x32xf32, #tpu.memory_space<vmem_shared>> -> memref<50048x32xf32, #tpu.memory_space<vmem_shared>>
        tpu.enqueue_indirect_dma source(%dma_start3A_472 : memref<128x32xf32, #tpu.memory_space<vmem>>) target(%dma_start3A_478 : memref<50048x32xf32, #tpu.memory_space<vmem_shared>>) offsets(%dma_start3A_475 : memref<128xi32, #tpu.memory_space<vmem>>) semaphore(%arg23 : memref<!tpu.dma_semaphore, #tpu.memory_space<semaphore_mem>>) {add = true}
        %dma_start3A_479 = arith.constant 1 : i32
        %dma_start3A_480 = arith.constant 128 : i32
        %dma_start3A_481 = arith.constant 0 : i32
        %dma_start3A_482 = tpu.memref_slice %arg16[%dma_start3A_480, %dma_start3A_481] : memref<256x32xf32, #tpu.memory_space<vmem>> -> memref<128x32xf32, #tpu.memory_space<vmem>>
        %dma_start3A_483 = arith.constant 0 : i32
        %dma_start3A_484 = tpu.memref_slice %arg14[%dma_start3A_479, %dma_start3A_483] : memref<2x128xi32, #tpu.memory_space<vmem>> -> memref<1x128xi32, #tpu.memory_space<vmem>>
        %dma_start3A_485 = tpu.memref_squeeze %dma_start3A_484 : memref<1x128xi32, #tpu.memory_space<vmem>> -> memref<128xi32, #tpu.memory_space<vmem>>
        %dma_start3A_486 = arith.constant 0 : i32
        %dma_start3A_487 = arith.constant 0 : i32
        %dma_start3A_488 = tpu.memref_slice %arg6[%dma_start3A_486, %dma_start3A_487] : memref<50048x32xf32, #tpu.memory_space<vmem_shared>> -> memref<50048x32xf32, #tpu.memory_space<vmem_shared>>
        tpu.enqueue_indirect_dma source(%dma_start3A_482 : memref<128x32xf32, #tpu.memory_space<vmem>>) target(%dma_start3A_488 : memref<50048x32xf32, #tpu.memory_space<vmem_shared>>) offsets(%dma_start3A_485 : memref<128xi32, #tpu.memory_space<vmem>>) semaphore(%arg23 : memref<!tpu.dma_semaphore, #tpu.memory_space<semaphore_mem>>) {add = true}
      } else {
      }
      %dma_wait3A_146 = arith.constant 0 : i32
      %dma_wait3A_147 = arith.constant 0 : i32
      %dma_wait3A_148 = tpu.memref_slice %arg2[%dma_wait3A_146, %dma_wait3A_147] : memref<6272x128xi32, #tpu.memory_space<hbm>> -> memref<2x128xi32, #tpu.memory_space<hbm>>
      %dma_wait3A_149 = arith.constant 0 : i32
      %dma_wait3A_150 = arith.constant 0 : i32
      %dma_wait3A_151 = tpu.memref_slice %arg2[%dma_wait3A_149, %dma_wait3A_150] : memref<6272x128xi32, #tpu.memory_space<hbm>> -> memref<2x128xi32, #tpu.memory_space<hbm>>
      tpu.wait_dma2 semaphore(%arg18 : memref<!tpu.dma_semaphore, #tpu.memory_space<semaphore_mem>>) src(%dma_wait3A_151 : memref<2x128xi32, #tpu.memory_space<hbm>>) dst(%arg7 : memref<2x128xi32, #tpu.memory_space<vmem>>)
      %dma_wait3A_152 = arith.constant 0 : i32
      %dma_wait3A_153 = arith.constant 0 : i32
      %dma_wait3A_154 = tpu.memref_slice %arg3[%dma_wait3A_152, %dma_wait3A_153] : memref<6272x128xi32, #tpu.memory_space<hbm>> -> memref<2x128xi32, #tpu.memory_space<hbm>>
      %dma_wait3A_155 = arith.constant 0 : i32
      %dma_wait3A_156 = arith.constant 0 : i32
      %dma_wait3A_157 = tpu.memref_slice %arg3[%dma_wait3A_155, %dma_wait3A_156] : memref<6272x128xi32, #tpu.memory_space<hbm>> -> memref<2x128xi32, #tpu.memory_space<hbm>>
      tpu.wait_dma2 semaphore(%arg18 : memref<!tpu.dma_semaphore, #tpu.memory_space<semaphore_mem>>) src(%dma_wait3A_157 : memref<2x128xi32, #tpu.memory_space<hbm>>) dst(%arg8 : memref<2x128xi32, #tpu.memory_space<vmem>>)
      %dma_start3A_158 = arith.constant 0 : i32
      %dma_start3A_159 = arith.constant 0 : i32
      %dma_start3A_160 = arith.constant 0 : i32
      %dma_start3A_161 = tpu.memref_slice %arg15[%dma_start3A_159, %dma_start3A_160] : memref<256x32xf32, #tpu.memory_space<vmem>> -> memref<128x32xf32, #tpu.memory_space<vmem>>
      %dma_start3A_162 = arith.constant 0 : i32
      %dma_start3A_163 = tpu.memref_slice %arg7[%dma_start3A_158, %dma_start3A_162] : memref<2x128xi32, #tpu.memory_space<vmem>> -> memref<1x128xi32, #tpu.memory_space<vmem>>
      %dma_start3A_164 = tpu.memref_squeeze %dma_start3A_163 : memref<1x128xi32, #tpu.memory_space<vmem>> -> memref<128xi32, #tpu.memory_space<vmem>>
      %dma_start3A_165 = arith.constant 0 : i32
      %dma_start3A_166 = arith.constant 0 : i32
      %dma_start3A_167 = tpu.memref_slice %arg4[%arg0, %dma_start3A_165, %dma_start3A_166] : memref<2x50048x32xf32, #tpu.memory_space<hbm>> -> memref<1x50048x32xf32, #tpu.memory_space<hbm>>
      %dma_start3A_168 = tpu.memref_squeeze %dma_start3A_167 : memref<1x50048x32xf32, #tpu.memory_space<hbm>> -> memref<50048x32xf32, #tpu.memory_space<hbm>>
      %dma_start3A_169 = arith.constant 0 : i32
      %dma_start3A_170 = arith.constant 0 : i32
      %dma_start3A_171 = tpu.memref_slice %dma_start3A_168[%dma_start3A_169, %dma_start3A_170] : memref<50048x32xf32, #tpu.memory_space<hbm>> -> memref<50048x32xf32, #tpu.memory_space<hbm>>
      tpu.enqueue_indirect_dma source(%dma_start3A_171 : memref<50048x32xf32, #tpu.memory_space<hbm>>) target(%dma_start3A_161 : memref<128x32xf32, #tpu.memory_space<vmem>>) offsets(%dma_start3A_164 : memref<128xi32, #tpu.memory_space<vmem>>) semaphore(%arg20 : memref<!tpu.dma_semaphore, #tpu.memory_space<semaphore_mem>>)
      %dma_start3A_172 = arith.constant 1 : i32
      %dma_start3A_173 = arith.constant 128 : i32
      %dma_start3A_174 = arith.constant 0 : i32
      %dma_start3A_175 = tpu.memref_slice %arg15[%dma_start3A_173, %dma_start3A_174] : memref<256x32xf32, #tpu.memory_space<vmem>> -> memref<128x32xf32, #tpu.memory_space<vmem>>
      %dma_start3A_176 = arith.constant 0 : i32
      %dma_start3A_177 = tpu.memref_slice %arg7[%dma_start3A_172, %dma_start3A_176] : memref<2x128xi32, #tpu.memory_space<vmem>> -> memref<1x128xi32, #tpu.memory_space<vmem>>
      %dma_start3A_178 = tpu.memref_squeeze %dma_start3A_177 : memref<1x128xi32, #tpu.memory_space<vmem>> -> memref<128xi32, #tpu.memory_space<vmem>>
      %dma_start3A_179 = arith.constant 0 : i32
      %dma_start3A_180 = arith.constant 0 : i32
      %dma_start3A_181 = tpu.memref_slice %arg4[%arg0, %dma_start3A_179, %dma_start3A_180] : memref<2x50048x32xf32, #tpu.memory_space<hbm>> -> memref<1x50048x32xf32, #tpu.memory_space<hbm>>
      %dma_start3A_182 = tpu.memref_squeeze %dma_start3A_181 : memref<1x50048x32xf32, #tpu.memory_space<hbm>> -> memref<50048x32xf32, #tpu.memory_space<hbm>>
      %dma_start3A_183 = arith.constant 0 : i32
      %dma_start3A_184 = arith.constant 0 : i32
      %dma_start3A_185 = tpu.memref_slice %dma_start3A_182[%dma_start3A_183, %dma_start3A_184] : memref<50048x32xf32, #tpu.memory_space<hbm>> -> memref<50048x32xf32, #tpu.memory_space<hbm>>
      tpu.enqueue_indirect_dma source(%dma_start3A_185 : memref<50048x32xf32, #tpu.memory_space<hbm>>) target(%dma_start3A_175 : memref<128x32xf32, #tpu.memory_space<vmem>>) offsets(%dma_start3A_178 : memref<128xi32, #tpu.memory_space<vmem>>) semaphore(%arg20 : memref<!tpu.dma_semaphore, #tpu.memory_space<semaphore_mem>>)
      %gt3A_186 = arith.constant 0 : i32
      %gt3A_187 = arith.cmpi sgt, %mul3A_134, %gt3A_186 : i32
      %convert_element_type3A_188 = arith.extui %gt3A_187 : i1 to i32
      %cond3A_189 = arith.constant 0 : i32
      %cond3A_190 = arith.cmpi ne, %convert_element_type3A_188, %cond3A_189 : i32
      scf.if %cond3A_190 {
        %dma_wait3A_441 = arith.constant 0 : i32
        %dma_wait3A_442 = arith.constant 0 : i32
        %dma_wait3A_443 = arith.constant 0 : i32
        %dma_wait3A_444 = tpu.memref_slice %arg16[%dma_wait3A_442, %dma_wait3A_443] : memref<256x32xf32, #tpu.memory_space<vmem>> -> memref<128x32xf32, #tpu.memory_space<vmem>>
        %dma_wait3A_445 = arith.constant 0 : i32
        %dma_wait3A_446 = tpu.memref_slice %arg14[%dma_wait3A_441, %dma_wait3A_445] : memref<2x128xi32, #tpu.memory_space<vmem>> -> memref<1x128xi32, #tpu.memory_space<vmem>>
        %dma_wait3A_447 = tpu.memref_squeeze %dma_wait3A_446 : memref<1x128xi32, #tpu.memory_space<vmem>> -> memref<128xi32, #tpu.memory_space<vmem>>
        %dma_wait3A_448 = arith.constant 0 : i32
        %dma_wait3A_449 = arith.constant 0 : i32
        %dma_wait3A_450 = tpu.memref_slice %arg6[%dma_wait3A_448, %dma_wait3A_449] : memref<50048x32xf32, #tpu.memory_space<vmem_shared>> -> memref<50048x32xf32, #tpu.memory_space<vmem_shared>>
        tpu.wait_indirect_dma semaphore(%arg23 : memref<!tpu.dma_semaphore, #tpu.memory_space<semaphore_mem>>) src(%dma_wait3A_444 : memref<128x32xf32, #tpu.memory_space<vmem>>) dst(%dma_wait3A_450 : memref<50048x32xf32, #tpu.memory_space<vmem_shared>>)
        %dma_wait3A_451 = arith.constant 1 : i32
        %dma_wait3A_452 = arith.constant 128 : i32
        %dma_wait3A_453 = arith.constant 0 : i32
        %dma_wait3A_454 = tpu.memref_slice %arg16[%dma_wait3A_452, %dma_wait3A_453] : memref<256x32xf32, #tpu.memory_space<vmem>> -> memref<128x32xf32, #tpu.memory_space<vmem>>
        %dma_wait3A_455 = arith.constant 0 : i32
        %dma_wait3A_456 = tpu.memref_slice %arg14[%dma_wait3A_451, %dma_wait3A_455] : memref<2x128xi32, #tpu.memory_space<vmem>> -> memref<1x128xi32, #tpu.memory_space<vmem>>
        %dma_wait3A_457 = tpu.memref_squeeze %dma_wait3A_456 : memref<1x128xi32, #tpu.memory_space<vmem>> -> memref<128xi32, #tpu.memory_space<vmem>>
        %dma_wait3A_458 = arith.constant 0 : i32
        %dma_wait3A_459 = arith.constant 0 : i32
        %dma_wait3A_460 = tpu.memref_slice %arg6[%dma_wait3A_458, %dma_wait3A_459] : memref<50048x32xf32, #tpu.memory_space<vmem_shared>> -> memref<50048x32xf32, #tpu.memory_space<vmem_shared>>
        tpu.wait_indirect_dma semaphore(%arg23 : memref<!tpu.dma_semaphore, #tpu.memory_space<semaphore_mem>>) src(%dma_wait3A_454 : memref<128x32xf32, #tpu.memory_space<vmem>>) dst(%dma_wait3A_460 : memref<50048x32xf32, #tpu.memory_space<vmem_shared>>)
      } else {
      }
      %lt3A_191 = arith.constant 97 : i32
      %lt3A_192 = arith.cmpi slt, %mul3A_134, %lt3A_191 : i32
      %convert_element_type3A_193 = arith.extui %lt3A_192 : i1 to i32
      %cond3A_194 = arith.constant 0 : i32
      %cond3A_195 = arith.cmpi ne, %convert_element_type3A_193, %cond3A_194 : i32
      scf.if %cond3A_195 {
        %mul3A_441 = arith.constant 2 : i32
        %mul3A_442 = arith.muli %mul3A_441, %mul3A_134 : i32
        %add3A_443 = arith.constant 3 : i32
        %add3A_444 = arith.addi %mul3A_442, %add3A_443 : i32
        %mul3A_445 = arith.constant 392 : i32
        %mul3A_446 = arith.muli %arg1, %mul3A_445 : i32
        %mul3A_447 = arith.constant 2 : i32
        %mul3A_448 = arith.muli %add3A_444, %mul3A_447 : i32
        %add3A_449 = arith.addi %mul3A_446, %mul3A_448 : i32
        %dma_start3A_450 = arith.constant 0 : i32
        %dma_start3A_451 = tpu.memref_slice %arg2[%add3A_449, %dma_start3A_450] : memref<6272x128xi32, #tpu.memory_space<hbm>> -> memref<2x128xi32, #tpu.memory_space<hbm>>
        %dma_start3A_452 = arith.constant 0 : i32
        %dma_start3A_453 = tpu.memref_slice %arg2[%add3A_449, %dma_start3A_452] : memref<6272x128xi32, #tpu.memory_space<hbm>> -> memref<2x128xi32, #tpu.memory_space<hbm>>
        tpu.enqueue_dma source(%dma_start3A_453 : memref<2x128xi32, #tpu.memory_space<hbm>>) target(%arg13 : memref<2x128xi32, #tpu.memory_space<vmem>>) target_semaphore(%arg19 : memref<!tpu.dma_semaphore, #tpu.memory_space<semaphore_mem>>)
        %dma_start3A_454 = arith.constant 0 : i32
        %dma_start3A_455 = tpu.memref_slice %arg3[%add3A_449, %dma_start3A_454] : memref<6272x128xi32, #tpu.memory_space<hbm>> -> memref<2x128xi32, #tpu.memory_space<hbm>>
        %dma_start3A_456 = arith.constant 0 : i32
        %dma_start3A_457 = tpu.memref_slice %arg3[%add3A_449, %dma_start3A_456] : memref<6272x128xi32, #tpu.memory_space<hbm>> -> memref<2x128xi32, #tpu.memory_space<hbm>>
        tpu.enqueue_dma source(%dma_start3A_457 : memref<2x128xi32, #tpu.memory_space<hbm>>) target(%arg14 : memref<2x128xi32, #tpu.memory_space<vmem>>) target_semaphore(%arg19 : memref<!tpu.dma_semaphore, #tpu.memory_space<semaphore_mem>>)
      } else {
      }
      %dma_wait3A_196 = arith.constant 0 : i32
      %dma_wait3A_197 = arith.constant 0 : i32
      %dma_wait3A_198 = tpu.memref_slice %arg2[%dma_wait3A_196, %dma_wait3A_197] : memref<6272x128xi32, #tpu.memory_space<hbm>> -> memref<2x128xi32, #tpu.memory_space<hbm>>
      %dma_wait3A_199 = arith.constant 0 : i32
      %dma_wait3A_200 = arith.constant 0 : i32
      %dma_wait3A_201 = tpu.memref_slice %arg2[%dma_wait3A_199, %dma_wait3A_200] : memref<6272x128xi32, #tpu.memory_space<hbm>> -> memref<2x128xi32, #tpu.memory_space<hbm>>
      tpu.wait_dma2 semaphore(%arg19 : memref<!tpu.dma_semaphore, #tpu.memory_space<semaphore_mem>>) src(%dma_wait3A_201 : memref<2x128xi32, #tpu.memory_space<hbm>>) dst(%arg11 : memref<2x128xi32, #tpu.memory_space<vmem>>)
      %dma_wait3A_202 = arith.constant 0 : i32
      %dma_wait3A_203 = arith.constant 0 : i32
      %dma_wait3A_204 = tpu.memref_slice %arg3[%dma_wait3A_202, %dma_wait3A_203] : memref<6272x128xi32, #tpu.memory_space<hbm>> -> memref<2x128xi32, #tpu.memory_space<hbm>>
      %dma_wait3A_205 = arith.constant 0 : i32
      %dma_wait3A_206 = arith.constant 0 : i32
      %dma_wait3A_207 = tpu.memref_slice %arg3[%dma_wait3A_205, %dma_wait3A_206] : memref<6272x128xi32, #tpu.memory_space<hbm>> -> memref<2x128xi32, #tpu.memory_space<hbm>>
      tpu.wait_dma2 semaphore(%arg19 : memref<!tpu.dma_semaphore, #tpu.memory_space<semaphore_mem>>) src(%dma_wait3A_207 : memref<2x128xi32, #tpu.memory_space<hbm>>) dst(%arg12 : memref<2x128xi32, #tpu.memory_space<vmem>>)
      %dma_start3A_208 = arith.constant 0 : i32
      %dma_start3A_209 = arith.constant 0 : i32
      %dma_start3A_210 = arith.constant 0 : i32
      %dma_start3A_211 = tpu.memref_slice %arg16[%dma_start3A_209, %dma_start3A_210] : memref<256x32xf32, #tpu.memory_space<vmem>> -> memref<128x32xf32, #tpu.memory_space<vmem>>
      %dma_start3A_212 = arith.constant 0 : i32
      %dma_start3A_213 = tpu.memref_slice %arg11[%dma_start3A_208, %dma_start3A_212] : memref<2x128xi32, #tpu.memory_space<vmem>> -> memref<1x128xi32, #tpu.memory_space<vmem>>
      %dma_start3A_214 = tpu.memref_squeeze %dma_start3A_213 : memref<1x128xi32, #tpu.memory_space<vmem>> -> memref<128xi32, #tpu.memory_space<vmem>>
      %dma_start3A_215 = arith.constant 0 : i32
      %dma_start3A_216 = arith.constant 0 : i32
      %dma_start3A_217 = tpu.memref_slice %arg4[%arg0, %dma_start3A_215, %dma_start3A_216] : memref<2x50048x32xf32, #tpu.memory_space<hbm>> -> memref<1x50048x32xf32, #tpu.memory_space<hbm>>
      %dma_start3A_218 = tpu.memref_squeeze %dma_start3A_217 : memref<1x50048x32xf32, #tpu.memory_space<hbm>> -> memref<50048x32xf32, #tpu.memory_space<hbm>>
      %dma_start3A_219 = arith.constant 0 : i32
      %dma_start3A_220 = arith.constant 0 : i32
      %dma_start3A_221 = tpu.memref_slice %dma_start3A_218[%dma_start3A_219, %dma_start3A_220] : memref<50048x32xf32, #tpu.memory_space<hbm>> -> memref<50048x32xf32, #tpu.memory_space<hbm>>
      tpu.enqueue_indirect_dma source(%dma_start3A_221 : memref<50048x32xf32, #tpu.memory_space<hbm>>) target(%dma_start3A_211 : memref<128x32xf32, #tpu.memory_space<vmem>>) offsets(%dma_start3A_214 : memref<128xi32, #tpu.memory_space<vmem>>) semaphore(%arg21 : memref<!tpu.dma_semaphore, #tpu.memory_space<semaphore_mem>>)
      %dma_start3A_222 = arith.constant 1 : i32
      %dma_start3A_223 = arith.constant 128 : i32
      %dma_start3A_224 = arith.constant 0 : i32
      %dma_start3A_225 = tpu.memref_slice %arg16[%dma_start3A_223, %dma_start3A_224] : memref<256x32xf32, #tpu.memory_space<vmem>> -> memref<128x32xf32, #tpu.memory_space<vmem>>
      %dma_start3A_226 = arith.constant 0 : i32
      %dma_start3A_227 = tpu.memref_slice %arg11[%dma_start3A_222, %dma_start3A_226] : memref<2x128xi32, #tpu.memory_space<vmem>> -> memref<1x128xi32, #tpu.memory_space<vmem>>
      %dma_start3A_228 = tpu.memref_squeeze %dma_start3A_227 : memref<1x128xi32, #tpu.memory_space<vmem>> -> memref<128xi32, #tpu.memory_space<vmem>>
      %dma_start3A_229 = arith.constant 0 : i32
      %dma_start3A_230 = arith.constant 0 : i32
      %dma_start3A_231 = tpu.memref_slice %arg4[%arg0, %dma_start3A_229, %dma_start3A_230] : memref<2x50048x32xf32, #tpu.memory_space<hbm>> -> memref<1x50048x32xf32, #tpu.memory_space<hbm>>
      %dma_start3A_232 = tpu.memref_squeeze %dma_start3A_231 : memref<1x50048x32xf32, #tpu.memory_space<hbm>> -> memref<50048x32xf32, #tpu.memory_space<hbm>>
      %dma_start3A_233 = arith.constant 0 : i32
      %dma_start3A_234 = arith.constant 0 : i32
      %dma_start3A_235 = tpu.memref_slice %dma_start3A_232[%dma_start3A_233, %dma_start3A_234] : memref<50048x32xf32, #tpu.memory_space<hbm>> -> memref<50048x32xf32, #tpu.memory_space<hbm>>
      tpu.enqueue_indirect_dma source(%dma_start3A_235 : memref<50048x32xf32, #tpu.memory_space<hbm>>) target(%dma_start3A_225 : memref<128x32xf32, #tpu.memory_space<vmem>>) offsets(%dma_start3A_228 : memref<128xi32, #tpu.memory_space<vmem>>) semaphore(%arg21 : memref<!tpu.dma_semaphore, #tpu.memory_space<semaphore_mem>>)
      %dma_wait3A_236 = arith.constant 0 : i32
      %dma_wait3A_237 = arith.constant 0 : i32
      %dma_wait3A_238 = arith.constant 0 : i32
      %dma_wait3A_239 = tpu.memref_slice %arg15[%dma_wait3A_237, %dma_wait3A_238] : memref<256x32xf32, #tpu.memory_space<vmem>> -> memref<128x32xf32, #tpu.memory_space<vmem>>
      %dma_wait3A_240 = arith.constant 0 : i32
      %dma_wait3A_241 = tpu.memref_slice %arg7[%dma_wait3A_236, %dma_wait3A_240] : memref<2x128xi32, #tpu.memory_space<vmem>> -> memref<1x128xi32, #tpu.memory_space<vmem>>
      %dma_wait3A_242 = tpu.memref_squeeze %dma_wait3A_241 : memref<1x128xi32, #tpu.memory_space<vmem>> -> memref<128xi32, #tpu.memory_space<vmem>>
      %dma_wait3A_243 = arith.constant 0 : i32
      %dma_wait3A_244 = arith.constant 0 : i32
      %dma_wait3A_245 = tpu.memref_slice %arg4[%arg0, %dma_wait3A_243, %dma_wait3A_244] : memref<2x50048x32xf32, #tpu.memory_space<hbm>> -> memref<1x50048x32xf32, #tpu.memory_space<hbm>>
      %dma_wait3A_246 = tpu.memref_squeeze %dma_wait3A_245 : memref<1x50048x32xf32, #tpu.memory_space<hbm>> -> memref<50048x32xf32, #tpu.memory_space<hbm>>
      %dma_wait3A_247 = arith.constant 0 : i32
      %dma_wait3A_248 = arith.constant 0 : i32
      %dma_wait3A_249 = tpu.memref_slice %dma_wait3A_246[%dma_wait3A_247, %dma_wait3A_248] : memref<50048x32xf32, #tpu.memory_space<hbm>> -> memref<50048x32xf32, #tpu.memory_space<hbm>>
      tpu.wait_indirect_dma semaphore(%arg20 : memref<!tpu.dma_semaphore, #tpu.memory_space<semaphore_mem>>) src(%dma_wait3A_249 : memref<50048x32xf32, #tpu.memory_space<hbm>>) dst(%dma_wait3A_239 : memref<128x32xf32, #tpu.memory_space<vmem>>)
      %dma_wait3A_250 = arith.constant 1 : i32
      %dma_wait3A_251 = arith.constant 128 : i32
      %dma_wait3A_252 = arith.constant 0 : i32
      %dma_wait3A_253 = tpu.memref_slice %arg15[%dma_wait3A_251, %dma_wait3A_252] : memref<256x32xf32, #tpu.memory_space<vmem>> -> memref<128x32xf32, #tpu.memory_space<vmem>>
      %dma_wait3A_254 = arith.constant 0 : i32
      %dma_wait3A_255 = tpu.memref_slice %arg7[%dma_wait3A_250, %dma_wait3A_254] : memref<2x128xi32, #tpu.memory_space<vmem>> -> memref<1x128xi32, #tpu.memory_space<vmem>>
      %dma_wait3A_256 = tpu.memref_squeeze %dma_wait3A_255 : memref<1x128xi32, #tpu.memory_space<vmem>> -> memref<128xi32, #tpu.memory_space<vmem>>
      %dma_wait3A_257 = arith.constant 0 : i32
      %dma_wait3A_258 = arith.constant 0 : i32
      %dma_wait3A_259 = tpu.memref_slice %arg4[%arg0, %dma_wait3A_257, %dma_wait3A_258] : memref<2x50048x32xf32, #tpu.memory_space<hbm>> -> memref<1x50048x32xf32, #tpu.memory_space<hbm>>
      %dma_wait3A_260 = tpu.memref_squeeze %dma_wait3A_259 : memref<1x50048x32xf32, #tpu.memory_space<hbm>> -> memref<50048x32xf32, #tpu.memory_space<hbm>>
      %dma_wait3A_261 = arith.constant 0 : i32
      %dma_wait3A_262 = arith.constant 0 : i32
      %dma_wait3A_263 = tpu.memref_slice %dma_wait3A_260[%dma_wait3A_261, %dma_wait3A_262] : memref<50048x32xf32, #tpu.memory_space<hbm>> -> memref<50048x32xf32, #tpu.memory_space<hbm>>
      tpu.wait_indirect_dma semaphore(%arg20 : memref<!tpu.dma_semaphore, #tpu.memory_space<semaphore_mem>>) src(%dma_wait3A_263 : memref<50048x32xf32, #tpu.memory_space<hbm>>) dst(%dma_wait3A_253 : memref<128x32xf32, #tpu.memory_space<vmem>>)
      %dma_start3A_264 = arith.constant 0 : i32
      %dma_start3A_265 = arith.constant 0 : i32
      %dma_start3A_266 = arith.constant 0 : i32
      %dma_start3A_267 = tpu.memref_slice %arg15[%dma_start3A_265, %dma_start3A_266] : memref<256x32xf32, #tpu.memory_space<vmem>> -> memref<128x32xf32, #tpu.memory_space<vmem>>
      %dma_start3A_268 = arith.constant 0 : i32
      %dma_start3A_269 = tpu.memref_slice %arg8[%dma_start3A_264, %dma_start3A_268] : memref<2x128xi32, #tpu.memory_space<vmem>> -> memref<1x128xi32, #tpu.memory_space<vmem>>
      %dma_start3A_270 = tpu.memref_squeeze %dma_start3A_269 : memref<1x128xi32, #tpu.memory_space<vmem>> -> memref<128xi32, #tpu.memory_space<vmem>>
      %dma_start3A_271 = arith.constant 0 : i32
      %dma_start3A_272 = arith.constant 0 : i32
      %dma_start3A_273 = tpu.memref_slice %arg6[%dma_start3A_271, %dma_start3A_272] : memref<50048x32xf32, #tpu.memory_space<vmem_shared>> -> memref<50048x32xf32, #tpu.memory_space<vmem_shared>>
      tpu.enqueue_indirect_dma source(%dma_start3A_267 : memref<128x32xf32, #tpu.memory_space<vmem>>) target(%dma_start3A_273 : memref<50048x32xf32, #tpu.memory_space<vmem_shared>>) offsets(%dma_start3A_270 : memref<128xi32, #tpu.memory_space<vmem>>) semaphore(%arg22 : memref<!tpu.dma_semaphore, #tpu.memory_space<semaphore_mem>>) {add = true}
      %dma_start3A_274 = arith.constant 1 : i32
      %dma_start3A_275 = arith.constant 128 : i32
      %dma_start3A_276 = arith.constant 0 : i32
      %dma_start3A_277 = tpu.memref_slice %arg15[%dma_start3A_275, %dma_start3A_276] : memref<256x32xf32, #tpu.memory_space<vmem>> -> memref<128x32xf32, #tpu.memory_space<vmem>>
      %dma_start3A_278 = arith.constant 0 : i32
      %dma_start3A_279 = tpu.memref_slice %arg8[%dma_start3A_274, %dma_start3A_278] : memref<2x128xi32, #tpu.memory_space<vmem>> -> memref<1x128xi32, #tpu.memory_space<vmem>>
      %dma_start3A_280 = tpu.memref_squeeze %dma_start3A_279 : memref<1x128xi32, #tpu.memory_space<vmem>> -> memref<128xi32, #tpu.memory_space<vmem>>
      %dma_start3A_281 = arith.constant 0 : i32
      %dma_start3A_282 = arith.constant 0 : i32
      %dma_start3A_283 = tpu.memref_slice %arg6[%dma_start3A_281, %dma_start3A_282] : memref<50048x32xf32, #tpu.memory_space<vmem_shared>> -> memref<50048x32xf32, #tpu.memory_space<vmem_shared>>
      tpu.enqueue_indirect_dma source(%dma_start3A_277 : memref<128x32xf32, #tpu.memory_space<vmem>>) target(%dma_start3A_283 : memref<50048x32xf32, #tpu.memory_space<vmem_shared>>) offsets(%dma_start3A_280 : memref<128xi32, #tpu.memory_space<vmem>>) semaphore(%arg22 : memref<!tpu.dma_semaphore, #tpu.memory_space<semaphore_mem>>) {add = true}
      %mul3A_284 = arith.constant 2 : i32
      %mul3A_285 = arith.muli %mul3A_284, %add3A_132 : i32
      %add3A_286 = arith.constant 1 : i32
      %add3A_287 = arith.addi %mul3A_285, %add3A_286 : i32
      %gt3A_288 = arith.constant 0 : i32
      %gt3A_289 = arith.cmpi sgt, %add3A_287, %gt3A_288 : i32
      %convert_element_type3A_290 = arith.extui %gt3A_289 : i1 to i32
      %cond3A_291 = arith.constant 0 : i32
      %cond3A_292 = arith.cmpi ne, %convert_element_type3A_290, %cond3A_291 : i32
      scf.if %cond3A_292 {
        %dma_wait3A_441 = arith.constant 0 : i32
        %dma_wait3A_442 = arith.constant 0 : i32
        %dma_wait3A_443 = arith.constant 0 : i32
        %dma_wait3A_444 = tpu.memref_slice %arg15[%dma_wait3A_442, %dma_wait3A_443] : memref<256x32xf32, #tpu.memory_space<vmem>> -> memref<128x32xf32, #tpu.memory_space<vmem>>
        %dma_wait3A_445 = arith.constant 0 : i32
        %dma_wait3A_446 = tpu.memref_slice %arg8[%dma_wait3A_441, %dma_wait3A_445] : memref<2x128xi32, #tpu.memory_space<vmem>> -> memref<1x128xi32, #tpu.memory_space<vmem>>
        %dma_wait3A_447 = tpu.memref_squeeze %dma_wait3A_446 : memref<1x128xi32, #tpu.memory_space<vmem>> -> memref<128xi32, #tpu.memory_space<vmem>>
        %dma_wait3A_448 = arith.constant 0 : i32
        %dma_wait3A_449 = arith.constant 0 : i32
        %dma_wait3A_450 = tpu.memref_slice %arg6[%dma_wait3A_448, %dma_wait3A_449] : memref<50048x32xf32, #tpu.memory_space<vmem_shared>> -> memref<50048x32xf32, #tpu.memory_space<vmem_shared>>
        tpu.wait_indirect_dma semaphore(%arg22 : memref<!tpu.dma_semaphore, #tpu.memory_space<semaphore_mem>>) src(%dma_wait3A_444 : memref<128x32xf32, #tpu.memory_space<vmem>>) dst(%dma_wait3A_450 : memref<50048x32xf32, #tpu.memory_space<vmem_shared>>)
        %dma_wait3A_451 = arith.constant 1 : i32
        %dma_wait3A_452 = arith.constant 128 : i32
        %dma_wait3A_453 = arith.constant 0 : i32
        %dma_wait3A_454 = tpu.memref_slice %arg15[%dma_wait3A_452, %dma_wait3A_453] : memref<256x32xf32, #tpu.memory_space<vmem>> -> memref<128x32xf32, #tpu.memory_space<vmem>>
        %dma_wait3A_455 = arith.constant 0 : i32
        %dma_wait3A_456 = tpu.memref_slice %arg8[%dma_wait3A_451, %dma_wait3A_455] : memref<2x128xi32, #tpu.memory_space<vmem>> -> memref<1x128xi32, #tpu.memory_space<vmem>>
        %dma_wait3A_457 = tpu.memref_squeeze %dma_wait3A_456 : memref<1x128xi32, #tpu.memory_space<vmem>> -> memref<128xi32, #tpu.memory_space<vmem>>
        %dma_wait3A_458 = arith.constant 0 : i32
        %dma_wait3A_459 = arith.constant 0 : i32
        %dma_wait3A_460 = tpu.memref_slice %arg6[%dma_wait3A_458, %dma_wait3A_459] : memref<50048x32xf32, #tpu.memory_space<vmem_shared>> -> memref<50048x32xf32, #tpu.memory_space<vmem_shared>>
        tpu.wait_indirect_dma semaphore(%arg22 : memref<!tpu.dma_semaphore, #tpu.memory_space<semaphore_mem>>) src(%dma_wait3A_454 : memref<128x32xf32, #tpu.memory_space<vmem>>) dst(%dma_wait3A_460 : memref<50048x32xf32, #tpu.memory_space<vmem_shared>>)
      } else {
      }
      %lt3A_293 = arith.constant 97 : i32
      %lt3A_294 = arith.cmpi slt, %add3A_287, %lt3A_293 : i32
      %convert_element_type3A_295 = arith.extui %lt3A_294 : i1 to i32
      %cond3A_296 = arith.constant 0 : i32
      %cond3A_297 = arith.cmpi ne, %convert_element_type3A_295, %cond3A_296 : i32
      scf.if %cond3A_297 {
        %mul3A_441 = arith.constant 2 : i32
        %mul3A_442 = arith.muli %mul3A_441, %add3A_287 : i32
        %add3A_443 = arith.constant 2 : i32
        %add3A_444 = arith.addi %mul3A_442, %add3A_443 : i32
        %mul3A_445 = arith.constant 392 : i32
        %mul3A_446 = arith.muli %arg1, %mul3A_445 : i32
        %mul3A_447 = arith.constant 2 : i32
        %mul3A_448 = arith.muli %add3A_444, %mul3A_447 : i32
        %add3A_449 = arith.addi %mul3A_446, %mul3A_448 : i32
        %dma_start3A_450 = arith.constant 0 : i32
        %dma_start3A_451 = tpu.memref_slice %arg2[%add3A_449, %dma_start3A_450] : memref<6272x128xi32, #tpu.memory_space<hbm>> -> memref<2x128xi32, #tpu.memory_space<hbm>>
        %dma_start3A_452 = arith.constant 0 : i32
        %dma_start3A_453 = tpu.memref_slice %arg2[%add3A_449, %dma_start3A_452] : memref<6272x128xi32, #tpu.memory_space<hbm>> -> memref<2x128xi32, #tpu.memory_space<hbm>>
        tpu.enqueue_dma source(%dma_start3A_453 : memref<2x128xi32, #tpu.memory_space<hbm>>) target(%arg7 : memref<2x128xi32, #tpu.memory_space<vmem>>) target_semaphore(%arg18 : memref<!tpu.dma_semaphore, #tpu.memory_space<semaphore_mem>>)
        %dma_start3A_454 = arith.constant 0 : i32
        %dma_start3A_455 = tpu.memref_slice %arg3[%add3A_449, %dma_start3A_454] : memref<6272x128xi32, #tpu.memory_space<hbm>> -> memref<2x128xi32, #tpu.memory_space<hbm>>
        %dma_start3A_456 = arith.constant 0 : i32
        %dma_start3A_457 = tpu.memref_slice %arg3[%add3A_449, %dma_start3A_456] : memref<6272x128xi32, #tpu.memory_space<hbm>> -> memref<2x128xi32, #tpu.memory_space<hbm>>
        tpu.enqueue_dma source(%dma_start3A_457 : memref<2x128xi32, #tpu.memory_space<hbm>>) target(%arg8 : memref<2x128xi32, #tpu.memory_space<vmem>>) target_semaphore(%arg18 : memref<!tpu.dma_semaphore, #tpu.memory_space<semaphore_mem>>)
      } else {
      }
      %gt3A_298 = arith.constant 0 : i32
      %gt3A_299 = arith.cmpi sgt, %add3A_287, %gt3A_298 : i32
      %convert_element_type3A_300 = arith.extui %gt3A_299 : i1 to i32
      %cond3A_301 = arith.constant 0 : i32
      %cond3A_302 = arith.cmpi ne, %convert_element_type3A_300, %cond3A_301 : i32
      scf.if %cond3A_302 {
        %dma_wait3A_441 = arith.constant 0 : i32
        %dma_wait3A_442 = arith.constant 0 : i32
        %dma_wait3A_443 = arith.constant 0 : i32
        %dma_wait3A_444 = tpu.memref_slice %arg16[%dma_wait3A_442, %dma_wait3A_443] : memref<256x32xf32, #tpu.memory_space<vmem>> -> memref<128x32xf32, #tpu.memory_space<vmem>>
        %dma_wait3A_445 = arith.constant 0 : i32
        %dma_wait3A_446 = tpu.memref_slice %arg11[%dma_wait3A_441, %dma_wait3A_445] : memref<2x128xi32, #tpu.memory_space<vmem>> -> memref<1x128xi32, #tpu.memory_space<vmem>>
        %dma_wait3A_447 = tpu.memref_squeeze %dma_wait3A_446 : memref<1x128xi32, #tpu.memory_space<vmem>> -> memref<128xi32, #tpu.memory_space<vmem>>
        %dma_wait3A_448 = arith.constant 0 : i32
        %dma_wait3A_449 = arith.constant 0 : i32
        %dma_wait3A_450 = tpu.memref_slice %arg4[%arg0, %dma_wait3A_448, %dma_wait3A_449] : memref<2x50048x32xf32, #tpu.memory_space<hbm>> -> memref<1x50048x32xf32, #tpu.memory_space<hbm>>
        %dma_wait3A_451 = tpu.memref_squeeze %dma_wait3A_450 : memref<1x50048x32xf32, #tpu.memory_space<hbm>> -> memref<50048x32xf32, #tpu.memory_space<hbm>>
        %dma_wait3A_452 = arith.constant 0 : i32
        %dma_wait3A_453 = arith.constant 0 : i32
        %dma_wait3A_454 = tpu.memref_slice %dma_wait3A_451[%dma_wait3A_452, %dma_wait3A_453] : memref<50048x32xf32, #tpu.memory_space<hbm>> -> memref<50048x32xf32, #tpu.memory_space<hbm>>
        tpu.wait_indirect_dma semaphore(%arg21 : memref<!tpu.dma_semaphore, #tpu.memory_space<semaphore_mem>>) src(%dma_wait3A_454 : memref<50048x32xf32, #tpu.memory_space<hbm>>) dst(%dma_wait3A_444 : memref<128x32xf32, #tpu.memory_space<vmem>>)
        %dma_wait3A_455 = arith.constant 1 : i32
        %dma_wait3A_456 = arith.constant 128 : i32
        %dma_wait3A_457 = arith.constant 0 : i32
        %dma_wait3A_458 = tpu.memref_slice %arg16[%dma_wait3A_456, %dma_wait3A_457] : memref<256x32xf32, #tpu.memory_space<vmem>> -> memref<128x32xf32, #tpu.memory_space<vmem>>
        %dma_wait3A_459 = arith.constant 0 : i32
        %dma_wait3A_460 = tpu.memref_slice %arg11[%dma_wait3A_455, %dma_wait3A_459] : memref<2x128xi32, #tpu.memory_space<vmem>> -> memref<1x128xi32, #tpu.memory_space<vmem>>
        %dma_wait3A_461 = tpu.memref_squeeze %dma_wait3A_460 : memref<1x128xi32, #tpu.memory_space<vmem>> -> memref<128xi32, #tpu.memory_space<vmem>>
        %dma_wait3A_462 = arith.constant 0 : i32
        %dma_wait3A_463 = arith.constant 0 : i32
        %dma_wait3A_464 = tpu.memref_slice %arg4[%arg0, %dma_wait3A_462, %dma_wait3A_463] : memref<2x50048x32xf32, #tpu.memory_space<hbm>> -> memref<1x50048x32xf32, #tpu.memory_space<hbm>>
        %dma_wait3A_465 = tpu.memref_squeeze %dma_wait3A_464 : memref<1x50048x32xf32, #tpu.memory_space<hbm>> -> memref<50048x32xf32, #tpu.memory_space<hbm>>
        %dma_wait3A_466 = arith.constant 0 : i32
        %dma_wait3A_467 = arith.constant 0 : i32
        %dma_wait3A_468 = tpu.memref_slice %dma_wait3A_465[%dma_wait3A_466, %dma_wait3A_467] : memref<50048x32xf32, #tpu.memory_space<hbm>> -> memref<50048x32xf32, #tpu.memory_space<hbm>>
        tpu.wait_indirect_dma semaphore(%arg21 : memref<!tpu.dma_semaphore, #tpu.memory_space<semaphore_mem>>) src(%dma_wait3A_468 : memref<50048x32xf32, #tpu.memory_space<hbm>>) dst(%dma_wait3A_458 : memref<128x32xf32, #tpu.memory_space<vmem>>)
        %dma_start3A_469 = arith.constant 0 : i32
        %dma_start3A_470 = arith.constant 0 : i32
        %dma_start3A_471 = arith.constant 0 : i32
        %dma_start3A_472 = tpu.memref_slice %arg16[%dma_start3A_470, %dma_start3A_471] : memref<256x32xf32, #tpu.memory_space<vmem>> -> memref<128x32xf32, #tpu.memory_space<vmem>>
        %dma_start3A_473 = arith.constant 0 : i32
        %dma_start3A_474 = tpu.memref_slice %arg12[%dma_start3A_469, %dma_start3A_473] : memref<2x128xi32, #tpu.memory_space<vmem>> -> memref<1x128xi32, #tpu.memory_space<vmem>>
        %dma_start3A_475 = tpu.memref_squeeze %dma_start3A_474 : memref<1x128xi32, #tpu.memory_space<vmem>> -> memref<128xi32, #tpu.memory_space<vmem>>
        %dma_start3A_476 = arith.constant 0 : i32
        %dma_start3A_477 = arith.constant 0 : i32
        %dma_start3A_478 = tpu.memref_slice %arg6[%dma_start3A_476, %dma_start3A_477] : memref<50048x32xf32, #tpu.memory_space<vmem_shared>> -> memref<50048x32xf32, #tpu.memory_space<vmem_shared>>
        tpu.enqueue_indirect_dma source(%dma_start3A_472 : memref<128x32xf32, #tpu.memory_space<vmem>>) target(%dma_start3A_478 : memref<50048x32xf32, #tpu.memory_space<vmem_shared>>) offsets(%dma_start3A_475 : memref<128xi32, #tpu.memory_space<vmem>>) semaphore(%arg23 : memref<!tpu.dma_semaphore, #tpu.memory_space<semaphore_mem>>) {add = true}
        %dma_start3A_479 = arith.constant 1 : i32
        %dma_start3A_480 = arith.constant 128 : i32
        %dma_start3A_481 = arith.constant 0 : i32
        %dma_start3A_482 = tpu.memref_slice %arg16[%dma_start3A_480, %dma_start3A_481] : memref<256x32xf32, #tpu.memory_space<vmem>> -> memref<128x32xf32, #tpu.memory_space<vmem>>
        %dma_start3A_483 = arith.constant 0 : i32
        %dma_start3A_484 = tpu.memref_slice %arg12[%dma_start3A_479, %dma_start3A_483] : memref<2x128xi32, #tpu.memory_space<vmem>> -> memref<1x128xi32, #tpu.memory_space<vmem>>
        %dma_start3A_485 = tpu.memref_squeeze %dma_start3A_484 : memref<1x128xi32, #tpu.memory_space<vmem>> -> memref<128xi32, #tpu.memory_space<vmem>>
        %dma_start3A_486 = arith.constant 0 : i32
        %dma_start3A_487 = arith.constant 0 : i32
        %dma_start3A_488 = tpu.memref_slice %arg6[%dma_start3A_486, %dma_start3A_487] : memref<50048x32xf32, #tpu.memory_space<vmem_shared>> -> memref<50048x32xf32, #tpu.memory_space<vmem_shared>>
        tpu.enqueue_indirect_dma source(%dma_start3A_482 : memref<128x32xf32, #tpu.memory_space<vmem>>) target(%dma_start3A_488 : memref<50048x32xf32, #tpu.memory_space<vmem_shared>>) offsets(%dma_start3A_485 : memref<128xi32, #tpu.memory_space<vmem>>) semaphore(%arg23 : memref<!tpu.dma_semaphore, #tpu.memory_space<semaphore_mem>>) {add = true}
      } else {
      }
      %dma_wait3A_303 = arith.constant 0 : i32
      %dma_wait3A_304 = arith.constant 0 : i32
      %dma_wait3A_305 = tpu.memref_slice %arg2[%dma_wait3A_303, %dma_wait3A_304] : memref<6272x128xi32, #tpu.memory_space<hbm>> -> memref<2x128xi32, #tpu.memory_space<hbm>>
      %dma_wait3A_306 = arith.constant 0 : i32
      %dma_wait3A_307 = arith.constant 0 : i32
      %dma_wait3A_308 = tpu.memref_slice %arg2[%dma_wait3A_306, %dma_wait3A_307] : memref<6272x128xi32, #tpu.memory_space<hbm>> -> memref<2x128xi32, #tpu.memory_space<hbm>>
      tpu.wait_dma2 semaphore(%arg18 : memref<!tpu.dma_semaphore, #tpu.memory_space<semaphore_mem>>) src(%dma_wait3A_308 : memref<2x128xi32, #tpu.memory_space<hbm>>) dst(%arg9 : memref<2x128xi32, #tpu.memory_space<vmem>>)
      %dma_wait3A_309 = arith.constant 0 : i32
      %dma_wait3A_310 = arith.constant 0 : i32
      %dma_wait3A_311 = tpu.memref_slice %arg3[%dma_wait3A_309, %dma_wait3A_310] : memref<6272x128xi32, #tpu.memory_space<hbm>> -> memref<2x128xi32, #tpu.memory_space<hbm>>
      %dma_wait3A_312 = arith.constant 0 : i32
      %dma_wait3A_313 = arith.constant 0 : i32
      %dma_wait3A_314 = tpu.memref_slice %arg3[%dma_wait3A_312, %dma_wait3A_313] : memref<6272x128xi32, #tpu.memory_space<hbm>> -> memref<2x128xi32, #tpu.memory_space<hbm>>
      tpu.wait_dma2 semaphore(%arg18 : memref<!tpu.dma_semaphore, #tpu.memory_space<semaphore_mem>>) src(%dma_wait3A_314 : memref<2x128xi32, #tpu.memory_space<hbm>>) dst(%arg10 : memref<2x128xi32, #tpu.memory_space<vmem>>)
      %dma_start3A_315 = arith.constant 0 : i32
      %dma_start3A_316 = arith.constant 0 : i32
      %dma_start3A_317 = arith.constant 0 : i32
      %dma_start3A_318 = tpu.memref_slice %arg15[%dma_start3A_316, %dma_start3A_317] : memref<256x32xf32, #tpu.memory_space<vmem>> -> memref<128x32xf32, #tpu.memory_space<vmem>>
      %dma_start3A_319 = arith.constant 0 : i32
      %dma_start3A_320 = tpu.memref_slice %arg9[%dma_start3A_315, %dma_start3A_319] : memref<2x128xi32, #tpu.memory_space<vmem>> -> memref<1x128xi32, #tpu.memory_space<vmem>>
      %dma_start3A_321 = tpu.memref_squeeze %dma_start3A_320 : memref<1x128xi32, #tpu.memory_space<vmem>> -> memref<128xi32, #tpu.memory_space<vmem>>
      %dma_start3A_322 = arith.constant 0 : i32
      %dma_start3A_323 = arith.constant 0 : i32
      %dma_start3A_324 = tpu.memref_slice %arg4[%arg0, %dma_start3A_322, %dma_start3A_323] : memref<2x50048x32xf32, #tpu.memory_space<hbm>> -> memref<1x50048x32xf32, #tpu.memory_space<hbm>>
      %dma_start3A_325 = tpu.memref_squeeze %dma_start3A_324 : memref<1x50048x32xf32, #tpu.memory_space<hbm>> -> memref<50048x32xf32, #tpu.memory_space<hbm>>
      %dma_start3A_326 = arith.constant 0 : i32
      %dma_start3A_327 = arith.constant 0 : i32
      %dma_start3A_328 = tpu.memref_slice %dma_start3A_325[%dma_start3A_326, %dma_start3A_327] : memref<50048x32xf32, #tpu.memory_space<hbm>> -> memref<50048x32xf32, #tpu.memory_space<hbm>>
      tpu.enqueue_indirect_dma source(%dma_start3A_328 : memref<50048x32xf32, #tpu.memory_space<hbm>>) target(%dma_start3A_318 : memref<128x32xf32, #tpu.memory_space<vmem>>) offsets(%dma_start3A_321 : memref<128xi32, #tpu.memory_space<vmem>>) semaphore(%arg20 : memref<!tpu.dma_semaphore, #tpu.memory_space<semaphore_mem>>)
      %dma_start3A_329 = arith.constant 1 : i32
      %dma_start3A_330 = arith.constant 128 : i32
      %dma_start3A_331 = arith.constant 0 : i32
      %dma_start3A_332 = tpu.memref_slice %arg15[%dma_start3A_330, %dma_start3A_331] : memref<256x32xf32, #tpu.memory_space<vmem>> -> memref<128x32xf32, #tpu.memory_space<vmem>>
      %dma_start3A_333 = arith.constant 0 : i32
      %dma_start3A_334 = tpu.memref_slice %arg9[%dma_start3A_329, %dma_start3A_333] : memref<2x128xi32, #tpu.memory_space<vmem>> -> memref<1x128xi32, #tpu.memory_space<vmem>>
      %dma_start3A_335 = tpu.memref_squeeze %dma_start3A_334 : memref<1x128xi32, #tpu.memory_space<vmem>> -> memref<128xi32, #tpu.memory_space<vmem>>
      %dma_start3A_336 = arith.constant 0 : i32
      %dma_start3A_337 = arith.constant 0 : i32
      %dma_start3A_338 = tpu.memref_slice %arg4[%arg0, %dma_start3A_336, %dma_start3A_337] : memref<2x50048x32xf32, #tpu.memory_space<hbm>> -> memref<1x50048x32xf32, #tpu.memory_space<hbm>>
      %dma_start3A_339 = tpu.memref_squeeze %dma_start3A_338 : memref<1x50048x32xf32, #tpu.memory_space<hbm>> -> memref<50048x32xf32, #tpu.memory_space<hbm>>
      %dma_start3A_340 = arith.constant 0 : i32
      %dma_start3A_341 = arith.constant 0 : i32
      %dma_start3A_342 = tpu.memref_slice %dma_start3A_339[%dma_start3A_340, %dma_start3A_341] : memref<50048x32xf32, #tpu.memory_space<hbm>> -> memref<50048x32xf32, #tpu.memory_space<hbm>>
      tpu.enqueue_indirect_dma source(%dma_start3A_342 : memref<50048x32xf32, #tpu.memory_space<hbm>>) target(%dma_start3A_332 : memref<128x32xf32, #tpu.memory_space<vmem>>) offsets(%dma_start3A_335 : memref<128xi32, #tpu.memory_space<vmem>>) semaphore(%arg20 : memref<!tpu.dma_semaphore, #tpu.memory_space<semaphore_mem>>)
      %gt3A_343 = arith.constant 0 : i32
      %gt3A_344 = arith.cmpi sgt, %add3A_287, %gt3A_343 : i32
      %convert_element_type3A_345 = arith.extui %gt3A_344 : i1 to i32
      %cond3A_346 = arith.constant 0 : i32
      %cond3A_347 = arith.cmpi ne, %convert_element_type3A_345, %cond3A_346 : i32
      scf.if %cond3A_347 {
        %dma_wait3A_441 = arith.constant 0 : i32
        %dma_wait3A_442 = arith.constant 0 : i32
        %dma_wait3A_443 = arith.constant 0 : i32
        %dma_wait3A_444 = tpu.memref_slice %arg16[%dma_wait3A_442, %dma_wait3A_443] : memref<256x32xf32, #tpu.memory_space<vmem>> -> memref<128x32xf32, #tpu.memory_space<vmem>>
        %dma_wait3A_445 = arith.constant 0 : i32
        %dma_wait3A_446 = tpu.memref_slice %arg12[%dma_wait3A_441, %dma_wait3A_445] : memref<2x128xi32, #tpu.memory_space<vmem>> -> memref<1x128xi32, #tpu.memory_space<vmem>>
        %dma_wait3A_447 = tpu.memref_squeeze %dma_wait3A_446 : memref<1x128xi32, #tpu.memory_space<vmem>> -> memref<128xi32, #tpu.memory_space<vmem>>
        %dma_wait3A_448 = arith.constant 0 : i32
        %dma_wait3A_449 = arith.constant 0 : i32
        %dma_wait3A_450 = tpu.memref_slice %arg6[%dma_wait3A_448, %dma_wait3A_449] : memref<50048x32xf32, #tpu.memory_space<vmem_shared>> -> memref<50048x32xf32, #tpu.memory_space<vmem_shared>>
        tpu.wait_indirect_dma semaphore(%arg23 : memref<!tpu.dma_semaphore, #tpu.memory_space<semaphore_mem>>) src(%dma_wait3A_444 : memref<128x32xf32, #tpu.memory_space<vmem>>) dst(%dma_wait3A_450 : memref<50048x32xf32, #tpu.memory_space<vmem_shared>>)
        %dma_wait3A_451 = arith.constant 1 : i32
        %dma_wait3A_452 = arith.constant 128 : i32
        %dma_wait3A_453 = arith.constant 0 : i32
        %dma_wait3A_454 = tpu.memref_slice %arg16[%dma_wait3A_452, %dma_wait3A_453] : memref<256x32xf32, #tpu.memory_space<vmem>> -> memref<128x32xf32, #tpu.memory_space<vmem>>
        %dma_wait3A_455 = arith.constant 0 : i32
        %dma_wait3A_456 = tpu.memref_slice %arg12[%dma_wait3A_451, %dma_wait3A_455] : memref<2x128xi32, #tpu.memory_space<vmem>> -> memref<1x128xi32, #tpu.memory_space<vmem>>
        %dma_wait3A_457 = tpu.memref_squeeze %dma_wait3A_456 : memref<1x128xi32, #tpu.memory_space<vmem>> -> memref<128xi32, #tpu.memory_space<vmem>>
        %dma_wait3A_458 = arith.constant 0 : i32
        %dma_wait3A_459 = arith.constant 0 : i32
        %dma_wait3A_460 = tpu.memref_slice %arg6[%dma_wait3A_458, %dma_wait3A_459] : memref<50048x32xf32, #tpu.memory_space<vmem_shared>> -> memref<50048x32xf32, #tpu.memory_space<vmem_shared>>
        tpu.wait_indirect_dma semaphore(%arg23 : memref<!tpu.dma_semaphore, #tpu.memory_space<semaphore_mem>>) src(%dma_wait3A_454 : memref<128x32xf32, #tpu.memory_space<vmem>>) dst(%dma_wait3A_460 : memref<50048x32xf32, #tpu.memory_space<vmem_shared>>)
      } else {
      }
      %lt3A_348 = arith.constant 97 : i32
      %lt3A_349 = arith.cmpi slt, %add3A_287, %lt3A_348 : i32
      %convert_element_type3A_350 = arith.extui %lt3A_349 : i1 to i32
      %cond3A_351 = arith.constant 0 : i32
      %cond3A_352 = arith.cmpi ne, %convert_element_type3A_350, %cond3A_351 : i32
      scf.if %cond3A_352 {
        %mul3A_441 = arith.constant 2 : i32
        %mul3A_442 = arith.muli %mul3A_441, %add3A_287 : i32
        %add3A_443 = arith.constant 3 : i32
        %add3A_444 = arith.addi %mul3A_442, %add3A_443 : i32
        %mul3A_445 = arith.constant 392 : i32
        %mul3A_446 = arith.muli %arg1, %mul3A_445 : i32
        %mul3A_447 = arith.constant 2 : i32
        %mul3A_448 = arith.muli %add3A_444, %mul3A_447 : i32
        %add3A_449 = arith.addi %mul3A_446, %mul3A_448 : i32
        %dma_start3A_450 = arith.constant 0 : i32
        %dma_start3A_451 = tpu.memref_slice %arg2[%add3A_449, %dma_start3A_450] : memref<6272x128xi32, #tpu.memory_space<hbm>> -> memref<2x128xi32, #tpu.memory_space<hbm>>
        %dma_start3A_452 = arith.constant 0 : i32
        %dma_start3A_453 = tpu.memref_slice %arg2[%add3A_449, %dma_start3A_452] : memref<6272x128xi32, #tpu.memory_space<hbm>> -> memref<2x128xi32, #tpu.memory_space<hbm>>
        tpu.enqueue_dma source(%dma_start3A_453 : memref<2x128xi32, #tpu.memory_space<hbm>>) target(%arg11 : memref<2x128xi32, #tpu.memory_space<vmem>>) target_semaphore(%arg19 : memref<!tpu.dma_semaphore, #tpu.memory_space<semaphore_mem>>)
        %dma_start3A_454 = arith.constant 0 : i32
        %dma_start3A_455 = tpu.memref_slice %arg3[%add3A_449, %dma_start3A_454] : memref<6272x128xi32, #tpu.memory_space<hbm>> -> memref<2x128xi32, #tpu.memory_space<hbm>>
        %dma_start3A_456 = arith.constant 0 : i32
        %dma_start3A_457 = tpu.memref_slice %arg3[%add3A_449, %dma_start3A_456] : memref<6272x128xi32, #tpu.memory_space<hbm>> -> memref<2x128xi32, #tpu.memory_space<hbm>>
        tpu.enqueue_dma source(%dma_start3A_457 : memref<2x128xi32, #tpu.memory_space<hbm>>) target(%arg12 : memref<2x128xi32, #tpu.memory_space<vmem>>) target_semaphore(%arg19 : memref<!tpu.dma_semaphore, #tpu.memory_space<semaphore_mem>>)
      } else {
      }
      %dma_wait3A_353 = arith.constant 0 : i32
      %dma_wait3A_354 = arith.constant 0 : i32
      %dma_wait3A_355 = tpu.memref_slice %arg2[%dma_wait3A_353, %dma_wait3A_354] : memref<6272x128xi32, #tpu.memory_space<hbm>> -> memref<2x128xi32, #tpu.memory_space<hbm>>
      %dma_wait3A_356 = arith.constant 0 : i32
      %dma_wait3A_357 = arith.constant 0 : i32
      %dma_wait3A_358 = tpu.memref_slice %arg2[%dma_wait3A_356, %dma_wait3A_357] : memref<6272x128xi32, #tpu.memory_space<hbm>> -> memref<2x128xi32, #tpu.memory_space<hbm>>
      tpu.wait_dma2 semaphore(%arg19 : memref<!tpu.dma_semaphore, #tpu.memory_space<semaphore_mem>>) src(%dma_wait3A_358 : memref<2x128xi32, #tpu.memory_space<hbm>>) dst(%arg13 : memref<2x128xi32, #tpu.memory_space<vmem>>)
      %dma_wait3A_359 = arith.constant 0 : i32
      %dma_wait3A_360 = arith.constant 0 : i32
      %dma_wait3A_361 = tpu.memref_slice %arg3[%dma_wait3A_359, %dma_wait3A_360] : memref<6272x128xi32, #tpu.memory_space<hbm>> -> memref<2x128xi32, #tpu.memory_space<hbm>>
      %dma_wait3A_362 = arith.constant 0 : i32
      %dma_wait3A_363 = arith.constant 0 : i32
      %dma_wait3A_364 = tpu.memref_slice %arg3[%dma_wait3A_362, %dma_wait3A_363] : memref<6272x128xi32, #tpu.memory_space<hbm>> -> memref<2x128xi32, #tpu.memory_space<hbm>>
      tpu.wait_dma2 semaphore(%arg19 : memref<!tpu.dma_semaphore, #tpu.memory_space<semaphore_mem>>) src(%dma_wait3A_364 : memref<2x128xi32, #tpu.memory_space<hbm>>) dst(%arg14 : memref<2x128xi32, #tpu.memory_space<vmem>>)
      %dma_start3A_365 = arith.constant 0 : i32
      %dma_start3A_366 = arith.constant 0 : i32
      %dma_start3A_367 = arith.constant 0 : i32
      %dma_start3A_368 = tpu.memref_slice %arg16[%dma_start3A_366, %dma_start3A_367] : memref<256x32xf32, #tpu.memory_space<vmem>> -> memref<128x32xf32, #tpu.memory_space<vmem>>
      %dma_start3A_369 = arith.constant 0 : i32
      %dma_start3A_370 = tpu.memref_slice %arg13[%dma_start3A_365, %dma_start3A_369] : memref<2x128xi32, #tpu.memory_space<vmem>> -> memref<1x128xi32, #tpu.memory_space<vmem>>
      %dma_start3A_371 = tpu.memref_squeeze %dma_start3A_370 : memref<1x128xi32, #tpu.memory_space<vmem>> -> memref<128xi32, #tpu.memory_space<vmem>>
      %dma_start3A_372 = arith.constant 0 : i32
      %dma_start3A_373 = arith.constant 0 : i32
      %dma_start3A_374 = tpu.memref_slice %arg4[%arg0, %dma_start3A_372, %dma_start3A_373] : memref<2x50048x32xf32, #tpu.memory_space<hbm>> -> memref<1x50048x32xf32, #tpu.memory_space<hbm>>
      %dma_start3A_375 = tpu.memref_squeeze %dma_start3A_374 : memref<1x50048x32xf32, #tpu.memory_space<hbm>> -> memref<50048x32xf32, #tpu.memory_space<hbm>>
      %dma_start3A_376 = arith.constant 0 : i32
      %dma_start3A_377 = arith.constant 0 : i32
      %dma_start3A_378 = tpu.memref_slice %dma_start3A_375[%dma_start3A_376, %dma_start3A_377] : memref<50048x32xf32, #tpu.memory_space<hbm>> -> memref<50048x32xf32, #tpu.memory_space<hbm>>
      tpu.enqueue_indirect_dma source(%dma_start3A_378 : memref<50048x32xf32, #tpu.memory_space<hbm>>) target(%dma_start3A_368 : memref<128x32xf32, #tpu.memory_space<vmem>>) offsets(%dma_start3A_371 : memref<128xi32, #tpu.memory_space<vmem>>) semaphore(%arg21 : memref<!tpu.dma_semaphore, #tpu.memory_space<semaphore_mem>>)
      %dma_start3A_379 = arith.constant 1 : i32
      %dma_start3A_380 = arith.constant 128 : i32
      %dma_start3A_381 = arith.constant 0 : i32
      %dma_start3A_382 = tpu.memref_slice %arg16[%dma_start3A_380, %dma_start3A_381] : memref<256x32xf32, #tpu.memory_space<vmem>> -> memref<128x32xf32, #tpu.memory_space<vmem>>
      %dma_start3A_383 = arith.constant 0 : i32
      %dma_start3A_384 = tpu.memref_slice %arg13[%dma_start3A_379, %dma_start3A_383] : memref<2x128xi32, #tpu.memory_space<vmem>> -> memref<1x128xi32, #tpu.memory_space<vmem>>
      %dma_start3A_385 = tpu.memref_squeeze %dma_start3A_384 : memref<1x128xi32, #tpu.memory_space<vmem>> -> memref<128xi32, #tpu.memory_space<vmem>>
      %dma_start3A_386 = arith.constant 0 : i32
      %dma_start3A_387 = arith.constant 0 : i32
      %dma_start3A_388 = tpu.memref_slice %arg4[%arg0, %dma_start3A_386, %dma_start3A_387] : memref<2x50048x32xf32, #tpu.memory_space<hbm>> -> memref<1x50048x32xf32, #tpu.memory_space<hbm>>
      %dma_start3A_389 = tpu.memref_squeeze %dma_start3A_388 : memref<1x50048x32xf32, #tpu.memory_space<hbm>> -> memref<50048x32xf32, #tpu.memory_space<hbm>>
      %dma_start3A_390 = arith.constant 0 : i32
      %dma_start3A_391 = arith.constant 0 : i32
      %dma_start3A_392 = tpu.memref_slice %dma_start3A_389[%dma_start3A_390, %dma_start3A_391] : memref<50048x32xf32, #tpu.memory_space<hbm>> -> memref<50048x32xf32, #tpu.memory_space<hbm>>
      tpu.enqueue_indirect_dma source(%dma_start3A_392 : memref<50048x32xf32, #tpu.memory_space<hbm>>) target(%dma_start3A_382 : memref<128x32xf32, #tpu.memory_space<vmem>>) offsets(%dma_start3A_385 : memref<128xi32, #tpu.memory_space<vmem>>) semaphore(%arg21 : memref<!tpu.dma_semaphore, #tpu.memory_space<semaphore_mem>>)
      %dma_wait3A_393 = arith.constant 0 : i32
      %dma_wait3A_394 = arith.constant 0 : i32
      %dma_wait3A_395 = arith.constant 0 : i32
      %dma_wait3A_396 = tpu.memref_slice %arg15[%dma_wait3A_394, %dma_wait3A_395] : memref<256x32xf32, #tpu.memory_space<vmem>> -> memref<128x32xf32, #tpu.memory_space<vmem>>
      %dma_wait3A_397 = arith.constant 0 : i32
      %dma_wait3A_398 = tpu.memref_slice %arg9[%dma_wait3A_393, %dma_wait3A_397] : memref<2x128xi32, #tpu.memory_space<vmem>> -> memref<1x128xi32, #tpu.memory_space<vmem>>
      %dma_wait3A_399 = tpu.memref_squeeze %dma_wait3A_398 : memref<1x128xi32, #tpu.memory_space<vmem>> -> memref<128xi32, #tpu.memory_space<vmem>>
      %dma_wait3A_400 = arith.constant 0 : i32
      %dma_wait3A_401 = arith.constant 0 : i32
      %dma_wait3A_402 = tpu.memref_slice %arg4[%arg0, %dma_wait3A_400, %dma_wait3A_401] : memref<2x50048x32xf32, #tpu.memory_space<hbm>> -> memref<1x50048x32xf32, #tpu.memory_space<hbm>>
      %dma_wait3A_403 = tpu.memref_squeeze %dma_wait3A_402 : memref<1x50048x32xf32, #tpu.memory_space<hbm>> -> memref<50048x32xf32, #tpu.memory_space<hbm>>
      %dma_wait3A_404 = arith.constant 0 : i32
      %dma_wait3A_405 = arith.constant 0 : i32
      %dma_wait3A_406 = tpu.memref_slice %dma_wait3A_403[%dma_wait3A_404, %dma_wait3A_405] : memref<50048x32xf32, #tpu.memory_space<hbm>> -> memref<50048x32xf32, #tpu.memory_space<hbm>>
      tpu.wait_indirect_dma semaphore(%arg20 : memref<!tpu.dma_semaphore, #tpu.memory_space<semaphore_mem>>) src(%dma_wait3A_406 : memref<50048x32xf32, #tpu.memory_space<hbm>>) dst(%dma_wait3A_396 : memref<128x32xf32, #tpu.memory_space<vmem>>)
      %dma_wait3A_407 = arith.constant 1 : i32
      %dma_wait3A_408 = arith.constant 128 : i32
      %dma_wait3A_409 = arith.constant 0 : i32
      %dma_wait3A_410 = tpu.memref_slice %arg15[%dma_wait3A_408, %dma_wait3A_409] : memref<256x32xf32, #tpu.memory_space<vmem>> -> memref<128x32xf32, #tpu.memory_space<vmem>>
      %dma_wait3A_411 = arith.constant 0 : i32
      %dma_wait3A_412 = tpu.memref_slice %arg9[%dma_wait3A_407, %dma_wait3A_411] : memref<2x128xi32, #tpu.memory_space<vmem>> -> memref<1x128xi32, #tpu.memory_space<vmem>>
      %dma_wait3A_413 = tpu.memref_squeeze %dma_wait3A_412 : memref<1x128xi32, #tpu.memory_space<vmem>> -> memref<128xi32, #tpu.memory_space<vmem>>
      %dma_wait3A_414 = arith.constant 0 : i32
      %dma_wait3A_415 = arith.constant 0 : i32
      %dma_wait3A_416 = tpu.memref_slice %arg4[%arg0, %dma_wait3A_414, %dma_wait3A_415] : memref<2x50048x32xf32, #tpu.memory_space<hbm>> -> memref<1x50048x32xf32, #tpu.memory_space<hbm>>
      %dma_wait3A_417 = tpu.memref_squeeze %dma_wait3A_416 : memref<1x50048x32xf32, #tpu.memory_space<hbm>> -> memref<50048x32xf32, #tpu.memory_space<hbm>>
      %dma_wait3A_418 = arith.constant 0 : i32
      %dma_wait3A_419 = arith.constant 0 : i32
      %dma_wait3A_420 = tpu.memref_slice %dma_wait3A_417[%dma_wait3A_418, %dma_wait3A_419] : memref<50048x32xf32, #tpu.memory_space<hbm>> -> memref<50048x32xf32, #tpu.memory_space<hbm>>
      tpu.wait_indirect_dma semaphore(%arg20 : memref<!tpu.dma_semaphore, #tpu.memory_space<semaphore_mem>>) src(%dma_wait3A_420 : memref<50048x32xf32, #tpu.memory_space<hbm>>) dst(%dma_wait3A_410 : memref<128x32xf32, #tpu.memory_space<vmem>>)
      %dma_start3A_421 = arith.constant 0 : i32
      %dma_start3A_422 = arith.constant 0 : i32
      %dma_start3A_423 = arith.constant 0 : i32
      %dma_start3A_424 = tpu.memref_slice %arg15[%dma_start3A_422, %dma_start3A_423] : memref<256x32xf32, #tpu.memory_space<vmem>> -> memref<128x32xf32, #tpu.memory_space<vmem>>
      %dma_start3A_425 = arith.constant 0 : i32
      %dma_start3A_426 = tpu.memref_slice %arg10[%dma_start3A_421, %dma_start3A_425] : memref<2x128xi32, #tpu.memory_space<vmem>> -> memref<1x128xi32, #tpu.memory_space<vmem>>
      %dma_start3A_427 = tpu.memref_squeeze %dma_start3A_426 : memref<1x128xi32, #tpu.memory_space<vmem>> -> memref<128xi32, #tpu.memory_space<vmem>>
      %dma_start3A_428 = arith.constant 0 : i32
      %dma_start3A_429 = arith.constant 0 : i32
      %dma_start3A_430 = tpu.memref_slice %arg6[%dma_start3A_428, %dma_start3A_429] : memref<50048x32xf32, #tpu.memory_space<vmem_shared>> -> memref<50048x32xf32, #tpu.memory_space<vmem_shared>>
      tpu.enqueue_indirect_dma source(%dma_start3A_424 : memref<128x32xf32, #tpu.memory_space<vmem>>) target(%dma_start3A_430 : memref<50048x32xf32, #tpu.memory_space<vmem_shared>>) offsets(%dma_start3A_427 : memref<128xi32, #tpu.memory_space<vmem>>) semaphore(%arg22 : memref<!tpu.dma_semaphore, #tpu.memory_space<semaphore_mem>>) {add = true}
      %dma_start3A_431 = arith.constant 1 : i32
      %dma_start3A_432 = arith.constant 128 : i32
      %dma_start3A_433 = arith.constant 0 : i32
      %dma_start3A_434 = tpu.memref_slice %arg15[%dma_start3A_432, %dma_start3A_433] : memref<256x32xf32, #tpu.memory_space<vmem>> -> memref<128x32xf32, #tpu.memory_space<vmem>>
      %dma_start3A_435 = arith.constant 0 : i32
      %dma_start3A_436 = tpu.memref_slice %arg10[%dma_start3A_431, %dma_start3A_435] : memref<2x128xi32, #tpu.memory_space<vmem>> -> memref<1x128xi32, #tpu.memory_space<vmem>>
      %dma_start3A_437 = tpu.memref_squeeze %dma_start3A_436 : memref<1x128xi32, #tpu.memory_space<vmem>> -> memref<128xi32, #tpu.memory_space<vmem>>
      %dma_start3A_438 = arith.constant 0 : i32
      %dma_start3A_439 = arith.constant 0 : i32
      %dma_start3A_440 = tpu.memref_slice %arg6[%dma_start3A_438, %dma_start3A_439] : memref<50048x32xf32, #tpu.memory_space<vmem_shared>> -> memref<50048x32xf32, #tpu.memory_space<vmem_shared>>
      tpu.enqueue_indirect_dma source(%dma_start3A_434 : memref<128x32xf32, #tpu.memory_space<vmem>>) target(%dma_start3A_440 : memref<50048x32xf32, #tpu.memory_space<vmem_shared>>) offsets(%dma_start3A_437 : memref<128xi32, #tpu.memory_space<vmem>>) semaphore(%arg22 : memref<!tpu.dma_semaphore, #tpu.memory_space<semaphore_mem>>) {add = true}
    }
    %scan3A_34 = arith.constant 49 : i32
    %dma_wait3A = arith.constant 0 : i32
    %dma_wait3A_35 = arith.constant 0 : i32
    %dma_wait3A_36 = arith.constant 0 : i32
    %dma_wait3A_37 = tpu.memref_slice %arg16[%dma_wait3A_35, %dma_wait3A_36] : memref<256x32xf32, #tpu.memory_space<vmem>> -> memref<128x32xf32, #tpu.memory_space<vmem>>
    %dma_wait3A_38 = arith.constant 0 : i32
    %dma_wait3A_39 = tpu.memref_slice %arg13[%dma_wait3A, %dma_wait3A_38] : memref<2x128xi32, #tpu.memory_space<vmem>> -> memref<1x128xi32, #tpu.memory_space<vmem>>
    %dma_wait3A_40 = tpu.memref_squeeze %dma_wait3A_39 : memref<1x128xi32, #tpu.memory_space<vmem>> -> memref<128xi32, #tpu.memory_space<vmem>>
    %dma_wait3A_41 = arith.constant 0 : i32
    %dma_wait3A_42 = arith.constant 0 : i32
    %dma_wait3A_43 = tpu.memref_slice %arg4[%arg0, %dma_wait3A_41, %dma_wait3A_42] : memref<2x50048x32xf32, #tpu.memory_space<hbm>> -> memref<1x50048x32xf32, #tpu.memory_space<hbm>>
    %dma_wait3A_44 = tpu.memref_squeeze %dma_wait3A_43 : memref<1x50048x32xf32, #tpu.memory_space<hbm>> -> memref<50048x32xf32, #tpu.memory_space<hbm>>
    %dma_wait3A_45 = arith.constant 0 : i32
    %dma_wait3A_46 = arith.constant 0 : i32
    %dma_wait3A_47 = tpu.memref_slice %dma_wait3A_44[%dma_wait3A_45, %dma_wait3A_46] : memref<50048x32xf32, #tpu.memory_space<hbm>> -> memref<50048x32xf32, #tpu.memory_space<hbm>>
    tpu.wait_indirect_dma semaphore(%arg21 : memref<!tpu.dma_semaphore, #tpu.memory_space<semaphore_mem>>) src(%dma_wait3A_47 : memref<50048x32xf32, #tpu.memory_space<hbm>>) dst(%dma_wait3A_37 : memref<128x32xf32, #tpu.memory_space<vmem>>)
    %dma_wait3A_48 = arith.constant 1 : i32
    %dma_wait3A_49 = arith.constant 128 : i32
    %dma_wait3A_50 = arith.constant 0 : i32
    %dma_wait3A_51 = tpu.memref_slice %arg16[%dma_wait3A_49, %dma_wait3A_50] : memref<256x32xf32, #tpu.memory_space<vmem>> -> memref<128x32xf32, #tpu.memory_space<vmem>>
    %dma_wait3A_52 = arith.constant 0 : i32
    %dma_wait3A_53 = tpu.memref_slice %arg13[%dma_wait3A_48, %dma_wait3A_52] : memref<2x128xi32, #tpu.memory_space<vmem>> -> memref<1x128xi32, #tpu.memory_space<vmem>>
    %dma_wait3A_54 = tpu.memref_squeeze %dma_wait3A_53 : memref<1x128xi32, #tpu.memory_space<vmem>> -> memref<128xi32, #tpu.memory_space<vmem>>
    %dma_wait3A_55 = arith.constant 0 : i32
    %dma_wait3A_56 = arith.constant 0 : i32
    %dma_wait3A_57 = tpu.memref_slice %arg4[%arg0, %dma_wait3A_55, %dma_wait3A_56] : memref<2x50048x32xf32, #tpu.memory_space<hbm>> -> memref<1x50048x32xf32, #tpu.memory_space<hbm>>
    %dma_wait3A_58 = tpu.memref_squeeze %dma_wait3A_57 : memref<1x50048x32xf32, #tpu.memory_space<hbm>> -> memref<50048x32xf32, #tpu.memory_space<hbm>>
    %dma_wait3A_59 = arith.constant 0 : i32
    %dma_wait3A_60 = arith.constant 0 : i32
    %dma_wait3A_61 = tpu.memref_slice %dma_wait3A_58[%dma_wait3A_59, %dma_wait3A_60] : memref<50048x32xf32, #tpu.memory_space<hbm>> -> memref<50048x32xf32, #tpu.memory_space<hbm>>
    tpu.wait_indirect_dma semaphore(%arg21 : memref<!tpu.dma_semaphore, #tpu.memory_space<semaphore_mem>>) src(%dma_wait3A_61 : memref<50048x32xf32, #tpu.memory_space<hbm>>) dst(%dma_wait3A_51 : memref<128x32xf32, #tpu.memory_space<vmem>>)
    %dma_start3A_62 = arith.constant 0 : i32
    %dma_start3A_63 = arith.constant 0 : i32
    %dma_start3A_64 = arith.constant 0 : i32
    %dma_start3A_65 = tpu.memref_slice %arg16[%dma_start3A_63, %dma_start3A_64] : memref<256x32xf32, #tpu.memory_space<vmem>> -> memref<128x32xf32, #tpu.memory_space<vmem>>
    %dma_start3A_66 = arith.constant 0 : i32
    %dma_start3A_67 = tpu.memref_slice %arg14[%dma_start3A_62, %dma_start3A_66] : memref<2x128xi32, #tpu.memory_space<vmem>> -> memref<1x128xi32, #tpu.memory_space<vmem>>
    %dma_start3A_68 = tpu.memref_squeeze %dma_start3A_67 : memref<1x128xi32, #tpu.memory_space<vmem>> -> memref<128xi32, #tpu.memory_space<vmem>>
    %dma_start3A_69 = arith.constant 0 : i32
    %dma_start3A_70 = arith.constant 0 : i32
    %dma_start3A_71 = tpu.memref_slice %arg6[%dma_start3A_69, %dma_start3A_70] : memref<50048x32xf32, #tpu.memory_space<vmem_shared>> -> memref<50048x32xf32, #tpu.memory_space<vmem_shared>>
    tpu.enqueue_indirect_dma source(%dma_start3A_65 : memref<128x32xf32, #tpu.memory_space<vmem>>) target(%dma_start3A_71 : memref<50048x32xf32, #tpu.memory_space<vmem_shared>>) offsets(%dma_start3A_68 : memref<128xi32, #tpu.memory_space<vmem>>) semaphore(%arg23 : memref<!tpu.dma_semaphore, #tpu.memory_space<semaphore_mem>>) {add = true}
    %dma_start3A_72 = arith.constant 1 : i32
    %dma_start3A_73 = arith.constant 128 : i32
    %dma_start3A_74 = arith.constant 0 : i32
    %dma_start3A_75 = tpu.memref_slice %arg16[%dma_start3A_73, %dma_start3A_74] : memref<256x32xf32, #tpu.memory_space<vmem>> -> memref<128x32xf32, #tpu.memory_space<vmem>>
    %dma_start3A_76 = arith.constant 0 : i32
    %dma_start3A_77 = tpu.memref_slice %arg14[%dma_start3A_72, %dma_start3A_76] : memref<2x128xi32, #tpu.memory_space<vmem>> -> memref<1x128xi32, #tpu.memory_space<vmem>>
    %dma_start3A_78 = tpu.memref_squeeze %dma_start3A_77 : memref<1x128xi32, #tpu.memory_space<vmem>> -> memref<128xi32, #tpu.memory_space<vmem>>
    %dma_start3A_79 = arith.constant 0 : i32
    %dma_start3A_80 = arith.constant 0 : i32
    %dma_start3A_81 = tpu.memref_slice %arg6[%dma_start3A_79, %dma_start3A_80] : memref<50048x32xf32, #tpu.memory_space<vmem_shared>> -> memref<50048x32xf32, #tpu.memory_space<vmem_shared>>
    tpu.enqueue_indirect_dma source(%dma_start3A_75 : memref<128x32xf32, #tpu.memory_space<vmem>>) target(%dma_start3A_81 : memref<50048x32xf32, #tpu.memory_space<vmem_shared>>) offsets(%dma_start3A_78 : memref<128xi32, #tpu.memory_space<vmem>>) semaphore(%arg23 : memref<!tpu.dma_semaphore, #tpu.memory_space<semaphore_mem>>) {add = true}
    %dma_wait3A_82 = arith.constant 0 : i32
    %dma_wait3A_83 = arith.constant 0 : i32
    %dma_wait3A_84 = arith.constant 0 : i32
    %dma_wait3A_85 = tpu.memref_slice %arg15[%dma_wait3A_83, %dma_wait3A_84] : memref<256x32xf32, #tpu.memory_space<vmem>> -> memref<128x32xf32, #tpu.memory_space<vmem>>
    %dma_wait3A_86 = arith.constant 0 : i32
    %dma_wait3A_87 = tpu.memref_slice %arg10[%dma_wait3A_82, %dma_wait3A_86] : memref<2x128xi32, #tpu.memory_space<vmem>> -> memref<1x128xi32, #tpu.memory_space<vmem>>
    %dma_wait3A_88 = tpu.memref_squeeze %dma_wait3A_87 : memref<1x128xi32, #tpu.memory_space<vmem>> -> memref<128xi32, #tpu.memory_space<vmem>>
    %dma_wait3A_89 = arith.constant 0 : i32
    %dma_wait3A_90 = arith.constant 0 : i32
    %dma_wait3A_91 = tpu.memref_slice %arg6[%dma_wait3A_89, %dma_wait3A_90] : memref<50048x32xf32, #tpu.memory_space<vmem_shared>> -> memref<50048x32xf32, #tpu.memory_space<vmem_shared>>
    tpu.wait_indirect_dma semaphore(%arg22 : memref<!tpu.dma_semaphore, #tpu.memory_space<semaphore_mem>>) src(%dma_wait3A_85 : memref<128x32xf32, #tpu.memory_space<vmem>>) dst(%dma_wait3A_91 : memref<50048x32xf32, #tpu.memory_space<vmem_shared>>)
    %dma_wait3A_92 = arith.constant 1 : i32
    %dma_wait3A_93 = arith.constant 128 : i32
    %dma_wait3A_94 = arith.constant 0 : i32
    %dma_wait3A_95 = tpu.memref_slice %arg15[%dma_wait3A_93, %dma_wait3A_94] : memref<256x32xf32, #tpu.memory_space<vmem>> -> memref<128x32xf32, #tpu.memory_space<vmem>>
    %dma_wait3A_96 = arith.constant 0 : i32
    %dma_wait3A_97 = tpu.memref_slice %arg10[%dma_wait3A_92, %dma_wait3A_96] : memref<2x128xi32, #tpu.memory_space<vmem>> -> memref<1x128xi32, #tpu.memory_space<vmem>>
    %dma_wait3A_98 = tpu.memref_squeeze %dma_wait3A_97 : memref<1x128xi32, #tpu.memory_space<vmem>> -> memref<128xi32, #tpu.memory_space<vmem>>
    %dma_wait3A_99 = arith.constant 0 : i32
    %dma_wait3A_100 = arith.constant 0 : i32
    %dma_wait3A_101 = tpu.memref_slice %arg6[%dma_wait3A_99, %dma_wait3A_100] : memref<50048x32xf32, #tpu.memory_space<vmem_shared>> -> memref<50048x32xf32, #tpu.memory_space<vmem_shared>>
    tpu.wait_indirect_dma semaphore(%arg22 : memref<!tpu.dma_semaphore, #tpu.memory_space<semaphore_mem>>) src(%dma_wait3A_95 : memref<128x32xf32, #tpu.memory_space<vmem>>) dst(%dma_wait3A_101 : memref<50048x32xf32, #tpu.memory_space<vmem_shared>>)
    %dma_wait3A_102 = arith.constant 0 : i32
    %dma_wait3A_103 = arith.constant 0 : i32
    %dma_wait3A_104 = arith.constant 0 : i32
    %dma_wait3A_105 = tpu.memref_slice %arg16[%dma_wait3A_103, %dma_wait3A_104] : memref<256x32xf32, #tpu.memory_space<vmem>> -> memref<128x32xf32, #tpu.memory_space<vmem>>
    %dma_wait3A_106 = arith.constant 0 : i32
    %dma_wait3A_107 = tpu.memref_slice %arg14[%dma_wait3A_102, %dma_wait3A_106] : memref<2x128xi32, #tpu.memory_space<vmem>> -> memref<1x128xi32, #tpu.memory_space<vmem>>
    %dma_wait3A_108 = tpu.memref_squeeze %dma_wait3A_107 : memref<1x128xi32, #tpu.memory_space<vmem>> -> memref<128xi32, #tpu.memory_space<vmem>>
    %dma_wait3A_109 = arith.constant 0 : i32
    %dma_wait3A_110 = arith.constant 0 : i32
    %dma_wait3A_111 = tpu.memref_slice %arg6[%dma_wait3A_109, %dma_wait3A_110] : memref<50048x32xf32, #tpu.memory_space<vmem_shared>> -> memref<50048x32xf32, #tpu.memory_space<vmem_shared>>
    tpu.wait_indirect_dma semaphore(%arg23 : memref<!tpu.dma_semaphore, #tpu.memory_space<semaphore_mem>>) src(%dma_wait3A_105 : memref<128x32xf32, #tpu.memory_space<vmem>>) dst(%dma_wait3A_111 : memref<50048x32xf32, #tpu.memory_space<vmem_shared>>)
    %dma_wait3A_112 = arith.constant 1 : i32
    %dma_wait3A_113 = arith.constant 128 : i32
    %dma_wait3A_114 = arith.constant 0 : i32
    %dma_wait3A_115 = tpu.memref_slice %arg16[%dma_wait3A_113, %dma_wait3A_114] : memref<256x32xf32, #tpu.memory_space<vmem>> -> memref<128x32xf32, #tpu.memory_space<vmem>>
    %dma_wait3A_116 = arith.constant 0 : i32
    %dma_wait3A_117 = tpu.memref_slice %arg14[%dma_wait3A_112, %dma_wait3A_116] : memref<2x128xi32, #tpu.memory_space<vmem>> -> memref<1x128xi32, #tpu.memory_space<vmem>>
    %dma_wait3A_118 = tpu.memref_squeeze %dma_wait3A_117 : memref<1x128xi32, #tpu.memory_space<vmem>> -> memref<128xi32, #tpu.memory_space<vmem>>
    %dma_wait3A_119 = arith.constant 0 : i32
    %dma_wait3A_120 = arith.constant 0 : i32
    %dma_wait3A_121 = tpu.memref_slice %arg6[%dma_wait3A_119, %dma_wait3A_120] : memref<50048x32xf32, #tpu.memory_space<vmem_shared>> -> memref<50048x32xf32, #tpu.memory_space<vmem_shared>>
    tpu.wait_indirect_dma semaphore(%arg23 : memref<!tpu.dma_semaphore, #tpu.memory_space<semaphore_mem>>) src(%dma_wait3A_115 : memref<128x32xf32, #tpu.memory_space<vmem>>) dst(%dma_wait3A_121 : memref<50048x32xf32, #tpu.memory_space<vmem_shared>>)
    %barrier3A_122 = arith.constant 0 : index
    tpu.barrier barrier_id(%barrier3A_122)
    %scan3A_123 = arith.constant 0 : i32
    %scan3A_124 = arith.constant 17 : i32
    %scan3A_125 = arith.addi %scan3A_123, %scan3A_124 : i32
    %scan3A_126 = arith.constant 1 : i32
    scf.for %scan3A_128 = %scan3A_123 to %scan3A_125 step %scan3A_126  : i32 {
      %mul3A_129 = arith.constant 1 : i32
      %mul3A_130 = arith.muli %scan3A_128, %mul3A_129 : i32
      %add3A_131 = arith.constant 0 : i32
      %add3A_132 = arith.addi %add3A_131, %mul3A_130 : i32
      %mul3A_133 = arith.constant 3128 : i32
      %mul3A_134 = arith.muli %arg1, %mul3A_133 : i32
      %mul3A_135 = arith.constant 184 : i32
      %mul3A_136 = arith.muli %add3A_132, %mul3A_135 : i32
      %add3A_137 = arith.addi %mul3A_134, %mul3A_136 : i32
      "tpu.region"() ({
        %run_scoped3A = tpu.sem_alloc : memref<!tpu.dma_semaphore, #tpu.memory_space<semaphore_mem>>
        %dma_start3A_138 = arith.constant 0 : i32
        %dma_start3A_139 = arith.constant 0 : i32
        %dma_start3A_140 = tpu.memref_slice %arg15[%dma_start3A_138, %dma_start3A_139] : memref<256x32xf32, #tpu.memory_space<vmem>> -> memref<184x32xf32, #tpu.memory_space<vmem>>
        %dma_start3A_141 = arith.constant 0 : i32
        %dma_start3A_142 = tpu.memref_slice %arg6[%add3A_137, %dma_start3A_141] : memref<50048x32xf32, #tpu.memory_space<vmem_shared>> -> memref<184x32xf32, #tpu.memory_space<vmem_shared>>
        %dma_start3A_143 = arith.constant 0 : i32
        %dma_start3A_144 = arith.constant 0 : i32
        %dma_start3A_145 = tpu.memref_slice %arg15[%dma_start3A_143, %dma_start3A_144] : memref<256x32xf32, #tpu.memory_space<vmem>> -> memref<184x32xf32, #tpu.memory_space<vmem>>
        %dma_start3A_146 = arith.constant 0 : i32
        %dma_start3A_147 = tpu.memref_slice %arg6[%add3A_137, %dma_start3A_146] : memref<50048x32xf32, #tpu.memory_space<vmem_shared>> -> memref<184x32xf32, #tpu.memory_space<vmem_shared>>
        tpu.enqueue_dma source(%dma_start3A_147 : memref<184x32xf32, #tpu.memory_space<vmem_shared>>) target(%dma_start3A_145 : memref<184x32xf32, #tpu.memory_space<vmem>>) target_semaphore(%run_scoped3A : memref<!tpu.dma_semaphore, #tpu.memory_space<semaphore_mem>>)
        %dma_wait3A_148 = arith.constant 0 : i32
        %dma_wait3A_149 = arith.constant 0 : i32
        %dma_wait3A_150 = tpu.memref_slice %arg15[%dma_wait3A_148, %dma_wait3A_149] : memref<256x32xf32, #tpu.memory_space<vmem>> -> memref<184x32xf32, #tpu.memory_space<vmem>>
        %dma_wait3A_151 = arith.constant 0 : i32
        %dma_wait3A_152 = tpu.memref_slice %arg6[%add3A_137, %dma_wait3A_151] : memref<50048x32xf32, #tpu.memory_space<vmem_shared>> -> memref<184x32xf32, #tpu.memory_space<vmem_shared>>
        %dma_wait3A_153 = arith.constant 0 : i32
        %dma_wait3A_154 = arith.constant 0 : i32
        %dma_wait3A_155 = tpu.memref_slice %arg15[%dma_wait3A_153, %dma_wait3A_154] : memref<256x32xf32, #tpu.memory_space<vmem>> -> memref<184x32xf32, #tpu.memory_space<vmem>>
        %dma_wait3A_156 = arith.constant 0 : i32
        %dma_wait3A_157 = tpu.memref_slice %arg6[%add3A_137, %dma_wait3A_156] : memref<50048x32xf32, #tpu.memory_space<vmem_shared>> -> memref<184x32xf32, #tpu.memory_space<vmem_shared>>
        tpu.wait_dma2 semaphore(%run_scoped3A : memref<!tpu.dma_semaphore, #tpu.memory_space<semaphore_mem>>) src(%dma_wait3A_157 : memref<184x32xf32, #tpu.memory_space<vmem_shared>>) dst(%dma_wait3A_155 : memref<184x32xf32, #tpu.memory_space<vmem>>)
        tpu.yield
      }) : () -> ()
      "tpu.region"() ({
        %run_scoped3A = tpu.sem_alloc : memref<!tpu.dma_semaphore, #tpu.memory_space<semaphore_mem>>
        %dma_start3A_138 = arith.constant 0 : i32
        %dma_start3A_139 = arith.constant 0 : i32
        %dma_start3A_140 = tpu.memref_slice %arg15[%dma_start3A_138, %dma_start3A_139] : memref<256x32xf32, #tpu.memory_space<vmem>> -> memref<184x32xf32, #tpu.memory_space<vmem>>
        %dma_start3A_141 = arith.constant 0 : i32
        %dma_start3A_142 = tpu.memref_slice %arg5[%arg0, %add3A_137, %dma_start3A_141] : memref<2x50048x32xf32, #tpu.memory_space<hbm>> -> memref<1x184x32xf32, #tpu.memory_space<hbm>>
        %dma_start3A_143 = tpu.memref_squeeze %dma_start3A_142 : memref<1x184x32xf32, #tpu.memory_space<hbm>> -> memref<184x32xf32, #tpu.memory_space<hbm>>
        %dma_start3A_144 = arith.constant 0 : i32
        %dma_start3A_145 = tpu.memref_slice %arg5[%arg0, %add3A_137, %dma_start3A_144] : memref<2x50048x32xf32, #tpu.memory_space<hbm>> -> memref<1x184x32xf32, #tpu.memory_space<hbm>>
        %dma_start3A_146 = tpu.memref_squeeze %dma_start3A_145 : memref<1x184x32xf32, #tpu.memory_space<hbm>> -> memref<184x32xf32, #tpu.memory_space<hbm>>
        %dma_start3A_147 = arith.constant 0 : i32
        %dma_start3A_148 = arith.constant 0 : i32
        %dma_start3A_149 = tpu.memref_slice %arg15[%dma_start3A_147, %dma_start3A_148] : memref<256x32xf32, #tpu.memory_space<vmem>> -> memref<184x32xf32, #tpu.memory_space<vmem>>
        tpu.enqueue_dma source(%dma_start3A_149 : memref<184x32xf32, #tpu.memory_space<vmem>>) target(%dma_start3A_146 : memref<184x32xf32, #tpu.memory_space<hbm>>) target_semaphore(%run_scoped3A : memref<!tpu.dma_semaphore, #tpu.memory_space<semaphore_mem>>)
        %dma_wait3A_150 = arith.constant 0 : i32
        %dma_wait3A_151 = arith.constant 0 : i32
        %dma_wait3A_152 = tpu.memref_slice %arg15[%dma_wait3A_150, %dma_wait3A_151] : memref<256x32xf32, #tpu.memory_space<vmem>> -> memref<184x32xf32, #tpu.memory_space<vmem>>
        %dma_wait3A_153 = arith.constant 0 : i32
        %dma_wait3A_154 = tpu.memref_slice %arg5[%arg0, %add3A_137, %dma_wait3A_153] : memref<2x50048x32xf32, #tpu.memory_space<hbm>> -> memref<1x184x32xf32, #tpu.memory_space<hbm>>
        %dma_wait3A_155 = tpu.memref_squeeze %dma_wait3A_154 : memref<1x184x32xf32, #tpu.memory_space<hbm>> -> memref<184x32xf32, #tpu.memory_space<hbm>>
        %dma_wait3A_156 = arith.constant 0 : i32
        %dma_wait3A_157 = tpu.memref_slice %arg5[%arg0, %add3A_137, %dma_wait3A_156] : memref<2x50048x32xf32, #tpu.memory_space<hbm>> -> memref<1x184x32xf32, #tpu.memory_space<hbm>>
        %dma_wait3A_158 = tpu.memref_squeeze %dma_wait3A_157 : memref<1x184x32xf32, #tpu.memory_space<hbm>> -> memref<184x32xf32, #tpu.memory_space<hbm>>
        %dma_wait3A_159 = arith.constant 0 : i32
        %dma_wait3A_160 = arith.constant 0 : i32
        %dma_wait3A_161 = tpu.memref_slice %arg15[%dma_wait3A_159, %dma_wait3A_160] : memref<256x32xf32, #tpu.memory_space<vmem>> -> memref<184x32xf32, #tpu.memory_space<vmem>>
        tpu.wait_dma2 semaphore(%run_scoped3A : memref<!tpu.dma_semaphore, #tpu.memory_space<semaphore_mem>>) src(%dma_wait3A_161 : memref<184x32xf32, #tpu.memory_space<vmem>>) dst(%dma_wait3A_158 : memref<184x32xf32, #tpu.memory_space<hbm>>)
        tpu.yield
      }) : () -> ()
    }
    %scan3A_127 = arith.constant 17 : i32
    return
  }
}

module attributes {stable_mosaic.version = 14 : i64} {
  func.func @_tc1_body(%arg0: i32, %arg1: memref<1000x128xf32, #tpu.memory_space<vmem>>, %arg2: memref<128x64xf32, #tpu.memory_space<vmem>>, %arg3: memref<2x1000x1xf32, #tpu.memory_space<vmem>>, %arg4: memref<2x1000x32xf32, #tpu.memory_space<vmem>>, %arg5: memref<1000x1xf32, #tpu.memory_space<vmem>>) attributes {dimension_semantics = [#tpu.dimension_semantics<arbitrary>], iteration_bounds = array<i64: 50>, scalar_prefetch = 0 : i64, scratch_operands = 0 : i64, tpu.core_type = #tpu.core_type<tc>, window_params = [{transform_indices = @transform_0, window_bounds = array<i64: 1000, 128>}, {pipeline_mode = #tpu.pipeline_mode<synchronous>, transform_indices = @transform_1, window_bounds = array<i64: 128, 64>}, {transform_indices = @transform_2, window_bounds = array<i64: 2, 1000, 1>}, {transform_indices = @transform_3, window_bounds = array<i64: 2, 1000, 32>}, {transform_indices = @transform_4, window_bounds = array<i64: 1000, 1>}]} {
    %get3A = arith.constant 0 : index
    %get3A_0 = arith.constant 0 : index
    %get3A_1 = vector.load %arg1[%get3A, %get3A_0] : memref<1000x128xf32, #tpu.memory_space<vmem>>, vector<1000x128xf32>
    %get3A_2 = arith.constant 0 : index
    %get3A_3 = arith.constant 0 : index
    %get3A_4 = vector.load %arg2[%get3A_2, %get3A_3] : memref<128x64xf32, #tpu.memory_space<vmem>>, vector<128x64xf32>
    %dot_general3A = arith.constant dense<0.000000e+00> : vector<1000x64xf32>
    %dot_general3A_5 = tpu.matmul %get3A_1, %get3A_4, %dot_general3A {dimension_numbers = #tpu.dot_dimension_numbers<[1], [0], [0], [1], [0, 0, 1, 1], [], []>, transpose_lhs_hint = false} : vector<1000x128xf32>, vector<128x64xf32>, vector<1000x64xf32> -> vector<1000x64xf32>
    %get3A_6 = arith.constant 0 : index
    %get3A_7 = arith.constant 0 : index
    %get3A_8 = arith.constant 0 : index
    %get3A_9 = vector.load %arg3[%get3A_6, %get3A_7, %get3A_8] : memref<2x1000x1xf32, #tpu.memory_space<vmem>>, vector<1x1000x1xf32>
    %get3A_10 = vector.shape_cast %get3A_9 : vector<1x1000x1xf32> to vector<1000x1xf32>
    %get3A_11 = arith.constant 1 : index
    %get3A_12 = arith.constant 0 : index
    %get3A_13 = arith.constant 0 : index
    %get3A_14 = vector.load %arg3[%get3A_11, %get3A_12, %get3A_13] : memref<2x1000x1xf32, #tpu.memory_space<vmem>>, vector<1x1000x1xf32>
    %get3A_15 = vector.shape_cast %get3A_14 : vector<1x1000x1xf32> to vector<1000x1xf32>
    %add3A = arith.addf %get3A_10, %get3A_15 : vector<1000x1xf32>
    %add3A_16 = arith.constant 1.000000e+00 : f32
    %add3A_17 = vector.broadcast %add3A_16 : f32 to vector<1000x1xf32>
    %add3A_18 = arith.addf %add3A, %add3A_17 : vector<1000x1xf32>
    %rsqrt3A = math.rsqrt %add3A_18 : vector<1000x1xf32>
    %swap3A = arith.constant 0 : index
    %swap3A_19 = arith.constant 0 : index
    %swap3A_20 = vector.load %arg5[%swap3A, %swap3A_19] : memref<1000x1xf32, #tpu.memory_space<vmem>>, vector<1000x1xf32>
    tpu.vector_store %arg5[%swap3A, %swap3A_19], %rsqrt3A {strides = array<i32>} : memref<1000x1xf32, #tpu.memory_space<vmem>>, vector<1000x1xf32>,
    %mul3A = vector.broadcast %rsqrt3A : vector<1000x1xf32> to vector<1000x64xf32>
    %mul3A_21 = arith.mulf %dot_general3A_5, %mul3A : vector<1000x64xf32>
    %slice3A = vector.extract_strided_slice %mul3A_21 {offsets = [0, 0], sizes = [1000, 32], strides = [1, 1]} : vector<1000x64xf32> to vector<1000x32xf32>
    %swap3A_22 = arith.constant 0 : index
    %swap3A_23 = arith.constant 0 : index
    %swap3A_24 = arith.constant 0 : index
    %swap3A_25 = vector.load %arg4[%swap3A_22, %swap3A_23, %swap3A_24] : memref<2x1000x32xf32, #tpu.memory_space<vmem>>, vector<1x1000x32xf32>
    %swap3A_26 = vector.shape_cast %swap3A_25 : vector<1x1000x32xf32> to vector<1000x32xf32>
    %swap3A_27 = vector.shape_cast %slice3A : vector<1000x32xf32> to vector<1x1000x32xf32>
    tpu.vector_store %arg4[%swap3A_22, %swap3A_23, %swap3A_24], %swap3A_27 {strides = array<i32>} : memref<2x1000x32xf32, #tpu.memory_space<vmem>>, vector<1x1000x32xf32>,
    %slice3A_28 = vector.extract_strided_slice %mul3A_21 {offsets = [0, 32], sizes = [1000, 32], strides = [1, 1]} : vector<1000x64xf32> to vector<1000x32xf32>
    %swap3A_29 = arith.constant 1 : index
    %swap3A_30 = arith.constant 0 : index
    %swap3A_31 = arith.constant 0 : index
    %swap3A_32 = vector.load %arg4[%swap3A_29, %swap3A_30, %swap3A_31] : memref<2x1000x32xf32, #tpu.memory_space<vmem>>, vector<1x1000x32xf32>
    %swap3A_33 = vector.shape_cast %swap3A_32 : vector<1x1000x32xf32> to vector<1000x32xf32>
    %swap3A_34 = vector.shape_cast %slice3A_28 : vector<1000x32xf32> to vector<1x1000x32xf32>
    tpu.vector_store %arg4[%swap3A_29, %swap3A_30, %swap3A_31], %swap3A_34 {strides = array<i32>} : memref<2x1000x32xf32, #tpu.memory_space<vmem>>, vector<1x1000x32xf32>,
    return
  }
  func.func @transform_0(%arg0: i32) -> (i32, i32) {
    %c0_i32 = arith.constant 0 : i32
    %c0_i32_0 = arith.constant 0 : i32
    return %arg0, %c0_i32 : i32, i32
  }
  func.func @transform_1(%arg0: i32) -> (i32, i32) {
    %c0_i32 = arith.constant 0 : i32
    %c0_i32_0 = arith.constant 0 : i32
    %c0_i32_1 = arith.constant 0 : i32
    return %c0_i32, %c0_i32_0 : i32, i32
  }
  func.func @transform_2(%arg0: i32) -> (i32, i32, i32) {
    %c0_i32 = arith.constant 0 : i32
    %c0_i32_0 = arith.constant 0 : i32
    %c0_i32_1 = arith.constant 0 : i32
    return %c0_i32, %arg0, %c0_i32_0 : i32, i32, i32
  }
  func.func @transform_3(%arg0: i32) -> (i32, i32, i32) {
    %c0_i32 = arith.constant 0 : i32
    %c0_i32_0 = arith.constant 0 : i32
    %c0_i32_1 = arith.constant 0 : i32
    return %c0_i32, %arg0, %c0_i32_0 : i32, i32, i32
  }
  func.func @transform_4(%arg0: i32) -> (i32, i32) {
    %c0_i32 = arith.constant 0 : i32
    %c0_i32_0 = arith.constant 0 : i32
    return %arg0, %c0_i32 : i32, i32
  }
}

module attributes {stable_mosaic.version = 14 : i64} {
  func.func @_tc_mid_body(%arg0: i32, %arg1: memref<2x1000x32xf32, #tpu.memory_space<vmem>>, %arg2: memref<2x1000x32xf32, #tpu.memory_space<vmem>>, %arg3: memref<1000x1xf32, #tpu.memory_space<vmem>>, %arg4: memref<1x64xf32, #tpu.memory_space<vmem>>, %arg5: memref<64x64xf32, #tpu.memory_space<vmem>>, %arg6: memref<2x1000x32xf32, #tpu.memory_space<vmem>>) attributes {dimension_semantics = [#tpu.dimension_semantics<arbitrary>], iteration_bounds = array<i64: 50>, scalar_prefetch = 0 : i64, scratch_operands = 0 : i64, tpu.core_type = #tpu.core_type<tc>, window_params = [{transform_indices = @transform_0, window_bounds = array<i64: 2, 1000, 32>}, {transform_indices = @transform_1, window_bounds = array<i64: 2, 1000, 32>}, {transform_indices = @transform_2, window_bounds = array<i64: 1000, 1>}, {pipeline_mode = #tpu.pipeline_mode<synchronous>, transform_indices = @transform_3, window_bounds = array<i64: 1, 64>}, {pipeline_mode = #tpu.pipeline_mode<synchronous>, transform_indices = @transform_4, window_bounds = array<i64: 64, 64>}, {transform_indices = @transform_5, window_bounds = array<i64: 2, 1000, 32>}]} {
    %get3A = arith.constant 0 : index
    %get3A_0 = arith.constant 0 : index
    %get3A_1 = arith.constant 0 : index
    %get3A_2 = vector.load %arg1[%get3A, %get3A_0, %get3A_1] : memref<2x1000x32xf32, #tpu.memory_space<vmem>>, vector<1x1000x32xf32>
    %get3A_3 = vector.shape_cast %get3A_2 : vector<1x1000x32xf32> to vector<1000x32xf32>
    %get3A_4 = arith.constant 1 : index
    %get3A_5 = arith.constant 0 : index
    %get3A_6 = arith.constant 0 : index
    %get3A_7 = vector.load %arg1[%get3A_4, %get3A_5, %get3A_6] : memref<2x1000x32xf32, #tpu.memory_space<vmem>>, vector<1x1000x32xf32>
    %get3A_8 = vector.shape_cast %get3A_7 : vector<1x1000x32xf32> to vector<1000x32xf32>
    %concatenate3A = tpu.concatenate %get3A_3, %get3A_8 in 1 : vector<1000x32xf32>, vector<1000x32xf32> -> vector<1000x64xf32>
    %get3A_9 = arith.constant 0 : index
    %get3A_10 = arith.constant 0 : index
    %get3A_11 = arith.constant 0 : index
    %get3A_12 = vector.load %arg2[%get3A_9, %get3A_10, %get3A_11] : memref<2x1000x32xf32, #tpu.memory_space<vmem>>, vector<1x1000x32xf32>
    %get3A_13 = vector.shape_cast %get3A_12 : vector<1x1000x32xf32> to vector<1000x32xf32>
    %get3A_14 = arith.constant 1 : index
    %get3A_15 = arith.constant 0 : index
    %get3A_16 = arith.constant 0 : index
    %get3A_17 = vector.load %arg2[%get3A_14, %get3A_15, %get3A_16] : memref<2x1000x32xf32, #tpu.memory_space<vmem>>, vector<1x1000x32xf32>
    %get3A_18 = vector.shape_cast %get3A_17 : vector<1x1000x32xf32> to vector<1000x32xf32>
    %concatenate3A_19 = tpu.concatenate %get3A_13, %get3A_18 in 1 : vector<1000x32xf32>, vector<1000x32xf32> -> vector<1000x64xf32>
    %get3A_20 = arith.constant 0 : index
    %get3A_21 = arith.constant 0 : index
    %get3A_22 = vector.load %arg3[%get3A_20, %get3A_21] : memref<1000x1xf32, #tpu.memory_space<vmem>>, vector<1000x1xf32>
    %add3A = arith.addf %concatenate3A, %concatenate3A_19 : vector<1000x64xf32>
    %mul3A = vector.broadcast %get3A_22 : vector<1000x1xf32> to vector<1000x64xf32>
    %mul3A_23 = arith.mulf %mul3A, %add3A : vector<1000x64xf32>
    %get3A_24 = arith.constant 0 : index
    %get3A_25 = arith.constant 0 : index
    %get3A_26 = vector.load %arg4[%get3A_24, %get3A_25] : memref<1x64xf32, #tpu.memory_space<vmem>>, vector<1x64xf32>
    %add3A_27 = vector.broadcast %get3A_26 : vector<1x64xf32> to vector<1000x64xf32>
    %add3A_28 = arith.addf %mul3A_23, %add3A_27 : vector<1000x64xf32>
    %max3A = arith.constant 0.000000e+00 : f32
    %max3A_29 = vector.broadcast %max3A : f32 to vector<1000x64xf32>
    %max3A_30 = arith.maximumf %add3A_28, %max3A_29 : vector<1000x64xf32>
    %get3A_31 = arith.constant 0 : index
    %get3A_32 = arith.constant 0 : index
    %get3A_33 = vector.load %arg5[%get3A_31, %get3A_32] : memref<64x64xf32, #tpu.memory_space<vmem>>, vector<64x64xf32>
    %dot_general3A = arith.constant dense<0.000000e+00> : vector<1000x64xf32>
    %dot_general3A_34 = tpu.matmul %max3A_30, %get3A_33, %dot_general3A {dimension_numbers = #tpu.dot_dimension_numbers<[1], [0], [0], [1], [0, 0, 1, 1], [], []>, transpose_lhs_hint = false} : vector<1000x64xf32>, vector<64x64xf32>, vector<1000x64xf32> -> vector<1000x64xf32>
    %get3A_35 = arith.constant 0 : index
    %get3A_36 = arith.constant 0 : index
    %get3A_37 = vector.load %arg3[%get3A_35, %get3A_36] : memref<1000x1xf32, #tpu.memory_space<vmem>>, vector<1000x1xf32>
    %mul3A_38 = vector.broadcast %get3A_37 : vector<1000x1xf32> to vector<1000x64xf32>
    %mul3A_39 = arith.mulf %dot_general3A_34, %mul3A_38 : vector<1000x64xf32>
    %slice3A = vector.extract_strided_slice %mul3A_39 {offsets = [0, 0], sizes = [1000, 32], strides = [1, 1]} : vector<1000x64xf32> to vector<1000x32xf32>
    %swap3A = arith.constant 0 : index
    %swap3A_40 = arith.constant 0 : index
    %swap3A_41 = arith.constant 0 : index
    %swap3A_42 = vector.load %arg6[%swap3A, %swap3A_40, %swap3A_41] : memref<2x1000x32xf32, #tpu.memory_space<vmem>>, vector<1x1000x32xf32>
    %swap3A_43 = vector.shape_cast %swap3A_42 : vector<1x1000x32xf32> to vector<1000x32xf32>
    %swap3A_44 = vector.shape_cast %slice3A : vector<1000x32xf32> to vector<1x1000x32xf32>
    tpu.vector_store %arg6[%swap3A, %swap3A_40, %swap3A_41], %swap3A_44 {strides = array<i32>} : memref<2x1000x32xf32, #tpu.memory_space<vmem>>, vector<1x1000x32xf32>,
    %slice3A_45 = vector.extract_strided_slice %mul3A_39 {offsets = [0, 32], sizes = [1000, 32], strides = [1, 1]} : vector<1000x64xf32> to vector<1000x32xf32>
    %swap3A_46 = arith.constant 1 : index
    %swap3A_47 = arith.constant 0 : index
    %swap3A_48 = arith.constant 0 : index
    %swap3A_49 = vector.load %arg6[%swap3A_46, %swap3A_47, %swap3A_48] : memref<2x1000x32xf32, #tpu.memory_space<vmem>>, vector<1x1000x32xf32>
    %swap3A_50 = vector.shape_cast %swap3A_49 : vector<1x1000x32xf32> to vector<1000x32xf32>
    %swap3A_51 = vector.shape_cast %slice3A_45 : vector<1000x32xf32> to vector<1x1000x32xf32>
    tpu.vector_store %arg6[%swap3A_46, %swap3A_47, %swap3A_48], %swap3A_51 {strides = array<i32>} : memref<2x1000x32xf32, #tpu.memory_space<vmem>>, vector<1x1000x32xf32>,
    return
  }
  func.func @transform_0(%arg0: i32) -> (i32, i32, i32) {
    %c0_i32 = arith.constant 0 : i32
    %c0_i32_0 = arith.constant 0 : i32
    %c0_i32_1 = arith.constant 0 : i32
    return %c0_i32, %arg0, %c0_i32_0 : i32, i32, i32
  }
  func.func @transform_1(%arg0: i32) -> (i32, i32, i32) {
    %c0_i32 = arith.constant 0 : i32
    %c0_i32_0 = arith.constant 0 : i32
    %c0_i32_1 = arith.constant 0 : i32
    return %c0_i32, %arg0, %c0_i32_0 : i32, i32, i32
  }
  func.func @transform_2(%arg0: i32) -> (i32, i32) {
    %c0_i32 = arith.constant 0 : i32
    %c0_i32_0 = arith.constant 0 : i32
    return %arg0, %c0_i32 : i32, i32
  }
  func.func @transform_3(%arg0: i32) -> (i32, i32) {
    %c0_i32 = arith.constant 0 : i32
    %c0_i32_0 = arith.constant 0 : i32
    %c0_i32_1 = arith.constant 0 : i32
    return %c0_i32, %c0_i32_0 : i32, i32
  }
  func.func @transform_4(%arg0: i32) -> (i32, i32) {
    %c0_i32 = arith.constant 0 : i32
    %c0_i32_0 = arith.constant 0 : i32
    %c0_i32_1 = arith.constant 0 : i32
    return %c0_i32, %c0_i32_0 : i32, i32
  }
  func.func @transform_5(%arg0: i32) -> (i32, i32, i32) {
    %c0_i32 = arith.constant 0 : i32
    %c0_i32_0 = arith.constant 0 : i32
    %c0_i32_1 = arith.constant 0 : i32
    return %c0_i32, %arg0, %c0_i32_0 : i32, i32, i32
  }
}

module attributes {stable_mosaic.version = 14 : i64} {
  func.func @_tc_final_body(%arg0: i32, %arg1: memref<2x1000x32xf32, #tpu.memory_space<vmem>>, %arg2: memref<2x1000x32xf32, #tpu.memory_space<vmem>>, %arg3: memref<1000x1xf32, #tpu.memory_space<vmem>>, %arg4: memref<1x64xf32, #tpu.memory_space<vmem>>, %arg5: memref<1x1x1000xi32, #tpu.memory_space<vmem>>, %arg6: memref<64x8xf32, #tpu.memory_space<vmem>>, %arg7: memref<1x8xf32, #tpu.memory_space<vmem>>, %arg8: memref<64x8xf32, #tpu.memory_space<vmem>>, %arg9: memref<64x64xf32, #tpu.memory_space<vmem>>, %arg10: memref<64x1xf32, #tpu.memory_space<vmem>>) attributes {dimension_semantics = [#tpu.dimension_semantics<arbitrary>], iteration_bounds = array<i64: 50>, scalar_prefetch = 0 : i64, scratch_operands = 2 : i64, tpu.core_type = #tpu.core_type<tc>, window_params = [{transform_indices = @transform_0, window_bounds = array<i64: 2, 1000, 32>}, {transform_indices = @transform_1, window_bounds = array<i64: 2, 1000, 32>}, {transform_indices = @transform_2, window_bounds = array<i64: 1000, 1>}, {pipeline_mode = #tpu.pipeline_mode<synchronous>, transform_indices = @transform_3, window_bounds = array<i64: 1, 64>}, {transform_indices = @transform_4, window_bounds = array<i64: 1, 1, 1000>}, {pipeline_mode = #tpu.pipeline_mode<synchronous>, transform_indices = @transform_5, window_bounds = array<i64: 64, 8>}, {pipeline_mode = #tpu.pipeline_mode<synchronous>, transform_indices = @transform_6, window_bounds = array<i64: 1, 8>}, {pipeline_mode = #tpu.pipeline_mode<synchronous>, transform_indices = @transform_7, window_bounds = array<i64: 64, 8>}]} {
    %get3A = arith.constant 0 : index
    %get3A_0 = arith.constant 0 : index
    %get3A_1 = arith.constant 0 : index
    %get3A_2 = vector.load %arg1[%get3A, %get3A_0, %get3A_1] : memref<2x1000x32xf32, #tpu.memory_space<vmem>>, vector<1x1000x32xf32>
    %get3A_3 = vector.shape_cast %get3A_2 : vector<1x1000x32xf32> to vector<1000x32xf32>
    %get3A_4 = arith.constant 1 : index
    %get3A_5 = arith.constant 0 : index
    %get3A_6 = arith.constant 0 : index
    %get3A_7 = vector.load %arg1[%get3A_4, %get3A_5, %get3A_6] : memref<2x1000x32xf32, #tpu.memory_space<vmem>>, vector<1x1000x32xf32>
    %get3A_8 = vector.shape_cast %get3A_7 : vector<1x1000x32xf32> to vector<1000x32xf32>
    %concatenate3A = tpu.concatenate %get3A_3, %get3A_8 in 1 : vector<1000x32xf32>, vector<1000x32xf32> -> vector<1000x64xf32>
    %get3A_9 = arith.constant 0 : index
    %get3A_10 = arith.constant 0 : index
    %get3A_11 = arith.constant 0 : index
    %get3A_12 = vector.load %arg2[%get3A_9, %get3A_10, %get3A_11] : memref<2x1000x32xf32, #tpu.memory_space<vmem>>, vector<1x1000x32xf32>
    %get3A_13 = vector.shape_cast %get3A_12 : vector<1x1000x32xf32> to vector<1000x32xf32>
    %get3A_14 = arith.constant 1 : index
    %get3A_15 = arith.constant 0 : index
    %get3A_16 = arith.constant 0 : index
    %get3A_17 = vector.load %arg2[%get3A_14, %get3A_15, %get3A_16] : memref<2x1000x32xf32, #tpu.memory_space<vmem>>, vector<1x1000x32xf32>
    %get3A_18 = vector.shape_cast %get3A_17 : vector<1x1000x32xf32> to vector<1000x32xf32>
    %concatenate3A_19 = tpu.concatenate %get3A_13, %get3A_18 in 1 : vector<1000x32xf32>, vector<1000x32xf32> -> vector<1000x64xf32>
    %get3A_20 = arith.constant 0 : index
    %get3A_21 = arith.constant 0 : index
    %get3A_22 = vector.load %arg3[%get3A_20, %get3A_21] : memref<1000x1xf32, #tpu.memory_space<vmem>>, vector<1000x1xf32>
    %add3A = arith.addf %concatenate3A, %concatenate3A_19 : vector<1000x64xf32>
    %mul3A = vector.broadcast %get3A_22 : vector<1000x1xf32> to vector<1000x64xf32>
    %mul3A_23 = arith.mulf %mul3A, %add3A : vector<1000x64xf32>
    %get3A_24 = arith.constant 0 : index
    %get3A_25 = arith.constant 0 : index
    %get3A_26 = vector.load %arg4[%get3A_24, %get3A_25] : memref<1x64xf32, #tpu.memory_space<vmem>>, vector<1x64xf32>
    %add3A_27 = vector.broadcast %get3A_26 : vector<1x64xf32> to vector<1000x64xf32>
    %add3A_28 = arith.addf %mul3A_23, %add3A_27 : vector<1000x64xf32>
    %max3A = arith.constant 0.000000e+00 : f32
    %max3A_29 = vector.broadcast %max3A : f32 to vector<1000x64xf32>
    %max3A_30 = arith.maximumf %add3A_28, %max3A_29 : vector<1000x64xf32>
    %iota3A = tpu.iota {dimensions = array<i32: 0>} : vector<64x1000xi32>
    %get3A_31 = arith.constant 0 : index
    %get3A_32 = arith.constant 0 : index
    %get3A_33 = arith.constant 0 : index
    %get3A_34 = vector.load %arg5[%get3A_31, %get3A_32, %get3A_33] : memref<1x1x1000xi32, #tpu.memory_space<vmem>>, vector<1x1x1000xi32>
    %get3A_35 = vector.shape_cast %get3A_34 : vector<1x1x1000xi32> to vector<1x1000xi32>
    %eq3A = vector.broadcast %get3A_35 : vector<1x1000xi32> to vector<64x1000xi32>
    %eq3A_36 = arith.cmpi eq, %iota3A, %eq3A : vector<64x1000xi32>
    %convert_element_type3A = arith.extui %eq3A_36 : vector<64x1000xi1> to vector<64x1000xi32>
    %convert_element_type3A_37 = arith.sitofp %convert_element_type3A : vector<64x1000xi32> to vector<64x1000xf32>
    %dot_general3A = arith.constant dense<0.000000e+00> : vector<64x64xf32>
    %dot_general3A_38 = tpu.matmul %convert_element_type3A_37, %max3A_30, %dot_general3A {dimension_numbers = #tpu.dot_dimension_numbers<[1], [0], [0], [1], [0, 0, 1, 1], [], []>, transpose_lhs_hint = false} : vector<64x1000xf32>, vector<1000x64xf32>, vector<64x64xf32> -> vector<64x64xf32>
    %reduce_sum3A = arith.constant dense<0.000000e+00> : vector<64xf32>
    %reduce_sum3A_39 = vector.multi_reduction <add>, %convert_element_type3A_37, %reduce_sum3A [1] : vector<64x1000xf32> to vector<64xf32>
    %broadcast_in_dim3A = vector.shape_cast %reduce_sum3A_39 : vector<64xf32> to vector<64x1xf32>
    %eq3A_40 = arith.constant 0 : i32
    %eq3A_41 = arith.cmpi eq, %arg0, %eq3A_40 : i32
    %convert_element_type3A_42 = arith.extui %eq3A_41 : i1 to i32
    %cond3A = arith.constant 0 : i32
    %cond3A_43 = arith.cmpi ne, %convert_element_type3A_42, %cond3A : i32
    scf.if %cond3A_43 {
      %swap3A = arith.constant 0 : index
      %swap3A_53 = arith.constant 0 : index
      %swap3A_54 = vector.load %arg9[%swap3A, %swap3A_53] : memref<64x64xf32, #tpu.memory_space<vmem>>, vector<64x64xf32>
      tpu.vector_store %arg9[%swap3A, %swap3A_53], %dot_general3A_38 {strides = array<i32>} : memref<64x64xf32, #tpu.memory_space<vmem>>, vector<64x64xf32>,
      %swap3A_55 = arith.constant 0 : index
      %swap3A_56 = arith.constant 0 : index
      %swap3A_57 = vector.load %arg10[%swap3A_55, %swap3A_56] : memref<64x1xf32, #tpu.memory_space<vmem>>, vector<64x1xf32>
      tpu.vector_store %arg10[%swap3A_55, %swap3A_56], %broadcast_in_dim3A {strides = array<i32>} : memref<64x1xf32, #tpu.memory_space<vmem>>, vector<64x1xf32>,
    } else {
    }
    %gt3A = arith.constant 0 : i32
    %gt3A_44 = arith.cmpi sgt, %arg0, %gt3A : i32
    %convert_element_type3A_45 = arith.extui %gt3A_44 : i1 to i32
    %cond3A_46 = arith.constant 0 : i32
    %cond3A_47 = arith.cmpi ne, %convert_element_type3A_45, %cond3A_46 : i32
    scf.if %cond3A_47 {
      %get3A_53 = arith.constant 0 : index
      %get3A_54 = arith.constant 0 : index
      %get3A_55 = vector.load %arg9[%get3A_53, %get3A_54] : memref<64x64xf32, #tpu.memory_space<vmem>>, vector<64x64xf32>
      %add3A_56 = arith.addf %get3A_55, %dot_general3A_38 : vector<64x64xf32>
      %swap3A = arith.constant 0 : index
      %swap3A_57 = arith.constant 0 : index
      %swap3A_58 = vector.load %arg9[%swap3A, %swap3A_57] : memref<64x64xf32, #tpu.memory_space<vmem>>, vector<64x64xf32>
      tpu.vector_store %arg9[%swap3A, %swap3A_57], %add3A_56 {strides = array<i32>} : memref<64x64xf32, #tpu.memory_space<vmem>>, vector<64x64xf32>,
      %get3A_59 = arith.constant 0 : index
      %get3A_60 = arith.constant 0 : index
      %get3A_61 = vector.load %arg10[%get3A_59, %get3A_60] : memref<64x1xf32, #tpu.memory_space<vmem>>, vector<64x1xf32>
      %add3A_62 = arith.addf %get3A_61, %broadcast_in_dim3A : vector<64x1xf32>
      %swap3A_63 = arith.constant 0 : index
      %swap3A_64 = arith.constant 0 : index
      %swap3A_65 = vector.load %arg10[%swap3A_63, %swap3A_64] : memref<64x1xf32, #tpu.memory_space<vmem>>, vector<64x1xf32>
      tpu.vector_store %arg10[%swap3A_63, %swap3A_64], %add3A_62 {strides = array<i32>} : memref<64x1xf32, #tpu.memory_space<vmem>>, vector<64x1xf32>,
    } else {
    }
    %eq3A_48 = arith.constant 49 : i32
    %eq3A_49 = arith.cmpi eq, %arg0, %eq3A_48 : i32
    %convert_element_type3A_50 = arith.extui %eq3A_49 : i1 to i32
    %cond3A_51 = arith.constant 0 : i32
    %cond3A_52 = arith.cmpi ne, %convert_element_type3A_50, %cond3A_51 : i32
    scf.if %cond3A_52 {
      %get3A_53 = arith.constant 0 : index
      %get3A_54 = arith.constant 0 : index
      %get3A_55 = vector.load %arg9[%get3A_53, %get3A_54] : memref<64x64xf32, #tpu.memory_space<vmem>>, vector<64x64xf32>
      %get3A_56 = arith.constant 0 : index
      %get3A_57 = arith.constant 0 : index
      %get3A_58 = vector.load %arg10[%get3A_56, %get3A_57] : memref<64x1xf32, #tpu.memory_space<vmem>>, vector<64x1xf32>
      %max3A_59 = arith.constant 1.000000e+00 : f32
      %max3A_60 = vector.broadcast %max3A_59 : f32 to vector<64x1xf32>
      %max3A_61 = arith.maximumf %get3A_58, %max3A_60 : vector<64x1xf32>
      %div3A = vector.broadcast %max3A_61 : vector<64x1xf32> to vector<64x64xf32>
      %div3A_62 = arith.divf %get3A_55, %div3A : vector<64x64xf32>
      %get3A_63 = arith.constant 0 : index
      %get3A_64 = arith.constant 0 : index
      %get3A_65 = vector.load %arg6[%get3A_63, %get3A_64] : memref<64x8xf32, #tpu.memory_space<vmem>>, vector<64x8xf32>
      %dot_general3A_66 = arith.constant dense<0.000000e+00> : vector<64x8xf32>
      %dot_general3A_67 = tpu.matmul %div3A_62, %get3A_65, %dot_general3A_66 {dimension_numbers = #tpu.dot_dimension_numbers<[1], [0], [0], [1], [0, 0, 1, 1], [], []>, transpose_lhs_hint = false} : vector<64x64xf32>, vector<64x8xf32>, vector<64x8xf32> -> vector<64x8xf32>
      %get3A_68 = arith.constant 0 : index
      %get3A_69 = arith.constant 0 : index
      %get3A_70 = vector.load %arg7[%get3A_68, %get3A_69] : memref<1x8xf32, #tpu.memory_space<vmem>>, vector<1x8xf32>
      %add3A_71 = vector.broadcast %get3A_70 : vector<1x8xf32> to vector<64x8xf32>
      %add3A_72 = arith.addf %dot_general3A_67, %add3A_71 : vector<64x8xf32>
      %swap3A = arith.constant 0 : index
      %swap3A_73 = arith.constant 0 : index
      %swap3A_74 = vector.load %arg8[%swap3A, %swap3A_73] : memref<64x8xf32, #tpu.memory_space<vmem>>, vector<64x8xf32>
      tpu.vector_store %arg8[%swap3A, %swap3A_73], %add3A_72 {strides = array<i32>} : memref<64x8xf32, #tpu.memory_space<vmem>>, vector<64x8xf32>,
    } else {
    }
    return
  }
  func.func @transform_0(%arg0: i32) -> (i32, i32, i32) {
    %c0_i32 = arith.constant 0 : i32
    %c0_i32_0 = arith.constant 0 : i32
    %c0_i32_1 = arith.constant 0 : i32
    return %c0_i32, %arg0, %c0_i32_0 : i32, i32, i32
  }
  func.func @transform_1(%arg0: i32) -> (i32, i32, i32) {
    %c0_i32 = arith.constant 0 : i32
    %c0_i32_0 = arith.constant 0 : i32
    %c0_i32_1 = arith.constant 0 : i32
    return %c0_i32, %arg0, %c0_i32_0 : i32, i32, i32
  }
  func.func @transform_2(%arg0: i32) -> (i32, i32) {
    %c0_i32 = arith.constant 0 : i32
    %c0_i32_0 = arith.constant 0 : i32
    return %arg0, %c0_i32 : i32, i32
  }
  func.func @transform_3(%arg0: i32) -> (i32, i32) {
    %c0_i32 = arith.constant 0 : i32
    %c0_i32_0 = arith.constant 0 : i32
    %c0_i32_1 = arith.constant 0 : i32
    return %c0_i32, %c0_i32_0 : i32, i32
  }
  func.func @transform_4(%arg0: i32) -> (i32, i32, i32) {
    %c0_i32 = arith.constant 0 : i32
    %c0_i32_0 = arith.constant 0 : i32
    %c0_i32_1 = arith.constant 0 : i32
    return %arg0, %c0_i32, %c0_i32_0 : i32, i32, i32
  }
  func.func @transform_5(%arg0: i32) -> (i32, i32) {
    %c0_i32 = arith.constant 0 : i32
    %c0_i32_0 = arith.constant 0 : i32
    %c0_i32_1 = arith.constant 0 : i32
    return %c0_i32, %c0_i32_0 : i32, i32
  }
  func.func @transform_6(%arg0: i32) -> (i32, i32) {
    %c0_i32 = arith.constant 0 : i32
    %c0_i32_0 = arith.constant 0 : i32
    %c0_i32_1 = arith.constant 0 : i32
    return %c0_i32, %c0_i32_0 : i32, i32
  }
  func.func @transform_7(%arg0: i32) -> (i32, i32) {
    %c0_i32 = arith.constant 0 : i32
    %c0_i32_0 = arith.constant 0 : i32
    %c0_i32_1 = arith.constant 0 : i32
    return %c0_i32, %c0_i32_0 : i32, i32
  }
}

</mosaic_0001>

<sc_bundles>
// kernel: kernel.10.cloned.1.call-start
scs
__scs_entry_jumppad:
0x0: {  	(pc) =	sbr.rel $0x88, $3  }
0x1: {  	(tag) =	ssettag $0x0;
	lr =	simm.s32 $0x1  }
0x2: {  	[smem:$0x3F96] =	sst lr;
	_ =	strace $0xD0000000  }
0x3: {  	_ = 	snop  }
0x4: {  	_ = 	snop  }
0x5: {  	_ = 	snop  }
0x6: {  	_ = 	snop  }
0x7: {  	_ = 	snop  }
__scs_overlays_trampoline_lowered:
0x8: {  	[smem:$0x3FA5] =	sst s0  }
0x9: {  	[smem:$0x3FA6] =	sst s1  }
0xa: {  	[smem:$0x3FA7] =	sst s2  }
0xb: {  	[smem:$0x3FA8] =	sst s3  }
0xc: {  	[smem:$0x3FA9] =	sst s4  }
0xd: {  	[smem:$0x3FAA] =	sst s5  }
0xe: {  	[smem:$0x3FAB] =	sst s6  }
0xf: {  	[smem:$0x3FAC] =	sst s7  }
0x10: {  	[smem:$0x3FAD] =	sst s8  }
0x11: {  	[smem:$0x3FAE] =	sst s9;
	s0 =	simm.s32 @!p0 $0x0  }
0x12: {  	s1 =	sld [smem:$0x3F94];
	s0 =	simm.s32 @p0 $0x1  }
0x13: {  	[smem:$0x3FAF] =	sst s0;
	s0 =	simm.s32 @!p1 $0x0  }
0x14: {  	s2 =	sld [smem:$0x3F93];
	s0 =	simm.s32 @p1 $0x1  }
0x15: {  	[smem:$0x3FB0] =	sst s0;
	s0 =	simm.s32 @!p2 $0x0  }
0x16: {  	s3 =	sld [smem:$0x3FDB];
	s0 =	simm.s32 @p2 $0x1  }
0x17: {  	s4 =	simm.s32 $0x1BF5;
	[smem:$0x3FB2] =	sst s0  }
0x18: {  	s0 =	sld [smem:$0x3F95];
	_ =	swait.ge [sflag:s4], $0x0  }
0x19: {  	s7 =	sld [smem:$0x3F96]  }
0x1a: {  	s8 =	sadd.s32 $0xFFFFE003, lr  }
0x1b: {  	s9 =	sadd.s32 $0xFFFFFEF7, lr;
	s5 =	simm.s32 $0xFFFFFFFF;
	p2 =	slt.u32 s8, $0xFFFFF086  }
0x1c: {  	p1 =	slt.u32 s9, $0xF7A;
	s5 =	simm.s32 @!p2 $0x0  }
0x1d: {  	s5 =	simm.s32 @p1 $0x1;
	p0 =	seq.s32 s7, s2  }
0x1e: {  	s7 =	smul.u32 @!p0 $0xF7A, s2;
	p2 =	seq.s32 @!p0 s5, $0x0  }
0x1f: {  	s9 =	smul.u32 $0xF7A, s1;
	s8 =	simm.s32 @!p0 $0x1BF5;
	p2 =	por !p2, p0  }
0x20: {  	[sflag:s8] =	ssyncset.s32 @!p0 $0xFFFFF086;
	s6 =	sadd.s32 @!p0 s3, s7;
	s7 =	simm.s32 @!p0 $0x108  }
0x21: {  	s3 =	sadd.s32 s3, s9;
	s6 =	sadd.s32 @!p0 $0x88, s6;
	s7 =	simm.s32 @p2 $0x1082  }
0x22: {  	[simem:s7], [sflag:s8] =	dma.local @!p0 [hbm:s6], $0xF7A  }
0x23: {  	s9 =	sor.u32 $0xD0000000, s2;
	s6 =	simm.s32 $0x108;
	_ =	swait.ge @!p0 [sflag:s8], $0x0  }
0x24: {  	s3 =	sadd.s32 $0x88, s3;
	s6 =	simm.s32 @!p1 $0x1082;
	[sflag:s4] =	ssyncset.s32 $0xFFFFF086  }
0x25: {  	[simem:s6], [sflag:s4] =	dma.local [hbm:s3], $0xF7A  }
0x26: {  	[smem:$0x3F96] =	sst s1;
	(tag) =	ssettag s2;
	_ =	strace s9  }
0x27: {  	s1 =	sld [smem:$0x3FA6]  }
0x28: {  	s2 =	sld [smem:$0x3FA7]  }
0x29: {  	s4 =	sld [smem:$0x3FA9]  }
0x2a: {  	p0 =	seq.s32 s5, $0x0;
	s5 =	sld [smem:$0x3FAA]  }
0x2b: {  	s6 =	sld [smem:$0x3FAB]  }
0x2c: {  	s7 =	sld [smem:$0x3FAC]  }
0x2d: {  	s3 =	simm.s32 $0x108;
	s8 =	sld [smem:$0x3FAD]  }
0x2e: {  	s3 =	simm.s32 @!p0 $0x1082;
	s9 =	sld [smem:$0x3FAE]  }
0x2f: {  	lr =	sadd.s32 s0, s3;
	s0 =	sld [smem:$0x3FA5]  }
0x30: {  	s3 =	sld [smem:$0x3FA8]  }
0x31: {  	[smem:$0x3FB1] =	sst s10  }
0x32: {  	s10 =	sld [smem:$0x3FAF];
	_ =	sdelay $0x3  }
0x33: {  	p0 =	seq.s32 s10, $0x1;
	s10 =	sld [smem:$0x3FB1];
	_ =	sdelay $0x3  }
0x34: {  	[smem:$0x3FB1] =	sst s10  }
0x35: {  	s10 =	sld [smem:$0x3FB0];
	_ =	sdelay $0x3  }
0x36: {  	p1 =	seq.s32 s10, $0x1;
	s10 =	sld [smem:$0x3FB1];
	_ =	sdelay $0x3  }
0x37: {  	[smem:$0x3FB1] =	sst s10  }
0x38: {  	s10 =	sld [smem:$0x3FB2]  }
0x39: {  	_ = 	snop;
	(pc) =	sbr.ind lr, $3  }
0x3a: {  	_ = 	snop  }
0x3b: {  	_ = 	snop  }
0x3c: {  	p2 =	seq.s32 s10, $0x1;
	s10 =	sld [smem:$0x3FB1]  }
0x3d: {  	_ =	shalt  }
0x3e: {  	_ =	shalt  }
0x3f: {  	_ =	shalt  }
0x40: {  	_ =	shalt  }
0x41: {  	_ =	shalt  }
0x42: {  	_ =	shalt  }
0x43: {  	_ =	shalt  }
0x44: {  	_ =	shalt  }
0x45: {  	_ =	shalt  }
0x46: {  	_ =	shalt  }
0x47: {  	_ =	shalt  }
0x48: {  	_ =	shalt  }
0x49: {  	_ =	shalt  }
0x4a: {  	_ =	shalt  }
0x4b: {  	_ =	shalt  }
0x4c: {  	_ =	shalt  }
0x4d: {  	_ =	shalt  }
0x4e: {  	_ =	shalt  }
0x4f: {  	_ =	shalt  }
0x50: {  	_ =	shalt  }
0x51: {  	_ =	shalt  }
0x52: {  	_ =	shalt  }
0x53: {  	_ =	shalt  }
0x54: {  	_ =	shalt  }
0x55: {  	_ =	shalt  }
0x56: {  	_ =	shalt  }
0x57: {  	_ =	shalt  }
0x58: {  	_ =	shalt  }
0x59: {  	_ =	shalt  }
0x5a: {  	_ =	shalt  }
0x5b: {  	_ =	shalt  }
0x5c: {  	_ =	shalt  }
0x5d: {  	_ =	shalt  }
0x5e: {  	_ =	shalt  }
0x5f: {  	_ =	shalt  }
0x60: {  	_ =	shalt  }
0x61: {  	_ =	shalt  }
0x62: {  	_ =	shalt  }
0x63: {  	_ =	shalt  }
0x64: {  	_ =	shalt  }
0x65: {  	_ =	shalt  }
0x66: {  	_ =	shalt  }
0x67: {  	_ =	shalt  }
0x68: {  	_ =	shalt  }
0x69: {  	_ =	shalt  }
0x6a: {  	_ =	shalt  }
0x6b: {  	_ =	shalt  }
0x6c: {  	_ =	shalt  }
0x6d: {  	_ =	shalt  }
0x6e: {  	_ =	shalt  }
0x6f: {  	_ =	shalt  }
0x70: {  	_ =	shalt  }
0x71: {  	_ =	shalt  }
0x72: {  	_ =	shalt  }
0x73: {  	_ =	shalt  }
0x74: {  	_ =	shalt  }
0x75: {  	_ =	shalt  }
0x76: {  	_ =	shalt  }
0x77: {  	_ =	shalt  }
0x78: {  	_ =	shalt  }
0x79: {  	_ =	shalt  }
0x7a: {  	_ =	shalt  }
0x7b: {  	_ =	shalt  }
0x7c: {  	_ =	shalt  }
0x7d: {  	_ =	shalt  }
0x7e: {  	_ =	shalt  }
0x7f: {  	_ =	shalt  }
0x80: {  	_ =	shalt  }
0x81: {  	_ =	shalt  }
0x82: {  	_ =	shalt  }
0x83: {  	_ =	shalt  }
0x84: {  	_ =	shalt  }
0x85: {  	_ =	shalt  }
0x86: {  	_ =	shalt  }
0x87: {  	_ =	shalt  }
.Lfunc_end0:
.L_simem_size_0:
called_computation_lowered:
.L_overlay_start_0:
0x88: {  	s2 =	sld [smem:$0x3FD9]  }
0x89: {  	s3 =	sld [smem:$0x3FFE];
	_ =	sdelay $0x1  }
0x8a: {  	s1 =	srdreg.scid  }
0x8b: {  	s0 =	sand.u32 $0x1, s1  }
0x8c: {  	s16 =	sshll.u32 s0, $0xA;
	s2 =	sadd.s32 s3, s2  }
0x8d: {  	s2 =	sadd.s32 s2, s16  }
0x8e: {  	[smem:$0x3FBD] =	sst s2  }
0x8f: {  	_ = 	snop  }
0x90: {  	(tm) =	ssettm $0x1  }
0x91: {  	s17 =	sld [smem:$0x3FFB];
	_ =	sdelay $0x3  }
0x92: {  	_ =	strace s17  }
0x93: {  	s2 =	sld [smem:$0x3FFC];
	_ =	sdelay $0x3  }
0x94: {  	_ =	strace s2  }
0x95: {  	s2 =	sld [smem:$0x3FFD];
	_ =	sdelay $0x3  }
0x96: {  	_ =	strace s2  }
0x97: {  	_ =	strace $0x8FFFFFFF  }
0x98: {  	s18 =	sld [smem:$0x3FDB];
	_ =	sdelay $0x1  }
0x99: {  	s19 =	simm.s32 $_scs_section_size  }
0x9a: {  	s4 =	simm.s32 $_size__tile_overlayer_lowered;
	s5 =	simm.s32 $_tile_overlayer_lowered  }
0x9b: {  	s22 =	simm.s32 $0x1BFF;
	s21 =	sshll.u32 s5, $0x1;
	s2 =	sadd.s32 s19, s18  }
0x9c: {  	s6 =	simm.s32 $0x0;
	s20 =	sshll.u32 s4, $0x1;
	s4 =	sadd.s32 s21, s2  }
0x9d: {  	[timem:s6], [sflag:s22] =	dma.local [hbm:s4], s20  }
0x9e: {  	_ =	swait.ge [sflag:s22], s20  }
0x9f: {  	s3 =	ssub.s32 $0x0, s20;
	[sflag:s22] =	ssyncset.done $0x0  }
0xa0: {  	[sflag:s22] =	ssyncadd.s32 s3;
	_ =	sdelay $0x1  }
0xa1: {  	s23 =	simm.s32 $0x1B8B  }
0xa2: {  	_ =	swait.ge [sflag:s23], $0x1  }
0xa3: {  	[sflag:s23] =	ssyncset.done $0x0  }
0xa4: {  	s25 =	simm.s32 $0x1B8E;
	s24 =	sld [smem:$0x3FFE];
	[sflag:s23] =	ssyncadd.s32 $0xFFFFFFFF  }
0xa5: {  	s26 =	simm.s32 $execute0_lowered;
	[smem:$0x3FD2] =	sst s25  }
0xa6: {  	s4 =	sshll.u32 s26, $0x1;
	_ =	strace $0x80000046;
	[dreg:$0x1] =	wrdreg $0xFFFFFFFF  }
0xa7: {  	s28 =	simm.s32 $_size_execute0_lowered;
	s2 =	sadd.s32 s2, s4;
	[dreg:$0x0] =	wrdreg $0x0  }
0xa8: {  	s4 =	sshll.u32 s28, $0x1;
	[dreg:$0x2] =	wrdreg s2  }
0xa9: {  	[dreg:$0x3] =	wrdreg s4  }
0xaa: {  	[dreg:$0x4] =	wrdreg $0xC0  }
0xab: {  	_ =	task [dreg:s6], $0x5FFFF  }
0xac: {  	[dreg:$0x1] =	wrdreg $0xFFFFFFFF  }
0xad: {  	[dreg:$0x0] =	wrdreg $0x60  }
0xae: {  	[dreg:$0x2] =	wrdreg s24  }
0xaf: {  	[dreg:$0x3] =	wrdreg $0x0  }
0xb0: {  	[dreg:$0x4] =	wrdreg $0x9  }
0xb1: {  	_ =	task.clear_ibuf [dreg:s6], $0x5FFFF;
	_ =	strace $0x90000046  }
0xb2: {  	s29 =	simm.s32 $0x9;
	_ =	strace $0x80000048  }
0xb3: {  	_ =	swait.ge [sflag:s29], $0x1  }
0xb4: {  	[sflag:s29] =	ssyncadd.s32 $0xFFFFFFFF  }
0xb5: {  	_ =	strace $0x90000048  }
0xb6: {  	_ =	sfence  }
0xb7: {  	s30 =	sld [smem:$0x0];
	_ =	sdelay $0x2  }
0xb8: {  	s31 =	sshll.u32 s1, $0xD;
	s1 =	sshrl.u32 s1, $0x2  }
0xb9: {  	s3 =	sand.u32 $0x4000, s31;
	s1 =	sadd.s32 s1, s30  }
0xba: {  	s0 =	sor.u32 s3, s0;
	s1 =	sshll.u32 s1, $0x11  }
0xbb: {  	s0 =	sor.u32 s1, s0  }
0xbc: {  	s0 =	sadd.s32 $0x8F2B, s0  }
0xbd: {  	[sflag:s0] =	ssyncadd.remote.s32 $0x1  }
0xbe: {  	_ =	sfence.sel $0xFFFF  }
0xbf: {  	[dreg:$0x0] =	wrdreg $0xFFFFFFFF;
	(pc) =	sbr.abs _section_cstart, $3  }
0xc0: {  	[dreg:$0x1] =	wrdreg $0xFFFFFFFF  }
0xc1: {  	_ =	task.clear_ibuf [dreg:s6], $0x2FFFF;
	_ =	strace $0x9FFFFFFF  }
0xc2: {  	(tm) =	ssettm $0x7FFFFFFF  }
0xc3: {  	_ =	shalt  }
tec
execute0_lowered:
.L_overlay_start_1:
0x0: {  	(tag) =	ssettag $0x1  }
0x1: {  	s4 =	rddreg [dreg:$0x0]  }
0x2: {  	s2 =	rddreg [dreg:$0x1]  }
0x3: {  	s0 =	rddreg [dreg:$0x2]  }
0x4: {  	s1 =	stileid.u32;
	s6 =	srdreg.scid;
	s3 =	simm.s32 $0x0  }
0x5: {  	s11 =	simm.s32 $0x80;
	s12 =	simm.s32 $0xE38;
	s13 =	simm.s32 $0xCB8  }
0x6: {  	s14 =	simm.s32 $0xD38;
	s15 =	simm.s32 $0xDB8;
	s5 =	smul.u32 $0x1880, s1  }
0x7: {  	s16 =	simm.s32 $0xF38;
	s6 =	sand.u32 $0x1, s6;
	s7 =	smul.u32 $0xC38, s1  }
0x8: {  	s17 =	simm.s32 $0x0;
	[smem:$0x7FF] =	sst s3;
	s8 =	smul.u32 $0xC380, s6  }
0x9: {  	s31 =	sshll.u32 s1, $0x7;
	s30 =	ssub.s32 $0x2, s6;
	s6 =	smul.u32 $0xC40, s6  }
0xa: {  	_ =	strace $0x80000047;
	s9 =	sadd.s32 s5, s4;
	s10 =	sshrl.u32 s30, $0x1  }
0xb: {  	s29 =	sadd.s32 s7, s8;
	s8 =	ssub.s32 s30, s10;
	s9 =	sadd.s32 s6, s9  }
0xc: {  	s10 =	simm.s32 $0x1;
	s5 =	sshrl.u32 s29, $0x3;
	s6 =	smax.u32 s8, $0x1  }
0xd: {  	s8 =	sadd.s32 $0x1E00, s9;
	s9 =	simm.s32 $0xC38;
	s5 =	sadd.s32 s5, s4  }
0xe: {  	v0 =	vimm.f32 $1.000000000e+00;
	v1 =	vimm.f32 $0.0e+00;
	s4 =	sadd.s32 s7, s2;
	s7 =	sadd.s32 s31, s2;
	s5 =	sadd.s32 $0x32E00, s5  }
.LBB2_1:
0xf: {  	[tilespmem:$0xE38] =	vst v0  }
0x10: {  	[tilespmem:$0xEB8] =	vst v1  }
0x11: {  	[tilespmem:$0xE48] =	vst v0  }
0x12: {  	[tilespmem:$0xEC8] =	vst v1  }
0x13: {  	[tilespmem:$0xE58] =	vst v0  }
0x14: {  	[tilespmem:$0xED8] =	vst v1  }
0x15: {  	[tilespmem:$0xE68] =	vst v0  }
0x16: {  	[tilespmem:$0xEE8] =	vst v1  }
0x17: {  	[tilespmem:$0xE78] =	vst v0  }
0x18: {  	[tilespmem:$0xEF8] =	vst v1  }
0x19: {  	[tilespmem:$0xE88] =	vst v0  }
0x1a: {  	[tilespmem:$0xF08] =	vst v1  }
0x1b: {  	[tilespmem:$0xE98] =	vst v0  }
0x1c: {  	[tilespmem:$0xF18] =	vst v1;
	s18 =	sadd.s32 $0x0, s1  }
0x1d: {  	[tilespmem:$0xEA8] =	vst v0;
	p0 =	sgt.u32 s18, $0x186  }
0x1e: {  	[tilespmem:$0xF28] =	vst v1;
	s18 =	simm.s32 @!p0 $0xEB8;
	s21 =	simm.s32 @!p0 $0x1  }
0x1f: {  	[spmem:s7] =	stream.linear.scatter @!p0 [tilespmem:s18], [sflag:$0x1], $0x80, $0x38;
	[tilespmem:$0x1BB8] =	vst v63  }
0x20: {  	s19 =	simm.s32 $0x10;
	_ =	swait.ge @!p0 [sflag:s21], $0x80  }
0x21: {  	s20 =	simm.s32 $0x20;
	s18 =	sadd.s32 $0x800, s7;
	[sflag:s21] =	ssyncset.done @!p0 $0x0  }
.LBB2_2:
0x22: {  	s22 =	sadd.s32 s19, s1;
	s19 =	smov.u32 s20;
	s20 =	sadd.s32 $0x10, s20  }
0x23: {  	[sflag:s21] =	ssyncadd.s32 @!p0 $0xFFFFFF80;
	p1 =	sne.s32 s20, $0x190  }
.Ltmp0:
0x24: {  	p0 =	sgt.u32 s22, $0x186;
	(pc) =	sbr.rel @p1 .LBB2_2-.Ltmp0, $4  }
0x25: {  	s22 =	simm.s32 @!p0 $0xEB8;
	s21 =	simm.s32 @!p0 $0x1  }
0x26: {  	[spmem:s18] =	stream.linear.scatter @!p0 [tilespmem:s22], [sflag:$0x1], $0x80, $0x38;
	[tilespmem:$0x1BB8] =	vst v63  }
0x27: {  	_ =	swait.ge @!p0 [sflag:s21], $0x80  }
0x28: {  	s18 =	sadd.s32 $0x800, s18;
	[sflag:s21] =	ssyncset.done @!p0 $0x0  }
0x29: {  	s19 =	sadd.s32 s19, s1  }
0x2a: {  	p1 =	sgt.u32 s19, $0x186  }
0x2b: {  	[sflag:s21] =	ssyncadd.s32 @!p0 $0xFFFFFF80;
	s19 =	simm.s32 @!p1 $0xEB8;
	s20 =	simm.s32 @!p1 $0x1  }
0x2c: {  	[spmem:s18] =	stream.linear.scatter @!p1 [tilespmem:s19], [sflag:$0x1], $0x80, $0x38;
	[tilespmem:$0x1BB8] =	vst v63  }
0x2d: {  	_ =	swait.ge @!p1 [sflag:s20], $0x80  }
0x2e: {  	[sflag:s20] =	ssyncset.done @!p1 $0x0  }
0x2f: {  	[sflag:s20] =	ssyncadd.s32 @!p1 $0xFFFFFF80  }
0x30: {  	s31 =	sadd.s32 $0x0, s8;
	[bflag:$0x0] =	sbarrier.arrive $0xFFFF  }
0x31: {  	[tilespmem:s9], [sflag:$0x1] =	stream.linear.gather [hbm4b:s31+s3], $0x200, $0x38;
	[tilespmem:$0x1BB8] =	vst v63  }
0x32: {  	_ =	swait.ge [sflag:s10], $0x200  }
0x33: {  	[sflag:s10] =	ssyncset.done $0x0  }
0x34: {  	[sflag:s10] =	ssyncadd.s32 $0xFFFFFE00  }
0x35: {  	[spmem:s2] =	stream.indirect.scatter.add.f32 [tilespmem:s12], [sflag:$0x1], $0x1, s9, s11, $0xb8;
	[tilespmem:$0x1BB8] =	vst v63  }
0x36: {  	_ =	swait.ge [sflag:s10], $0x80  }
0x37: {  	[sflag:s10] =	ssyncset.done $0x0  }
0x38: {  	[sflag:s10] =	ssyncadd.s32 $0xFFFFFF80  }
0x39: {  	[spmem:s2] =	stream.indirect.scatter.add.f32 [tilespmem:s12], [sflag:$0x1], $0x1, s13, s11, $0xb8;
	[tilespmem:$0x1BB8] =	vst v63  }
0x3a: {  	_ =	swait.ge [sflag:s10], $0x80  }
0x3b: {  	[sflag:s10] =	ssyncset.done $0x0  }
0x3c: {  	[sflag:s10] =	ssyncadd.s32 $0xFFFFFF80  }
0x3d: {  	[spmem:s2] =	stream.indirect.scatter.add.f32 [tilespmem:s12], [sflag:$0x1], $0x1, s14, s11, $0xb8;
	[tilespmem:$0x1BB8] =	vst v63  }
0x3e: {  	_ =	swait.ge [sflag:s10], $0x80  }
0x3f: {  	[sflag:s10] =	ssyncset.done $0x0  }
0x40: {  	[sflag:s10] =	ssyncadd.s32 $0xFFFFFF80  }
0x41: {  	[spmem:s2] =	stream.indirect.scatter.add.f32 [tilespmem:s12], [sflag:$0x1], $0x1, s15, s11, $0xb8;
	[tilespmem:$0x1BB8] =	vst v63  }
0x42: {  	_ =	swait.ge [sflag:s10], $0x80  }
0x43: {  	s18 =	simm.s32 $0x40;
	s19 =	simm.s32 $0x80;
	[sflag:s10] =	ssyncset.done $0x0  }
.LBB2_4:
0x44: {  	s20 =	sadd.s32 s18, s8  }
0x45: {  	[sflag:s10] =	ssyncadd.s32 $0xFFFFFF80;
	s18 =	smov.u32 s19;
	s21 =	sadd.s32 $0x40, s19  }
0x46: {  	[tilespmem:s9], [sflag:$0x1] =	stream.linear.gather [hbm4b:s20+s3], $0x200, $0x38;
	[tilespmem:$0x1BB8] =	vst v63  }
0x47: {  	p0 =	sne.s32 s19, $0xC00;
	_ =	swait.ge [sflag:s10], $0x200  }
0x48: {  	[sflag:s10] =	ssyncset.done $0x0  }
0x49: {  	[sflag:s10] =	ssyncadd.s32 $0xFFFFFE00  }
0x4a: {  	[spmem:s2] =	stream.indirect.scatter.add.f32 [tilespmem:s12], [sflag:$0x1], $0x1, s9, s11, $0xb8;
	[tilespmem:$0x1BB8] =	vst v63  }
0x4b: {  	_ =	swait.ge [sflag:s10], $0x80  }
0x4c: {  	[sflag:s10] =	ssyncset.done $0x0  }
0x4d: {  	[sflag:s10] =	ssyncadd.s32 $0xFFFFFF80  }
0x4e: {  	[spmem:s2] =	stream.indirect.scatter.add.f32 [tilespmem:s12], [sflag:$0x1], $0x1, s13, s11, $0xb8;
	[tilespmem:$0x1BB8] =	vst v63  }
0x4f: {  	_ =	swait.ge [sflag:s10], $0x80  }
0x50: {  	[sflag:s10] =	ssyncset.done $0x0  }
0x51: {  	[sflag:s10] =	ssyncadd.s32 $0xFFFFFF80  }
0x52: {  	[spmem:s2] =	stream.indirect.scatter.add.f32 [tilespmem:s12], [sflag:$0x1], $0x1, s14, s11, $0xb8;
	[tilespmem:$0x1BB8] =	vst v63  }
0x53: {  	_ =	swait.ge [sflag:s10], $0x80  }
.Ltmp1:
0x54: {  	[sflag:s10] =	ssyncset.done $0x0;
	(pc) =	sbr.rel @p0 .LBB2_4-.Ltmp1, $4  }
0x55: {  	[sflag:s10] =	ssyncadd.s32 $0xFFFFFF80  }
0x56: {  	[spmem:s2] =	stream.indirect.scatter.add.f32 [tilespmem:s12], [sflag:$0x1], $0x1, s15, s11, $0xb8;
	[tilespmem:$0x1BB8] =	vst v63  }
0x57: {  	_ =	swait.ge [sflag:s10], $0x80  }
0x58: {  	s19 =	smov.u32 s21;
	[sflag:s10] =	ssyncset.done $0x0  }
0x59: {  	s18 =	sadd.s32 s18, s8;
	[sflag:s10] =	ssyncadd.s32 $0xFFFFFF80  }
0x5a: {  	[tilespmem:s9], [sflag:$0x1] =	stream.linear.gather [hbm4b:s18+s3], $0x200, $0x38;
	[tilespmem:$0x1BB8] =	vst v63  }
0x5b: {  	_ =	swait.ge [sflag:s10], $0x200  }
0x5c: {  	[sflag:s10] =	ssyncset.done $0x0  }
0x5d: {  	[sflag:s10] =	ssyncadd.s32 $0xFFFFFE00  }
0x5e: {  	[spmem:s2] =	stream.indirect.scatter.add.f32 [tilespmem:s12], [sflag:$0x1], $0x1, s9, s11, $0xb8;
	[tilespmem:$0x1BB8] =	vst v63  }
0x5f: {  	_ =	swait.ge [sflag:s10], $0x80  }
0x60: {  	[sflag:s10] =	ssyncset.done $0x0  }
0x61: {  	[sflag:s10] =	ssyncadd.s32 $0xFFFFFF80  }
0x62: {  	[spmem:s2] =	stream.indirect.scatter.add.f32 [tilespmem:s12], [sflag:$0x1], $0x1, s13, s11, $0xb8;
	[tilespmem:$0x1BB8] =	vst v63  }
0x63: {  	_ =	swait.ge [sflag:s10], $0x80  }
0x64: {  	[sflag:s10] =	ssyncset.done $0x0  }
0x65: {  	[sflag:s10] =	ssyncadd.s32 $0xFFFFFF80  }
0x66: {  	[spmem:s2] =	stream.indirect.scatter.add.f32 [tilespmem:s12], [sflag:$0x1], $0x1, s14, s11, $0xb8;
	[tilespmem:$0x1BB8] =	vst v63  }
0x67: {  	_ =	swait.ge [sflag:s10], $0x80  }
0x68: {  	[sflag:s10] =	ssyncset.done $0x0  }
0x69: {  	[sflag:s10] =	ssyncadd.s32 $0xFFFFFF80  }
0x6a: {  	[spmem:s2] =	stream.indirect.scatter.add.f32 [tilespmem:s12], [sflag:$0x1], $0x1, s15, s11, $0xb8;
	[tilespmem:$0x1BB8] =	vst v63  }
0x6b: {  	_ =	swait.ge [sflag:s10], $0x80  }
0x6c: {  	[sflag:s10] =	ssyncset.done $0x0  }
0x6d: {  	[sflag:s10] =	ssyncadd.s32 $0xFFFFFF80  }
0x6e: {  	[bflag:$0x0] =	sbarrier.arrive $0xFFFF  }
0x6f: {  	[tilespmem:s16], [sflag:$0x1] =	stream.linear.gather [spmem:s4], $0xC38, $0x38;
	[tilespmem:$0x1BB8] =	vst v63  }
0x70: {  	s17 =	sadd.s32 $0x1, s17;
	_ =	swait.ge [sflag:s10], $0xC38  }
0x71: {  	p0 =	sne.s32 s17, s6;
	[sflag:s10] =	ssyncset.done $0x0  }
.Ltmp2:
0x72: {  	[sflag:s10] =	ssyncadd.s32 $0xFFFFF3C8;
	(pc) =	sbr.rel @p0 .LBB2_1-.Ltmp2, $4  }
0x73: {  	[hbm4b:s5+s3] =	stream.linear.scatter [tilespmem:s16], [sflag:$0x1], $0xC38, $0x38;
	[tilespmem:$0x1BB8] =	vst v63  }
0x74: {  	_ =	swait.ge [sflag:s10], $0xC38  }
0x75: {  	[sflag:s10] =	ssyncset.done $0x0  }
0x76: {  	[sflag:s10] =	ssyncadd.s32 $0xFFFFF3C8  }
0x77: {  	_ =	sfence.sel $0x180000  }
0x78: {  	[bflag:$0x0] =	sbarrier.arrive $0xFFFF  }
0x79: {  	p0 =	sne.s32 s1, $0x0;
	_ =	strace $0x90000047  }
0x7a: {  	s0 =	sadd.s32 @!p0 $0x100000, s0;
	[bflag:$0x2] =	sbarrier.arrive $0xFFFF  }
0x7b: {  	[sflag:s0] =	ssyncadd.tile.s32 @!p0 $0x1;
	_ =	shalt  }
.Lfunc_end2:
_tile_overlayer_lowered:
.L_overlay_start_2:
0x7c: {  	(tag) =	ssettag $0x2  }
0x7d: {  	s0 =	rddreg [dreg:$0x0];
	s2 =	stileid.u32  }
0x7e: {  	s1 =	rddreg [dreg:$0x1];
	p0 =	sne.s32 s2, $0x0  }
0x7f: {  	s3 =	rddreg [dreg:$0x2];
	[bflag:$0x3] =	sbarrier.arrive $0xFFFF;
	s2 =	simm.s32 @!p0 $0x1C01  }
0x80: {  	[timem:s3], [sflag:s2] =	dma.local @!p0 [hbm:s0], s1  }
0x81: {  	s0 =	simm.s32 @!p0 $0x1  }
0x82: {  	_ =	swait.ge @!p0 [sflag:s0], s1  }
0x83: {  	s1 =	ssub.s32 @!p0 $0x0, s1;
	[sflag:s0] =	ssyncset.done @!p0 $0x0  }
0x84: {  	[sflag:s0] =	ssyncadd.s32 @!p0 s1  }
0x85: {  	[bflag:$0x3] =	sbarrier.arrive $0xFFFF  }
0x86: {  	_ =	shalt  }

// kernel: kernel.13.cloned.1.call-start
scs
__scs_entry_jumppad:
0x0: {  	(pc) =	sbr.rel $0x88, $3  }
0x1: {  	(tag) =	ssettag $0x0;
	lr =	simm.s32 $0x1  }
0x2: {  	[smem:$0x3F96] =	sst lr;
	_ =	strace $0xD0000000  }
0x3: {  	_ = 	snop  }
0x4: {  	_ = 	snop  }
0x5: {  	_ = 	snop  }
0x6: {  	_ = 	snop  }
0x7: {  	_ = 	snop  }
__scs_overlays_trampoline_lowered:
0x8: {  	[smem:$0x3FA5] =	sst s0  }
0x9: {  	[smem:$0x3FA6] =	sst s1  }
0xa: {  	[smem:$0x3FA7] =	sst s2  }
0xb: {  	[smem:$0x3FA8] =	sst s3  }
0xc: {  	[smem:$0x3FA9] =	sst s4  }
0xd: {  	[smem:$0x3FAA] =	sst s5  }
0xe: {  	[smem:$0x3FAB] =	sst s6  }
0xf: {  	[smem:$0x3FAC] =	sst s7  }
0x10: {  	[smem:$0x3FAD] =	sst s8  }
0x11: {  	[smem:$0x3FAE] =	sst s9;
	s0 =	simm.s32 @!p0 $0x0  }
0x12: {  	s1 =	sld [smem:$0x3F94];
	s0 =	simm.s32 @p0 $0x1  }
0x13: {  	[smem:$0x3FAF] =	sst s0;
	s0 =	simm.s32 @!p1 $0x0  }
0x14: {  	s2 =	sld [smem:$0x3F93];
	s0 =	simm.s32 @p1 $0x1  }
0x15: {  	[smem:$0x3FB0] =	sst s0;
	s0 =	simm.s32 @!p2 $0x0  }
0x16: {  	s3 =	sld [smem:$0x3FDB];
	s0 =	simm.s32 @p2 $0x1  }
0x17: {  	s4 =	simm.s32 $0x1BF5;
	[smem:$0x3FB2] =	sst s0  }
0x18: {  	s0 =	sld [smem:$0x3F95];
	_ =	swait.ge [sflag:s4], $0x0  }
0x19: {  	s7 =	sld [smem:$0x3F96]  }
0x1a: {  	s8 =	sadd.s32 $0xFFFFE003, lr  }
0x1b: {  	s9 =	sadd.s32 $0xFFFFFEF7, lr;
	s5 =	simm.s32 $0xFFFFFFFF;
	p2 =	slt.u32 s8, $0xFFFFF086  }
0x1c: {  	p1 =	slt.u32 s9, $0xF7A;
	s5 =	simm.s32 @!p2 $0x0  }
0x1d: {  	s5 =	simm.s32 @p1 $0x1;
	p0 =	seq.s32 s7, s2  }
0x1e: {  	s7 =	smul.u32 @!p0 $0xF7A, s2;
	p2 =	seq.s32 @!p0 s5, $0x0  }
0x1f: {  	s9 =	smul.u32 $0xF7A, s1;
	s8 =	simm.s32 @!p0 $0x1BF5;
	p2 =	por !p2, p0  }
0x20: {  	[sflag:s8] =	ssyncset.s32 @!p0 $0xFFFFF086;
	s6 =	sadd.s32 @!p0 s3, s7;
	s7 =	simm.s32 @!p0 $0x108  }
0x21: {  	s3 =	sadd.s32 s3, s9;
	s6 =	sadd.s32 @!p0 $0x88, s6;
	s7 =	simm.s32 @p2 $0x1082  }
0x22: {  	[simem:s7], [sflag:s8] =	dma.local @!p0 [hbm:s6], $0xF7A  }
0x23: {  	s9 =	sor.u32 $0xD0000000, s2;
	s6 =	simm.s32 $0x108;
	_ =	swait.ge @!p0 [sflag:s8], $0x0  }
0x24: {  	s3 =	sadd.s32 $0x88, s3;
	s6 =	simm.s32 @!p1 $0x1082;
	[sflag:s4] =	ssyncset.s32 $0xFFFFF086  }
0x25: {  	[simem:s6], [sflag:s4] =	dma.local [hbm:s3], $0xF7A  }
0x26: {  	[smem:$0x3F96] =	sst s1;
	(tag) =	ssettag s2;
	_ =	strace s9  }
0x27: {  	s1 =	sld [smem:$0x3FA6]  }
0x28: {  	s2 =	sld [smem:$0x3FA7]  }
0x29: {  	s4 =	sld [smem:$0x3FA9]  }
0x2a: {  	p0 =	seq.s32 s5, $0x0;
	s5 =	sld [smem:$0x3FAA]  }
0x2b: {  	s6 =	sld [smem:$0x3FAB]  }
0x2c: {  	s7 =	sld [smem:$0x3FAC]  }
0x2d: {  	s3 =	simm.s32 $0x108;
	s8 =	sld [smem:$0x3FAD]  }
0x2e: {  	s3 =	simm.s32 @!p0 $0x1082;
	s9 =	sld [smem:$0x3FAE]  }
0x2f: {  	lr =	sadd.s32 s0, s3;
	s0 =	sld [smem:$0x3FA5]  }
0x30: {  	s3 =	sld [smem:$0x3FA8]  }
0x31: {  	[smem:$0x3FB1] =	sst s10  }
0x32: {  	s10 =	sld [smem:$0x3FAF];
	_ =	sdelay $0x3  }
0x33: {  	p0 =	seq.s32 s10, $0x1;
	s10 =	sld [smem:$0x3FB1];
	_ =	sdelay $0x3  }
0x34: {  	[smem:$0x3FB1] =	sst s10  }
0x35: {  	s10 =	sld [smem:$0x3FB0];
	_ =	sdelay $0x3  }
0x36: {  	p1 =	seq.s32 s10, $0x1;
	s10 =	sld [smem:$0x3FB1];
	_ =	sdelay $0x3  }
0x37: {  	[smem:$0x3FB1] =	sst s10  }
0x38: {  	s10 =	sld [smem:$0x3FB2]  }
0x39: {  	_ = 	snop;
	(pc) =	sbr.ind lr, $3  }
0x3a: {  	_ = 	snop  }
0x3b: {  	_ = 	snop  }
0x3c: {  	p2 =	seq.s32 s10, $0x1;
	s10 =	sld [smem:$0x3FB1]  }
0x3d: {  	_ =	shalt  }
0x3e: {  	_ =	shalt  }
0x3f: {  	_ =	shalt  }
0x40: {  	_ =	shalt  }
0x41: {  	_ =	shalt  }
0x42: {  	_ =	shalt  }
0x43: {  	_ =	shalt  }
0x44: {  	_ =	shalt  }
0x45: {  	_ =	shalt  }
0x46: {  	_ =	shalt  }
0x47: {  	_ =	shalt  }
0x48: {  	_ =	shalt  }
0x49: {  	_ =	shalt  }
0x4a: {  	_ =	shalt  }
0x4b: {  	_ =	shalt  }
0x4c: {  	_ =	shalt  }
0x4d: {  	_ =	shalt  }
0x4e: {  	_ =	shalt  }
0x4f: {  	_ =	shalt  }
0x50: {  	_ =	shalt  }
0x51: {  	_ =	shalt  }
0x52: {  	_ =	shalt  }
0x53: {  	_ =	shalt  }
0x54: {  	_ =	shalt  }
0x55: {  	_ =	shalt  }
0x56: {  	_ =	shalt  }
0x57: {  	_ =	shalt  }
0x58: {  	_ =	shalt  }
0x59: {  	_ =	shalt  }
0x5a: {  	_ =	shalt  }
0x5b: {  	_ =	shalt  }
0x5c: {  	_ =	shalt  }
0x5d: {  	_ =	shalt  }
0x5e: {  	_ =	shalt  }
0x5f: {  	_ =	shalt  }
0x60: {  	_ =	shalt  }
0x61: {  	_ =	shalt  }
0x62: {  	_ =	shalt  }
0x63: {  	_ =	shalt  }
0x64: {  	_ =	shalt  }
0x65: {  	_ =	shalt  }
0x66: {  	_ =	shalt  }
0x67: {  	_ =	shalt  }
0x68: {  	_ =	shalt  }
0x69: {  	_ =	shalt  }
0x6a: {  	_ =	shalt  }
0x6b: {  	_ =	shalt  }
0x6c: {  	_ =	shalt  }
0x6d: {  	_ =	shalt  }
0x6e: {  	_ =	shalt  }
0x6f: {  	_ =	shalt  }
0x70: {  	_ =	shalt  }
0x71: {  	_ =	shalt  }
0x72: {  	_ =	shalt  }
0x73: {  	_ =	shalt  }
0x74: {  	_ =	shalt  }
0x75: {  	_ =	shalt  }
0x76: {  	_ =	shalt  }
0x77: {  	_ =	shalt  }
0x78: {  	_ =	shalt  }
0x79: {  	_ =	shalt  }
0x7a: {  	_ =	shalt  }
0x7b: {  	_ =	shalt  }
0x7c: {  	_ =	shalt  }
0x7d: {  	_ =	shalt  }
0x7e: {  	_ =	shalt  }
0x7f: {  	_ =	shalt  }
0x80: {  	_ =	shalt  }
0x81: {  	_ =	shalt  }
0x82: {  	_ =	shalt  }
0x83: {  	_ =	shalt  }
0x84: {  	_ =	shalt  }
0x85: {  	_ =	shalt  }
0x86: {  	_ =	shalt  }
0x87: {  	_ =	shalt  }
.Lfunc_end0:
.L_simem_size_0:
called_computation.1_lowered:
.L_overlay_start_0:
0x88: {  	s2 =	sld [smem:$0x3FD9]  }
0x89: {  	s3 =	sld [smem:$0x3FFE];
	_ =	sdelay $0x1  }
0x8a: {  	s1 =	srdreg.scid  }
0x8b: {  	s0 =	sand.u32 $0x1, s1  }
0x8c: {  	s16 =	sshll.u32 s0, $0xA;
	s2 =	sadd.s32 s3, s2  }
0x8d: {  	s2 =	sadd.s32 s2, s16  }
0x8e: {  	[smem:$0x3FBD] =	sst s2  }
0x8f: {  	_ = 	snop  }
0x90: {  	(tm) =	ssettm $0x1  }
0x91: {  	s17 =	sld [smem:$0x3FFB];
	_ =	sdelay $0x3  }
0x92: {  	_ =	strace s17  }
0x93: {  	s2 =	sld [smem:$0x3FFC];
	_ =	sdelay $0x3  }
0x94: {  	_ =	strace s2  }
0x95: {  	s2 =	sld [smem:$0x3FFD];
	_ =	sdelay $0x3  }
0x96: {  	_ =	strace s2  }
0x97: {  	_ =	strace $0x8FFFFFFF  }
0x98: {  	s18 =	sld [smem:$0x3FDB];
	_ =	sdelay $0x1  }
0x99: {  	s19 =	simm.s32 $_scs_section_size  }
0x9a: {  	s4 =	simm.s32 $_size__tile_overlayer_lowered;
	s5 =	simm.s32 $_tile_overlayer_lowered  }
0x9b: {  	s22 =	simm.s32 $0x1BFF;
	s21 =	sshll.u32 s5, $0x1;
	s2 =	sadd.s32 s19, s18  }
0x9c: {  	s6 =	simm.s32 $0x0;
	s20 =	sshll.u32 s4, $0x1;
	s4 =	sadd.s32 s21, s2  }
0x9d: {  	[timem:s6], [sflag:s22] =	dma.local [hbm:s4], s20  }
0x9e: {  	_ =	swait.ge [sflag:s22], s20  }
0x9f: {  	s3 =	ssub.s32 $0x0, s20;
	[sflag:s22] =	ssyncset.done $0x0  }
0xa0: {  	[sflag:s22] =	ssyncadd.s32 s3;
	_ =	sdelay $0x1  }
0xa1: {  	s23 =	simm.s32 $0x1B8B  }
0xa2: {  	_ =	swait.ge [sflag:s23], $0x1  }
0xa3: {  	[sflag:s23] =	ssyncset.done $0x0  }
0xa4: {  	s25 =	simm.s32 $0x1B8E;
	s24 =	sld [smem:$0x3FFE];
	[sflag:s23] =	ssyncadd.s32 $0xFFFFFFFF  }
0xa5: {  	s26 =	simm.s32 $execute0_lowered;
	[smem:$0x3FD2] =	sst s25  }
0xa6: {  	s4 =	sshll.u32 s26, $0x1;
	_ =	strace $0x80000049;
	[dreg:$0x1] =	wrdreg $0xFFFFFFFF  }
0xa7: {  	s28 =	simm.s32 $_size_execute0_lowered;
	s2 =	sadd.s32 s2, s4;
	[dreg:$0x0] =	wrdreg $0x0  }
0xa8: {  	s4 =	sshll.u32 s28, $0x1;
	[dreg:$0x2] =	wrdreg s2  }
0xa9: {  	[dreg:$0x3] =	wrdreg s4  }
0xaa: {  	[dreg:$0x4] =	wrdreg $0xC0  }
0xab: {  	_ =	task [dreg:s6], $0x5FFFF  }
0xac: {  	[dreg:$0x1] =	wrdreg $0xFFFFFFFF  }
0xad: {  	[dreg:$0x0] =	wrdreg $0x60  }
0xae: {  	[dreg:$0x2] =	wrdreg s24  }
0xaf: {  	[dreg:$0x3] =	wrdreg $0x0  }
0xb0: {  	[dreg:$0x4] =	wrdreg $0x9  }
0xb1: {  	_ =	task.clear_ibuf [dreg:s6], $0x5FFFF;
	_ =	strace $0x90000049  }
0xb2: {  	s29 =	simm.s32 $0x9;
	_ =	strace $0x8000004B  }
0xb3: {  	_ =	swait.ge [sflag:s29], $0x1  }
0xb4: {  	[sflag:s29] =	ssyncadd.s32 $0xFFFFFFFF  }
0xb5: {  	_ =	strace $0x9000004B  }
0xb6: {  	_ =	sfence  }
0xb7: {  	s30 =	sld [smem:$0x0];
	_ =	sdelay $0x2  }
0xb8: {  	s31 =	sshll.u32 s1, $0xD;
	s1 =	sshrl.u32 s1, $0x2  }
0xb9: {  	s3 =	sand.u32 $0x4000, s31;
	s1 =	sadd.s32 s1, s30  }
0xba: {  	s0 =	sor.u32 s3, s0;
	s1 =	sshll.u32 s1, $0x11  }
0xbb: {  	s0 =	sor.u32 s1, s0  }
0xbc: {  	s0 =	sadd.s32 $0x8F2B, s0  }
0xbd: {  	[sflag:s0] =	ssyncadd.remote.s32 $0x1  }
0xbe: {  	_ =	sfence.sel $0xFFFF  }
0xbf: {  	[dreg:$0x0] =	wrdreg $0xFFFFFFFF;
	(pc) =	sbr.abs _section_cstart, $3  }
0xc0: {  	[dreg:$0x1] =	wrdreg $0xFFFFFFFF  }
0xc1: {  	_ =	task.clear_ibuf [dreg:s6], $0x2FFFF;
	_ =	strace $0x9FFFFFFF  }
0xc2: {  	(tm) =	ssettm $0x7FFFFFFF  }
0xc3: {  	_ =	shalt  }
tec
execute0_lowered:
.L_overlay_start_1:
0x0: {  	(tag) =	ssettag $0x1  }
0x1: {  	s0 =	rddreg [dreg:$0x0]  }
0x2: {  	s1 =	rddreg [dreg:$0x1];
	s3 =	simm.s32 $0x0  }
0x3: {  	s2 =	srdreg.scid;
	s13 =	stileid.u32;
	s24 =	simm.s32 $0x18700  }
0x4: {  	s12 =	simm.s32 $0x18800;
	s14 =	simm.s32 $0x18B00;
	s16 =	simm.s32 $0x18C00  }
0x5: {  	s15 =	simm.s32 $0x18900;
	s19 =	simm.s32 $0x18780;
	s17 =	simm.s32 $0x18A00  }
0x6: {  	s20 =	simm.s32 $0x18B80;
	s21 =	simm.s32 $0x18880;
	s22 =	simm.s32 $0x18C80  }
0x7: {  	s23 =	simm.s32 $0x18980;
	s18 =	simm.s32 $0x18E00;
	s28 =	simm.s32 $0x1BF00  }
0x8: {  	s29 =	simm.s32 $0x3;
	s30 =	simm.s32 $0x5;
	s5 =	smul.u32 $0x18700, s13  }
0x9: {  	s31 =	simm.s32 $0x4;
	[smem:$0x7FF] =	sst s3;
	s9 =	smul.u32 $0x1880, s13  }
0xa: {  	s2 =	sand.u32 $0x1, s2;
	s6 =	sadd.s32 $0x36000, s0;
	s10 =	smul.u32 $0x61C00, s13  }
0xb: {  	s4 =	smul.u32 $0x187000, s2;
	_ =	strace $0x8000004A;
	[dreg:$0x3] =	wrdreg s19  }
0xc: {  	s7 =	sadd.s32 $0x1A600, s0;
	s8 =	smul.u32 $0x30E00, s2;
	[dreg:$0x4] =	wrdreg s20  }
0xd: {  	s2 =	ssub.s32 $0x2, s2;
	s19 =	simm.s32 $0x1;
	[dreg:$0x5] =	wrdreg s21  }
0xe: {  	s20 =	simm.s32 $0x80;
	s21 =	simm.s32 $0x18F00;
	[dreg:$0x6] =	wrdreg s22  }
0xf: {  	s22 =	simm.s32 $0x19F00;
	[dreg:$0x7] =	wrdreg s23;
	s23 =	simm.s32 $0x18D00  }
0x10: {  	s25 =	sshrl.u32 s2, $0x1;
	s4 =	sadd.s32 s5, s4;
	s8 =	sadd.s32 s8, s0  }
0x11: {  	s2 =	ssub.s32 s2, s25;
	s5 =	sadd.s32 s7, s9;
	s25 =	simm.s32 $0x18D80  }
0x12: {  	s4 =	sshrl.u32 s4, $0x3;
	s2 =	smax.u32 s2, $0x1;
	[dreg:$0x8] =	wrdreg s25  }
0x13: {  	s0 =	sadd.s32 s4, s0;
	s4 =	sadd.s32 s6, s9;
	s9 =	sor.u32 $0x20, s9  }
0x14: {  	s8 =	sadd.s32 $0x4E800, s8;
	[dreg:$0xc] =	wrdreg s2;
	s6 =	sadd.s32 s6, s9  }
0x15: {  	s25 =	simm.s32 $0x2;
	s26 =	sadd.s32 s7, s9;
	[dreg:$0xa] =	wrdreg s6  }
0x16: {  	s7 =	sshll.u32 s13, $0xB;
	s11 =	sadd.s32 $0xB0400, s0;
	[dreg:$0xb] =	wrdreg s26  }
0x17: {  	s9 =	sshrl.u32 s10, $0x2;
	s2 =	sadd.s32 s7, s1;
	[dreg:$0xf] =	wrdreg s11  }
0x18: {  	s0 =	simm.s32 $0x6;
	s10 =	sadd.s32 s9, s1;
	[dreg:$0xd] =	wrdreg s2  }
0x19: {  	s26 =	simm.s32 $0x18A80;
	s6 =	simm.s32 $0x7;
	[dreg:$0xe] =	wrdreg s10  }
0x1a: {  	v0 =	vimm.f32 $0.0e+00;
	s7 =	simm.s32 $0x0;
	[dreg:$0x9] =	wrdreg s26;
	s26 =	simm.s32 $0x1AF00  }
.LBB2_1:
0x1b: {  	[dreg:$0x10] =	wrdreg s7;
	s2 =	simm.s32 $0x0  }
.LBB2_2:
0x1c: {  	p0 =	sne.s32 s2, $0x1F80  }
.Ltmp0:
0x1d: {  	_ = 	snop;
	(pc) =	sbr.rel @p0 .LBB2_2-.Ltmp0, $4  }
0x1e: {  	_ = 	snop  }
0x1f: {  	s7 =	sshra.s32 s2, $0x2  }
0x20: {  	[tilespmem:s7+$0x1CF00] =	vst v0  }
0x21: {  	s2 =	sadd.s32 $0x80, s2;
	[tilespmem:s7+$0x1CF10] =	vst v0  }
0x22: {  	s2 =	sadd.s32 $0x0, s13  }
0x23: {  	p0 =	sgt.u32 s2, $0x30D  }
0x24: {  	s11 =	rddreg [dreg:$0xd];
	s2 =	simm.s32 @!p0 $0x1CF00;
	s10 =	simm.s32 @!p0 $0x7  }
0x25: {  	[spmem:s11] =	stream.linear.scatter @!p0 [tilespmem:s2], [sflag:$0x7], $0x800, $0x38;
	[tilespmem:$0x1D700] =	vst v63  }
0x26: {  	s7 =	simm.s32 $0x10;
	_ =	swait.ge @!p0 [sflag:s10], $0x800  }
0x27: {  	s9 =	simm.s32 $0x20;
	s2 =	sadd.s32 $0x8000, s11;
	[sflag:s10] =	ssyncset.done @!p0 $0x0  }
.LBB2_4:
0x28: {  	s11 =	sadd.s32 s7, s13;
	s7 =	smov.u32 s9;
	s9 =	sadd.s32 $0x10, s9  }
0x29: {  	[sflag:s10] =	ssyncadd.s32 @!p0 $0xFFFFF800;
	p1 =	sne.s32 s9, $0x310  }
.Ltmp1:
0x2a: {  	p0 =	sgt.u32 s11, $0x30D;
	(pc) =	sbr.rel @p1 .LBB2_4-.Ltmp1, $4  }
0x2b: {  	s11 =	simm.s32 @!p0 $0x1CF00;
	s10 =	simm.s32 @!p0 $0x7  }
0x2c: {  	[spmem:s2] =	stream.linear.scatter @!p0 [tilespmem:s11], [sflag:$0x7], $0x800, $0x38;
	[tilespmem:$0x1D700] =	vst v63  }
0x2d: {  	_ =	swait.ge @!p0 [sflag:s10], $0x800  }
0x2e: {  	s2 =	sadd.s32 $0x8000, s2;
	[sflag:s10] =	ssyncset.done @!p0 $0x0  }
0x2f: {  	s7 =	sadd.s32 s7, s13  }
0x30: {  	p1 =	sgt.u32 s7, $0x30D  }
0x31: {  	[sflag:s10] =	ssyncadd.s32 @!p0 $0xFFFFF800;
	s7 =	simm.s32 @!p1 $0x1CF00;
	s9 =	simm.s32 @!p1 $0x7  }
0x32: {  	[spmem:s2] =	stream.linear.scatter @!p1 [tilespmem:s7], [sflag:$0x7], $0x800, $0x38;
	[tilespmem:$0x1D700] =	vst v63  }
0x33: {  	_ =	swait.ge @!p1 [sflag:s9], $0x800  }
0x34: {  	[sflag:s9] =	ssyncset.done @!p1 $0x0  }
0x35: {  	[sflag:s9] =	ssyncadd.s32 @!p1 $0xFFFFF800  }
0x36: {  	s13 =	simm.s32 $0x0;
	[bflag:$0x0] =	sbarrier.arrive $0xFFFF  }
0x37: {  	[tilespmem:s24], [sflag:$0x1] =	stream.linear.gather [hbm4b:s4+s13], $0x100, $0x38;
	[tilespmem:$0x1D700] =	vst v63  }
0x38: {  	_ = 	snop  }
0x39: {  	[tilespmem:s12], [sflag:$0x1] =	stream.linear.gather [hbm4b:s5+s13], $0x100, $0x38;
	[tilespmem:$0x1D700] =	vst v63  }
0x3a: {  	p0 =	por $0x1, $0x1;
	s9 =	rddreg [dreg:$0xa]  }
0x3b: {  	[tilespmem:s14], [sflag:$0x2] =	stream.linear.gather [hbm4b:s9+s13], $0x100, $0x38;
	[tilespmem:$0x1D700] =	vst v63  }
0x3c: {  	s2 =	simm.s32 @!p0 $0x5;
	s10 =	rddreg [dreg:$0xb]  }
0x3d: {  	[tilespmem:s16], [sflag:$0x2] =	stream.linear.gather [hbm4b:s10+s13], $0x100, $0x38;
	[tilespmem:$0x1D700] =	vst v63  }
0x3e: {  	_ =	swait.ge @!p0 [sflag:s2], $0x1000  }
0x3f: {  	[sflag:s2] =	ssyncset.done @!p0 $0x0  }
0x40: {  	[sflag:s2] =	ssyncadd.s32 @!p0 $0xFFFFF000  }
0x41: {  	_ =	swait.ge @!p0 [sflag:s2], $0x1000  }
0x42: {  	s7 =	sadd.s32 $0x0, s4;
	[sflag:s2] =	ssyncset.done @!p0 $0x0  }
0x43: {  	s11 =	sadd.s32 $0x40, s7;
	s10 =	sadd.s32 $0x0, s5;
	[sflag:s2] =	ssyncadd.s32 @!p0 $0xFFFFF000  }
0x44: {  	[tilespmem:s15], [sflag:$0x1] =	stream.linear.gather [hbm4b:s11+s3], $0x100, $0x38;
	[tilespmem:$0x1D700] =	vst v63  }
0x45: {  	s9 =	simm.s32 @!p0 $0x4;
	s13 =	sadd.s32 $0x40, s10  }
0x46: {  	[tilespmem:s17], [sflag:$0x1] =	stream.linear.gather [hbm4b:s13+s3], $0x100, $0x38;
	[tilespmem:$0x1D700] =	vst v63  }
0x47: {  	_ =	swait.ge @!p0 [sflag:s9], $0x1000  }
0x48: {  	[sflag:s9] =	ssyncset.done @!p0 $0x0  }
0x49: {  	[sflag:s9] =	ssyncadd.s32 @!p0 $0xFFFFF000  }
0x4a: {  	_ =	swait.ge @!p0 [sflag:s9], $0x1000  }
0x4b: {  	s2 =	simm.s32 @!p0 $0x1AF00;
	[sflag:s9] =	ssyncset.done @!p0 $0x0  }
0x4c: {  	s11 =	simm.s32 @!p0 $0x80;
	[sflag:s9] =	ssyncadd.s32 @!p0 $0xFFFFF000;
	s9 =	simm.s32 @!p0 $0x18E00  }
0x4d: {  	[spmem:s1] =	stream.indirect.scatter.add.f32 @!p0 [tilespmem:s2], [sflag:$0x6], $0x20, s9, s11, $0xb8;
	[tilespmem:$0x1D700] =	vst v63  }
0x4e: {  	s2 =	simm.s32 @!p0 $0x18E80;
	s9 =	simm.s32 @!p0 $0x1BF00  }
0x4f: {  	[spmem:s1] =	stream.indirect.scatter.add.f32 @!p0 [tilespmem:s9], [sflag:$0x6], $0x20, s2, s11, $0xb8;
	[tilespmem:$0x1D700] =	vst v63  }
0x50: {  	_ =	swait.ge [sflag:s19], $0x100  }
0x51: {  	[sflag:s19] =	ssyncset.done $0x0  }
0x52: {  	[sflag:s19] =	ssyncadd.s32 $0xFFFFFF00  }
0x53: {  	_ =	swait.ge [sflag:s19], $0x100  }
0x54: {  	[sflag:s19] =	ssyncset.done $0x0  }
0x55: {  	[sflag:s19] =	ssyncadd.s32 $0xFFFFFF00  }
0x56: {  	[tilespmem:s21], [sflag:$0x3] =	stream.indirect.gather [hbm4b:s8+s20], $0x20, s24, s20, $0xb8;
	[tilespmem:$0x1D700] =	vst v63  }
0x57: {  	s9 =	simm.s32 @!p0 $0x6;
	s17 =	rddreg [dreg:$0x3]  }
0x58: {  	[tilespmem:s22], [sflag:$0x3] =	stream.indirect.gather [hbm4b:s8+s20], $0x20, s17, s20, $0xb8;
	[tilespmem:$0x1D700] =	vst v63  }
0x59: {  	_ =	swait.ge @!p0 [sflag:s9], $0x1000  }
0x5a: {  	[sflag:s9] =	ssyncset.done @!p0 $0x0  }
0x5b: {  	[sflag:s9] =	ssyncadd.s32 @!p0 $0xFFFFF000  }
0x5c: {  	_ =	swait.ge @!p0 [sflag:s9], $0x1000  }
0x5d: {  	[sflag:s9] =	ssyncset.done @!p0 $0x0  }
0x5e: {  	s7 =	sadd.s32 $0x60, s7;
	[sflag:s9] =	ssyncadd.s32 @!p0 $0xFFFFF000  }
0x5f: {  	[tilespmem:s23], [sflag:$0x2] =	stream.linear.gather [hbm4b:s7+s3], $0x100, $0x38;
	[tilespmem:$0x1D700] =	vst v63  }
0x60: {  	s11 =	sadd.s32 $0x60, s10  }
0x61: {  	[tilespmem:s18], [sflag:$0x2] =	stream.linear.gather [hbm4b:s11+s3], $0x100, $0x38;
	[tilespmem:$0x1D700] =	vst v63  }
0x62: {  	_ =	swait.ge [sflag:s25], $0x100  }
0x63: {  	[sflag:s25] =	ssyncset.done $0x0  }
0x64: {  	[sflag:s25] =	ssyncadd.s32 $0xFFFFFF00  }
0x65: {  	_ =	swait.ge [sflag:s25], $0x100  }
0x66: {  	[sflag:s25] =	ssyncset.done $0x0  }
0x67: {  	[sflag:s25] =	ssyncadd.s32 $0xFFFFFF00  }
0x68: {  	[tilespmem:s26], [sflag:$0x4] =	stream.indirect.gather [hbm4b:s8+s20], $0x20, s14, s20, $0xb8;
	[tilespmem:$0x1D700] =	vst v63  }
0x69: {  	s13 =	rddreg [dreg:$0x4]  }
0x6a: {  	[tilespmem:s28], [sflag:$0x4] =	stream.indirect.gather [hbm4b:s8+s20], $0x20, s13, s20, $0xb8;
	[tilespmem:$0x1D700] =	vst v63  }
0x6b: {  	_ =	swait.ge [sflag:s29], $0x1000  }
0x6c: {  	[sflag:s29] =	ssyncset.done $0x0  }
0x6d: {  	[sflag:s29] =	ssyncadd.s32 $0xFFFFF000  }
0x6e: {  	_ =	swait.ge [sflag:s29], $0x1000  }
0x6f: {  	[sflag:s29] =	ssyncset.done $0x0  }
0x70: {  	[sflag:s29] =	ssyncadd.s32 $0xFFFFF000  }
0x71: {  	[spmem:s1] =	stream.indirect.scatter.add.f32 [tilespmem:s21], [sflag:$0x5], $0x20, s12, s20, $0xb8;
	[tilespmem:$0x1D700] =	vst v63  }
0x72: {  	s14 =	rddreg [dreg:$0x5]  }
0x73: {  	[spmem:s1] =	stream.indirect.scatter.add.f32 [tilespmem:s22], [sflag:$0x5], $0x20, s14, s20, $0xb8;
	[tilespmem:$0x1D700] =	vst v63  }
0x74: {  	_ =	swait.ge [sflag:s30], $0x1000  }
0x75: {  	[sflag:s30] =	ssyncset.done $0x0  }
0x76: {  	p0 =	por $0x0, $0x0;
	[sflag:s30] =	ssyncadd.s32 $0xFFFFF000  }
0x77: {  	s2 =	sadd.s32 @!p0 $0x0, s4;
	_ =	swait.ge [sflag:s30], $0x1000  }
0x78: {  	s7 =	simm.s32 @!p0 $0x0;
	s10 =	simm.s32 @!p0 $0x18700;
	[sflag:s30] =	ssyncset.done $0x0  }
0x79: {  	s9 =	sadd.s32 @!p0 $0x80, s2;
	s11 =	sadd.s32 @!p0 $0x0, s5;
	[sflag:s30] =	ssyncadd.s32 $0xFFFFF000  }
0x7a: {  	[tilespmem:s10], [sflag:$0x1] =	stream.linear.gather @!p0 [hbm4b:s9+s7], $0x100, $0x38;
	[tilespmem:$0x1D700] =	vst v63  }
0x7b: {  	s9 =	simm.s32 @!p0 $0x18800;
	s10 =	sadd.s32 @!p0 $0x80, s11  }
0x7c: {  	[tilespmem:s9], [sflag:$0x1] =	stream.linear.gather @!p0 [hbm4b:s10+s7], $0x100, $0x38;
	[tilespmem:$0x1D700] =	vst v63  }
0x7d: {  	_ =	swait.ge [sflag:s31], $0x1000  }
0x7e: {  	[sflag:s31] =	ssyncset.done $0x0  }
0x7f: {  	[sflag:s31] =	ssyncadd.s32 $0xFFFFF000  }
0x80: {  	_ =	swait.ge [sflag:s31], $0x1000  }
0x81: {  	[sflag:s31] =	ssyncset.done $0x0  }
0x82: {  	[sflag:s31] =	ssyncadd.s32 $0xFFFFF000  }
0x83: {  	[spmem:s1] =	stream.indirect.scatter.add.f32 [tilespmem:s26], [sflag:$0x6], $0x20, s16, s20, $0xb8;
	[tilespmem:$0x1D700] =	vst v63  }
0x84: {  	s17 =	rddreg [dreg:$0x6]  }
0x85: {  	[spmem:s1] =	stream.indirect.scatter.add.f32 [tilespmem:s28], [sflag:$0x6], $0x20, s17, s20, $0xb8;
	[tilespmem:$0x1D700] =	vst v63  }
0x86: {  	_ =	swait.ge [sflag:s19], $0x100  }
0x87: {  	[sflag:s19] =	ssyncset.done $0x0  }
0x88: {  	[sflag:s19] =	ssyncadd.s32 $0xFFFFFF00  }
0x89: {  	_ =	swait.ge [sflag:s19], $0x100  }
0x8a: {  	[sflag:s19] =	ssyncset.done $0x0  }
0x8b: {  	[sflag:s19] =	ssyncadd.s32 $0xFFFFFF00  }
0x8c: {  	[tilespmem:s21], [sflag:$0x3] =	stream.indirect.gather [hbm4b:s8+s20], $0x20, s15, s20, $0xb8;
	[tilespmem:$0x1D700] =	vst v63  }
0x8d: {  	s18 =	rddreg [dreg:$0x7]  }
0x8e: {  	[tilespmem:s22], [sflag:$0x3] =	stream.indirect.gather [hbm4b:s8+s20], $0x20, s18, s20, $0xb8;
	[tilespmem:$0x1D700] =	vst v63  }
0x8f: {  	_ =	swait.ge [sflag:s0], $0x1000  }
0x90: {  	[sflag:s0] =	ssyncset.done $0x0  }
0x91: {  	[sflag:s0] =	ssyncadd.s32 $0xFFFFF000  }
0x92: {  	_ =	swait.ge [sflag:s0], $0x1000  }
0x93: {  	[sflag:s0] =	ssyncset.done $0x0  }
0x94: {  	s2 =	sadd.s32 @!p0 $0xA0, s2;
	s9 =	simm.s32 @!p0 $0x18B00;
	[sflag:s0] =	ssyncadd.s32 $0xFFFFF000  }
0x95: {  	[tilespmem:s9], [sflag:$0x2] =	stream.linear.gather @!p0 [hbm4b:s2+s7], $0x100, $0x38;
	[tilespmem:$0x1D700] =	vst v63  }
0x96: {  	s2 =	sadd.s32 @!p0 $0xA0, s11;
	s9 =	simm.s32 @!p0 $0x18C00  }
0x97: {  	[tilespmem:s9], [sflag:$0x2] =	stream.linear.gather @!p0 [hbm4b:s2+s7], $0x100, $0x38;
	[tilespmem:$0x1D700] =	vst v63  }
0x98: {  	_ =	swait.ge [sflag:s25], $0x100  }
0x99: {  	[sflag:s25] =	ssyncset.done $0x0  }
0x9a: {  	[sflag:s25] =	ssyncadd.s32 $0xFFFFFF00  }
0x9b: {  	_ =	swait.ge [sflag:s25], $0x100  }
0x9c: {  	[sflag:s25] =	ssyncset.done $0x0  }
0x9d: {  	[sflag:s25] =	ssyncadd.s32 $0xFFFFFF00  }
0x9e: {  	[tilespmem:s26], [sflag:$0x4] =	stream.indirect.gather [hbm4b:s8+s20], $0x20, s23, s20, $0xb8;
	[tilespmem:$0x1D700] =	vst v63  }
0x9f: {  	s24 =	rddreg [dreg:$0x8]  }
0xa0: {  	[tilespmem:s28], [sflag:$0x4] =	stream.indirect.gather [hbm4b:s8+s20], $0x20, s24, s20, $0xb8;
	[tilespmem:$0x1D700] =	vst v63  }
0xa1: {  	_ =	swait.ge [sflag:s29], $0x1000  }
0xa2: {  	p1 =	por $0x0, $0x0;
	[sflag:s29] =	ssyncset.done $0x0  }
0xa3: {  	s12 =	simm.s32 $0x18A00;
	s10 =	simm.s32 $0x3;
	[sflag:s29] =	ssyncadd.s32 $0xFFFFF000  }
0xa4: {  	s17 =	simm.s32 $0x18D00;
	s18 =	simm.s32 $0x18900;
	_ =	swait.ge [sflag:s29], $0x1000  }
0xa5: {  	s11 =	simm.s32 $0x100;
	s9 =	simm.s32 $0x80;
	[sflag:s29] =	ssyncset.done $0x0  }
0xa6: {  	s23 =	simm.s32 $0x18E00;
	s2 =	rddreg [dreg:$0x9];
	[sflag:s29] =	ssyncadd.s32 $0xFFFFF000  }
.LBB2_6:
0xa7: {  	[spmem:s1] =	stream.indirect.scatter.add.f32 [tilespmem:s21], [sflag:$0x5], $0x20, s12, s20, $0xb8;
	[tilespmem:$0x1D700] =	vst v63  }
0xa8: {  	s14 =	simm.s32 @!p1 $0x5  }
0xa9: {  	[spmem:s1] =	stream.indirect.scatter.add.f32 [tilespmem:s22], [sflag:$0x5], $0x20, s2, s20, $0xb8;
	[tilespmem:$0x1D700] =	vst v63  }
0xaa: {  	_ =	swait.ge @!p1 [sflag:s14], $0x1000  }
0xab: {  	[sflag:s14] =	ssyncset.done @!p1 $0x0  }
0xac: {  	[sflag:s14] =	ssyncadd.s32 @!p1 $0xFFFFF000  }
0xad: {  	_ =	swait.ge @!p1 [sflag:s14], $0x1000  }
0xae: {  	s13 =	sadd.s32 s9, s4;
	[sflag:s14] =	ssyncset.done @!p1 $0x0  }
0xaf: {  	s15 =	sadd.s32 $0x40, s13;
	s2 =	sadd.s32 s9, s5;
	[sflag:s14] =	ssyncadd.s32 @!p1 $0xFFFFF000  }
0xb0: {  	[tilespmem:s18], [sflag:$0x1] =	stream.linear.gather [hbm4b:s15+s3], $0x100, $0x38;
	[tilespmem:$0x1D700] =	vst v63  }
0xb1: {  	s24 =	sadd.s32 $0x40, s2;
	s15 =	simm.s32 @!p1 $0x4  }
0xb2: {  	[tilespmem:s12], [sflag:$0x1] =	stream.linear.gather [hbm4b:s24+s3], $0x100, $0x38;
	[tilespmem:$0x1D700] =	vst v63  }
0xb3: {  	_ =	swait.ge @!p1 [sflag:s15], $0x1000  }
0xb4: {  	[sflag:s15] =	ssyncset.done @!p1 $0x0  }
0xb5: {  	[sflag:s15] =	ssyncadd.s32 @!p1 $0xFFFFF000  }
0xb6: {  	_ =	swait.ge @!p1 [sflag:s15], $0x1000  }
0xb7: {  	s16 =	simm.s32 @!p1 $0x80;
	[sflag:s15] =	ssyncset.done @!p1 $0x0  }
0xb8: {  	s14 =	simm.s32 @!p1 $0x1AF00;
	s24 =	simm.s32 @!p1 $0x18E00;
	[sflag:s15] =	ssyncadd.s32 @!p1 $0xFFFFF000  }
0xb9: {  	[spmem:s1] =	stream.indirect.scatter.add.f32 @!p1 [tilespmem:s14], [sflag:$0x6], $0x20, s24, s16, $0xb8;
	[tilespmem:$0x1D700] =	vst v63  }
0xba: {  	s15 =	simm.s32 @!p1 $0x1BF00;
	s14 =	simm.s32 @!p1 $0x18E80  }
0xbb: {  	[spmem:s1] =	stream.indirect.scatter.add.f32 @!p1 [tilespmem:s15], [sflag:$0x6], $0x20, s14, s16, $0xb8;
	[tilespmem:$0x1D700] =	vst v63  }
0xbc: {  	_ =	swait.ge [sflag:s19], $0x100  }
0xbd: {  	[sflag:s19] =	ssyncset.done $0x0  }
0xbe: {  	[sflag:s19] =	ssyncadd.s32 $0xFFFFFF00  }
0xbf: {  	_ =	swait.ge [sflag:s19], $0x100  }
0xc0: {  	[sflag:s19] =	ssyncset.done $0x0  }
0xc1: {  	s24 =	simm.s32 $0x18700;
	[sflag:s19] =	ssyncadd.s32 $0xFFFFFF00  }
0xc2: {  	[tilespmem:s21], [sflag:$0x3] =	stream.indirect.gather [hbm4b:s8+s20], $0x20, s24, s20, $0xb8;
	[tilespmem:$0x1D700] =	vst v63  }
0xc3: {  	s15 =	simm.s32 @!p1 $0x6;
	s16 =	rddreg [dreg:$0x3]  }
0xc4: {  	[tilespmem:s22], [sflag:$0x3] =	stream.indirect.gather [hbm4b:s8+s20], $0x20, s16, s20, $0xb8;
	[tilespmem:$0x1D700] =	vst v63  }
0xc5: {  	_ =	swait.ge @!p1 [sflag:s15], $0x1000  }
0xc6: {  	[sflag:s15] =	ssyncset.done @!p1 $0x0  }
0xc7: {  	[sflag:s15] =	ssyncadd.s32 @!p1 $0xFFFFF000  }
0xc8: {  	_ =	swait.ge @!p1 [sflag:s15], $0x1000  }
0xc9: {  	[sflag:s15] =	ssyncset.done @!p1 $0x0  }
0xca: {  	s13 =	sadd.s32 $0x60, s13;
	[sflag:s15] =	ssyncadd.s32 @!p1 $0xFFFFF000  }
0xcb: {  	[tilespmem:s17], [sflag:$0x2] =	stream.linear.gather [hbm4b:s13+s3], $0x100, $0x38;
	[tilespmem:$0x1D700] =	vst v63  }
0xcc: {  	s2 =	sadd.s32 $0x60, s2  }
0xcd: {  	[tilespmem:s23], [sflag:$0x2] =	stream.linear.gather [hbm4b:s2+s3], $0x100, $0x38;
	[tilespmem:$0x1D700] =	vst v63  }
0xce: {  	_ =	swait.ge [sflag:s25], $0x100  }
0xcf: {  	[sflag:s25] =	ssyncset.done $0x0  }
0xd0: {  	[sflag:s25] =	ssyncadd.s32 $0xFFFFFF00  }
0xd1: {  	_ =	swait.ge [sflag:s25], $0x100  }
0xd2: {  	[sflag:s25] =	ssyncset.done $0x0  }
0xd3: {  	s14 =	simm.s32 $0x18B00;
	[sflag:s25] =	ssyncadd.s32 $0xFFFFFF00  }
0xd4: {  	[tilespmem:s26], [sflag:$0x4] =	stream.indirect.gather [hbm4b:s8+s20], $0x20, s14, s20, $0xb8;
	[tilespmem:$0x1D700] =	vst v63  }
0xd5: {  	s16 =	rddreg [dreg:$0x4]  }
0xd6: {  	[tilespmem:s28], [sflag:$0x4] =	stream.indirect.gather [hbm4b:s8+s20], $0x20, s16, s20, $0xb8;
	[tilespmem:$0x1D700] =	vst v63  }
0xd7: {  	_ =	swait.ge [sflag:s29], $0x1000  }
0xd8: {  	[sflag:s29] =	ssyncset.done $0x0  }
0xd9: {  	[sflag:s29] =	ssyncadd.s32 $0xFFFFF000  }
0xda: {  	_ =	swait.ge [sflag:s29], $0x1000  }
0xdb: {  	[sflag:s29] =	ssyncset.done $0x0  }
0xdc: {  	s16 =	simm.s32 $0x18800;
	[sflag:s29] =	ssyncadd.s32 $0xFFFFF000  }
0xdd: {  	[spmem:s1] =	stream.indirect.scatter.add.f32 [tilespmem:s21], [sflag:$0x5], $0x20, s16, s20, $0xb8;
	[tilespmem:$0x1D700] =	vst v63  }
0xde: {  	s15 =	rddreg [dreg:$0x5]  }
0xdf: {  	[spmem:s1] =	stream.indirect.scatter.add.f32 [tilespmem:s22], [sflag:$0x5], $0x20, s15, s20, $0xb8;
	[tilespmem:$0x1D700] =	vst v63  }
0xe0: {  	_ =	swait.ge [sflag:s30], $0x1000  }
0xe1: {  	[sflag:s30] =	ssyncset.done $0x0  }
0xe2: {  	p1 =	sgt.u32 s10, $0x60;
	[sflag:s30] =	ssyncadd.s32 $0xFFFFF000  }
0xe3: {  	s13 =	sadd.s32 @!p1 s9, s4;
	_ =	swait.ge [sflag:s30], $0x1000  }
0xe4: {  	s9 =	sadd.s32 @!p1 s9, s5;
	s2 =	simm.s32 @!p1 $0x0;
	[sflag:s30] =	ssyncset.done $0x0  }
0xe5: {  	s14 =	sadd.s32 @!p1 $0x80, s13;
	s15 =	simm.s32 @!p1 $0x18700;
	[sflag:s30] =	ssyncadd.s32 $0xFFFFF000  }
0xe6: {  	[tilespmem:s15], [sflag:$0x1] =	stream.linear.gather @!p1 [hbm4b:s14+s2], $0x100, $0x38;
	[tilespmem:$0x1D700] =	vst v63  }
0xe7: {  	s16 =	simm.s32 @!p1 $0x18800;
	s14 =	sadd.s32 @!p1 $0x80, s9  }
0xe8: {  	[tilespmem:s16], [sflag:$0x1] =	stream.linear.gather @!p1 [hbm4b:s14+s2], $0x100, $0x38;
	[tilespmem:$0x1D700] =	vst v63  }
0xe9: {  	_ =	swait.ge [sflag:s31], $0x1000  }
0xea: {  	[sflag:s31] =	ssyncset.done $0x0  }
0xeb: {  	[sflag:s31] =	ssyncadd.s32 $0xFFFFF000  }
0xec: {  	_ =	swait.ge [sflag:s31], $0x1000  }
0xed: {  	[sflag:s31] =	ssyncset.done $0x0  }
0xee: {  	s16 =	simm.s32 $0x18C00;
	[sflag:s31] =	ssyncadd.s32 $0xFFFFF000  }
0xef: {  	[spmem:s1] =	stream.indirect.scatter.add.f32 [tilespmem:s26], [sflag:$0x6], $0x20, s16, s20, $0xb8;
	[tilespmem:$0x1D700] =	vst v63  }
0xf0: {  	s14 =	rddreg [dreg:$0x6]  }
0xf1: {  	[spmem:s1] =	stream.indirect.scatter.add.f32 [tilespmem:s28], [sflag:$0x6], $0x20, s14, s20, $0xb8;
	[tilespmem:$0x1D700] =	vst v63  }
0xf2: {  	_ =	swait.ge [sflag:s19], $0x100  }
0xf3: {  	[sflag:s19] =	ssyncset.done $0x0  }
0xf4: {  	[sflag:s19] =	ssyncadd.s32 $0xFFFFFF00  }
0xf5: {  	_ =	swait.ge [sflag:s19], $0x100  }
0xf6: {  	[sflag:s19] =	ssyncset.done $0x0  }
0xf7: {  	[sflag:s19] =	ssyncadd.s32 $0xFFFFFF00  }
0xf8: {  	[tilespmem:s21], [sflag:$0x3] =	stream.indirect.gather [hbm4b:s8+s20], $0x20, s18, s20, $0xb8;
	[tilespmem:$0x1D700] =	vst v63  }
0xf9: {  	s14 =	rddreg [dreg:$0x7]  }
0xfa: {  	[tilespmem:s22], [sflag:$0x3] =	stream.indirect.gather [hbm4b:s8+s20], $0x20, s14, s20, $0xb8;
	[tilespmem:$0x1D700] =	vst v63  }
0xfb: {  	_ =	swait.ge [sflag:s0], $0x1000  }
0xfc: {  	[sflag:s0] =	ssyncset.done $0x0  }
0xfd: {  	[sflag:s0] =	ssyncadd.s32 $0xFFFFF000  }
0xfe: {  	s7 =	smov.u32 s11;
	_ =	swait.ge [sflag:s0], $0x1000  }
0xff: {  	s13 =	sadd.s32 @!p1 $0xA0, s13;
	s15 =	sadd.s32 @!p1 $0xA0, s9;
	[sflag:s0] =	ssyncset.done $0x0  }
0x100: {  	s9 =	smov.u32 s7;
	s7 =	simm.s32 @!p1 $0x18B00;
	[sflag:s0] =	ssyncadd.s32 $0xFFFFF000  }
0x101: {  	[tilespmem:s7], [sflag:$0x2] =	stream.linear.gather @!p1 [hbm4b:s13+s2], $0x100, $0x38;
	[tilespmem:$0x1D700] =	vst v63  }
0x102: {  	s14 =	simm.s32 @!p1 $0x18C00  }
0x103: {  	[tilespmem:s14], [sflag:$0x2] =	stream.linear.gather @!p1 [hbm4b:s15+s2], $0x100, $0x38;
	[tilespmem:$0x1D700] =	vst v63  }
0x104: {  	_ =	swait.ge [sflag:s25], $0x100  }
0x105: {  	[sflag:s25] =	ssyncset.done $0x0  }
0x106: {  	[sflag:s25] =	ssyncadd.s32 $0xFFFFFF00  }
0x107: {  	_ =	swait.ge [sflag:s25], $0x100  }
0x108: {  	[sflag:s25] =	ssyncset.done $0x0  }
0x109: {  	[sflag:s25] =	ssyncadd.s32 $0xFFFFFF00  }
0x10a: {  	[tilespmem:s26], [sflag:$0x4] =	stream.indirect.gather [hbm4b:s8+s20], $0x20, s17, s20, $0xb8;
	[tilespmem:$0x1D700] =	vst v63  }
0x10b: {  	s11 =	sadd.s32 $0x80, s11;
	s15 =	rddreg [dreg:$0x8]  }
0x10c: {  	[tilespmem:s28], [sflag:$0x4] =	stream.indirect.gather [hbm4b:s8+s20], $0x20, s15, s20, $0xb8;
	[tilespmem:$0x1D700] =	vst v63  }
0x10d: {  	p0 =	sne.s32 s11, $0x1880;
	_ =	swait.ge [sflag:s29], $0x1000  }
.Ltmp2:
0x10e: {  	[sflag:s29] =	ssyncset.done $0x0;
	(pc) =	sbr.rel @p0 .LBB2_6-.Ltmp2, $4  }
0x10f: {  	[sflag:s29] =	ssyncadd.s32 $0xFFFFF000  }
0x110: {  	_ =	swait.ge [sflag:s29], $0x1000  }
0x111: {  	s10 =	sadd.s32 $0x2, s10;
	[sflag:s29] =	ssyncset.done $0x0  }
0x112: {  	p1 =	seq.s32 s9, $0x0;
	s2 =	rddreg [dreg:$0x9];
	[sflag:s29] =	ssyncadd.s32 $0xFFFFF000  }
0x113: {  	[spmem:s1] =	stream.indirect.scatter.add.f32 [tilespmem:s21], [sflag:$0x5], $0x20, s12, s20, $0xb8;
	[tilespmem:$0x1D700] =	vst v63  }
0x114: {  	s7 =	simm.s32 @!p1 $0x5  }
0x115: {  	[spmem:s1] =	stream.indirect.scatter.add.f32 [tilespmem:s22], [sflag:$0x5], $0x20, s2, s20, $0xb8;
	[tilespmem:$0x1D700] =	vst v63  }
0x116: {  	_ =	swait.ge @!p1 [sflag:s7], $0x1000  }
0x117: {  	[sflag:s7] =	ssyncset.done @!p1 $0x0  }
0x118: {  	[sflag:s7] =	ssyncadd.s32 @!p1 $0xFFFFF000  }
0x119: {  	_ =	swait.ge @!p1 [sflag:s7], $0x1000  }
0x11a: {  	s2 =	sadd.s32 s9, s4;
	[sflag:s7] =	ssyncset.done @!p1 $0x0  }
0x11b: {  	s13 =	sadd.s32 s9, s5;
	s11 =	sadd.s32 $0x40, s2;
	[sflag:s7] =	ssyncadd.s32 @!p1 $0xFFFFF000  }
0x11c: {  	[tilespmem:s18], [sflag:$0x1] =	stream.linear.gather [hbm4b:s11+s3], $0x100, $0x38;
	[tilespmem:$0x1D700] =	vst v63  }
0x11d: {  	s15 =	sadd.s32 $0x40, s13;
	s11 =	simm.s32 @!p1 $0x4  }
0x11e: {  	[tilespmem:s12], [sflag:$0x1] =	stream.linear.gather [hbm4b:s15+s3], $0x100, $0x38;
	[tilespmem:$0x1D700] =	vst v63  }
0x11f: {  	_ =	swait.ge @!p1 [sflag:s11], $0x1000  }
0x120: {  	[sflag:s11] =	ssyncset.done @!p1 $0x0  }
0x121: {  	[sflag:s11] =	ssyncadd.s32 @!p1 $0xFFFFF000  }
0x122: {  	_ =	swait.ge @!p1 [sflag:s11], $0x1000  }
0x123: {  	s14 =	simm.s32 @!p1 $0x80;
	[sflag:s11] =	ssyncset.done @!p1 $0x0  }
0x124: {  	s7 =	simm.s32 @!p1 $0x1AF00;
	[sflag:s11] =	ssyncadd.s32 @!p1 $0xFFFFF000;
	s11 =	simm.s32 @!p1 $0x18E00  }
0x125: {  	[spmem:s1] =	stream.indirect.scatter.add.f32 @!p1 [tilespmem:s7], [sflag:$0x6], $0x20, s11, s14, $0xb8;
	[tilespmem:$0x1D700] =	vst v63  }
0x126: {  	s7 =	simm.s32 @!p1 $0x18E80;
	s11 =	simm.s32 @!p1 $0x1BF00  }
0x127: {  	[spmem:s1] =	stream.indirect.scatter.add.f32 @!p1 [tilespmem:s11], [sflag:$0x6], $0x20, s7, s14, $0xb8;
	[tilespmem:$0x1D700] =	vst v63  }
0x128: {  	_ =	swait.ge [sflag:s19], $0x100  }
0x129: {  	[sflag:s19] =	ssyncset.done $0x0  }
0x12a: {  	[sflag:s19] =	ssyncadd.s32 $0xFFFFFF00  }
0x12b: {  	_ =	swait.ge [sflag:s19], $0x100  }
0x12c: {  	[sflag:s19] =	ssyncset.done $0x0  }
0x12d: {  	[sflag:s19] =	ssyncadd.s32 $0xFFFFFF00  }
0x12e: {  	[tilespmem:s21], [sflag:$0x3] =	stream.indirect.gather [hbm4b:s8+s20], $0x20, s24, s20, $0xb8;
	[tilespmem:$0x1D700] =	vst v63  }
0x12f: {  	s7 =	simm.s32 @!p1 $0x6;
	s23 =	rddreg [dreg:$0x3]  }
0x130: {  	[tilespmem:s22], [sflag:$0x3] =	stream.indirect.gather [hbm4b:s8+s20], $0x20, s23, s20, $0xb8;
	[tilespmem:$0x1D700] =	vst v63  }
0x131: {  	_ =	swait.ge @!p1 [sflag:s7], $0x1000  }
0x132: {  	[sflag:s7] =	ssyncset.done @!p1 $0x0  }
0x133: {  	[sflag:s7] =	ssyncadd.s32 @!p1 $0xFFFFF000  }
0x134: {  	_ =	swait.ge @!p1 [sflag:s7], $0x1000  }
0x135: {  	[sflag:s7] =	ssyncset.done @!p1 $0x0  }
0x136: {  	s2 =	sadd.s32 $0x60, s2;
	[sflag:s7] =	ssyncadd.s32 @!p1 $0xFFFFF000  }
0x137: {  	[tilespmem:s17], [sflag:$0x2] =	stream.linear.gather [hbm4b:s2+s3], $0x100, $0x38;
	[tilespmem:$0x1D700] =	vst v63  }
0x138: {  	s7 =	sadd.s32 $0x60, s13;
	s13 =	simm.s32 $0x18E00  }
0x139: {  	[tilespmem:s13], [sflag:$0x2] =	stream.linear.gather [hbm4b:s7+s3], $0x100, $0x38;
	[tilespmem:$0x1D700] =	vst v63  }
0x13a: {  	_ =	swait.ge [sflag:s25], $0x100  }
0x13b: {  	[sflag:s25] =	ssyncset.done $0x0  }
0x13c: {  	[sflag:s25] =	ssyncadd.s32 $0xFFFFFF00  }
0x13d: {  	_ =	swait.ge [sflag:s25], $0x100  }
0x13e: {  	[sflag:s25] =	ssyncset.done $0x0  }
0x13f: {  	s14 =	simm.s32 $0x18B00;
	[sflag:s25] =	ssyncadd.s32 $0xFFFFFF00  }
0x140: {  	[tilespmem:s26], [sflag:$0x4] =	stream.indirect.gather [hbm4b:s8+s20], $0x20, s14, s20, $0xb8;
	[tilespmem:$0x1D700] =	vst v63  }
0x141: {  	s11 =	rddreg [dreg:$0x4]  }
0x142: {  	[tilespmem:s28], [sflag:$0x4] =	stream.indirect.gather [hbm4b:s8+s20], $0x20, s11, s20, $0xb8;
	[tilespmem:$0x1D700] =	vst v63  }
0x143: {  	_ =	swait.ge [sflag:s29], $0x1000  }
0x144: {  	[sflag:s29] =	ssyncset.done $0x0  }
0x145: {  	[sflag:s29] =	ssyncadd.s32 $0xFFFFF000  }
0x146: {  	_ =	swait.ge [sflag:s29], $0x1000  }
0x147: {  	[sflag:s29] =	ssyncset.done $0x0  }
0x148: {  	s23 =	simm.s32 $0x18800;
	[sflag:s29] =	ssyncadd.s32 $0xFFFFF000  }
0x149: {  	[spmem:s1] =	stream.indirect.scatter.add.f32 [tilespmem:s21], [sflag:$0x5], $0x20, s23, s20, $0xb8;
	[tilespmem:$0x1D700] =	vst v63  }
0x14a: {  	s15 =	rddreg [dreg:$0x5]  }
0x14b: {  	[spmem:s1] =	stream.indirect.scatter.add.f32 [tilespmem:s22], [sflag:$0x5], $0x20, s15, s20, $0xb8;
	[tilespmem:$0x1D700] =	vst v63  }
0x14c: {  	_ =	swait.ge [sflag:s30], $0x1000  }
0x14d: {  	[sflag:s30] =	ssyncset.done $0x0  }
0x14e: {  	p0 =	sgt.u32 s10, $0x60;
	[sflag:s30] =	ssyncadd.s32 $0xFFFFF000  }
0x14f: {  	s2 =	sadd.s32 @!p0 s9, s4;
	_ =	swait.ge [sflag:s30], $0x1000  }
0x150: {  	s9 =	sadd.s32 @!p0 s9, s5;
	s10 =	sadd.s32 @!p0 $0x80, s2;
	[sflag:s30] =	ssyncset.done $0x0  }
0x151: {  	s7 =	simm.s32 @!p0 $0x0;
	s11 =	simm.s32 @!p0 $0x18700;
	[sflag:s30] =	ssyncadd.s32 $0xFFFFF000  }
0x152: {  	[tilespmem:s11], [sflag:$0x1] =	stream.linear.gather @!p0 [hbm4b:s10+s7], $0x100, $0x38;
	[tilespmem:$0x1D700] =	vst v63  }
0x153: {  	s10 =	simm.s32 @!p0 $0x18800;
	s11 =	sadd.s32 @!p0 $0x80, s9  }
0x154: {  	[tilespmem:s10], [sflag:$0x1] =	stream.linear.gather @!p0 [hbm4b:s11+s7], $0x100, $0x38;
	[tilespmem:$0x1D700] =	vst v63  }
0x155: {  	_ =	swait.ge [sflag:s31], $0x1000  }
0x156: {  	[sflag:s31] =	ssyncset.done $0x0  }
0x157: {  	[sflag:s31] =	ssyncadd.s32 $0xFFFFF000  }
0x158: {  	_ =	swait.ge [sflag:s31], $0x1000  }
0x159: {  	[sflag:s31] =	ssyncset.done $0x0  }
0x15a: {  	[sflag:s31] =	ssyncadd.s32 $0xFFFFF000  }
0x15b: {  	[spmem:s1] =	stream.indirect.scatter.add.f32 [tilespmem:s26], [sflag:$0x6], $0x20, s16, s20, $0xb8;
	[tilespmem:$0x1D700] =	vst v63  }
0x15c: {  	s11 =	rddreg [dreg:$0x6]  }
0x15d: {  	[spmem:s1] =	stream.indirect.scatter.add.f32 [tilespmem:s28], [sflag:$0x6], $0x20, s11, s20, $0xb8;
	[tilespmem:$0x1D700] =	vst v63  }
0x15e: {  	_ =	swait.ge [sflag:s19], $0x100  }
0x15f: {  	[sflag:s19] =	ssyncset.done $0x0  }
0x160: {  	[sflag:s19] =	ssyncadd.s32 $0xFFFFFF00  }
0x161: {  	_ =	swait.ge [sflag:s19], $0x100  }
0x162: {  	[sflag:s19] =	ssyncset.done $0x0  }
0x163: {  	[sflag:s19] =	ssyncadd.s32 $0xFFFFFF00  }
0x164: {  	[tilespmem:s21], [sflag:$0x3] =	stream.indirect.gather [hbm4b:s8+s20], $0x20, s18, s20, $0xb8;
	[tilespmem:$0x1D700] =	vst v63  }
0x165: {  	s14 =	rddreg [dreg:$0x7]  }
0x166: {  	[tilespmem:s22], [sflag:$0x3] =	stream.indirect.gather [hbm4b:s8+s20], $0x20, s14, s20, $0xb8;
	[tilespmem:$0x1D700] =	vst v63  }
0x167: {  	_ =	swait.ge [sflag:s0], $0x1000  }
0x168: {  	[sflag:s0] =	ssyncset.done $0x0  }
0x169: {  	[sflag:s0] =	ssyncadd.s32 $0xFFFFF000  }
0x16a: {  	_ =	swait.ge [sflag:s0], $0x1000  }
0x16b: {  	[sflag:s0] =	ssyncset.done $0x0  }
0x16c: {  	s2 =	sadd.s32 @!p0 $0xA0, s2;
	s10 =	simm.s32 @!p0 $0x18B00;
	[sflag:s0] =	ssyncadd.s32 $0xFFFFF000  }
0x16d: {  	[tilespmem:s10], [sflag:$0x2] =	stream.linear.gather @!p0 [hbm4b:s2+s7], $0x100, $0x38;
	[tilespmem:$0x1D700] =	vst v63  }
0x16e: {  	s2 =	sadd.s32 @!p0 $0xA0, s9;
	s9 =	simm.s32 @!p0 $0x18C00  }
0x16f: {  	[tilespmem:s9], [sflag:$0x2] =	stream.linear.gather @!p0 [hbm4b:s2+s7], $0x100, $0x38;
	[tilespmem:$0x1D700] =	vst v63  }
0x170: {  	_ =	swait.ge [sflag:s25], $0x100  }
0x171: {  	[sflag:s25] =	ssyncset.done $0x0  }
0x172: {  	[sflag:s25] =	ssyncadd.s32 $0xFFFFFF00  }
0x173: {  	_ =	swait.ge [sflag:s25], $0x100  }
0x174: {  	[sflag:s25] =	ssyncset.done $0x0  }
0x175: {  	[sflag:s25] =	ssyncadd.s32 $0xFFFFFF00  }
0x176: {  	[tilespmem:s26], [sflag:$0x4] =	stream.indirect.gather [hbm4b:s8+s20], $0x20, s17, s20, $0xb8;
	[tilespmem:$0x1D700] =	vst v63  }
0x177: {  	s15 =	rddreg [dreg:$0x8]  }
0x178: {  	[tilespmem:s28], [sflag:$0x4] =	stream.indirect.gather [hbm4b:s8+s20], $0x20, s15, s20, $0xb8;
	[tilespmem:$0x1D700] =	vst v63  }
0x179: {  	_ =	swait.ge [sflag:s29], $0x1000  }
0x17a: {  	[sflag:s29] =	ssyncset.done $0x0  }
0x17b: {  	[sflag:s29] =	ssyncadd.s32 $0xFFFFF000  }
0x17c: {  	_ =	swait.ge [sflag:s29], $0x1000  }
0x17d: {  	[sflag:s29] =	ssyncset.done $0x0  }
0x17e: {  	[sflag:s29] =	ssyncadd.s32 $0xFFFFF000  }
0x17f: {  	[spmem:s1] =	stream.indirect.scatter.add.f32 [tilespmem:s21], [sflag:$0x5], $0x20, s12, s20, $0xb8;
	[tilespmem:$0x1D700] =	vst v63  }
0x180: {  	s17 =	rddreg [dreg:$0x9]  }
0x181: {  	[spmem:s1] =	stream.indirect.scatter.add.f32 [tilespmem:s22], [sflag:$0x5], $0x20, s17, s20, $0xb8;
	[tilespmem:$0x1D700] =	vst v63  }
0x182: {  	_ =	swait.ge [sflag:s31], $0x1000  }
0x183: {  	[sflag:s31] =	ssyncset.done $0x0  }
0x184: {  	[sflag:s31] =	ssyncadd.s32 $0xFFFFF000  }
0x185: {  	_ =	swait.ge [sflag:s31], $0x1000  }
0x186: {  	[sflag:s31] =	ssyncset.done $0x0  }
0x187: {  	[sflag:s31] =	ssyncadd.s32 $0xFFFFF000  }
0x188: {  	[spmem:s1] =	stream.indirect.scatter.add.f32 [tilespmem:s26], [sflag:$0x6], $0x20, s13, s20, $0xb8;
	[tilespmem:$0x1D700] =	vst v63  }
0x189: {  	s18 =	simm.s32 $0x18E80  }
0x18a: {  	[spmem:s1] =	stream.indirect.scatter.add.f32 [tilespmem:s28], [sflag:$0x6], $0x20, s18, s20, $0xb8;
	[tilespmem:$0x1D700] =	vst v63  }
0x18b: {  	_ =	swait.ge [sflag:s30], $0x1000  }
0x18c: {  	[sflag:s30] =	ssyncset.done $0x0  }
0x18d: {  	[sflag:s30] =	ssyncadd.s32 $0xFFFFF000  }
0x18e: {  	_ =	swait.ge [sflag:s30], $0x1000  }
0x18f: {  	[sflag:s30] =	ssyncset.done $0x0  }
0x190: {  	[sflag:s30] =	ssyncadd.s32 $0xFFFFF000  }
0x191: {  	_ =	swait.ge [sflag:s0], $0x1000  }
0x192: {  	[sflag:s0] =	ssyncset.done $0x0  }
0x193: {  	[sflag:s0] =	ssyncadd.s32 $0xFFFFF000  }
0x194: {  	_ =	swait.ge [sflag:s0], $0x1000  }
0x195: {  	[sflag:s0] =	ssyncset.done $0x0  }
0x196: {  	[sflag:s0] =	ssyncadd.s32 $0xFFFFF000  }
0x197: {  	[bflag:$0x0] =	sbarrier.arrive $0xFFFF  }
0x198: {  	s7 =	rddreg [dreg:$0xe]  }
0x199: {  	[tilespmem:s21], [sflag:$0x7] =	stream.linear.gather [spmem:s7], $0x1700, $0x38;
	[tilespmem:$0x1D700] =	vst v63  }
0x19a: {  	s14 =	simm.s32 $0x18B00;
	_ =	swait.ge [sflag:s6], $0x1700  }
0x19b: {  	s2 =	simm.s32 $0x2E0;
	[sflag:s6] =	ssyncset.done $0x0;
	s10 =	rddreg [dreg:$0xf]  }
0x19c: {  	s15 =	simm.s32 $0x18900;
	[sflag:s6] =	ssyncadd.s32 $0xFFFFE900;
	s23 =	sadd.s32 $0x0, s10  }
0x19d: {  	[hbm4b:s23+s3] =	stream.linear.scatter [tilespmem:s21], [sflag:$0x7], $0x1700, $0x38;
	[tilespmem:$0x1D700] =	vst v63  }
0x19e: {  	s12 =	simm.s32 $0x18800;
	s17 =	simm.s32 $0x18A00;
	_ =	swait.ge [sflag:s6], $0x1700  }
0x19f: {  	s18 =	simm.s32 $0x18E00;
	s23 =	simm.s32 $0x18D00;
	[sflag:s6] =	ssyncset.done $0x0  }
.LBB2_8:
0x1a0: {  	p0 =	sne.s32 s2, $0x2E00;
	[sflag:s6] =	ssyncadd.s32 $0xFFFFE900;
	s7 =	sadd.s32 $0x1700, s7  }
0x1a1: {  	[tilespmem:s21], [sflag:$0x7] =	stream.linear.gather [spmem:s7], $0x1700, $0x38;
	[tilespmem:$0x1D700] =	vst v63  }
0x1a2: {  	s9 =	smov.u32 s2;
	s2 =	sadd.s32 $0x2E0, s2;
	_ =	swait.ge [sflag:s6], $0x1700  }
.Ltmp3:
0x1a3: {  	[sflag:s6] =	ssyncset.done $0x0;
	(pc) =	sbr.rel @p0 .LBB2_8-.Ltmp3, $4  }
0x1a4: {  	s9 =	sadd.s32 s9, s10;
	[sflag:s6] =	ssyncadd.s32 $0xFFFFE900  }
0x1a5: {  	[hbm4b:s9+s3] =	stream.linear.scatter [tilespmem:s21], [sflag:$0x7], $0x1700, $0x38;
	[tilespmem:$0x1D700] =	vst v63  }
0x1a6: {  	_ =	swait.ge [sflag:s6], $0x1700  }
0x1a7: {  	[sflag:s6] =	ssyncset.done $0x0  }
0x1a8: {  	s7 =	rddreg [dreg:$0x10]  }
0x1a9: {  	s2 =	rddreg [dreg:$0xc];
	s7 =	sadd.s32 $0x1, s7  }
0x1aa: {  	p0 =	sne.s32 s7, s2  }
.Ltmp4:
0x1ab: {  	_ = 	snop;
	(pc) =	sbr.rel @p0 .LBB2_1-.Ltmp4, $2  }
0x1ac: {  	_ =	sdelay $0x2  }
0x1ad: {  	[sflag:s6] =	ssyncadd.s32 $0xFFFFE900;
	s13 =	stileid.u32  }
0x1ae: {  	_ =	sfence.sel $0x180000  }
0x1af: {  	[bflag:$0x0] =	sbarrier.arrive $0xFFFF  }
0x1b0: {  	_ =	strace $0x9000004A  }
0x1b1: {  	[bflag:$0x2] =	sbarrier.arrive $0xFFFF  }
0x1b2: {  	p0 =	sne.s32 s13, $0x0;
	s0 =	rddreg [dreg:$0x2]  }
0x1b3: {  	s0 =	sadd.s32 @!p0 $0x100000, s0  }
0x1b4: {  	[sflag:s0] =	ssyncadd.tile.s32 @!p0 $0x1;
	_ =	shalt  }
.Lfunc_end2:
_tile_overlayer_lowered:
.L_overlay_start_2:
0x1b5: {  	(tag) =	ssettag $0x2  }
0x1b6: {  	s0 =	rddreg [dreg:$0x0];
	s2 =	stileid.u32  }
0x1b7: {  	s1 =	rddreg [dreg:$0x1];
	p0 =	sne.s32 s2, $0x0  }
0x1b8: {  	s3 =	rddreg [dreg:$0x2];
	[bflag:$0x3] =	sbarrier.arrive $0xFFFF;
	s2 =	simm.s32 @!p0 $0x1C07  }
0x1b9: {  	[timem:s3], [sflag:s2] =	dma.local @!p0 [hbm:s0], s1  }
0x1ba: {  	s0 =	simm.s32 @!p0 $0x7  }
0x1bb: {  	_ =	swait.ge @!p0 [sflag:s0], s1  }
0x1bc: {  	s1 =	ssub.s32 @!p0 $0x0, s1;
	[sflag:s0] =	ssyncset.done @!p0 $0x0  }
0x1bd: {  	[sflag:s0] =	ssyncadd.s32 @!p0 s1  }
0x1be: {  	[bflag:$0x3] =	sbarrier.arrive $0xFFFF  }
0x1bf: {  	_ =	shalt  }

// kernel: kernel.16.cloned.1.call-start
scs
__scs_entry_jumppad:
0x0: {  	(pc) =	sbr.rel $0x88, $3  }
0x1: {  	(tag) =	ssettag $0x0;
	lr =	simm.s32 $0x1  }
0x2: {  	[smem:$0x3F96] =	sst lr;
	_ =	strace $0xD0000000  }
0x3: {  	_ = 	snop  }
0x4: {  	_ = 	snop  }
0x5: {  	_ = 	snop  }
0x6: {  	_ = 	snop  }
0x7: {  	_ = 	snop  }
__scs_overlays_trampoline_lowered:
0x8: {  	[smem:$0x3FA5] =	sst s0  }
0x9: {  	[smem:$0x3FA6] =	sst s1  }
0xa: {  	[smem:$0x3FA7] =	sst s2  }
0xb: {  	[smem:$0x3FA8] =	sst s3  }
0xc: {  	[smem:$0x3FA9] =	sst s4  }
0xd: {  	[smem:$0x3FAA] =	sst s5  }
0xe: {  	[smem:$0x3FAB] =	sst s6  }
0xf: {  	[smem:$0x3FAC] =	sst s7  }
0x10: {  	[smem:$0x3FAD] =	sst s8  }
0x11: {  	[smem:$0x3FAE] =	sst s9;
	s0 =	simm.s32 @!p0 $0x0  }
0x12: {  	s1 =	sld [smem:$0x3F94];
	s0 =	simm.s32 @p0 $0x1  }
0x13: {  	[smem:$0x3FAF] =	sst s0;
	s0 =	simm.s32 @!p1 $0x0  }
0x14: {  	s2 =	sld [smem:$0x3F93];
	s0 =	simm.s32 @p1 $0x1  }
0x15: {  	[smem:$0x3FB0] =	sst s0;
	s0 =	simm.s32 @!p2 $0x0  }
0x16: {  	s3 =	sld [smem:$0x3FDB];
	s0 =	simm.s32 @p2 $0x1  }
0x17: {  	s4 =	simm.s32 $0x1BF5;
	[smem:$0x3FB2] =	sst s0  }
0x18: {  	s0 =	sld [smem:$0x3F95];
	_ =	swait.ge [sflag:s4], $0x0  }
0x19: {  	s7 =	sld [smem:$0x3F96]  }
0x1a: {  	s8 =	sadd.s32 $0xFFFFE003, lr  }
0x1b: {  	s9 =	sadd.s32 $0xFFFFFEF7, lr;
	s5 =	simm.s32 $0xFFFFFFFF;
	p2 =	slt.u32 s8, $0xFFFFF086  }
0x1c: {  	p1 =	slt.u32 s9, $0xF7A;
	s5 =	simm.s32 @!p2 $0x0  }
0x1d: {  	s5 =	simm.s32 @p1 $0x1;
	p0 =	seq.s32 s7, s2  }
0x1e: {  	s7 =	smul.u32 @!p0 $0xF7A, s2;
	p2 =	seq.s32 @!p0 s5, $0x0  }
0x1f: {  	s9 =	smul.u32 $0xF7A, s1;
	s8 =	simm.s32 @!p0 $0x1BF5;
	p2 =	por !p2, p0  }
0x20: {  	[sflag:s8] =	ssyncset.s32 @!p0 $0xFFFFF086;
	s6 =	sadd.s32 @!p0 s3, s7;
	s7 =	simm.s32 @!p0 $0x108  }
0x21: {  	s3 =	sadd.s32 s3, s9;
	s6 =	sadd.s32 @!p0 $0x88, s6;
	s7 =	simm.s32 @p2 $0x1082  }
0x22: {  	[simem:s7], [sflag:s8] =	dma.local @!p0 [hbm:s6], $0xF7A  }
0x23: {  	s9 =	sor.u32 $0xD0000000, s2;
	s6 =	simm.s32 $0x108;
	_ =	swait.ge @!p0 [sflag:s8], $0x0  }
0x24: {  	s3 =	sadd.s32 $0x88, s3;
	s6 =	simm.s32 @!p1 $0x1082;
	[sflag:s4] =	ssyncset.s32 $0xFFFFF086  }
0x25: {  	[simem:s6], [sflag:s4] =	dma.local [hbm:s3], $0xF7A  }
0x26: {  	[smem:$0x3F96] =	sst s1;
	(tag) =	ssettag s2;
	_ =	strace s9  }
0x27: {  	s1 =	sld [smem:$0x3FA6]  }
0x28: {  	s2 =	sld [smem:$0x3FA7]  }
0x29: {  	s4 =	sld [smem:$0x3FA9]  }
0x2a: {  	p0 =	seq.s32 s5, $0x0;
	s5 =	sld [smem:$0x3FAA]  }
0x2b: {  	s6 =	sld [smem:$0x3FAB]  }
0x2c: {  	s7 =	sld [smem:$0x3FAC]  }
0x2d: {  	s3 =	simm.s32 $0x108;
	s8 =	sld [smem:$0x3FAD]  }
0x2e: {  	s3 =	simm.s32 @!p0 $0x1082;
	s9 =	sld [smem:$0x3FAE]  }
0x2f: {  	lr =	sadd.s32 s0, s3;
	s0 =	sld [smem:$0x3FA5]  }
0x30: {  	s3 =	sld [smem:$0x3FA8]  }
0x31: {  	[smem:$0x3FB1] =	sst s10  }
0x32: {  	s10 =	sld [smem:$0x3FAF];
	_ =	sdelay $0x3  }
0x33: {  	p0 =	seq.s32 s10, $0x1;
	s10 =	sld [smem:$0x3FB1];
	_ =	sdelay $0x3  }
0x34: {  	[smem:$0x3FB1] =	sst s10  }
0x35: {  	s10 =	sld [smem:$0x3FB0];
	_ =	sdelay $0x3  }
0x36: {  	p1 =	seq.s32 s10, $0x1;
	s10 =	sld [smem:$0x3FB1];
	_ =	sdelay $0x3  }
0x37: {  	[smem:$0x3FB1] =	sst s10  }
0x38: {  	s10 =	sld [smem:$0x3FB2]  }
0x39: {  	_ = 	snop;
	(pc) =	sbr.ind lr, $3  }
0x3a: {  	_ = 	snop  }
0x3b: {  	_ = 	snop  }
0x3c: {  	p2 =	seq.s32 s10, $0x1;
	s10 =	sld [smem:$0x3FB1]  }
0x3d: {  	_ =	shalt  }
0x3e: {  	_ =	shalt  }
0x3f: {  	_ =	shalt  }
0x40: {  	_ =	shalt  }
0x41: {  	_ =	shalt  }
0x42: {  	_ =	shalt  }
0x43: {  	_ =	shalt  }
0x44: {  	_ =	shalt  }
0x45: {  	_ =	shalt  }
0x46: {  	_ =	shalt  }
0x47: {  	_ =	shalt  }
0x48: {  	_ =	shalt  }
0x49: {  	_ =	shalt  }
0x4a: {  	_ =	shalt  }
0x4b: {  	_ =	shalt  }
0x4c: {  	_ =	shalt  }
0x4d: {  	_ =	shalt  }
0x4e: {  	_ =	shalt  }
0x4f: {  	_ =	shalt  }
0x50: {  	_ =	shalt  }
0x51: {  	_ =	shalt  }
0x52: {  	_ =	shalt  }
0x53: {  	_ =	shalt  }
0x54: {  	_ =	shalt  }
0x55: {  	_ =	shalt  }
0x56: {  	_ =	shalt  }
0x57: {  	_ =	shalt  }
0x58: {  	_ =	shalt  }
0x59: {  	_ =	shalt  }
0x5a: {  	_ =	shalt  }
0x5b: {  	_ =	shalt  }
0x5c: {  	_ =	shalt  }
0x5d: {  	_ =	shalt  }
0x5e: {  	_ =	shalt  }
0x5f: {  	_ =	shalt  }
0x60: {  	_ =	shalt  }
0x61: {  	_ =	shalt  }
0x62: {  	_ =	shalt  }
0x63: {  	_ =	shalt  }
0x64: {  	_ =	shalt  }
0x65: {  	_ =	shalt  }
0x66: {  	_ =	shalt  }
0x67: {  	_ =	shalt  }
0x68: {  	_ =	shalt  }
0x69: {  	_ =	shalt  }
0x6a: {  	_ =	shalt  }
0x6b: {  	_ =	shalt  }
0x6c: {  	_ =	shalt  }
0x6d: {  	_ =	shalt  }
0x6e: {  	_ =	shalt  }
0x6f: {  	_ =	shalt  }
0x70: {  	_ =	shalt  }
0x71: {  	_ =	shalt  }
0x72: {  	_ =	shalt  }
0x73: {  	_ =	shalt  }
0x74: {  	_ =	shalt  }
0x75: {  	_ =	shalt  }
0x76: {  	_ =	shalt  }
0x77: {  	_ =	shalt  }
0x78: {  	_ =	shalt  }
0x79: {  	_ =	shalt  }
0x7a: {  	_ =	shalt  }
0x7b: {  	_ =	shalt  }
0x7c: {  	_ =	shalt  }
0x7d: {  	_ =	shalt  }
0x7e: {  	_ =	shalt  }
0x7f: {  	_ =	shalt  }
0x80: {  	_ =	shalt  }
0x81: {  	_ =	shalt  }
0x82: {  	_ =	shalt  }
0x83: {  	_ =	shalt  }
0x84: {  	_ =	shalt  }
0x85: {  	_ =	shalt  }
0x86: {  	_ =	shalt  }
0x87: {  	_ =	shalt  }
.Lfunc_end0:
.L_simem_size_0:
called_computation.2_lowered:
.L_overlay_start_0:
0x88: {  	s2 =	sld [smem:$0x3FD9]  }
0x89: {  	s3 =	sld [smem:$0x3FFE];
	_ =	sdelay $0x1  }
0x8a: {  	s1 =	srdreg.scid  }
0x8b: {  	s0 =	sand.u32 $0x1, s1  }
0x8c: {  	s16 =	sshll.u32 s0, $0xA;
	s2 =	sadd.s32 s3, s2  }
0x8d: {  	s2 =	sadd.s32 s2, s16  }
0x8e: {  	[smem:$0x3FBD] =	sst s2  }
0x8f: {  	_ = 	snop  }
0x90: {  	(tm) =	ssettm $0x1  }
0x91: {  	s17 =	sld [smem:$0x3FFB];
	_ =	sdelay $0x3  }
0x92: {  	_ =	strace s17  }
0x93: {  	s2 =	sld [smem:$0x3FFC];
	_ =	sdelay $0x3  }
0x94: {  	_ =	strace s2  }
0x95: {  	s2 =	sld [smem:$0x3FFD];
	_ =	sdelay $0x3  }
0x96: {  	_ =	strace s2  }
0x97: {  	_ =	strace $0x8FFFFFFF  }
0x98: {  	s18 =	sld [smem:$0x3FDB];
	_ =	sdelay $0x1  }
0x99: {  	s19 =	simm.s32 $_scs_section_size  }
0x9a: {  	s4 =	simm.s32 $_size__tile_overlayer_lowered;
	s5 =	simm.s32 $_tile_overlayer_lowered  }
0x9b: {  	s22 =	simm.s32 $0x1BFF;
	s21 =	sshll.u32 s5, $0x1;
	s2 =	sadd.s32 s19, s18  }
0x9c: {  	s6 =	simm.s32 $0x0;
	s20 =	sshll.u32 s4, $0x1;
	s4 =	sadd.s32 s21, s2  }
0x9d: {  	[timem:s6], [sflag:s22] =	dma.local [hbm:s4], s20  }
0x9e: {  	_ =	swait.ge [sflag:s22], s20  }
0x9f: {  	s3 =	ssub.s32 $0x0, s20;
	[sflag:s22] =	ssyncset.done $0x0  }
0xa0: {  	[sflag:s22] =	ssyncadd.s32 s3;
	_ =	sdelay $0x1  }
0xa1: {  	s23 =	simm.s32 $0x1B8B  }
0xa2: {  	_ =	swait.ge [sflag:s23], $0x1  }
0xa3: {  	[sflag:s23] =	ssyncset.done $0x0  }
0xa4: {  	s25 =	simm.s32 $0x1B8E;
	s24 =	sld [smem:$0x3FFE];
	[sflag:s23] =	ssyncadd.s32 $0xFFFFFFFF  }
0xa5: {  	s26 =	simm.s32 $execute0_lowered;
	[smem:$0x3FD2] =	sst s25  }
0xa6: {  	s4 =	sshll.u32 s26, $0x1;
	_ =	strace $0x8000004C;
	[dreg:$0x1] =	wrdreg $0xFFFFFFFF  }
0xa7: {  	s28 =	simm.s32 $_size_execute0_lowered;
	s2 =	sadd.s32 s2, s4;
	[dreg:$0x0] =	wrdreg $0x0  }
0xa8: {  	s4 =	sshll.u32 s28, $0x1;
	[dreg:$0x2] =	wrdreg s2  }
0xa9: {  	[dreg:$0x3] =	wrdreg s4  }
0xaa: {  	[dreg:$0x4] =	wrdreg $0xC0  }
0xab: {  	_ =	task [dreg:s6], $0x5FFFF  }
0xac: {  	[dreg:$0x1] =	wrdreg $0xFFFFFFFF  }
0xad: {  	[dreg:$0x0] =	wrdreg $0x60  }
0xae: {  	[dreg:$0x2] =	wrdreg s24  }
0xaf: {  	[dreg:$0x3] =	wrdreg $0x0  }
0xb0: {  	[dreg:$0x4] =	wrdreg $0x9  }
0xb1: {  	_ =	task.clear_ibuf [dreg:s6], $0x5FFFF;
	_ =	strace $0x9000004C  }
0xb2: {  	s29 =	simm.s32 $0x9;
	_ =	strace $0x8000004E  }
0xb3: {  	_ =	swait.ge [sflag:s29], $0x1  }
0xb4: {  	[sflag:s29] =	ssyncadd.s32 $0xFFFFFFFF  }
0xb5: {  	_ =	strace $0x9000004E  }
0xb6: {  	_ =	sfence  }
0xb7: {  	s30 =	sld [smem:$0x0];
	_ =	sdelay $0x2  }
0xb8: {  	s31 =	sshll.u32 s1, $0xD;
	s1 =	sshrl.u32 s1, $0x2  }
0xb9: {  	s3 =	sand.u32 $0x4000, s31;
	s1 =	sadd.s32 s1, s30  }
0xba: {  	s0 =	sor.u32 s3, s0;
	s1 =	sshll.u32 s1, $0x11  }
0xbb: {  	s0 =	sor.u32 s1, s0  }
0xbc: {  	s0 =	sadd.s32 $0x8F2B, s0  }
0xbd: {  	[sflag:s0] =	ssyncadd.remote.s32 $0x1  }
0xbe: {  	_ =	sfence.sel $0xFFFF  }
0xbf: {  	[dreg:$0x0] =	wrdreg $0xFFFFFFFF;
	(pc) =	sbr.abs _section_cstart, $3  }
0xc0: {  	[dreg:$0x1] =	wrdreg $0xFFFFFFFF  }
0xc1: {  	_ =	task.clear_ibuf [dreg:s6], $0x2FFFF;
	_ =	strace $0x9FFFFFFF  }
0xc2: {  	(tm) =	ssettm $0x7FFFFFFF  }
0xc3: {  	_ =	shalt  }
tec
execute0_lowered:
.L_overlay_start_1:
0x0: {  	(tag) =	ssettag $0x1  }
0x1: {  	s0 =	rddreg [dreg:$0x0]  }
0x2: {  	s1 =	rddreg [dreg:$0x1];
	s3 =	simm.s32 $0x0  }
0x3: {  	s2 =	srdreg.scid;
	s13 =	stileid.u32;
	s24 =	simm.s32 $0x18700  }
0x4: {  	s12 =	simm.s32 $0x18800;
	s14 =	simm.s32 $0x18B00;
	s16 =	simm.s32 $0x18C00  }
0x5: {  	s15 =	simm.s32 $0x18900;
	s19 =	simm.s32 $0x18780;
	s17 =	simm.s32 $0x18A00  }
0x6: {  	s20 =	simm.s32 $0x18B80;
	s21 =	simm.s32 $0x18880;
	s22 =	simm.s32 $0x18C80  }
0x7: {  	s23 =	simm.s32 $0x18980;
	s18 =	simm.s32 $0x18E00;
	s28 =	simm.s32 $0x1BF00  }
0x8: {  	s29 =	simm.s32 $0x3;
	s30 =	simm.s32 $0x5;
	s5 =	smul.u32 $0x18700, s13  }
0x9: {  	s31 =	simm.s32 $0x4;
	[smem:$0x7FF] =	sst s3;
	s9 =	smul.u32 $0x1880, s13  }
0xa: {  	s2 =	sand.u32 $0x1, s2;
	s6 =	sadd.s32 $0x36000, s0;
	s10 =	smul.u32 $0x61C00, s13  }
0xb: {  	s4 =	smul.u32 $0x187000, s2;
	_ =	strace $0x8000004D;
	[dreg:$0x3] =	wrdreg s19  }
0xc: {  	s7 =	sadd.s32 $0x1A600, s0;
	s8 =	smul.u32 $0x30E00, s2;
	[dreg:$0x4] =	wrdreg s20  }
0xd: {  	s2 =	ssub.s32 $0x2, s2;
	s19 =	simm.s32 $0x1;
	[dreg:$0x5] =	wrdreg s21  }
0xe: {  	s20 =	simm.s32 $0x80;
	s21 =	simm.s32 $0x18F00;
	[dreg:$0x6] =	wrdreg s22  }
0xf: {  	s22 =	simm.s32 $0x19F00;
	[dreg:$0x7] =	wrdreg s23;
	s23 =	simm.s32 $0x18D00  }
0x10: {  	s25 =	sshrl.u32 s2, $0x1;
	s4 =	sadd.s32 s5, s4;
	s8 =	sadd.s32 s8, s0  }
0x11: {  	s2 =	ssub.s32 s2, s25;
	s5 =	sadd.s32 s7, s9;
	s25 =	simm.s32 $0x18D80  }
0x12: {  	s4 =	sshrl.u32 s4, $0x3;
	s2 =	smax.u32 s2, $0x1;
	[dreg:$0x8] =	wrdreg s25  }
0x13: {  	s0 =	sadd.s32 s4, s0;
	s4 =	sadd.s32 s6, s9;
	s9 =	sor.u32 $0x20, s9  }
0x14: {  	s8 =	sadd.s32 $0x1D5800, s8;
	[dreg:$0xc] =	wrdreg s2;
	s6 =	sadd.s32 s6, s9  }
0x15: {  	s25 =	simm.s32 $0x2;
	s26 =	sadd.s32 s7, s9;
	[dreg:$0xa] =	wrdreg s6  }
0x16: {  	s7 =	sshll.u32 s13, $0xB;
	s11 =	sadd.s32 $0x237400, s0;
	[dreg:$0xb] =	wrdreg s26  }
0x17: {  	s9 =	sshrl.u32 s10, $0x2;
	s2 =	sadd.s32 s7, s1;
	[dreg:$0xf] =	wrdreg s11  }
0x18: {  	s0 =	simm.s32 $0x6;
	s10 =	sadd.s32 s9, s1;
	[dreg:$0xd] =	wrdreg s2  }
0x19: {  	s26 =	simm.s32 $0x18A80;
	s6 =	simm.s32 $0x7;
	[dreg:$0xe] =	wrdreg s10  }
0x1a: {  	v0 =	vimm.f32 $0.0e+00;
	s7 =	simm.s32 $0x0;
	[dreg:$0x9] =	wrdreg s26;
	s26 =	simm.s32 $0x1AF00  }
.LBB2_1:
0x1b: {  	[dreg:$0x10] =	wrdreg s7;
	s2 =	simm.s32 $0x0  }
.LBB2_2:
0x1c: {  	p0 =	sne.s32 s2, $0x1F80  }
.Ltmp0:
0x1d: {  	_ = 	snop;
	(pc) =	sbr.rel @p0 .LBB2_2-.Ltmp0, $4  }
0x1e: {  	_ = 	snop  }
0x1f: {  	s7 =	sshra.s32 s2, $0x2  }
0x20: {  	[tilespmem:s7+$0x1CF00] =	vst v0  }
0x21: {  	s2 =	sadd.s32 $0x80, s2;
	[tilespmem:s7+$0x1CF10] =	vst v0  }
0x22: {  	s2 =	sadd.s32 $0x0, s13  }
0x23: {  	p0 =	sgt.u32 s2, $0x30D  }
0x24: {  	s11 =	rddreg [dreg:$0xd];
	s2 =	simm.s32 @!p0 $0x1CF00;
	s10 =	simm.s32 @!p0 $0x7  }
0x25: {  	[spmem:s11] =	stream.linear.scatter @!p0 [tilespmem:s2], [sflag:$0x7], $0x800, $0x38;
	[tilespmem:$0x1D700] =	vst v63  }
0x26: {  	s7 =	simm.s32 $0x10;
	_ =	swait.ge @!p0 [sflag:s10], $0x800  }
0x27: {  	s9 =	simm.s32 $0x20;
	s2 =	sadd.s32 $0x8000, s11;
	[sflag:s10] =	ssyncset.done @!p0 $0x0  }
.LBB2_4:
0x28: {  	s11 =	sadd.s32 s7, s13;
	s7 =	smov.u32 s9;
	s9 =	sadd.s32 $0x10, s9  }
0x29: {  	[sflag:s10] =	ssyncadd.s32 @!p0 $0xFFFFF800;
	p1 =	sne.s32 s9, $0x310  }
.Ltmp1:
0x2a: {  	p0 =	sgt.u32 s11, $0x30D;
	(pc) =	sbr.rel @p1 .LBB2_4-.Ltmp1, $4  }
0x2b: {  	s11 =	simm.s32 @!p0 $0x1CF00;
	s10 =	simm.s32 @!p0 $0x7  }
0x2c: {  	[spmem:s2] =	stream.linear.scatter @!p0 [tilespmem:s11], [sflag:$0x7], $0x800, $0x38;
	[tilespmem:$0x1D700] =	vst v63  }
0x2d: {  	_ =	swait.ge @!p0 [sflag:s10], $0x800  }
0x2e: {  	s2 =	sadd.s32 $0x8000, s2;
	[sflag:s10] =	ssyncset.done @!p0 $0x0  }
0x2f: {  	s7 =	sadd.s32 s7, s13  }
0x30: {  	p1 =	sgt.u32 s7, $0x30D  }
0x31: {  	[sflag:s10] =	ssyncadd.s32 @!p0 $0xFFFFF800;
	s7 =	simm.s32 @!p1 $0x1CF00;
	s9 =	simm.s32 @!p1 $0x7  }
0x32: {  	[spmem:s2] =	stream.linear.scatter @!p1 [tilespmem:s7], [sflag:$0x7], $0x800, $0x38;
	[tilespmem:$0x1D700] =	vst v63  }
0x33: {  	_ =	swait.ge @!p1 [sflag:s9], $0x800  }
0x34: {  	[sflag:s9] =	ssyncset.done @!p1 $0x0  }
0x35: {  	[sflag:s9] =	ssyncadd.s32 @!p1 $0xFFFFF800  }
0x36: {  	s13 =	simm.s32 $0x0;
	[bflag:$0x0] =	sbarrier.arrive $0xFFFF  }
0x37: {  	[tilespmem:s24], [sflag:$0x1] =	stream.linear.gather [hbm4b:s4+s13], $0x100, $0x38;
	[tilespmem:$0x1D700] =	vst v63  }
0x38: {  	_ = 	snop  }
0x39: {  	[tilespmem:s12], [sflag:$0x1] =	stream.linear.gather [hbm4b:s5+s13], $0x100, $0x38;
	[tilespmem:$0x1D700] =	vst v63  }
0x3a: {  	p0 =	por $0x1, $0x1;
	s9 =	rddreg [dreg:$0xa]  }
0x3b: {  	[tilespmem:s14], [sflag:$0x2] =	stream.linear.gather [hbm4b:s9+s13], $0x100, $0x38;
	[tilespmem:$0x1D700] =	vst v63  }
0x3c: {  	s2 =	simm.s32 @!p0 $0x5;
	s10 =	rddreg [dreg:$0xb]  }
0x3d: {  	[tilespmem:s16], [sflag:$0x2] =	stream.linear.gather [hbm4b:s10+s13], $0x100, $0x38;
	[tilespmem:$0x1D700] =	vst v63  }
0x3e: {  	_ =	swait.ge @!p0 [sflag:s2], $0x1000  }
0x3f: {  	[sflag:s2] =	ssyncset.done @!p0 $0x0  }
0x40: {  	[sflag:s2] =	ssyncadd.s32 @!p0 $0xFFFFF000  }
0x41: {  	_ =	swait.ge @!p0 [sflag:s2], $0x1000  }
0x42: {  	s7 =	sadd.s32 $0x0, s4;
	[sflag:s2] =	ssyncset.done @!p0 $0x0  }
0x43: {  	s11 =	sadd.s32 $0x40, s7;
	s10 =	sadd.s32 $0x0, s5;
	[sflag:s2] =	ssyncadd.s32 @!p0 $0xFFFFF000  }
0x44: {  	[tilespmem:s15], [sflag:$0x1] =	stream.linear.gather [hbm4b:s11+s3], $0x100, $0x38;
	[tilespmem:$0x1D700] =	vst v63  }
0x45: {  	s9 =	simm.s32 @!p0 $0x4;
	s13 =	sadd.s32 $0x40, s10  }
0x46: {  	[tilespmem:s17], [sflag:$0x1] =	stream.linear.gather [hbm4b:s13+s3], $0x100, $0x38;
	[tilespmem:$0x1D700] =	vst v63  }
0x47: {  	_ =	swait.ge @!p0 [sflag:s9], $0x1000  }
0x48: {  	[sflag:s9] =	ssyncset.done @!p0 $0x0  }
0x49: {  	[sflag:s9] =	ssyncadd.s32 @!p0 $0xFFFFF000  }
0x4a: {  	_ =	swait.ge @!p0 [sflag:s9], $0x1000  }
0x4b: {  	s2 =	simm.s32 @!p0 $0x1AF00;
	[sflag:s9] =	ssyncset.done @!p0 $0x0  }
0x4c: {  	s11 =	simm.s32 @!p0 $0x80;
	[sflag:s9] =	ssyncadd.s32 @!p0 $0xFFFFF000;
	s9 =	simm.s32 @!p0 $0x18E00  }
0x4d: {  	[spmem:s1] =	stream.indirect.scatter.add.f32 @!p0 [tilespmem:s2], [sflag:$0x6], $0x20, s9, s11, $0xb8;
	[tilespmem:$0x1D700] =	vst v63  }
0x4e: {  	s2 =	simm.s32 @!p0 $0x18E80;
	s9 =	simm.s32 @!p0 $0x1BF00  }
0x4f: {  	[spmem:s1] =	stream.indirect.scatter.add.f32 @!p0 [tilespmem:s9], [sflag:$0x6], $0x20, s2, s11, $0xb8;
	[tilespmem:$0x1D700] =	vst v63  }
0x50: {  	_ =	swait.ge [sflag:s19], $0x100  }
0x51: {  	[sflag:s19] =	ssyncset.done $0x0  }
0x52: {  	[sflag:s19] =	ssyncadd.s32 $0xFFFFFF00  }
0x53: {  	_ =	swait.ge [sflag:s19], $0x100  }
0x54: {  	[sflag:s19] =	ssyncset.done $0x0  }
0x55: {  	[sflag:s19] =	ssyncadd.s32 $0xFFFFFF00  }
0x56: {  	[tilespmem:s21], [sflag:$0x3] =	stream.indirect.gather [hbm4b:s8+s20], $0x20, s24, s20, $0xb8;
	[tilespmem:$0x1D700] =	vst v63  }
0x57: {  	s9 =	simm.s32 @!p0 $0x6;
	s17 =	rddreg [dreg:$0x3]  }
0x58: {  	[tilespmem:s22], [sflag:$0x3] =	stream.indirect.gather [hbm4b:s8+s20], $0x20, s17, s20, $0xb8;
	[tilespmem:$0x1D700] =	vst v63  }
0x59: {  	_ =	swait.ge @!p0 [sflag:s9], $0x1000  }
0x5a: {  	[sflag:s9] =	ssyncset.done @!p0 $0x0  }
0x5b: {  	[sflag:s9] =	ssyncadd.s32 @!p0 $0xFFFFF000  }
0x5c: {  	_ =	swait.ge @!p0 [sflag:s9], $0x1000  }
0x5d: {  	[sflag:s9] =	ssyncset.done @!p0 $0x0  }
0x5e: {  	s7 =	sadd.s32 $0x60, s7;
	[sflag:s9] =	ssyncadd.s32 @!p0 $0xFFFFF000  }
0x5f: {  	[tilespmem:s23], [sflag:$0x2] =	stream.linear.gather [hbm4b:s7+s3], $0x100, $0x38;
	[tilespmem:$0x1D700] =	vst v63  }
0x60: {  	s11 =	sadd.s32 $0x60, s10  }
0x61: {  	[tilespmem:s18], [sflag:$0x2] =	stream.linear.gather [hbm4b:s11+s3], $0x100, $0x38;
	[tilespmem:$0x1D700] =	vst v63  }
0x62: {  	_ =	swait.ge [sflag:s25], $0x100  }
0x63: {  	[sflag:s25] =	ssyncset.done $0x0  }
0x64: {  	[sflag:s25] =	ssyncadd.s32 $0xFFFFFF00  }
0x65: {  	_ =	swait.ge [sflag:s25], $0x100  }
0x66: {  	[sflag:s25] =	ssyncset.done $0x0  }
0x67: {  	[sflag:s25] =	ssyncadd.s32 $0xFFFFFF00  }
0x68: {  	[tilespmem:s26], [sflag:$0x4] =	stream.indirect.gather [hbm4b:s8+s20], $0x20, s14, s20, $0xb8;
	[tilespmem:$0x1D700] =	vst v63  }
0x69: {  	s13 =	rddreg [dreg:$0x4]  }
0x6a: {  	[tilespmem:s28], [sflag:$0x4] =	stream.indirect.gather [hbm4b:s8+s20], $0x20, s13, s20, $0xb8;
	[tilespmem:$0x1D700] =	vst v63  }
0x6b: {  	_ =	swait.ge [sflag:s29], $0x1000  }
0x6c: {  	[sflag:s29] =	ssyncset.done $0x0  }
0x6d: {  	[sflag:s29] =	ssyncadd.s32 $0xFFFFF000  }
0x6e: {  	_ =	swait.ge [sflag:s29], $0x1000  }
0x6f: {  	[sflag:s29] =	ssyncset.done $0x0  }
0x70: {  	[sflag:s29] =	ssyncadd.s32 $0xFFFFF000  }
0x71: {  	[spmem:s1] =	stream.indirect.scatter.add.f32 [tilespmem:s21], [sflag:$0x5], $0x20, s12, s20, $0xb8;
	[tilespmem:$0x1D700] =	vst v63  }
0x72: {  	s14 =	rddreg [dreg:$0x5]  }
0x73: {  	[spmem:s1] =	stream.indirect.scatter.add.f32 [tilespmem:s22], [sflag:$0x5], $0x20, s14, s20, $0xb8;
	[tilespmem:$0x1D700] =	vst v63  }
0x74: {  	_ =	swait.ge [sflag:s30], $0x1000  }
0x75: {  	[sflag:s30] =	ssyncset.done $0x0  }
0x76: {  	p0 =	por $0x0, $0x0;
	[sflag:s30] =	ssyncadd.s32 $0xFFFFF000  }
0x77: {  	s2 =	sadd.s32 @!p0 $0x0, s4;
	_ =	swait.ge [sflag:s30], $0x1000  }
0x78: {  	s7 =	simm.s32 @!p0 $0x0;
	s10 =	simm.s32 @!p0 $0x18700;
	[sflag:s30] =	ssyncset.done $0x0  }
0x79: {  	s9 =	sadd.s32 @!p0 $0x80, s2;
	s11 =	sadd.s32 @!p0 $0x0, s5;
	[sflag:s30] =	ssyncadd.s32 $0xFFFFF000  }
0x7a: {  	[tilespmem:s10], [sflag:$0x1] =	stream.linear.gather @!p0 [hbm4b:s9+s7], $0x100, $0x38;
	[tilespmem:$0x1D700] =	vst v63  }
0x7b: {  	s9 =	simm.s32 @!p0 $0x18800;
	s10 =	sadd.s32 @!p0 $0x80, s11  }
0x7c: {  	[tilespmem:s9], [sflag:$0x1] =	stream.linear.gather @!p0 [hbm4b:s10+s7], $0x100, $0x38;
	[tilespmem:$0x1D700] =	vst v63  }
0x7d: {  	_ =	swait.ge [sflag:s31], $0x1000  }
0x7e: {  	[sflag:s31] =	ssyncset.done $0x0  }
0x7f: {  	[sflag:s31] =	ssyncadd.s32 $0xFFFFF000  }
0x80: {  	_ =	swait.ge [sflag:s31], $0x1000  }
0x81: {  	[sflag:s31] =	ssyncset.done $0x0  }
0x82: {  	[sflag:s31] =	ssyncadd.s32 $0xFFFFF000  }
0x83: {  	[spmem:s1] =	stream.indirect.scatter.add.f32 [tilespmem:s26], [sflag:$0x6], $0x20, s16, s20, $0xb8;
	[tilespmem:$0x1D700] =	vst v63  }
0x84: {  	s17 =	rddreg [dreg:$0x6]  }
0x85: {  	[spmem:s1] =	stream.indirect.scatter.add.f32 [tilespmem:s28], [sflag:$0x6], $0x20, s17, s20, $0xb8;
	[tilespmem:$0x1D700] =	vst v63  }
0x86: {  	_ =	swait.ge [sflag:s19], $0x100  }
0x87: {  	[sflag:s19] =	ssyncset.done $0x0  }
0x88: {  	[sflag:s19] =	ssyncadd.s32 $0xFFFFFF00  }
0x89: {  	_ =	swait.ge [sflag:s19], $0x100  }
0x8a: {  	[sflag:s19] =	ssyncset.done $0x0  }
0x8b: {  	[sflag:s19] =	ssyncadd.s32 $0xFFFFFF00  }
0x8c: {  	[tilespmem:s21], [sflag:$0x3] =	stream.indirect.gather [hbm4b:s8+s20], $0x20, s15, s20, $0xb8;
	[tilespmem:$0x1D700] =	vst v63  }
0x8d: {  	s18 =	rddreg [dreg:$0x7]  }
0x8e: {  	[tilespmem:s22], [sflag:$0x3] =	stream.indirect.gather [hbm4b:s8+s20], $0x20, s18, s20, $0xb8;
	[tilespmem:$0x1D700] =	vst v63  }
0x8f: {  	_ =	swait.ge [sflag:s0], $0x1000  }
0x90: {  	[sflag:s0] =	ssyncset.done $0x0  }
0x91: {  	[sflag:s0] =	ssyncadd.s32 $0xFFFFF000  }
0x92: {  	_ =	swait.ge [sflag:s0], $0x1000  }
0x93: {  	[sflag:s0] =	ssyncset.done $0x0  }
0x94: {  	s2 =	sadd.s32 @!p0 $0xA0, s2;
	s9 =	simm.s32 @!p0 $0x18B00;
	[sflag:s0] =	ssyncadd.s32 $0xFFFFF000  }
0x95: {  	[tilespmem:s9], [sflag:$0x2] =	stream.linear.gather @!p0 [hbm4b:s2+s7], $0x100, $0x38;
	[tilespmem:$0x1D700] =	vst v63  }
0x96: {  	s2 =	sadd.s32 @!p0 $0xA0, s11;
	s9 =	simm.s32 @!p0 $0x18C00  }
0x97: {  	[tilespmem:s9], [sflag:$0x2] =	stream.linear.gather @!p0 [hbm4b:s2+s7], $0x100, $0x38;
	[tilespmem:$0x1D700] =	vst v63  }
0x98: {  	_ =	swait.ge [sflag:s25], $0x100  }
0x99: {  	[sflag:s25] =	ssyncset.done $0x0  }
0x9a: {  	[sflag:s25] =	ssyncadd.s32 $0xFFFFFF00  }
0x9b: {  	_ =	swait.ge [sflag:s25], $0x100  }
0x9c: {  	[sflag:s25] =	ssyncset.done $0x0  }
0x9d: {  	[sflag:s25] =	ssyncadd.s32 $0xFFFFFF00  }
0x9e: {  	[tilespmem:s26], [sflag:$0x4] =	stream.indirect.gather [hbm4b:s8+s20], $0x20, s23, s20, $0xb8;
	[tilespmem:$0x1D700] =	vst v63  }
0x9f: {  	s24 =	rddreg [dreg:$0x8]  }
0xa0: {  	[tilespmem:s28], [sflag:$0x4] =	stream.indirect.gather [hbm4b:s8+s20], $0x20, s24, s20, $0xb8;
	[tilespmem:$0x1D700] =	vst v63  }
0xa1: {  	_ =	swait.ge [sflag:s29], $0x1000  }
0xa2: {  	p1 =	por $0x0, $0x0;
	[sflag:s29] =	ssyncset.done $0x0  }
0xa3: {  	s12 =	simm.s32 $0x18A00;
	s10 =	simm.s32 $0x3;
	[sflag:s29] =	ssyncadd.s32 $0xFFFFF000  }
0xa4: {  	s17 =	simm.s32 $0x18D00;
	s18 =	simm.s32 $0x18900;
	_ =	swait.ge [sflag:s29], $0x1000  }
0xa5: {  	s11 =	simm.s32 $0x100;
	s9 =	simm.s32 $0x80;
	[sflag:s29] =	ssyncset.done $0x0  }
0xa6: {  	s23 =	simm.s32 $0x18E00;
	s2 =	rddreg [dreg:$0x9];
	[sflag:s29] =	ssyncadd.s32 $0xFFFFF000  }
.LBB2_6:
0xa7: {  	[spmem:s1] =	stream.indirect.scatter.add.f32 [tilespmem:s21], [sflag:$0x5], $0x20, s12, s20, $0xb8;
	[tilespmem:$0x1D700] =	vst v63  }
0xa8: {  	s14 =	simm.s32 @!p1 $0x5  }
0xa9: {  	[spmem:s1] =	stream.indirect.scatter.add.f32 [tilespmem:s22], [sflag:$0x5], $0x20, s2, s20, $0xb8;
	[tilespmem:$0x1D700] =	vst v63  }
0xaa: {  	_ =	swait.ge @!p1 [sflag:s14], $0x1000  }
0xab: {  	[sflag:s14] =	ssyncset.done @!p1 $0x0  }
0xac: {  	[sflag:s14] =	ssyncadd.s32 @!p1 $0xFFFFF000  }
0xad: {  	_ =	swait.ge @!p1 [sflag:s14], $0x1000  }
0xae: {  	s13 =	sadd.s32 s9, s4;
	[sflag:s14] =	ssyncset.done @!p1 $0x0  }
0xaf: {  	s15 =	sadd.s32 $0x40, s13;
	s2 =	sadd.s32 s9, s5;
	[sflag:s14] =	ssyncadd.s32 @!p1 $0xFFFFF000  }
0xb0: {  	[tilespmem:s18], [sflag:$0x1] =	stream.linear.gather [hbm4b:s15+s3], $0x100, $0x38;
	[tilespmem:$0x1D700] =	vst v63  }
0xb1: {  	s24 =	sadd.s32 $0x40, s2;
	s15 =	simm.s32 @!p1 $0x4  }
0xb2: {  	[tilespmem:s12], [sflag:$0x1] =	stream.linear.gather [hbm4b:s24+s3], $0x100, $0x38;
	[tilespmem:$0x1D700] =	vst v63  }
0xb3: {  	_ =	swait.ge @!p1 [sflag:s15], $0x1000  }
0xb4: {  	[sflag:s15] =	ssyncset.done @!p1 $0x0  }
0xb5: {  	[sflag:s15] =	ssyncadd.s32 @!p1 $0xFFFFF000  }
0xb6: {  	_ =	swait.ge @!p1 [sflag:s15], $0x1000  }
0xb7: {  	s16 =	simm.s32 @!p1 $0x80;
	[sflag:s15] =	ssyncset.done @!p1 $0x0  }
0xb8: {  	s14 =	simm.s32 @!p1 $0x1AF00;
	s24 =	simm.s32 @!p1 $0x18E00;
	[sflag:s15] =	ssyncadd.s32 @!p1 $0xFFFFF000  }
0xb9: {  	[spmem:s1] =	stream.indirect.scatter.add.f32 @!p1 [tilespmem:s14], [sflag:$0x6], $0x20, s24, s16, $0xb8;
	[tilespmem:$0x1D700] =	vst v63  }
0xba: {  	s15 =	simm.s32 @!p1 $0x1BF00;
	s14 =	simm.s32 @!p1 $0x18E80  }
0xbb: {  	[spmem:s1] =	stream.indirect.scatter.add.f32 @!p1 [tilespmem:s15], [sflag:$0x6], $0x20, s14, s16, $0xb8;
	[tilespmem:$0x1D700] =	vst v63  }
0xbc: {  	_ =	swait.ge [sflag:s19], $0x100  }
0xbd: {  	[sflag:s19] =	ssyncset.done $0x0  }
0xbe: {  	[sflag:s19] =	ssyncadd.s32 $0xFFFFFF00  }
0xbf: {  	_ =	swait.ge [sflag:s19], $0x100  }
0xc0: {  	[sflag:s19] =	ssyncset.done $0x0  }
0xc1: {  	s24 =	simm.s32 $0x18700;
	[sflag:s19] =	ssyncadd.s32 $0xFFFFFF00  }
0xc2: {  	[tilespmem:s21], [sflag:$0x3] =	stream.indirect.gather [hbm4b:s8+s20], $0x20, s24, s20, $0xb8;
	[tilespmem:$0x1D700] =	vst v63  }
0xc3: {  	s15 =	simm.s32 @!p1 $0x6;
	s16 =	rddreg [dreg:$0x3]  }
0xc4: {  	[tilespmem:s22], [sflag:$0x3] =	stream.indirect.gather [hbm4b:s8+s20], $0x20, s16, s20, $0xb8;
	[tilespmem:$0x1D700] =	vst v63  }
0xc5: {  	_ =	swait.ge @!p1 [sflag:s15], $0x1000  }
0xc6: {  	[sflag:s15] =	ssyncset.done @!p1 $0x0  }
0xc7: {  	[sflag:s15] =	ssyncadd.s32 @!p1 $0xFFFFF000  }
0xc8: {  	_ =	swait.ge @!p1 [sflag:s15], $0x1000  }
0xc9: {  	[sflag:s15] =	ssyncset.done @!p1 $0x0  }
0xca: {  	s13 =	sadd.s32 $0x60, s13;
	[sflag:s15] =	ssyncadd.s32 @!p1 $0xFFFFF000  }
0xcb: {  	[tilespmem:s17], [sflag:$0x2] =	stream.linear.gather [hbm4b:s13+s3], $0x100, $0x38;
	[tilespmem:$0x1D700] =	vst v63  }
0xcc: {  	s2 =	sadd.s32 $0x60, s2  }
0xcd: {  	[tilespmem:s23], [sflag:$0x2] =	stream.linear.gather [hbm4b:s2+s3], $0x100, $0x38;
	[tilespmem:$0x1D700] =	vst v63  }
0xce: {  	_ =	swait.ge [sflag:s25], $0x100  }
0xcf: {  	[sflag:s25] =	ssyncset.done $0x0  }
0xd0: {  	[sflag:s25] =	ssyncadd.s32 $0xFFFFFF00  }
0xd1: {  	_ =	swait.ge [sflag:s25], $0x100  }
0xd2: {  	[sflag:s25] =	ssyncset.done $0x0  }
0xd3: {  	s14 =	simm.s32 $0x18B00;
	[sflag:s25] =	ssyncadd.s32 $0xFFFFFF00  }
0xd4: {  	[tilespmem:s26], [sflag:$0x4] =	stream.indirect.gather [hbm4b:s8+s20], $0x20, s14, s20, $0xb8;
	[tilespmem:$0x1D700] =	vst v63  }
0xd5: {  	s16 =	rddreg [dreg:$0x4]  }
0xd6: {  	[tilespmem:s28], [sflag:$0x4] =	stream.indirect.gather [hbm4b:s8+s20], $0x20, s16, s20, $0xb8;
	[tilespmem:$0x1D700] =	vst v63  }
0xd7: {  	_ =	swait.ge [sflag:s29], $0x1000  }
0xd8: {  	[sflag:s29] =	ssyncset.done $0x0  }
0xd9: {  	[sflag:s29] =	ssyncadd.s32 $0xFFFFF000  }
0xda: {  	_ =	swait.ge [sflag:s29], $0x1000  }
0xdb: {  	[sflag:s29] =	ssyncset.done $0x0  }
0xdc: {  	s16 =	simm.s32 $0x18800;
	[sflag:s29] =	ssyncadd.s32 $0xFFFFF000  }
0xdd: {  	[spmem:s1] =	stream.indirect.scatter.add.f32 [tilespmem:s21], [sflag:$0x5], $0x20, s16, s20, $0xb8;
	[tilespmem:$0x1D700] =	vst v63  }
0xde: {  	s15 =	rddreg [dreg:$0x5]  }
0xdf: {  	[spmem:s1] =	stream.indirect.scatter.add.f32 [tilespmem:s22], [sflag:$0x5], $0x20, s15, s20, $0xb8;
	[tilespmem:$0x1D700] =	vst v63  }
0xe0: {  	_ =	swait.ge [sflag:s30], $0x1000  }
0xe1: {  	[sflag:s30] =	ssyncset.done $0x0  }
0xe2: {  	p1 =	sgt.u32 s10, $0x60;
	[sflag:s30] =	ssyncadd.s32 $0xFFFFF000  }
0xe3: {  	s13 =	sadd.s32 @!p1 s9, s4;
	_ =	swait.ge [sflag:s30], $0x1000  }
0xe4: {  	s9 =	sadd.s32 @!p1 s9, s5;
	s2 =	simm.s32 @!p1 $0x0;
	[sflag:s30] =	ssyncset.done $0x0  }
0xe5: {  	s14 =	sadd.s32 @!p1 $0x80, s13;
	s15 =	simm.s32 @!p1 $0x18700;
	[sflag:s30] =	ssyncadd.s32 $0xFFFFF000  }
0xe6: {  	[tilespmem:s15], [sflag:$0x1] =	stream.linear.gather @!p1 [hbm4b:s14+s2], $0x100, $0x38;
	[tilespmem:$0x1D700] =	vst v63  }
0xe7: {  	s16 =	simm.s32 @!p1 $0x18800;
	s14 =	sadd.s32 @!p1 $0x80, s9  }
0xe8: {  	[tilespmem:s16], [sflag:$0x1] =	stream.linear.gather @!p1 [hbm4b:s14+s2], $0x100, $0x38;
	[tilespmem:$0x1D700] =	vst v63  }
0xe9: {  	_ =	swait.ge [sflag:s31], $0x1000  }
0xea: {  	[sflag:s31] =	ssyncset.done $0x0  }
0xeb: {  	[sflag:s31] =	ssyncadd.s32 $0xFFFFF000  }
0xec: {  	_ =	swait.ge [sflag:s31], $0x1000  }
0xed: {  	[sflag:s31] =	ssyncset.done $0x0  }
0xee: {  	s16 =	simm.s32 $0x18C00;
	[sflag:s31] =	ssyncadd.s32 $0xFFFFF000  }
0xef: {  	[spmem:s1] =	stream.indirect.scatter.add.f32 [tilespmem:s26], [sflag:$0x6], $0x20, s16, s20, $0xb8;
	[tilespmem:$0x1D700] =	vst v63  }
0xf0: {  	s14 =	rddreg [dreg:$0x6]  }
0xf1: {  	[spmem:s1] =	stream.indirect.scatter.add.f32 [tilespmem:s28], [sflag:$0x6], $0x20, s14, s20, $0xb8;
	[tilespmem:$0x1D700] =	vst v63  }
0xf2: {  	_ =	swait.ge [sflag:s19], $0x100  }
0xf3: {  	[sflag:s19] =	ssyncset.done $0x0  }
0xf4: {  	[sflag:s19] =	ssyncadd.s32 $0xFFFFFF00  }
0xf5: {  	_ =	swait.ge [sflag:s19], $0x100  }
0xf6: {  	[sflag:s19] =	ssyncset.done $0x0  }
0xf7: {  	[sflag:s19] =	ssyncadd.s32 $0xFFFFFF00  }
0xf8: {  	[tilespmem:s21], [sflag:$0x3] =	stream.indirect.gather [hbm4b:s8+s20], $0x20, s18, s20, $0xb8;
	[tilespmem:$0x1D700] =	vst v63  }
0xf9: {  	s14 =	rddreg [dreg:$0x7]  }
0xfa: {  	[tilespmem:s22], [sflag:$0x3] =	stream.indirect.gather [hbm4b:s8+s20], $0x20, s14, s20, $0xb8;
	[tilespmem:$0x1D700] =	vst v63  }
0xfb: {  	_ =	swait.ge [sflag:s0], $0x1000  }
0xfc: {  	[sflag:s0] =	ssyncset.done $0x0  }
0xfd: {  	[sflag:s0] =	ssyncadd.s32 $0xFFFFF000  }
0xfe: {  	s7 =	smov.u32 s11;
	_ =	swait.ge [sflag:s0], $0x1000  }
0xff: {  	s13 =	sadd.s32 @!p1 $0xA0, s13;
	s15 =	sadd.s32 @!p1 $0xA0, s9;
	[sflag:s0] =	ssyncset.done $0x0  }
0x100: {  	s9 =	smov.u32 s7;
	s7 =	simm.s32 @!p1 $0x18B00;
	[sflag:s0] =	ssyncadd.s32 $0xFFFFF000  }
0x101: {  	[tilespmem:s7], [sflag:$0x2] =	stream.linear.gather @!p1 [hbm4b:s13+s2], $0x100, $0x38;
	[tilespmem:$0x1D700] =	vst v63  }
0x102: {  	s14 =	simm.s32 @!p1 $0x18C00  }
0x103: {  	[tilespmem:s14], [sflag:$0x2] =	stream.linear.gather @!p1 [hbm4b:s15+s2], $0x100, $0x38;
	[tilespmem:$0x1D700] =	vst v63  }
0x104: {  	_ =	swait.ge [sflag:s25], $0x100  }
0x105: {  	[sflag:s25] =	ssyncset.done $0x0  }
0x106: {  	[sflag:s25] =	ssyncadd.s32 $0xFFFFFF00  }
0x107: {  	_ =	swait.ge [sflag:s25], $0x100  }
0x108: {  	[sflag:s25] =	ssyncset.done $0x0  }
0x109: {  	[sflag:s25] =	ssyncadd.s32 $0xFFFFFF00  }
0x10a: {  	[tilespmem:s26], [sflag:$0x4] =	stream.indirect.gather [hbm4b:s8+s20], $0x20, s17, s20, $0xb8;
	[tilespmem:$0x1D700] =	vst v63  }
0x10b: {  	s11 =	sadd.s32 $0x80, s11;
	s15 =	rddreg [dreg:$0x8]  }
0x10c: {  	[tilespmem:s28], [sflag:$0x4] =	stream.indirect.gather [hbm4b:s8+s20], $0x20, s15, s20, $0xb8;
	[tilespmem:$0x1D700] =	vst v63  }
0x10d: {  	p0 =	sne.s32 s11, $0x1880;
	_ =	swait.ge [sflag:s29], $0x1000  }
.Ltmp2:
0x10e: {  	[sflag:s29] =	ssyncset.done $0x0;
	(pc) =	sbr.rel @p0 .LBB2_6-.Ltmp2, $4  }
0x10f: {  	[sflag:s29] =	ssyncadd.s32 $0xFFFFF000  }
0x110: {  	_ =	swait.ge [sflag:s29], $0x1000  }
0x111: {  	s10 =	sadd.s32 $0x2, s10;
	[sflag:s29] =	ssyncset.done $0x0  }
0x112: {  	p1 =	seq.s32 s9, $0x0;
	s2 =	rddreg [dreg:$0x9];
	[sflag:s29] =	ssyncadd.s32 $0xFFFFF000  }
0x113: {  	[spmem:s1] =	stream.indirect.scatter.add.f32 [tilespmem:s21], [sflag:$0x5], $0x20, s12, s20, $0xb8;
	[tilespmem:$0x1D700] =	vst v63  }
0x114: {  	s7 =	simm.s32 @!p1 $0x5  }
0x115: {  	[spmem:s1] =	stream.indirect.scatter.add.f32 [tilespmem:s22], [sflag:$0x5], $0x20, s2, s20, $0xb8;
	[tilespmem:$0x1D700] =	vst v63  }
0x116: {  	_ =	swait.ge @!p1 [sflag:s7], $0x1000  }
0x117: {  	[sflag:s7] =	ssyncset.done @!p1 $0x0  }
0x118: {  	[sflag:s7] =	ssyncadd.s32 @!p1 $0xFFFFF000  }
0x119: {  	_ =	swait.ge @!p1 [sflag:s7], $0x1000  }
0x11a: {  	s2 =	sadd.s32 s9, s4;
	[sflag:s7] =	ssyncset.done @!p1 $0x0  }
0x11b: {  	s13 =	sadd.s32 s9, s5;
	s11 =	sadd.s32 $0x40, s2;
	[sflag:s7] =	ssyncadd.s32 @!p1 $0xFFFFF000  }
0x11c: {  	[tilespmem:s18], [sflag:$0x1] =	stream.linear.gather [hbm4b:s11+s3], $0x100, $0x38;
	[tilespmem:$0x1D700] =	vst v63  }
0x11d: {  	s15 =	sadd.s32 $0x40, s13;
	s11 =	simm.s32 @!p1 $0x4  }
0x11e: {  	[tilespmem:s12], [sflag:$0x1] =	stream.linear.gather [hbm4b:s15+s3], $0x100, $0x38;
	[tilespmem:$0x1D700] =	vst v63  }
0x11f: {  	_ =	swait.ge @!p1 [sflag:s11], $0x1000  }
0x120: {  	[sflag:s11] =	ssyncset.done @!p1 $0x0  }
0x121: {  	[sflag:s11] =	ssyncadd.s32 @!p1 $0xFFFFF000  }
0x122: {  	_ =	swait.ge @!p1 [sflag:s11], $0x1000  }
0x123: {  	s14 =	simm.s32 @!p1 $0x80;
	[sflag:s11] =	ssyncset.done @!p1 $0x0  }
0x124: {  	s7 =	simm.s32 @!p1 $0x1AF00;
	[sflag:s11] =	ssyncadd.s32 @!p1 $0xFFFFF000;
	s11 =	simm.s32 @!p1 $0x18E00  }
0x125: {  	[spmem:s1] =	stream.indirect.scatter.add.f32 @!p1 [tilespmem:s7], [sflag:$0x6], $0x20, s11, s14, $0xb8;
	[tilespmem:$0x1D700] =	vst v63  }
0x126: {  	s7 =	simm.s32 @!p1 $0x18E80;
	s11 =	simm.s32 @!p1 $0x1BF00  }
0x127: {  	[spmem:s1] =	stream.indirect.scatter.add.f32 @!p1 [tilespmem:s11], [sflag:$0x6], $0x20, s7, s14, $0xb8;
	[tilespmem:$0x1D700] =	vst v63  }
0x128: {  	_ =	swait.ge [sflag:s19], $0x100  }
0x129: {  	[sflag:s19] =	ssyncset.done $0x0  }
0x12a: {  	[sflag:s19] =	ssyncadd.s32 $0xFFFFFF00  }
0x12b: {  	_ =	swait.ge [sflag:s19], $0x100  }
0x12c: {  	[sflag:s19] =	ssyncset.done $0x0  }
0x12d: {  	[sflag:s19] =	ssyncadd.s32 $0xFFFFFF00  }
0x12e: {  	[tilespmem:s21], [sflag:$0x3] =	stream.indirect.gather [hbm4b:s8+s20], $0x20, s24, s20, $0xb8;
	[tilespmem:$0x1D700] =	vst v63  }
0x12f: {  	s7 =	simm.s32 @!p1 $0x6;
	s23 =	rddreg [dreg:$0x3]  }
0x130: {  	[tilespmem:s22], [sflag:$0x3] =	stream.indirect.gather [hbm4b:s8+s20], $0x20, s23, s20, $0xb8;
	[tilespmem:$0x1D700] =	vst v63  }
0x131: {  	_ =	swait.ge @!p1 [sflag:s7], $0x1000  }
0x132: {  	[sflag:s7] =	ssyncset.done @!p1 $0x0  }
0x133: {  	[sflag:s7] =	ssyncadd.s32 @!p1 $0xFFFFF000  }
0x134: {  	_ =	swait.ge @!p1 [sflag:s7], $0x1000  }
0x135: {  	[sflag:s7] =	ssyncset.done @!p1 $0x0  }
0x136: {  	s2 =	sadd.s32 $0x60, s2;
	[sflag:s7] =	ssyncadd.s32 @!p1 $0xFFFFF000  }
0x137: {  	[tilespmem:s17], [sflag:$0x2] =	stream.linear.gather [hbm4b:s2+s3], $0x100, $0x38;
	[tilespmem:$0x1D700] =	vst v63  }
0x138: {  	s7 =	sadd.s32 $0x60, s13;
	s13 =	simm.s32 $0x18E00  }
0x139: {  	[tilespmem:s13], [sflag:$0x2] =	stream.linear.gather [hbm4b:s7+s3], $0x100, $0x38;
	[tilespmem:$0x1D700] =	vst v63  }
0x13a: {  	_ =	swait.ge [sflag:s25], $0x100  }
0x13b: {  	[sflag:s25] =	ssyncset.done $0x0  }
0x13c: {  	[sflag:s25] =	ssyncadd.s32 $0xFFFFFF00  }
0x13d: {  	_ =	swait.ge [sflag:s25], $0x100  }
0x13e: {  	[sflag:s25] =	ssyncset.done $0x0  }
0x13f: {  	s14 =	simm.s32 $0x18B00;
	[sflag:s25] =	ssyncadd.s32 $0xFFFFFF00  }
0x140: {  	[tilespmem:s26], [sflag:$0x4] =	stream.indirect.gather [hbm4b:s8+s20], $0x20, s14, s20, $0xb8;
	[tilespmem:$0x1D700] =	vst v63  }
0x141: {  	s11 =	rddreg [dreg:$0x4]  }
0x142: {  	[tilespmem:s28], [sflag:$0x4] =	stream.indirect.gather [hbm4b:s8+s20], $0x20, s11, s20, $0xb8;
	[tilespmem:$0x1D700] =	vst v63  }
0x143: {  	_ =	swait.ge [sflag:s29], $0x1000  }
0x144: {  	[sflag:s29] =	ssyncset.done $0x0  }
0x145: {  	[sflag:s29] =	ssyncadd.s32 $0xFFFFF000  }
0x146: {  	_ =	swait.ge [sflag:s29], $0x1000  }
0x147: {  	[sflag:s29] =	ssyncset.done $0x0  }
0x148: {  	s23 =	simm.s32 $0x18800;
	[sflag:s29] =	ssyncadd.s32 $0xFFFFF000  }
0x149: {  	[spmem:s1] =	stream.indirect.scatter.add.f32 [tilespmem:s21], [sflag:$0x5], $0x20, s23, s20, $0xb8;
	[tilespmem:$0x1D700] =	vst v63  }
0x14a: {  	s15 =	rddreg [dreg:$0x5]  }
0x14b: {  	[spmem:s1] =	stream.indirect.scatter.add.f32 [tilespmem:s22], [sflag:$0x5], $0x20, s15, s20, $0xb8;
	[tilespmem:$0x1D700] =	vst v63  }
0x14c: {  	_ =	swait.ge [sflag:s30], $0x1000  }
0x14d: {  	[sflag:s30] =	ssyncset.done $0x0  }
0x14e: {  	p0 =	sgt.u32 s10, $0x60;
	[sflag:s30] =	ssyncadd.s32 $0xFFFFF000  }
0x14f: {  	s2 =	sadd.s32 @!p0 s9, s4;
	_ =	swait.ge [sflag:s30], $0x1000  }
0x150: {  	s9 =	sadd.s32 @!p0 s9, s5;
	s10 =	sadd.s32 @!p0 $0x80, s2;
	[sflag:s30] =	ssyncset.done $0x0  }
0x151: {  	s7 =	simm.s32 @!p0 $0x0;
	s11 =	simm.s32 @!p0 $0x18700;
	[sflag:s30] =	ssyncadd.s32 $0xFFFFF000  }
0x152: {  	[tilespmem:s11], [sflag:$0x1] =	stream.linear.gather @!p0 [hbm4b:s10+s7], $0x100, $0x38;
	[tilespmem:$0x1D700] =	vst v63  }
0x153: {  	s10 =	simm.s32 @!p0 $0x18800;
	s11 =	sadd.s32 @!p0 $0x80, s9  }
0x154: {  	[tilespmem:s10], [sflag:$0x1] =	stream.linear.gather @!p0 [hbm4b:s11+s7], $0x100, $0x38;
	[tilespmem:$0x1D700] =	vst v63  }
0x155: {  	_ =	swait.ge [sflag:s31], $0x1000  }
0x156: {  	[sflag:s31] =	ssyncset.done $0x0  }
0x157: {  	[sflag:s31] =	ssyncadd.s32 $0xFFFFF000  }
0x158: {  	_ =	swait.ge [sflag:s31], $0x1000  }
0x159: {  	[sflag:s31] =	ssyncset.done $0x0  }
0x15a: {  	[sflag:s31] =	ssyncadd.s32 $0xFFFFF000  }
0x15b: {  	[spmem:s1] =	stream.indirect.scatter.add.f32 [tilespmem:s26], [sflag:$0x6], $0x20, s16, s20, $0xb8;
	[tilespmem:$0x1D700] =	vst v63  }
0x15c: {  	s11 =	rddreg [dreg:$0x6]  }
0x15d: {  	[spmem:s1] =	stream.indirect.scatter.add.f32 [tilespmem:s28], [sflag:$0x6], $0x20, s11, s20, $0xb8;
	[tilespmem:$0x1D700] =	vst v63  }
0x15e: {  	_ =	swait.ge [sflag:s19], $0x100  }
0x15f: {  	[sflag:s19] =	ssyncset.done $0x0  }
0x160: {  	[sflag:s19] =	ssyncadd.s32 $0xFFFFFF00  }
0x161: {  	_ =	swait.ge [sflag:s19], $0x100  }
0x162: {  	[sflag:s19] =	ssyncset.done $0x0  }
0x163: {  	[sflag:s19] =	ssyncadd.s32 $0xFFFFFF00  }
0x164: {  	[tilespmem:s21], [sflag:$0x3] =	stream.indirect.gather [hbm4b:s8+s20], $0x20, s18, s20, $0xb8;
	[tilespmem:$0x1D700] =	vst v63  }
0x165: {  	s14 =	rddreg [dreg:$0x7]  }
0x166: {  	[tilespmem:s22], [sflag:$0x3] =	stream.indirect.gather [hbm4b:s8+s20], $0x20, s14, s20, $0xb8;
	[tilespmem:$0x1D700] =	vst v63  }
0x167: {  	_ =	swait.ge [sflag:s0], $0x1000  }
0x168: {  	[sflag:s0] =	ssyncset.done $0x0  }
0x169: {  	[sflag:s0] =	ssyncadd.s32 $0xFFFFF000  }
0x16a: {  	_ =	swait.ge [sflag:s0], $0x1000  }
0x16b: {  	[sflag:s0] =	ssyncset.done $0x0  }
0x16c: {  	s2 =	sadd.s32 @!p0 $0xA0, s2;
	s10 =	simm.s32 @!p0 $0x18B00;
	[sflag:s0] =	ssyncadd.s32 $0xFFFFF000  }
0x16d: {  	[tilespmem:s10], [sflag:$0x2] =	stream.linear.gather @!p0 [hbm4b:s2+s7], $0x100, $0x38;
	[tilespmem:$0x1D700] =	vst v63  }
0x16e: {  	s2 =	sadd.s32 @!p0 $0xA0, s9;
	s9 =	simm.s32 @!p0 $0x18C00  }
0x16f: {  	[tilespmem:s9], [sflag:$0x2] =	stream.linear.gather @!p0 [hbm4b:s2+s7], $0x100, $0x38;
	[tilespmem:$0x1D700] =	vst v63  }
0x170: {  	_ =	swait.ge [sflag:s25], $0x100  }
0x171: {  	[sflag:s25] =	ssyncset.done $0x0  }
0x172: {  	[sflag:s25] =	ssyncadd.s32 $0xFFFFFF00  }
0x173: {  	_ =	swait.ge [sflag:s25], $0x100  }
0x174: {  	[sflag:s25] =	ssyncset.done $0x0  }
0x175: {  	[sflag:s25] =	ssyncadd.s32 $0xFFFFFF00  }
0x176: {  	[tilespmem:s26], [sflag:$0x4] =	stream.indirect.gather [hbm4b:s8+s20], $0x20, s17, s20, $0xb8;
	[tilespmem:$0x1D700] =	vst v63  }
0x177: {  	s15 =	rddreg [dreg:$0x8]  }
0x178: {  	[tilespmem:s28], [sflag:$0x4] =	stream.indirect.gather [hbm4b:s8+s20], $0x20, s15, s20, $0xb8;
	[tilespmem:$0x1D700] =	vst v63  }
0x179: {  	_ =	swait.ge [sflag:s29], $0x1000  }
0x17a: {  	[sflag:s29] =	ssyncset.done $0x0  }
0x17b: {  	[sflag:s29] =	ssyncadd.s32 $0xFFFFF000  }
0x17c: {  	_ =	swait.ge [sflag:s29], $0x1000  }
0x17d: {  	[sflag:s29] =	ssyncset.done $0x0  }
0x17e: {  	[sflag:s29] =	ssyncadd.s32 $0xFFFFF000  }
0x17f: {  	[spmem:s1] =	stream.indirect.scatter.add.f32 [tilespmem:s21], [sflag:$0x5], $0x20, s12, s20, $0xb8;
	[tilespmem:$0x1D700] =	vst v63  }
0x180: {  	s17 =	rddreg [dreg:$0x9]  }
0x181: {  	[spmem:s1] =	stream.indirect.scatter.add.f32 [tilespmem:s22], [sflag:$0x5], $0x20, s17, s20, $0xb8;
	[tilespmem:$0x1D700] =	vst v63  }
0x182: {  	_ =	swait.ge [sflag:s31], $0x1000  }
0x183: {  	[sflag:s31] =	ssyncset.done $0x0  }
0x184: {  	[sflag:s31] =	ssyncadd.s32 $0xFFFFF000  }
0x185: {  	_ =	swait.ge [sflag:s31], $0x1000  }
0x186: {  	[sflag:s31] =	ssyncset.done $0x0  }
0x187: {  	[sflag:s31] =	ssyncadd.s32 $0xFFFFF000  }
0x188: {  	[spmem:s1] =	stream.indirect.scatter.add.f32 [tilespmem:s26], [sflag:$0x6], $0x20, s13, s20, $0xb8;
	[tilespmem:$0x1D700] =	vst v63  }
0x189: {  	s18 =	simm.s32 $0x18E80  }
0x18a: {  	[spmem:s1] =	stream.indirect.scatter.add.f32 [tilespmem:s28], [sflag:$0x6], $0x20, s18, s20, $0xb8;
	[tilespmem:$0x1D700] =	vst v63  }
0x18b: {  	_ =	swait.ge [sflag:s30], $0x1000  }
0x18c: {  	[sflag:s30] =	ssyncset.done $0x0  }
0x18d: {  	[sflag:s30] =	ssyncadd.s32 $0xFFFFF000  }
0x18e: {  	_ =	swait.ge [sflag:s30], $0x1000  }
0x18f: {  	[sflag:s30] =	ssyncset.done $0x0  }
0x190: {  	[sflag:s30] =	ssyncadd.s32 $0xFFFFF000  }
0x191: {  	_ =	swait.ge [sflag:s0], $0x1000  }
0x192: {  	[sflag:s0] =	ssyncset.done $0x0  }
0x193: {  	[sflag:s0] =	ssyncadd.s32 $0xFFFFF000  }
0x194: {  	_ =	swait.ge [sflag:s0], $0x1000  }
0x195: {  	[sflag:s0] =	ssyncset.done $0x0  }
0x196: {  	[sflag:s0] =	ssyncadd.s32 $0xFFFFF000  }
0x197: {  	[bflag:$0x0] =	sbarrier.arrive $0xFFFF  }
0x198: {  	s7 =	rddreg [dreg:$0xe]  }
0x199: {  	[tilespmem:s21], [sflag:$0x7] =	stream.linear.gather [spmem:s7], $0x1700, $0x38;
	[tilespmem:$0x1D700] =	vst v63  }
0x19a: {  	s14 =	simm.s32 $0x18B00;
	_ =	swait.ge [sflag:s6], $0x1700  }
0x19b: {  	s2 =	simm.s32 $0x2E0;
	[sflag:s6] =	ssyncset.done $0x0;
	s10 =	rddreg [dreg:$0xf]  }
0x19c: {  	s15 =	simm.s32 $0x18900;
	[sflag:s6] =	ssyncadd.s32 $0xFFFFE900;
	s23 =	sadd.s32 $0x0, s10  }
0x19d: {  	[hbm4b:s23+s3] =	stream.linear.scatter [tilespmem:s21], [sflag:$0x7], $0x1700, $0x38;
	[tilespmem:$0x1D700] =	vst v63  }
0x19e: {  	s12 =	simm.s32 $0x18800;
	s17 =	simm.s32 $0x18A00;
	_ =	swait.ge [sflag:s6], $0x1700  }
0x19f: {  	s18 =	simm.s32 $0x18E00;
	s23 =	simm.s32 $0x18D00;
	[sflag:s6] =	ssyncset.done $0x0  }
.LBB2_8:
0x1a0: {  	p0 =	sne.s32 s2, $0x2E00;
	[sflag:s6] =	ssyncadd.s32 $0xFFFFE900;
	s7 =	sadd.s32 $0x1700, s7  }
0x1a1: {  	[tilespmem:s21], [sflag:$0x7] =	stream.linear.gather [spmem:s7], $0x1700, $0x38;
	[tilespmem:$0x1D700] =	vst v63  }
0x1a2: {  	s9 =	smov.u32 s2;
	s2 =	sadd.s32 $0x2E0, s2;
	_ =	swait.ge [sflag:s6], $0x1700  }
.Ltmp3:
0x1a3: {  	[sflag:s6] =	ssyncset.done $0x0;
	(pc) =	sbr.rel @p0 .LBB2_8-.Ltmp3, $4  }
0x1a4: {  	s9 =	sadd.s32 s9, s10;
	[sflag:s6] =	ssyncadd.s32 $0xFFFFE900  }
0x1a5: {  	[hbm4b:s9+s3] =	stream.linear.scatter [tilespmem:s21], [sflag:$0x7], $0x1700, $0x38;
	[tilespmem:$0x1D700] =	vst v63  }
0x1a6: {  	_ =	swait.ge [sflag:s6], $0x1700  }
0x1a7: {  	[sflag:s6] =	ssyncset.done $0x0  }
0x1a8: {  	s7 =	rddreg [dreg:$0x10]  }
0x1a9: {  	s2 =	rddreg [dreg:$0xc];
	s7 =	sadd.s32 $0x1, s7  }
0x1aa: {  	p0 =	sne.s32 s7, s2  }
.Ltmp4:
0x1ab: {  	_ = 	snop;
	(pc) =	sbr.rel @p0 .LBB2_1-.Ltmp4, $2  }
0x1ac: {  	_ =	sdelay $0x2  }
0x1ad: {  	[sflag:s6] =	ssyncadd.s32 $0xFFFFE900;
	s13 =	stileid.u32  }
0x1ae: {  	_ =	sfence.sel $0x180000  }
0x1af: {  	[bflag:$0x0] =	sbarrier.arrive $0xFFFF  }
0x1b0: {  	_ =	strace $0x9000004D  }
0x1b1: {  	[bflag:$0x2] =	sbarrier.arrive $0xFFFF  }
0x1b2: {  	p0 =	sne.s32 s13, $0x0;
	s0 =	rddreg [dreg:$0x2]  }
0x1b3: {  	s0 =	sadd.s32 @!p0 $0x100000, s0  }
0x1b4: {  	[sflag:s0] =	ssyncadd.tile.s32 @!p0 $0x1;
	_ =	shalt  }
.Lfunc_end2:
_tile_overlayer_lowered:
.L_overlay_start_2:
0x1b5: {  	(tag) =	ssettag $0x2  }
0x1b6: {  	s0 =	rddreg [dreg:$0x0];
	s2 =	stileid.u32  }
0x1b7: {  	s1 =	rddreg [dreg:$0x1];
	p0 =	sne.s32 s2, $0x0  }
0x1b8: {  	s3 =	rddreg [dreg:$0x2];
	[bflag:$0x3] =	sbarrier.arrive $0xFFFF;
	s2 =	simm.s32 @!p0 $0x1C07  }
0x1b9: {  	[timem:s3], [sflag:s2] =	dma.local @!p0 [hbm:s0], s1  }
0x1ba: {  	s0 =	simm.s32 @!p0 $0x7  }
0x1bb: {  	_ =	swait.ge @!p0 [sflag:s0], s1  }
0x1bc: {  	s1 =	ssub.s32 @!p0 $0x0, s1;
	[sflag:s0] =	ssyncset.done @!p0 $0x0  }
0x1bd: {  	[sflag:s0] =	ssyncadd.s32 @!p0 s1  }
0x1be: {  	[bflag:$0x3] =	sbarrier.arrive $0xFFFF  }
0x1bf: {  	_ =	shalt  }

// kernel: kernel.19.cloned.1.call-start
scs
__scs_entry_jumppad:
0x0: {  	(pc) =	sbr.rel $0x88, $3  }
0x1: {  	(tag) =	ssettag $0x0;
	lr =	simm.s32 $0x1  }
0x2: {  	[smem:$0x3F96] =	sst lr;
	_ =	strace $0xD0000000  }
0x3: {  	_ = 	snop  }
0x4: {  	_ = 	snop  }
0x5: {  	_ = 	snop  }
0x6: {  	_ = 	snop  }
0x7: {  	_ = 	snop  }
__scs_overlays_trampoline_lowered:
0x8: {  	[smem:$0x3FA5] =	sst s0  }
0x9: {  	[smem:$0x3FA6] =	sst s1  }
0xa: {  	[smem:$0x3FA7] =	sst s2  }
0xb: {  	[smem:$0x3FA8] =	sst s3  }
0xc: {  	[smem:$0x3FA9] =	sst s4  }
0xd: {  	[smem:$0x3FAA] =	sst s5  }
0xe: {  	[smem:$0x3FAB] =	sst s6  }
0xf: {  	[smem:$0x3FAC] =	sst s7  }
0x10: {  	[smem:$0x3FAD] =	sst s8  }
0x11: {  	[smem:$0x3FAE] =	sst s9;
	s0 =	simm.s32 @!p0 $0x0  }
0x12: {  	s1 =	sld [smem:$0x3F94];
	s0 =	simm.s32 @p0 $0x1  }
0x13: {  	[smem:$0x3FAF] =	sst s0;
	s0 =	simm.s32 @!p1 $0x0  }
0x14: {  	s2 =	sld [smem:$0x3F93];
	s0 =	simm.s32 @p1 $0x1  }
0x15: {  	[smem:$0x3FB0] =	sst s0;
	s0 =	simm.s32 @!p2 $0x0  }
0x16: {  	s3 =	sld [smem:$0x3FDB];
	s0 =	simm.s32 @p2 $0x1  }
0x17: {  	s4 =	simm.s32 $0x1BF5;
	[smem:$0x3FB2] =	sst s0  }
0x18: {  	s0 =	sld [smem:$0x3F95];
	_ =	swait.ge [sflag:s4], $0x0  }
0x19: {  	s7 =	sld [smem:$0x3F96]  }
0x1a: {  	s8 =	sadd.s32 $0xFFFFE003, lr  }
0x1b: {  	s9 =	sadd.s32 $0xFFFFFEF7, lr;
	s5 =	simm.s32 $0xFFFFFFFF;
	p2 =	slt.u32 s8, $0xFFFFF086  }
0x1c: {  	p1 =	slt.u32 s9, $0xF7A;
	s5 =	simm.s32 @!p2 $0x0  }
0x1d: {  	s5 =	simm.s32 @p1 $0x1;
	p0 =	seq.s32 s7, s2  }
0x1e: {  	s7 =	smul.u32 @!p0 $0xF7A, s2;
	p2 =	seq.s32 @!p0 s5, $0x0  }
0x1f: {  	s9 =	smul.u32 $0xF7A, s1;
	s8 =	simm.s32 @!p0 $0x1BF5;
	p2 =	por !p2, p0  }
0x20: {  	[sflag:s8] =	ssyncset.s32 @!p0 $0xFFFFF086;
	s6 =	sadd.s32 @!p0 s3, s7;
	s7 =	simm.s32 @!p0 $0x108  }
0x21: {  	s3 =	sadd.s32 s3, s9;
	s6 =	sadd.s32 @!p0 $0x88, s6;
	s7 =	simm.s32 @p2 $0x1082  }
0x22: {  	[simem:s7], [sflag:s8] =	dma.local @!p0 [hbm:s6], $0xF7A  }
0x23: {  	s9 =	sor.u32 $0xD0000000, s2;
	s6 =	simm.s32 $0x108;
	_ =	swait.ge @!p0 [sflag:s8], $0x0  }
0x24: {  	s3 =	sadd.s32 $0x88, s3;
	s6 =	simm.s32 @!p1 $0x1082;
	[sflag:s4] =	ssyncset.s32 $0xFFFFF086  }
0x25: {  	[simem:s6], [sflag:s4] =	dma.local [hbm:s3], $0xF7A  }
0x26: {  	[smem:$0x3F96] =	sst s1;
	(tag) =	ssettag s2;
	_ =	strace s9  }
0x27: {  	s1 =	sld [smem:$0x3FA6]  }
0x28: {  	s2 =	sld [smem:$0x3FA7]  }
0x29: {  	s4 =	sld [smem:$0x3FA9]  }
0x2a: {  	p0 =	seq.s32 s5, $0x0;
	s5 =	sld [smem:$0x3FAA]  }
0x2b: {  	s6 =	sld [smem:$0x3FAB]  }
0x2c: {  	s7 =	sld [smem:$0x3FAC]  }
0x2d: {  	s3 =	simm.s32 $0x108;
	s8 =	sld [smem:$0x3FAD]  }
0x2e: {  	s3 =	simm.s32 @!p0 $0x1082;
	s9 =	sld [smem:$0x3FAE]  }
0x2f: {  	lr =	sadd.s32 s0, s3;
	s0 =	sld [smem:$0x3FA5]  }
0x30: {  	s3 =	sld [smem:$0x3FA8]  }
0x31: {  	[smem:$0x3FB1] =	sst s10  }
0x32: {  	s10 =	sld [smem:$0x3FAF];
	_ =	sdelay $0x3  }
0x33: {  	p0 =	seq.s32 s10, $0x1;
	s10 =	sld [smem:$0x3FB1];
	_ =	sdelay $0x3  }
0x34: {  	[smem:$0x3FB1] =	sst s10  }
0x35: {  	s10 =	sld [smem:$0x3FB0];
	_ =	sdelay $0x3  }
0x36: {  	p1 =	seq.s32 s10, $0x1;
	s10 =	sld [smem:$0x3FB1];
	_ =	sdelay $0x3  }
0x37: {  	[smem:$0x3FB1] =	sst s10  }
0x38: {  	s10 =	sld [smem:$0x3FB2]  }
0x39: {  	_ = 	snop;
	(pc) =	sbr.ind lr, $3  }
0x3a: {  	_ = 	snop  }
0x3b: {  	_ = 	snop  }
0x3c: {  	p2 =	seq.s32 s10, $0x1;
	s10 =	sld [smem:$0x3FB1]  }
0x3d: {  	_ =	shalt  }
0x3e: {  	_ =	shalt  }
0x3f: {  	_ =	shalt  }
0x40: {  	_ =	shalt  }
0x41: {  	_ =	shalt  }
0x42: {  	_ =	shalt  }
0x43: {  	_ =	shalt  }
0x44: {  	_ =	shalt  }
0x45: {  	_ =	shalt  }
0x46: {  	_ =	shalt  }
0x47: {  	_ =	shalt  }
0x48: {  	_ =	shalt  }
0x49: {  	_ =	shalt  }
0x4a: {  	_ =	shalt  }
0x4b: {  	_ =	shalt  }
0x4c: {  	_ =	shalt  }
0x4d: {  	_ =	shalt  }
0x4e: {  	_ =	shalt  }
0x4f: {  	_ =	shalt  }
0x50: {  	_ =	shalt  }
0x51: {  	_ =	shalt  }
0x52: {  	_ =	shalt  }
0x53: {  	_ =	shalt  }
0x54: {  	_ =	shalt  }
0x55: {  	_ =	shalt  }
0x56: {  	_ =	shalt  }
0x57: {  	_ =	shalt  }
0x58: {  	_ =	shalt  }
0x59: {  	_ =	shalt  }
0x5a: {  	_ =	shalt  }
0x5b: {  	_ =	shalt  }
0x5c: {  	_ =	shalt  }
0x5d: {  	_ =	shalt  }
0x5e: {  	_ =	shalt  }
0x5f: {  	_ =	shalt  }
0x60: {  	_ =	shalt  }
0x61: {  	_ =	shalt  }
0x62: {  	_ =	shalt  }
0x63: {  	_ =	shalt  }
0x64: {  	_ =	shalt  }
0x65: {  	_ =	shalt  }
0x66: {  	_ =	shalt  }
0x67: {  	_ =	shalt  }
0x68: {  	_ =	shalt  }
0x69: {  	_ =	shalt  }
0x6a: {  	_ =	shalt  }
0x6b: {  	_ =	shalt  }
0x6c: {  	_ =	shalt  }
0x6d: {  	_ =	shalt  }
0x6e: {  	_ =	shalt  }
0x6f: {  	_ =	shalt  }
0x70: {  	_ =	shalt  }
0x71: {  	_ =	shalt  }
0x72: {  	_ =	shalt  }
0x73: {  	_ =	shalt  }
0x74: {  	_ =	shalt  }
0x75: {  	_ =	shalt  }
0x76: {  	_ =	shalt  }
0x77: {  	_ =	shalt  }
0x78: {  	_ =	shalt  }
0x79: {  	_ =	shalt  }
0x7a: {  	_ =	shalt  }
0x7b: {  	_ =	shalt  }
0x7c: {  	_ =	shalt  }
0x7d: {  	_ =	shalt  }
0x7e: {  	_ =	shalt  }
0x7f: {  	_ =	shalt  }
0x80: {  	_ =	shalt  }
0x81: {  	_ =	shalt  }
0x82: {  	_ =	shalt  }
0x83: {  	_ =	shalt  }
0x84: {  	_ =	shalt  }
0x85: {  	_ =	shalt  }
0x86: {  	_ =	shalt  }
0x87: {  	_ =	shalt  }
.Lfunc_end0:
.L_simem_size_0:
called_computation.3_lowered:
.L_overlay_start_0:
0x88: {  	s2 =	sld [smem:$0x3FD9]  }
0x89: {  	s3 =	sld [smem:$0x3FFE];
	_ =	sdelay $0x1  }
0x8a: {  	s1 =	srdreg.scid  }
0x8b: {  	s0 =	sand.u32 $0x1, s1  }
0x8c: {  	s16 =	sshll.u32 s0, $0xA;
	s2 =	sadd.s32 s3, s2  }
0x8d: {  	s2 =	sadd.s32 s2, s16  }
0x8e: {  	[smem:$0x3FBD] =	sst s2  }
0x8f: {  	_ = 	snop  }
0x90: {  	(tm) =	ssettm $0x1  }
0x91: {  	s17 =	sld [smem:$0x3FFB];
	_ =	sdelay $0x3  }
0x92: {  	_ =	strace s17  }
0x93: {  	s2 =	sld [smem:$0x3FFC];
	_ =	sdelay $0x3  }
0x94: {  	_ =	strace s2  }
0x95: {  	s2 =	sld [smem:$0x3FFD];
	_ =	sdelay $0x3  }
0x96: {  	_ =	strace s2  }
0x97: {  	_ =	strace $0x8FFFFFFF  }
0x98: {  	s18 =	sld [smem:$0x3FDB];
	_ =	sdelay $0x1  }
0x99: {  	s19 =	simm.s32 $_scs_section_size  }
0x9a: {  	s4 =	simm.s32 $_size__tile_overlayer_lowered;
	s5 =	simm.s32 $_tile_overlayer_lowered  }
0x9b: {  	s22 =	simm.s32 $0x1BFF;
	s21 =	sshll.u32 s5, $0x1;
	s2 =	sadd.s32 s19, s18  }
0x9c: {  	s6 =	simm.s32 $0x0;
	s20 =	sshll.u32 s4, $0x1;
	s4 =	sadd.s32 s21, s2  }
0x9d: {  	[timem:s6], [sflag:s22] =	dma.local [hbm:s4], s20  }
0x9e: {  	_ =	swait.ge [sflag:s22], s20  }
0x9f: {  	s3 =	ssub.s32 $0x0, s20;
	[sflag:s22] =	ssyncset.done $0x0  }
0xa0: {  	[sflag:s22] =	ssyncadd.s32 s3;
	_ =	sdelay $0x1  }
0xa1: {  	s23 =	simm.s32 $0x1B8B  }
0xa2: {  	_ =	swait.ge [sflag:s23], $0x1  }
0xa3: {  	[sflag:s23] =	ssyncset.done $0x0  }
0xa4: {  	s25 =	simm.s32 $0x1B8E;
	s24 =	sld [smem:$0x3FFE];
	[sflag:s23] =	ssyncadd.s32 $0xFFFFFFFF  }
0xa5: {  	s26 =	simm.s32 $execute0_lowered;
	[smem:$0x3FD2] =	sst s25  }
0xa6: {  	s4 =	sshll.u32 s26, $0x1;
	_ =	strace $0x8000004F;
	[dreg:$0x1] =	wrdreg $0xFFFFFFFF  }
0xa7: {  	s28 =	simm.s32 $_size_execute0_lowered;
	s2 =	sadd.s32 s2, s4;
	[dreg:$0x0] =	wrdreg $0x0  }
0xa8: {  	s4 =	sshll.u32 s28, $0x1;
	[dreg:$0x2] =	wrdreg s2  }
0xa9: {  	[dreg:$0x3] =	wrdreg s4  }
0xaa: {  	[dreg:$0x4] =	wrdreg $0xC0  }
0xab: {  	_ =	task [dreg:s6], $0x5FFFF  }
0xac: {  	[dreg:$0x1] =	wrdreg $0xFFFFFFFF  }
0xad: {  	[dreg:$0x0] =	wrdreg $0x60  }
0xae: {  	[dreg:$0x2] =	wrdreg s24  }
0xaf: {  	[dreg:$0x3] =	wrdreg $0x0  }
0xb0: {  	[dreg:$0x4] =	wrdreg $0x9  }
0xb1: {  	_ =	task.clear_ibuf [dreg:s6], $0x5FFFF;
	_ =	strace $0x9000004F  }
0xb2: {  	s29 =	simm.s32 $0x9;
	_ =	strace $0x80000051  }
0xb3: {  	_ =	swait.ge [sflag:s29], $0x1  }
0xb4: {  	[sflag:s29] =	ssyncadd.s32 $0xFFFFFFFF  }
0xb5: {  	_ =	strace $0x90000051  }
0xb6: {  	_ =	sfence  }
0xb7: {  	s30 =	sld [smem:$0x0];
	_ =	sdelay $0x2  }
0xb8: {  	s31 =	sshll.u32 s1, $0xD;
	s1 =	sshrl.u32 s1, $0x2  }
0xb9: {  	s3 =	sand.u32 $0x4000, s31;
	s1 =	sadd.s32 s1, s30  }
0xba: {  	s0 =	sor.u32 s3, s0;
	s1 =	sshll.u32 s1, $0x11  }
0xbb: {  	s0 =	sor.u32 s1, s0  }
0xbc: {  	s0 =	sadd.s32 $0x8F2B, s0  }
0xbd: {  	[sflag:s0] =	ssyncadd.remote.s32 $0x1  }
0xbe: {  	_ =	sfence.sel $0xFFFF  }
0xbf: {  	[dreg:$0x0] =	wrdreg $0xFFFFFFFF;
	(pc) =	sbr.abs _section_cstart, $3  }
0xc0: {  	[dreg:$0x1] =	wrdreg $0xFFFFFFFF  }
0xc1: {  	_ =	task.clear_ibuf [dreg:s6], $0x2FFFF;
	_ =	strace $0x9FFFFFFF  }
0xc2: {  	(tm) =	ssettm $0x7FFFFFFF  }
0xc3: {  	_ =	shalt  }
tec
execute0_lowered:
.L_overlay_start_1:
0x0: {  	(tag) =	ssettag $0x1  }
0x1: {  	s0 =	rddreg [dreg:$0x0]  }
0x2: {  	s1 =	rddreg [dreg:$0x1];
	s3 =	simm.s32 $0x0  }
0x3: {  	s2 =	srdreg.scid;
	s13 =	stileid.u32;
	s24 =	simm.s32 $0x18700  }
0x4: {  	s12 =	simm.s32 $0x18800;
	s14 =	simm.s32 $0x18B00;
	s16 =	simm.s32 $0x18C00  }
0x5: {  	s15 =	simm.s32 $0x18900;
	s19 =	simm.s32 $0x18780;
	s17 =	simm.s32 $0x18A00  }
0x6: {  	s20 =	simm.s32 $0x18B80;
	s21 =	simm.s32 $0x18880;
	s22 =	simm.s32 $0x18C80  }
0x7: {  	s23 =	simm.s32 $0x18980;
	s18 =	simm.s32 $0x18E00;
	s28 =	simm.s32 $0x1BF00  }
0x8: {  	s29 =	simm.s32 $0x3;
	s30 =	simm.s32 $0x5;
	s5 =	smul.u32 $0x18700, s13  }
0x9: {  	s31 =	simm.s32 $0x4;
	[smem:$0x7FF] =	sst s3;
	s9 =	smul.u32 $0x1880, s13  }
0xa: {  	s2 =	sand.u32 $0x1, s2;
	s6 =	sadd.s32 $0x36000, s0;
	s10 =	smul.u32 $0x61C00, s13  }
0xb: {  	s4 =	smul.u32 $0x187000, s2;
	_ =	strace $0x80000050;
	[dreg:$0x3] =	wrdreg s19  }
0xc: {  	s7 =	sadd.s32 $0x1A600, s0;
	s8 =	smul.u32 $0x30E00, s2;
	[dreg:$0x4] =	wrdreg s20  }
0xd: {  	s2 =	ssub.s32 $0x2, s2;
	s19 =	simm.s32 $0x1;
	[dreg:$0x5] =	wrdreg s21  }
0xe: {  	s20 =	simm.s32 $0x80;
	s21 =	simm.s32 $0x18F00;
	[dreg:$0x6] =	wrdreg s22  }
0xf: {  	s22 =	simm.s32 $0x19F00;
	[dreg:$0x7] =	wrdreg s23;
	s23 =	simm.s32 $0x18D00  }
0x10: {  	s25 =	sshrl.u32 s2, $0x1;
	s4 =	sadd.s32 s5, s4;
	s8 =	sadd.s32 s8, s0  }
0x11: {  	s2 =	ssub.s32 s2, s25;
	s5 =	sadd.s32 s7, s9;
	s25 =	simm.s32 $0x18D80  }
0x12: {  	s4 =	sshrl.u32 s4, $0x3;
	s2 =	smax.u32 s2, $0x1;
	[dreg:$0x8] =	wrdreg s25  }
0x13: {  	s0 =	sadd.s32 s4, s0;
	s4 =	sadd.s32 s6, s9;
	s9 =	sor.u32 $0x20, s9  }
0x14: {  	s8 =	sadd.s32 $0x4E800, s8;
	[dreg:$0xc] =	wrdreg s2;
	s6 =	sadd.s32 s6, s9  }
0x15: {  	s25 =	simm.s32 $0x2;
	s26 =	sadd.s32 s7, s9;
	[dreg:$0xa] =	wrdreg s6  }
0x16: {  	s7 =	sshll.u32 s13, $0xB;
	s11 =	sadd.s32 $0xB0400, s0;
	[dreg:$0xb] =	wrdreg s26  }
0x17: {  	s9 =	sshrl.u32 s10, $0x2;
	s2 =	sadd.s32 s7, s1;
	[dreg:$0xf] =	wrdreg s11  }
0x18: {  	s0 =	simm.s32 $0x6;
	s10 =	sadd.s32 s9, s1;
	[dreg:$0xd] =	wrdreg s2  }
0x19: {  	s26 =	simm.s32 $0x18A80;
	s6 =	simm.s32 $0x7;
	[dreg:$0xe] =	wrdreg s10  }
0x1a: {  	v0 =	vimm.f32 $0.0e+00;
	s7 =	simm.s32 $0x0;
	[dreg:$0x9] =	wrdreg s26;
	s26 =	simm.s32 $0x1AF00  }
.LBB2_1:
0x1b: {  	[dreg:$0x10] =	wrdreg s7;
	s2 =	simm.s32 $0x0  }
.LBB2_2:
0x1c: {  	p0 =	sne.s32 s2, $0x1F80  }
.Ltmp0:
0x1d: {  	_ = 	snop;
	(pc) =	sbr.rel @p0 .LBB2_2-.Ltmp0, $4  }
0x1e: {  	_ = 	snop  }
0x1f: {  	s7 =	sshra.s32 s2, $0x2  }
0x20: {  	[tilespmem:s7+$0x1CF00] =	vst v0  }
0x21: {  	s2 =	sadd.s32 $0x80, s2;
	[tilespmem:s7+$0x1CF10] =	vst v0  }
0x22: {  	s2 =	sadd.s32 $0x0, s13  }
0x23: {  	p0 =	sgt.u32 s2, $0x30D  }
0x24: {  	s11 =	rddreg [dreg:$0xd];
	s2 =	simm.s32 @!p0 $0x1CF00;
	s10 =	simm.s32 @!p0 $0x7  }
0x25: {  	[spmem:s11] =	stream.linear.scatter @!p0 [tilespmem:s2], [sflag:$0x7], $0x800, $0x38;
	[tilespmem:$0x1D700] =	vst v63  }
0x26: {  	s7 =	simm.s32 $0x10;
	_ =	swait.ge @!p0 [sflag:s10], $0x800  }
0x27: {  	s9 =	simm.s32 $0x20;
	s2 =	sadd.s32 $0x8000, s11;
	[sflag:s10] =	ssyncset.done @!p0 $0x0  }
.LBB2_4:
0x28: {  	s11 =	sadd.s32 s7, s13;
	s7 =	smov.u32 s9;
	s9 =	sadd.s32 $0x10, s9  }
0x29: {  	[sflag:s10] =	ssyncadd.s32 @!p0 $0xFFFFF800;
	p1 =	sne.s32 s9, $0x310  }
.Ltmp1:
0x2a: {  	p0 =	sgt.u32 s11, $0x30D;
	(pc) =	sbr.rel @p1 .LBB2_4-.Ltmp1, $4  }
0x2b: {  	s11 =	simm.s32 @!p0 $0x1CF00;
	s10 =	simm.s32 @!p0 $0x7  }
0x2c: {  	[spmem:s2] =	stream.linear.scatter @!p0 [tilespmem:s11], [sflag:$0x7], $0x800, $0x38;
	[tilespmem:$0x1D700] =	vst v63  }
0x2d: {  	_ =	swait.ge @!p0 [sflag:s10], $0x800  }
0x2e: {  	s2 =	sadd.s32 $0x8000, s2;
	[sflag:s10] =	ssyncset.done @!p0 $0x0  }
0x2f: {  	s7 =	sadd.s32 s7, s13  }
0x30: {  	p1 =	sgt.u32 s7, $0x30D  }
0x31: {  	[sflag:s10] =	ssyncadd.s32 @!p0 $0xFFFFF800;
	s7 =	simm.s32 @!p1 $0x1CF00;
	s9 =	simm.s32 @!p1 $0x7  }
0x32: {  	[spmem:s2] =	stream.linear.scatter @!p1 [tilespmem:s7], [sflag:$0x7], $0x800, $0x38;
	[tilespmem:$0x1D700] =	vst v63  }
0x33: {  	_ =	swait.ge @!p1 [sflag:s9], $0x800  }
0x34: {  	[sflag:s9] =	ssyncset.done @!p1 $0x0  }
0x35: {  	[sflag:s9] =	ssyncadd.s32 @!p1 $0xFFFFF800  }
0x36: {  	s13 =	simm.s32 $0x0;
	[bflag:$0x0] =	sbarrier.arrive $0xFFFF  }
0x37: {  	[tilespmem:s24], [sflag:$0x1] =	stream.linear.gather [hbm4b:s4+s13], $0x100, $0x38;
	[tilespmem:$0x1D700] =	vst v63  }
0x38: {  	_ = 	snop  }
0x39: {  	[tilespmem:s12], [sflag:$0x1] =	stream.linear.gather [hbm4b:s5+s13], $0x100, $0x38;
	[tilespmem:$0x1D700] =	vst v63  }
0x3a: {  	p0 =	por $0x1, $0x1;
	s9 =	rddreg [dreg:$0xa]  }
0x3b: {  	[tilespmem:s14], [sflag:$0x2] =	stream.linear.gather [hbm4b:s9+s13], $0x100, $0x38;
	[tilespmem:$0x1D700] =	vst v63  }
0x3c: {  	s2 =	simm.s32 @!p0 $0x5;
	s10 =	rddreg [dreg:$0xb]  }
0x3d: {  	[tilespmem:s16], [sflag:$0x2] =	stream.linear.gather [hbm4b:s10+s13], $0x100, $0x38;
	[tilespmem:$0x1D700] =	vst v63  }
0x3e: {  	_ =	swait.ge @!p0 [sflag:s2], $0x1000  }
0x3f: {  	[sflag:s2] =	ssyncset.done @!p0 $0x0  }
0x40: {  	[sflag:s2] =	ssyncadd.s32 @!p0 $0xFFFFF000  }
0x41: {  	_ =	swait.ge @!p0 [sflag:s2], $0x1000  }
0x42: {  	s7 =	sadd.s32 $0x0, s4;
	[sflag:s2] =	ssyncset.done @!p0 $0x0  }
0x43: {  	s11 =	sadd.s32 $0x40, s7;
	s10 =	sadd.s32 $0x0, s5;
	[sflag:s2] =	ssyncadd.s32 @!p0 $0xFFFFF000  }
0x44: {  	[tilespmem:s15], [sflag:$0x1] =	stream.linear.gather [hbm4b:s11+s3], $0x100, $0x38;
	[tilespmem:$0x1D700] =	vst v63  }
0x45: {  	s9 =	simm.s32 @!p0 $0x4;
	s13 =	sadd.s32 $0x40, s10  }
0x46: {  	[tilespmem:s17], [sflag:$0x1] =	stream.linear.gather [hbm4b:s13+s3], $0x100, $0x38;
	[tilespmem:$0x1D700] =	vst v63  }
0x47: {  	_ =	swait.ge @!p0 [sflag:s9], $0x1000  }
0x48: {  	[sflag:s9] =	ssyncset.done @!p0 $0x0  }
0x49: {  	[sflag:s9] =	ssyncadd.s32 @!p0 $0xFFFFF000  }
0x4a: {  	_ =	swait.ge @!p0 [sflag:s9], $0x1000  }
0x4b: {  	s2 =	simm.s32 @!p0 $0x1AF00;
	[sflag:s9] =	ssyncset.done @!p0 $0x0  }
0x4c: {  	s11 =	simm.s32 @!p0 $0x80;
	[sflag:s9] =	ssyncadd.s32 @!p0 $0xFFFFF000;
	s9 =	simm.s32 @!p0 $0x18E00  }
0x4d: {  	[spmem:s1] =	stream.indirect.scatter.add.f32 @!p0 [tilespmem:s2], [sflag:$0x6], $0x20, s9, s11, $0xb8;
	[tilespmem:$0x1D700] =	vst v63  }
0x4e: {  	s2 =	simm.s32 @!p0 $0x18E80;
	s9 =	simm.s32 @!p0 $0x1BF00  }
0x4f: {  	[spmem:s1] =	stream.indirect.scatter.add.f32 @!p0 [tilespmem:s9], [sflag:$0x6], $0x20, s2, s11, $0xb8;
	[tilespmem:$0x1D700] =	vst v63  }
0x50: {  	_ =	swait.ge [sflag:s19], $0x100  }
0x51: {  	[sflag:s19] =	ssyncset.done $0x0  }
0x52: {  	[sflag:s19] =	ssyncadd.s32 $0xFFFFFF00  }
0x53: {  	_ =	swait.ge [sflag:s19], $0x100  }
0x54: {  	[sflag:s19] =	ssyncset.done $0x0  }
0x55: {  	[sflag:s19] =	ssyncadd.s32 $0xFFFFFF00  }
0x56: {  	[tilespmem:s21], [sflag:$0x3] =	stream.indirect.gather [hbm4b:s8+s20], $0x20, s24, s20, $0xb8;
	[tilespmem:$0x1D700] =	vst v63  }
0x57: {  	s9 =	simm.s32 @!p0 $0x6;
	s17 =	rddreg [dreg:$0x3]  }
0x58: {  	[tilespmem:s22], [sflag:$0x3] =	stream.indirect.gather [hbm4b:s8+s20], $0x20, s17, s20, $0xb8;
	[tilespmem:$0x1D700] =	vst v63  }
0x59: {  	_ =	swait.ge @!p0 [sflag:s9], $0x1000  }
0x5a: {  	[sflag:s9] =	ssyncset.done @!p0 $0x0  }
0x5b: {  	[sflag:s9] =	ssyncadd.s32 @!p0 $0xFFFFF000  }
0x5c: {  	_ =	swait.ge @!p0 [sflag:s9], $0x1000  }
0x5d: {  	[sflag:s9] =	ssyncset.done @!p0 $0x0  }
0x5e: {  	s7 =	sadd.s32 $0x60, s7;
	[sflag:s9] =	ssyncadd.s32 @!p0 $0xFFFFF000  }
0x5f: {  	[tilespmem:s23], [sflag:$0x2] =	stream.linear.gather [hbm4b:s7+s3], $0x100, $0x38;
	[tilespmem:$0x1D700] =	vst v63  }
0x60: {  	s11 =	sadd.s32 $0x60, s10  }
0x61: {  	[tilespmem:s18], [sflag:$0x2] =	stream.linear.gather [hbm4b:s11+s3], $0x100, $0x38;
	[tilespmem:$0x1D700] =	vst v63  }
0x62: {  	_ =	swait.ge [sflag:s25], $0x100  }
0x63: {  	[sflag:s25] =	ssyncset.done $0x0  }
0x64: {  	[sflag:s25] =	ssyncadd.s32 $0xFFFFFF00  }
0x65: {  	_ =	swait.ge [sflag:s25], $0x100  }
0x66: {  	[sflag:s25] =	ssyncset.done $0x0  }
0x67: {  	[sflag:s25] =	ssyncadd.s32 $0xFFFFFF00  }
0x68: {  	[tilespmem:s26], [sflag:$0x4] =	stream.indirect.gather [hbm4b:s8+s20], $0x20, s14, s20, $0xb8;
	[tilespmem:$0x1D700] =	vst v63  }
0x69: {  	s13 =	rddreg [dreg:$0x4]  }
0x6a: {  	[tilespmem:s28], [sflag:$0x4] =	stream.indirect.gather [hbm4b:s8+s20], $0x20, s13, s20, $0xb8;
	[tilespmem:$0x1D700] =	vst v63  }
0x6b: {  	_ =	swait.ge [sflag:s29], $0x1000  }
0x6c: {  	[sflag:s29] =	ssyncset.done $0x0  }
0x6d: {  	[sflag:s29] =	ssyncadd.s32 $0xFFFFF000  }
0x6e: {  	_ =	swait.ge [sflag:s29], $0x1000  }
0x6f: {  	[sflag:s29] =	ssyncset.done $0x0  }
0x70: {  	[sflag:s29] =	ssyncadd.s32 $0xFFFFF000  }
0x71: {  	[spmem:s1] =	stream.indirect.scatter.add.f32 [tilespmem:s21], [sflag:$0x5], $0x20, s12, s20, $0xb8;
	[tilespmem:$0x1D700] =	vst v63  }
0x72: {  	s14 =	rddreg [dreg:$0x5]  }
0x73: {  	[spmem:s1] =	stream.indirect.scatter.add.f32 [tilespmem:s22], [sflag:$0x5], $0x20, s14, s20, $0xb8;
	[tilespmem:$0x1D700] =	vst v63  }
0x74: {  	_ =	swait.ge [sflag:s30], $0x1000  }
0x75: {  	[sflag:s30] =	ssyncset.done $0x0  }
0x76: {  	p0 =	por $0x0, $0x0;
	[sflag:s30] =	ssyncadd.s32 $0xFFFFF000  }
0x77: {  	s2 =	sadd.s32 @!p0 $0x0, s4;
	_ =	swait.ge [sflag:s30], $0x1000  }
0x78: {  	s7 =	simm.s32 @!p0 $0x0;
	s10 =	simm.s32 @!p0 $0x18700;
	[sflag:s30] =	ssyncset.done $0x0  }
0x79: {  	s9 =	sadd.s32 @!p0 $0x80, s2;
	s11 =	sadd.s32 @!p0 $0x0, s5;
	[sflag:s30] =	ssyncadd.s32 $0xFFFFF000  }
0x7a: {  	[tilespmem:s10], [sflag:$0x1] =	stream.linear.gather @!p0 [hbm4b:s9+s7], $0x100, $0x38;
	[tilespmem:$0x1D700] =	vst v63  }
0x7b: {  	s9 =	simm.s32 @!p0 $0x18800;
	s10 =	sadd.s32 @!p0 $0x80, s11  }
0x7c: {  	[tilespmem:s9], [sflag:$0x1] =	stream.linear.gather @!p0 [hbm4b:s10+s7], $0x100, $0x38;
	[tilespmem:$0x1D700] =	vst v63  }
0x7d: {  	_ =	swait.ge [sflag:s31], $0x1000  }
0x7e: {  	[sflag:s31] =	ssyncset.done $0x0  }
0x7f: {  	[sflag:s31] =	ssyncadd.s32 $0xFFFFF000  }
0x80: {  	_ =	swait.ge [sflag:s31], $0x1000  }
0x81: {  	[sflag:s31] =	ssyncset.done $0x0  }
0x82: {  	[sflag:s31] =	ssyncadd.s32 $0xFFFFF000  }
0x83: {  	[spmem:s1] =	stream.indirect.scatter.add.f32 [tilespmem:s26], [sflag:$0x6], $0x20, s16, s20, $0xb8;
	[tilespmem:$0x1D700] =	vst v63  }
0x84: {  	s17 =	rddreg [dreg:$0x6]  }
0x85: {  	[spmem:s1] =	stream.indirect.scatter.add.f32 [tilespmem:s28], [sflag:$0x6], $0x20, s17, s20, $0xb8;
	[tilespmem:$0x1D700] =	vst v63  }
0x86: {  	_ =	swait.ge [sflag:s19], $0x100  }
0x87: {  	[sflag:s19] =	ssyncset.done $0x0  }
0x88: {  	[sflag:s19] =	ssyncadd.s32 $0xFFFFFF00  }
0x89: {  	_ =	swait.ge [sflag:s19], $0x100  }
0x8a: {  	[sflag:s19] =	ssyncset.done $0x0  }
0x8b: {  	[sflag:s19] =	ssyncadd.s32 $0xFFFFFF00  }
0x8c: {  	[tilespmem:s21], [sflag:$0x3] =	stream.indirect.gather [hbm4b:s8+s20], $0x20, s15, s20, $0xb8;
	[tilespmem:$0x1D700] =	vst v63  }
0x8d: {  	s18 =	rddreg [dreg:$0x7]  }
0x8e: {  	[tilespmem:s22], [sflag:$0x3] =	stream.indirect.gather [hbm4b:s8+s20], $0x20, s18, s20, $0xb8;
	[tilespmem:$0x1D700] =	vst v63  }
0x8f: {  	_ =	swait.ge [sflag:s0], $0x1000  }
0x90: {  	[sflag:s0] =	ssyncset.done $0x0  }
0x91: {  	[sflag:s0] =	ssyncadd.s32 $0xFFFFF000  }
0x92: {  	_ =	swait.ge [sflag:s0], $0x1000  }
0x93: {  	[sflag:s0] =	ssyncset.done $0x0  }
0x94: {  	s2 =	sadd.s32 @!p0 $0xA0, s2;
	s9 =	simm.s32 @!p0 $0x18B00;
	[sflag:s0] =	ssyncadd.s32 $0xFFFFF000  }
0x95: {  	[tilespmem:s9], [sflag:$0x2] =	stream.linear.gather @!p0 [hbm4b:s2+s7], $0x100, $0x38;
	[tilespmem:$0x1D700] =	vst v63  }
0x96: {  	s2 =	sadd.s32 @!p0 $0xA0, s11;
	s9 =	simm.s32 @!p0 $0x18C00  }
0x97: {  	[tilespmem:s9], [sflag:$0x2] =	stream.linear.gather @!p0 [hbm4b:s2+s7], $0x100, $0x38;
	[tilespmem:$0x1D700] =	vst v63  }
0x98: {  	_ =	swait.ge [sflag:s25], $0x100  }
0x99: {  	[sflag:s25] =	ssyncset.done $0x0  }
0x9a: {  	[sflag:s25] =	ssyncadd.s32 $0xFFFFFF00  }
0x9b: {  	_ =	swait.ge [sflag:s25], $0x100  }
0x9c: {  	[sflag:s25] =	ssyncset.done $0x0  }
0x9d: {  	[sflag:s25] =	ssyncadd.s32 $0xFFFFFF00  }
0x9e: {  	[tilespmem:s26], [sflag:$0x4] =	stream.indirect.gather [hbm4b:s8+s20], $0x20, s23, s20, $0xb8;
	[tilespmem:$0x1D700] =	vst v63  }
0x9f: {  	s24 =	rddreg [dreg:$0x8]  }
0xa0: {  	[tilespmem:s28], [sflag:$0x4] =	stream.indirect.gather [hbm4b:s8+s20], $0x20, s24, s20, $0xb8;
	[tilespmem:$0x1D700] =	vst v63  }
0xa1: {  	_ =	swait.ge [sflag:s29], $0x1000  }
0xa2: {  	p1 =	por $0x0, $0x0;
	[sflag:s29] =	ssyncset.done $0x0  }
0xa3: {  	s12 =	simm.s32 $0x18A00;
	s10 =	simm.s32 $0x3;
	[sflag:s29] =	ssyncadd.s32 $0xFFFFF000  }
0xa4: {  	s17 =	simm.s32 $0x18D00;
	s18 =	simm.s32 $0x18900;
	_ =	swait.ge [sflag:s29], $0x1000  }
0xa5: {  	s11 =	simm.s32 $0x100;
	s9 =	simm.s32 $0x80;
	[sflag:s29] =	ssyncset.done $0x0  }
0xa6: {  	s23 =	simm.s32 $0x18E00;
	s2 =	rddreg [dreg:$0x9];
	[sflag:s29] =	ssyncadd.s32 $0xFFFFF000  }
.LBB2_6:
0xa7: {  	[spmem:s1] =	stream.indirect.scatter.add.f32 [tilespmem:s21], [sflag:$0x5], $0x20, s12, s20, $0xb8;
	[tilespmem:$0x1D700] =	vst v63  }
0xa8: {  	s14 =	simm.s32 @!p1 $0x5  }
0xa9: {  	[spmem:s1] =	stream.indirect.scatter.add.f32 [tilespmem:s22], [sflag:$0x5], $0x20, s2, s20, $0xb8;
	[tilespmem:$0x1D700] =	vst v63  }
0xaa: {  	_ =	swait.ge @!p1 [sflag:s14], $0x1000  }
0xab: {  	[sflag:s14] =	ssyncset.done @!p1 $0x0  }
0xac: {  	[sflag:s14] =	ssyncadd.s32 @!p1 $0xFFFFF000  }
0xad: {  	_ =	swait.ge @!p1 [sflag:s14], $0x1000  }
0xae: {  	s13 =	sadd.s32 s9, s4;
	[sflag:s14] =	ssyncset.done @!p1 $0x0  }
0xaf: {  	s15 =	sadd.s32 $0x40, s13;
	s2 =	sadd.s32 s9, s5;
	[sflag:s14] =	ssyncadd.s32 @!p1 $0xFFFFF000  }
0xb0: {  	[tilespmem:s18], [sflag:$0x1] =	stream.linear.gather [hbm4b:s15+s3], $0x100, $0x38;
	[tilespmem:$0x1D700] =	vst v63  }
0xb1: {  	s24 =	sadd.s32 $0x40, s2;
	s15 =	simm.s32 @!p1 $0x4  }
0xb2: {  	[tilespmem:s12], [sflag:$0x1] =	stream.linear.gather [hbm4b:s24+s3], $0x100, $0x38;
	[tilespmem:$0x1D700] =	vst v63  }
0xb3: {  	_ =	swait.ge @!p1 [sflag:s15], $0x1000  }
0xb4: {  	[sflag:s15] =	ssyncset.done @!p1 $0x0  }
0xb5: {  	[sflag:s15] =	ssyncadd.s32 @!p1 $0xFFFFF000  }
0xb6: {  	_ =	swait.ge @!p1 [sflag:s15], $0x1000  }
0xb7: {  	s16 =	simm.s32 @!p1 $0x80;
	[sflag:s15] =	ssyncset.done @!p1 $0x0  }
0xb8: {  	s14 =	simm.s32 @!p1 $0x1AF00;
	s24 =	simm.s32 @!p1 $0x18E00;
	[sflag:s15] =	ssyncadd.s32 @!p1 $0xFFFFF000  }
0xb9: {  	[spmem:s1] =	stream.indirect.scatter.add.f32 @!p1 [tilespmem:s14], [sflag:$0x6], $0x20, s24, s16, $0xb8;
	[tilespmem:$0x1D700] =	vst v63  }
0xba: {  	s15 =	simm.s32 @!p1 $0x1BF00;
	s14 =	simm.s32 @!p1 $0x18E80  }
0xbb: {  	[spmem:s1] =	stream.indirect.scatter.add.f32 @!p1 [tilespmem:s15], [sflag:$0x6], $0x20, s14, s16, $0xb8;
	[tilespmem:$0x1D700] =	vst v63  }
0xbc: {  	_ =	swait.ge [sflag:s19], $0x100  }
0xbd: {  	[sflag:s19] =	ssyncset.done $0x0  }
0xbe: {  	[sflag:s19] =	ssyncadd.s32 $0xFFFFFF00  }
0xbf: {  	_ =	swait.ge [sflag:s19], $0x100  }
0xc0: {  	[sflag:s19] =	ssyncset.done $0x0  }
0xc1: {  	s24 =	simm.s32 $0x18700;
	[sflag:s19] =	ssyncadd.s32 $0xFFFFFF00  }
0xc2: {  	[tilespmem:s21], [sflag:$0x3] =	stream.indirect.gather [hbm4b:s8+s20], $0x20, s24, s20, $0xb8;
	[tilespmem:$0x1D700] =	vst v63  }
0xc3: {  	s15 =	simm.s32 @!p1 $0x6;
	s16 =	rddreg [dreg:$0x3]  }
0xc4: {  	[tilespmem:s22], [sflag:$0x3] =	stream.indirect.gather [hbm4b:s8+s20], $0x20, s16, s20, $0xb8;
	[tilespmem:$0x1D700] =	vst v63  }
0xc5: {  	_ =	swait.ge @!p1 [sflag:s15], $0x1000  }
0xc6: {  	[sflag:s15] =	ssyncset.done @!p1 $0x0  }
0xc7: {  	[sflag:s15] =	ssyncadd.s32 @!p1 $0xFFFFF000  }
0xc8: {  	_ =	swait.ge @!p1 [sflag:s15], $0x1000  }
0xc9: {  	[sflag:s15] =	ssyncset.done @!p1 $0x0  }
0xca: {  	s13 =	sadd.s32 $0x60, s13;
	[sflag:s15] =	ssyncadd.s32 @!p1 $0xFFFFF000  }
0xcb: {  	[tilespmem:s17], [sflag:$0x2] =	stream.linear.gather [hbm4b:s13+s3], $0x100, $0x38;
	[tilespmem:$0x1D700] =	vst v63  }
0xcc: {  	s2 =	sadd.s32 $0x60, s2  }
0xcd: {  	[tilespmem:s23], [sflag:$0x2] =	stream.linear.gather [hbm4b:s2+s3], $0x100, $0x38;
	[tilespmem:$0x1D700] =	vst v63  }
0xce: {  	_ =	swait.ge [sflag:s25], $0x100  }
0xcf: {  	[sflag:s25] =	ssyncset.done $0x0  }
0xd0: {  	[sflag:s25] =	ssyncadd.s32 $0xFFFFFF00  }
0xd1: {  	_ =	swait.ge [sflag:s25], $0x100  }
0xd2: {  	[sflag:s25] =	ssyncset.done $0x0  }
0xd3: {  	s14 =	simm.s32 $0x18B00;
	[sflag:s25] =	ssyncadd.s32 $0xFFFFFF00  }
0xd4: {  	[tilespmem:s26], [sflag:$0x4] =	stream.indirect.gather [hbm4b:s8+s20], $0x20, s14, s20, $0xb8;
	[tilespmem:$0x1D700] =	vst v63  }
0xd5: {  	s16 =	rddreg [dreg:$0x4]  }
0xd6: {  	[tilespmem:s28], [sflag:$0x4] =	stream.indirect.gather [hbm4b:s8+s20], $0x20, s16, s20, $0xb8;
	[tilespmem:$0x1D700] =	vst v63  }
0xd7: {  	_ =	swait.ge [sflag:s29], $0x1000  }
0xd8: {  	[sflag:s29] =	ssyncset.done $0x0  }
0xd9: {  	[sflag:s29] =	ssyncadd.s32 $0xFFFFF000  }
0xda: {  	_ =	swait.ge [sflag:s29], $0x1000  }
0xdb: {  	[sflag:s29] =	ssyncset.done $0x0  }
0xdc: {  	s16 =	simm.s32 $0x18800;
	[sflag:s29] =	ssyncadd.s32 $0xFFFFF000  }
0xdd: {  	[spmem:s1] =	stream.indirect.scatter.add.f32 [tilespmem:s21], [sflag:$0x5], $0x20, s16, s20, $0xb8;
	[tilespmem:$0x1D700] =	vst v63  }
0xde: {  	s15 =	rddreg [dreg:$0x5]  }
0xdf: {  	[spmem:s1] =	stream.indirect.scatter.add.f32 [tilespmem:s22], [sflag:$0x5], $0x20, s15, s20, $0xb8;
	[tilespmem:$0x1D700] =	vst v63  }
0xe0: {  	_ =	swait.ge [sflag:s30], $0x1000  }
0xe1: {  	[sflag:s30] =	ssyncset.done $0x0  }
0xe2: {  	p1 =	sgt.u32 s10, $0x60;
	[sflag:s30] =	ssyncadd.s32 $0xFFFFF000  }
0xe3: {  	s13 =	sadd.s32 @!p1 s9, s4;
	_ =	swait.ge [sflag:s30], $0x1000  }
0xe4: {  	s9 =	sadd.s32 @!p1 s9, s5;
	s2 =	simm.s32 @!p1 $0x0;
	[sflag:s30] =	ssyncset.done $0x0  }
0xe5: {  	s14 =	sadd.s32 @!p1 $0x80, s13;
	s15 =	simm.s32 @!p1 $0x18700;
	[sflag:s30] =	ssyncadd.s32 $0xFFFFF000  }
0xe6: {  	[tilespmem:s15], [sflag:$0x1] =	stream.linear.gather @!p1 [hbm4b:s14+s2], $0x100, $0x38;
	[tilespmem:$0x1D700] =	vst v63  }
0xe7: {  	s16 =	simm.s32 @!p1 $0x18800;
	s14 =	sadd.s32 @!p1 $0x80, s9  }
0xe8: {  	[tilespmem:s16], [sflag:$0x1] =	stream.linear.gather @!p1 [hbm4b:s14+s2], $0x100, $0x38;
	[tilespmem:$0x1D700] =	vst v63  }
0xe9: {  	_ =	swait.ge [sflag:s31], $0x1000  }
0xea: {  	[sflag:s31] =	ssyncset.done $0x0  }
0xeb: {  	[sflag:s31] =	ssyncadd.s32 $0xFFFFF000  }
0xec: {  	_ =	swait.ge [sflag:s31], $0x1000  }
0xed: {  	[sflag:s31] =	ssyncset.done $0x0  }
0xee: {  	s16 =	simm.s32 $0x18C00;
	[sflag:s31] =	ssyncadd.s32 $0xFFFFF000  }
0xef: {  	[spmem:s1] =	stream.indirect.scatter.add.f32 [tilespmem:s26], [sflag:$0x6], $0x20, s16, s20, $0xb8;
	[tilespmem:$0x1D700] =	vst v63  }
0xf0: {  	s14 =	rddreg [dreg:$0x6]  }
0xf1: {  	[spmem:s1] =	stream.indirect.scatter.add.f32 [tilespmem:s28], [sflag:$0x6], $0x20, s14, s20, $0xb8;
	[tilespmem:$0x1D700] =	vst v63  }
0xf2: {  	_ =	swait.ge [sflag:s19], $0x100  }
0xf3: {  	[sflag:s19] =	ssyncset.done $0x0  }
0xf4: {  	[sflag:s19] =	ssyncadd.s32 $0xFFFFFF00  }
0xf5: {  	_ =	swait.ge [sflag:s19], $0x100  }
0xf6: {  	[sflag:s19] =	ssyncset.done $0x0  }
0xf7: {  	[sflag:s19] =	ssyncadd.s32 $0xFFFFFF00  }
0xf8: {  	[tilespmem:s21], [sflag:$0x3] =	stream.indirect.gather [hbm4b:s8+s20], $0x20, s18, s20, $0xb8;
	[tilespmem:$0x1D700] =	vst v63  }
0xf9: {  	s14 =	rddreg [dreg:$0x7]  }
0xfa: {  	[tilespmem:s22], [sflag:$0x3] =	stream.indirect.gather [hbm4b:s8+s20], $0x20, s14, s20, $0xb8;
	[tilespmem:$0x1D700] =	vst v63  }
0xfb: {  	_ =	swait.ge [sflag:s0], $0x1000  }
0xfc: {  	[sflag:s0] =	ssyncset.done $0x0  }
0xfd: {  	[sflag:s0] =	ssyncadd.s32 $0xFFFFF000  }
0xfe: {  	s7 =	smov.u32 s11;
	_ =	swait.ge [sflag:s0], $0x1000  }
0xff: {  	s13 =	sadd.s32 @!p1 $0xA0, s13;
	s15 =	sadd.s32 @!p1 $0xA0, s9;
	[sflag:s0] =	ssyncset.done $0x0  }
0x100: {  	s9 =	smov.u32 s7;
	s7 =	simm.s32 @!p1 $0x18B00;
	[sflag:s0] =	ssyncadd.s32 $0xFFFFF000  }
0x101: {  	[tilespmem:s7], [sflag:$0x2] =	stream.linear.gather @!p1 [hbm4b:s13+s2], $0x100, $0x38;
	[tilespmem:$0x1D700] =	vst v63  }
0x102: {  	s14 =	simm.s32 @!p1 $0x18C00  }
0x103: {  	[tilespmem:s14], [sflag:$0x2] =	stream.linear.gather @!p1 [hbm4b:s15+s2], $0x100, $0x38;
	[tilespmem:$0x1D700] =	vst v63  }
0x104: {  	_ =	swait.ge [sflag:s25], $0x100  }
0x105: {  	[sflag:s25] =	ssyncset.done $0x0  }
0x106: {  	[sflag:s25] =	ssyncadd.s32 $0xFFFFFF00  }
0x107: {  	_ =	swait.ge [sflag:s25], $0x100  }
0x108: {  	[sflag:s25] =	ssyncset.done $0x0  }
0x109: {  	[sflag:s25] =	ssyncadd.s32 $0xFFFFFF00  }
0x10a: {  	[tilespmem:s26], [sflag:$0x4] =	stream.indirect.gather [hbm4b:s8+s20], $0x20, s17, s20, $0xb8;
	[tilespmem:$0x1D700] =	vst v63  }
0x10b: {  	s11 =	sadd.s32 $0x80, s11;
	s15 =	rddreg [dreg:$0x8]  }
0x10c: {  	[tilespmem:s28], [sflag:$0x4] =	stream.indirect.gather [hbm4b:s8+s20], $0x20, s15, s20, $0xb8;
	[tilespmem:$0x1D700] =	vst v63  }
0x10d: {  	p0 =	sne.s32 s11, $0x1880;
	_ =	swait.ge [sflag:s29], $0x1000  }
.Ltmp2:
0x10e: {  	[sflag:s29] =	ssyncset.done $0x0;
	(pc) =	sbr.rel @p0 .LBB2_6-.Ltmp2, $4  }
0x10f: {  	[sflag:s29] =	ssyncadd.s32 $0xFFFFF000  }
0x110: {  	_ =	swait.ge [sflag:s29], $0x1000  }
0x111: {  	s10 =	sadd.s32 $0x2, s10;
	[sflag:s29] =	ssyncset.done $0x0  }
0x112: {  	p1 =	seq.s32 s9, $0x0;
	s2 =	rddreg [dreg:$0x9];
	[sflag:s29] =	ssyncadd.s32 $0xFFFFF000  }
0x113: {  	[spmem:s1] =	stream.indirect.scatter.add.f32 [tilespmem:s21], [sflag:$0x5], $0x20, s12, s20, $0xb8;
	[tilespmem:$0x1D700] =	vst v63  }
0x114: {  	s7 =	simm.s32 @!p1 $0x5  }
0x115: {  	[spmem:s1] =	stream.indirect.scatter.add.f32 [tilespmem:s22], [sflag:$0x5], $0x20, s2, s20, $0xb8;
	[tilespmem:$0x1D700] =	vst v63  }
0x116: {  	_ =	swait.ge @!p1 [sflag:s7], $0x1000  }
0x117: {  	[sflag:s7] =	ssyncset.done @!p1 $0x0  }
0x118: {  	[sflag:s7] =	ssyncadd.s32 @!p1 $0xFFFFF000  }
0x119: {  	_ =	swait.ge @!p1 [sflag:s7], $0x1000  }
0x11a: {  	s2 =	sadd.s32 s9, s4;
	[sflag:s7] =	ssyncset.done @!p1 $0x0  }
0x11b: {  	s13 =	sadd.s32 s9, s5;
	s11 =	sadd.s32 $0x40, s2;
	[sflag:s7] =	ssyncadd.s32 @!p1 $0xFFFFF000  }
0x11c: {  	[tilespmem:s18], [sflag:$0x1] =	stream.linear.gather [hbm4b:s11+s3], $0x100, $0x38;
	[tilespmem:$0x1D700] =	vst v63  }
0x11d: {  	s15 =	sadd.s32 $0x40, s13;
	s11 =	simm.s32 @!p1 $0x4  }
0x11e: {  	[tilespmem:s12], [sflag:$0x1] =	stream.linear.gather [hbm4b:s15+s3], $0x100, $0x38;
	[tilespmem:$0x1D700] =	vst v63  }
0x11f: {  	_ =	swait.ge @!p1 [sflag:s11], $0x1000  }
0x120: {  	[sflag:s11] =	ssyncset.done @!p1 $0x0  }
0x121: {  	[sflag:s11] =	ssyncadd.s32 @!p1 $0xFFFFF000  }
0x122: {  	_ =	swait.ge @!p1 [sflag:s11], $0x1000  }
0x123: {  	s14 =	simm.s32 @!p1 $0x80;
	[sflag:s11] =	ssyncset.done @!p1 $0x0  }
0x124: {  	s7 =	simm.s32 @!p1 $0x1AF00;
	[sflag:s11] =	ssyncadd.s32 @!p1 $0xFFFFF000;
	s11 =	simm.s32 @!p1 $0x18E00  }
0x125: {  	[spmem:s1] =	stream.indirect.scatter.add.f32 @!p1 [tilespmem:s7], [sflag:$0x6], $0x20, s11, s14, $0xb8;
	[tilespmem:$0x1D700] =	vst v63  }
0x126: {  	s7 =	simm.s32 @!p1 $0x18E80;
	s11 =	simm.s32 @!p1 $0x1BF00  }
0x127: {  	[spmem:s1] =	stream.indirect.scatter.add.f32 @!p1 [tilespmem:s11], [sflag:$0x6], $0x20, s7, s14, $0xb8;
	[tilespmem:$0x1D700] =	vst v63  }
0x128: {  	_ =	swait.ge [sflag:s19], $0x100  }
0x129: {  	[sflag:s19] =	ssyncset.done $0x0  }
0x12a: {  	[sflag:s19] =	ssyncadd.s32 $0xFFFFFF00  }
0x12b: {  	_ =	swait.ge [sflag:s19], $0x100  }
0x12c: {  	[sflag:s19] =	ssyncset.done $0x0  }
0x12d: {  	[sflag:s19] =	ssyncadd.s32 $0xFFFFFF00  }
0x12e: {  	[tilespmem:s21], [sflag:$0x3] =	stream.indirect.gather [hbm4b:s8+s20], $0x20, s24, s20, $0xb8;
	[tilespmem:$0x1D700] =	vst v63  }
0x12f: {  	s7 =	simm.s32 @!p1 $0x6;
	s23 =	rddreg [dreg:$0x3]  }
0x130: {  	[tilespmem:s22], [sflag:$0x3] =	stream.indirect.gather [hbm4b:s8+s20], $0x20, s23, s20, $0xb8;
	[tilespmem:$0x1D700] =	vst v63  }
0x131: {  	_ =	swait.ge @!p1 [sflag:s7], $0x1000  }
0x132: {  	[sflag:s7] =	ssyncset.done @!p1 $0x0  }
0x133: {  	[sflag:s7] =	ssyncadd.s32 @!p1 $0xFFFFF000  }
0x134: {  	_ =	swait.ge @!p1 [sflag:s7], $0x1000  }
0x135: {  	[sflag:s7] =	ssyncset.done @!p1 $0x0  }
0x136: {  	s2 =	sadd.s32 $0x60, s2;
	[sflag:s7] =	ssyncadd.s32 @!p1 $0xFFFFF000  }
0x137: {  	[tilespmem:s17], [sflag:$0x2] =	stream.linear.gather [hbm4b:s2+s3], $0x100, $0x38;
	[tilespmem:$0x1D700] =	vst v63  }
0x138: {  	s7 =	sadd.s32 $0x60, s13;
	s13 =	simm.s32 $0x18E00  }
0x139: {  	[tilespmem:s13], [sflag:$0x2] =	stream.linear.gather [hbm4b:s7+s3], $0x100, $0x38;
	[tilespmem:$0x1D700] =	vst v63  }
0x13a: {  	_ =	swait.ge [sflag:s25], $0x100  }
0x13b: {  	[sflag:s25] =	ssyncset.done $0x0  }
0x13c: {  	[sflag:s25] =	ssyncadd.s32 $0xFFFFFF00  }
0x13d: {  	_ =	swait.ge [sflag:s25], $0x100  }
0x13e: {  	[sflag:s25] =	ssyncset.done $0x0  }
0x13f: {  	s14 =	simm.s32 $0x18B00;
	[sflag:s25] =	ssyncadd.s32 $0xFFFFFF00  }
0x140: {  	[tilespmem:s26], [sflag:$0x4] =	stream.indirect.gather [hbm4b:s8+s20], $0x20, s14, s20, $0xb8;
	[tilespmem:$0x1D700] =	vst v63  }
0x141: {  	s11 =	rddreg [dreg:$0x4]  }
0x142: {  	[tilespmem:s28], [sflag:$0x4] =	stream.indirect.gather [hbm4b:s8+s20], $0x20, s11, s20, $0xb8;
	[tilespmem:$0x1D700] =	vst v63  }
0x143: {  	_ =	swait.ge [sflag:s29], $0x1000  }
0x144: {  	[sflag:s29] =	ssyncset.done $0x0  }
0x145: {  	[sflag:s29] =	ssyncadd.s32 $0xFFFFF000  }
0x146: {  	_ =	swait.ge [sflag:s29], $0x1000  }
0x147: {  	[sflag:s29] =	ssyncset.done $0x0  }
0x148: {  	s23 =	simm.s32 $0x18800;
	[sflag:s29] =	ssyncadd.s32 $0xFFFFF000  }
0x149: {  	[spmem:s1] =	stream.indirect.scatter.add.f32 [tilespmem:s21], [sflag:$0x5], $0x20, s23, s20, $0xb8;
	[tilespmem:$0x1D700] =	vst v63  }
0x14a: {  	s15 =	rddreg [dreg:$0x5]  }
0x14b: {  	[spmem:s1] =	stream.indirect.scatter.add.f32 [tilespmem:s22], [sflag:$0x5], $0x20, s15, s20, $0xb8;
	[tilespmem:$0x1D700] =	vst v63  }
0x14c: {  	_ =	swait.ge [sflag:s30], $0x1000  }
0x14d: {  	[sflag:s30] =	ssyncset.done $0x0  }
0x14e: {  	p0 =	sgt.u32 s10, $0x60;
	[sflag:s30] =	ssyncadd.s32 $0xFFFFF000  }
0x14f: {  	s2 =	sadd.s32 @!p0 s9, s4;
	_ =	swait.ge [sflag:s30], $0x1000  }
0x150: {  	s9 =	sadd.s32 @!p0 s9, s5;
	s10 =	sadd.s32 @!p0 $0x80, s2;
	[sflag:s30] =	ssyncset.done $0x0  }
0x151: {  	s7 =	simm.s32 @!p0 $0x0;
	s11 =	simm.s32 @!p0 $0x18700;
	[sflag:s30] =	ssyncadd.s32 $0xFFFFF000  }
0x152: {  	[tilespmem:s11], [sflag:$0x1] =	stream.linear.gather @!p0 [hbm4b:s10+s7], $0x100, $0x38;
	[tilespmem:$0x1D700] =	vst v63  }
0x153: {  	s10 =	simm.s32 @!p0 $0x18800;
	s11 =	sadd.s32 @!p0 $0x80, s9  }
0x154: {  	[tilespmem:s10], [sflag:$0x1] =	stream.linear.gather @!p0 [hbm4b:s11+s7], $0x100, $0x38;
	[tilespmem:$0x1D700] =	vst v63  }
0x155: {  	_ =	swait.ge [sflag:s31], $0x1000  }
0x156: {  	[sflag:s31] =	ssyncset.done $0x0  }
0x157: {  	[sflag:s31] =	ssyncadd.s32 $0xFFFFF000  }
0x158: {  	_ =	swait.ge [sflag:s31], $0x1000  }
0x159: {  	[sflag:s31] =	ssyncset.done $0x0  }
0x15a: {  	[sflag:s31] =	ssyncadd.s32 $0xFFFFF000  }
0x15b: {  	[spmem:s1] =	stream.indirect.scatter.add.f32 [tilespmem:s26], [sflag:$0x6], $0x20, s16, s20, $0xb8;
	[tilespmem:$0x1D700] =	vst v63  }
0x15c: {  	s11 =	rddreg [dreg:$0x6]  }
0x15d: {  	[spmem:s1] =	stream.indirect.scatter.add.f32 [tilespmem:s28], [sflag:$0x6], $0x20, s11, s20, $0xb8;
	[tilespmem:$0x1D700] =	vst v63  }
0x15e: {  	_ =	swait.ge [sflag:s19], $0x100  }
0x15f: {  	[sflag:s19] =	ssyncset.done $0x0  }
0x160: {  	[sflag:s19] =	ssyncadd.s32 $0xFFFFFF00  }
0x161: {  	_ =	swait.ge [sflag:s19], $0x100  }
0x162: {  	[sflag:s19] =	ssyncset.done $0x0  }
0x163: {  	[sflag:s19] =	ssyncadd.s32 $0xFFFFFF00  }
0x164: {  	[tilespmem:s21], [sflag:$0x3] =	stream.indirect.gather [hbm4b:s8+s20], $0x20, s18, s20, $0xb8;
	[tilespmem:$0x1D700] =	vst v63  }
0x165: {  	s14 =	rddreg [dreg:$0x7]  }
0x166: {  	[tilespmem:s22], [sflag:$0x3] =	stream.indirect.gather [hbm4b:s8+s20], $0x20, s14, s20, $0xb8;
	[tilespmem:$0x1D700] =	vst v63  }
0x167: {  	_ =	swait.ge [sflag:s0], $0x1000  }
0x168: {  	[sflag:s0] =	ssyncset.done $0x0  }
0x169: {  	[sflag:s0] =	ssyncadd.s32 $0xFFFFF000  }
0x16a: {  	_ =	swait.ge [sflag:s0], $0x1000  }
0x16b: {  	[sflag:s0] =	ssyncset.done $0x0  }
0x16c: {  	s2 =	sadd.s32 @!p0 $0xA0, s2;
	s10 =	simm.s32 @!p0 $0x18B00;
	[sflag:s0] =	ssyncadd.s32 $0xFFFFF000  }
0x16d: {  	[tilespmem:s10], [sflag:$0x2] =	stream.linear.gather @!p0 [hbm4b:s2+s7], $0x100, $0x38;
	[tilespmem:$0x1D700] =	vst v63  }
0x16e: {  	s2 =	sadd.s32 @!p0 $0xA0, s9;
	s9 =	simm.s32 @!p0 $0x18C00  }
0x16f: {  	[tilespmem:s9], [sflag:$0x2] =	stream.linear.gather @!p0 [hbm4b:s2+s7], $0x100, $0x38;
	[tilespmem:$0x1D700] =	vst v63  }
0x170: {  	_ =	swait.ge [sflag:s25], $0x100  }
0x171: {  	[sflag:s25] =	ssyncset.done $0x0  }
0x172: {  	[sflag:s25] =	ssyncadd.s32 $0xFFFFFF00  }
0x173: {  	_ =	swait.ge [sflag:s25], $0x100  }
0x174: {  	[sflag:s25] =	ssyncset.done $0x0  }
0x175: {  	[sflag:s25] =	ssyncadd.s32 $0xFFFFFF00  }
0x176: {  	[tilespmem:s26], [sflag:$0x4] =	stream.indirect.gather [hbm4b:s8+s20], $0x20, s17, s20, $0xb8;
	[tilespmem:$0x1D700] =	vst v63  }
0x177: {  	s15 =	rddreg [dreg:$0x8]  }
0x178: {  	[tilespmem:s28], [sflag:$0x4] =	stream.indirect.gather [hbm4b:s8+s20], $0x20, s15, s20, $0xb8;
	[tilespmem:$0x1D700] =	vst v63  }
0x179: {  	_ =	swait.ge [sflag:s29], $0x1000  }
0x17a: {  	[sflag:s29] =	ssyncset.done $0x0  }
0x17b: {  	[sflag:s29] =	ssyncadd.s32 $0xFFFFF000  }
0x17c: {  	_ =	swait.ge [sflag:s29], $0x1000  }
0x17d: {  	[sflag:s29] =	ssyncset.done $0x0  }
0x17e: {  	[sflag:s29] =	ssyncadd.s32 $0xFFFFF000  }
0x17f: {  	[spmem:s1] =	stream.indirect.scatter.add.f32 [tilespmem:s21], [sflag:$0x5], $0x20, s12, s20, $0xb8;
	[tilespmem:$0x1D700] =	vst v63  }
0x180: {  	s17 =	rddreg [dreg:$0x9]  }
0x181: {  	[spmem:s1] =	stream.indirect.scatter.add.f32 [tilespmem:s22], [sflag:$0x5], $0x20, s17, s20, $0xb8;
	[tilespmem:$0x1D700] =	vst v63  }
0x182: {  	_ =	swait.ge [sflag:s31], $0x1000  }
0x183: {  	[sflag:s31] =	ssyncset.done $0x0  }
0x184: {  	[sflag:s31] =	ssyncadd.s32 $0xFFFFF000  }
0x185: {  	_ =	swait.ge [sflag:s31], $0x1000  }
0x186: {  	[sflag:s31] =	ssyncset.done $0x0  }
0x187: {  	[sflag:s31] =	ssyncadd.s32 $0xFFFFF000  }
0x188: {  	[spmem:s1] =	stream.indirect.scatter.add.f32 [tilespmem:s26], [sflag:$0x6], $0x20, s13, s20, $0xb8;
	[tilespmem:$0x1D700] =	vst v63  }
0x189: {  	s18 =	simm.s32 $0x18E80  }
0x18a: {  	[spmem:s1] =	stream.indirect.scatter.add.f32 [tilespmem:s28], [sflag:$0x6], $0x20, s18, s20, $0xb8;
	[tilespmem:$0x1D700] =	vst v63  }
0x18b: {  	_ =	swait.ge [sflag:s30], $0x1000  }
0x18c: {  	[sflag:s30] =	ssyncset.done $0x0  }
0x18d: {  	[sflag:s30] =	ssyncadd.s32 $0xFFFFF000  }
0x18e: {  	_ =	swait.ge [sflag:s30], $0x1000  }
0x18f: {  	[sflag:s30] =	ssyncset.done $0x0  }
0x190: {  	[sflag:s30] =	ssyncadd.s32 $0xFFFFF000  }
0x191: {  	_ =	swait.ge [sflag:s0], $0x1000  }
0x192: {  	[sflag:s0] =	ssyncset.done $0x0  }
0x193: {  	[sflag:s0] =	ssyncadd.s32 $0xFFFFF000  }
0x194: {  	_ =	swait.ge [sflag:s0], $0x1000  }
0x195: {  	[sflag:s0] =	ssyncset.done $0x0  }
0x196: {  	[sflag:s0] =	ssyncadd.s32 $0xFFFFF000  }
0x197: {  	[bflag:$0x0] =	sbarrier.arrive $0xFFFF  }
0x198: {  	s7 =	rddreg [dreg:$0xe]  }
0x199: {  	[tilespmem:s21], [sflag:$0x7] =	stream.linear.gather [spmem:s7], $0x1700, $0x38;
	[tilespmem:$0x1D700] =	vst v63  }
0x19a: {  	s14 =	simm.s32 $0x18B00;
	_ =	swait.ge [sflag:s6], $0x1700  }
0x19b: {  	s2 =	simm.s32 $0x2E0;
	[sflag:s6] =	ssyncset.done $0x0;
	s10 =	rddreg [dreg:$0xf]  }
0x19c: {  	s15 =	simm.s32 $0x18900;
	[sflag:s6] =	ssyncadd.s32 $0xFFFFE900;
	s23 =	sadd.s32 $0x0, s10  }
0x19d: {  	[hbm4b:s23+s3] =	stream.linear.scatter [tilespmem:s21], [sflag:$0x7], $0x1700, $0x38;
	[tilespmem:$0x1D700] =	vst v63  }
0x19e: {  	s12 =	simm.s32 $0x18800;
	s17 =	simm.s32 $0x18A00;
	_ =	swait.ge [sflag:s6], $0x1700  }
0x19f: {  	s18 =	simm.s32 $0x18E00;
	s23 =	simm.s32 $0x18D00;
	[sflag:s6] =	ssyncset.done $0x0  }
.LBB2_8:
0x1a0: {  	p0 =	sne.s32 s2, $0x2E00;
	[sflag:s6] =	ssyncadd.s32 $0xFFFFE900;
	s7 =	sadd.s32 $0x1700, s7  }
0x1a1: {  	[tilespmem:s21], [sflag:$0x7] =	stream.linear.gather [spmem:s7], $0x1700, $0x38;
	[tilespmem:$0x1D700] =	vst v63  }
0x1a2: {  	s9 =	smov.u32 s2;
	s2 =	sadd.s32 $0x2E0, s2;
	_ =	swait.ge [sflag:s6], $0x1700  }
.Ltmp3:
0x1a3: {  	[sflag:s6] =	ssyncset.done $0x0;
	(pc) =	sbr.rel @p0 .LBB2_8-.Ltmp3, $4  }
0x1a4: {  	s9 =	sadd.s32 s9, s10;
	[sflag:s6] =	ssyncadd.s32 $0xFFFFE900  }
0x1a5: {  	[hbm4b:s9+s3] =	stream.linear.scatter [tilespmem:s21], [sflag:$0x7], $0x1700, $0x38;
	[tilespmem:$0x1D700] =	vst v63  }
0x1a6: {  	_ =	swait.ge [sflag:s6], $0x1700  }
0x1a7: {  	[sflag:s6] =	ssyncset.done $0x0  }
0x1a8: {  	s7 =	rddreg [dreg:$0x10]  }
0x1a9: {  	s2 =	rddreg [dreg:$0xc];
	s7 =	sadd.s32 $0x1, s7  }
0x1aa: {  	p0 =	sne.s32 s7, s2  }
.Ltmp4:
0x1ab: {  	_ = 	snop;
	(pc) =	sbr.rel @p0 .LBB2_1-.Ltmp4, $2  }
0x1ac: {  	_ =	sdelay $0x2  }
0x1ad: {  	[sflag:s6] =	ssyncadd.s32 $0xFFFFE900;
	s13 =	stileid.u32  }
0x1ae: {  	_ =	sfence.sel $0x180000  }
0x1af: {  	[bflag:$0x0] =	sbarrier.arrive $0xFFFF  }
0x1b0: {  	_ =	strace $0x90000050  }
0x1b1: {  	[bflag:$0x2] =	sbarrier.arrive $0xFFFF  }
0x1b2: {  	p0 =	sne.s32 s13, $0x0;
	s0 =	rddreg [dreg:$0x2]  }
0x1b3: {  	s0 =	sadd.s32 @!p0 $0x100000, s0  }
0x1b4: {  	[sflag:s0] =	ssyncadd.tile.s32 @!p0 $0x1;
	_ =	shalt  }
.Lfunc_end2:
_tile_overlayer_lowered:
.L_overlay_start_2:
0x1b5: {  	(tag) =	ssettag $0x2  }
0x1b6: {  	s0 =	rddreg [dreg:$0x0];
	s2 =	stileid.u32  }
0x1b7: {  	s1 =	rddreg [dreg:$0x1];
	p0 =	sne.s32 s2, $0x0  }
0x1b8: {  	s3 =	rddreg [dreg:$0x2];
	[bflag:$0x3] =	sbarrier.arrive $0xFFFF;
	s2 =	simm.s32 @!p0 $0x1C07  }
0x1b9: {  	[timem:s3], [sflag:s2] =	dma.local @!p0 [hbm:s0], s1  }
0x1ba: {  	s0 =	simm.s32 @!p0 $0x7  }
0x1bb: {  	_ =	swait.ge @!p0 [sflag:s0], s1  }
0x1bc: {  	s1 =	ssub.s32 @!p0 $0x0, s1;
	[sflag:s0] =	ssyncset.done @!p0 $0x0  }
0x1bd: {  	[sflag:s0] =	ssyncadd.s32 @!p0 s1  }
0x1be: {  	[bflag:$0x3] =	sbarrier.arrive $0xFFFF  }
0x1bf: {  	_ =	shalt  }

</sc_bundles>
